<compile_context>
chip_gen: v7x
topology: tpu7x:2x2x1
jax: 0.10.2.dev20260603
libtpu: 0.0.44.dev20260713+nightly
codegen_flags: <defaults>
</compile_context>

<pallas_src>
import functools

import jax
import jax.numpy as jnp
from jax import lax
from jax.experimental import pallas as pl
from jax.experimental.pallas import tpu as pltpu
from jax.experimental.pallas import tpu_sc as plsc

_NC = 2
_NS = 16
_EBLK = 80

_SC_PARAMS = pltpu.CompilerParams()




def _l1_dense_body(x_ref, w1_ref, ap_ref, dp_ref, hs_ref, as_ref, ad_ref):
    h = jnp.dot(x_ref[...], w1_ref[...], preferred_element_type=jnp.float32)
    f = h.shape[1] // 2
    hs_ref[0] = h[:, :f]
    hs_ref[1] = h[:, f:]
    as_ref[...] = jnp.dot(h, ap_ref[...], preferred_element_type=jnp.float32)
    ad_ref[...] = jnp.dot(h, dp_ref[...], preferred_element_type=jnp.float32)


def _l1_stats_body(as_ref, ad_ref, btab_ref, dinit_ref, wself_ref):
    as8 = as_ref[...]
    ad8 = ad_ref[...]
    bpre = jnp.max(as8, axis=0, keepdims=True) + jnp.max(ad8, axis=0, keepdims=True)
    b8 = jnp.maximum(bpre, 0.2 * bpre)
    s = as8 + ad8
    wself = jnp.exp(jnp.maximum(s, 0.2 * s) - b8)
    btab_ref[...] = jnp.concatenate([
        jnp.pad(b8[:, 0:4], ((0, 0), (0, 124))),
        jnp.zeros((7, 128), jnp.float32),
        jnp.pad(b8[:, 4:8], ((0, 0), (0, 124))),
        jnp.zeros((7, 128), jnp.float32),
    ], axis=0)
    dinit_ref[0] = jnp.pad(wself[:, 0:4], ((0, 0), (0, 12)))
    dinit_ref[1] = jnp.pad(wself[:, 4:8], ((0, 0), (0, 12)))
    wself_ref[...] = wself


def _l1_rinit_body(wself_ref, hs_ref, ri_ref):
    wself = wself_ref[...]
    for hl in range(4):
        for c in range(2):
            wcol = wself[:, 4 * c + hl][:, None]
            ri_ref[hl, c] = wcol * hs_ref[c][:, 32 * hl:32 * hl + 32]


def _l2_mm_body(r0_ref, r1_ref, r2_ref, r3_ref, den_ref, b1_ref, w2_ref,
                tp_ref, h2_ref, tab_ref):
    pieces = []
    raws = (r0_ref, r1_ref, r2_ref, r3_ref)
    for c in range(2):
        for hl in range(4):
            d = den_ref[0, c][:, hl][:, None] + 1e-16
            pieces.append(raws[hl][0, c][...] / d)
    o1 = jnp.concatenate(pieces, axis=1) + b1_ref[...][None, :]
    x2 = jnp.where(o1 > 0, o1, jnp.exp(jnp.minimum(o1, 0.0)) - 1.0)
    h2 = jnp.dot(x2, w2_ref[...], preferred_element_type=jnp.float32)
    h2_ref[...] = h2
    tab_ref[...] = jnp.dot(h2, tp_ref[...], preferred_element_type=jnp.float32)


def _l2_prep_body(h2_ref, tab_ref, b2_ref, rinit_ref):
    h2 = h2_ref[...]
    tab = tab_ref[...]
    bpre = jnp.max(tab[:, 0]) + jnp.max(tab[:, 1])
    b2 = jnp.maximum(bpre, 0.2 * bpre)
    b2_ref[...] = jnp.full((16, 128), b2, jnp.float32)
    s = tab[:, 0] + tab[:, 1]
    wself = jnp.exp(jnp.maximum(s, 0.2 * s) - b2)
    nn = h2.shape[0]
    for c in range(2):
        rinit_ref[c] = jnp.concatenate(
            [wself[:, None] * h2[:, 24 * c:24 * c + 24], wself[:, None],
             jnp.zeros((nn, 7), jnp.float32)], axis=1)


def _final_body(raw_ref, b2_ref, out_ref):
    den = raw_ref[0][:, 24:25]
    logits = (jnp.concatenate([raw_ref[0][:, :24], raw_ref[1][:, :16]],
                              axis=1)
              / (den + 1e-16) + b2_ref[...][None, :])
    m = jnp.max(logits, axis=1, keepdims=True)
    lse = jnp.log(jnp.sum(jnp.exp(logits - m), axis=1, keepdims=True)) + m
    out_ref[...] = logits - lse




def _bcast_lane(v, lane):
    idx = jnp.full((16, 1), lane, jnp.int32)
    dn = lax.GatherDimensionNumbers(
        offset_dims=(), collapsed_slice_dims=(0,), start_index_map=(0,))
    return lax.gather(v, idx, dn, slice_sizes=(1,),
                      mode=lax.GatherScatterMode.PROMISE_IN_BOUNDS)


def _slab_copy(get_src, get_dst, s, n):
    rows_a = (((n + _NS - 1) // _NS) + 7) // 8 * 8
    rows_l = n - (_NS - 1) * rows_a

    @pl.when(s < _NS - 1)
    def _():
        r0 = pl.multiple_of(s * rows_a, 8)
        pltpu.sync_copy(get_src(r0, rows_a), get_dst(r0, rows_a))

    @pl.when(s == _NS - 1)
    def _():
        r0 = (_NS - 1) * rows_a
        pltpu.sync_copy(get_src(r0, rows_l), get_dst(r0, rows_l))


def _sc_l1_denom(n, e, dtab, dinit, src, dst):
    e_pt = e // _NS
    nblk = e_pt // _EBLK
    nr = dtab.shape[0]
    mesh = plsc.VectorSubcoreMesh(core_axis_name="c", subcore_axis_name="s")

    @functools.partial(
        pl.kernel,
        out_type=jax.ShapeDtypeStruct((2, n, 16), jnp.float32),
        mesh=mesh,
        compiler_params=_SC_PARAMS,
        scratch_types=[
            pltpu.VMEM((_EBLK,), jnp.int32),
            pltpu.VMEM((_EBLK,), jnp.int32),
            pltpu.VMEM((16,), jnp.int32),
            pltpu.VMEM((_EBLK, 128), jnp.float32),
            pltpu.VMEM((_EBLK, 128), jnp.float32),
            pltpu.VMEM((16, 128), jnp.float32),
            pltpu.VMEM((_EBLK, 16), jnp.float32),
            pltpu.VMEM_SHARED((n, 16), jnp.float32),
            pltpu.SemaphoreType.DMA,
            pltpu.SemaphoreType.DMA,
        ],
    )
    def k(t_hbm, di_hbm, src_hbm, dst_hbm,
          den_out, srcv, dstv, bidx, gs, gd, bbuf, wbuf, denacc, sem0, sem1):
        c = lax.axis_index("c")
        s = lax.axis_index("s")
        _slab_copy(lambda r, m: di_hbm.at[c].at[pl.ds(r, m)],
                   lambda r, m: denacc.at[pl.ds(r, m)], s, n)
        bidx[...] = jnp.full((16,), n, jnp.int32)
        pltpu.sync_copy(t_hbm.at[bidx], bbuf)
        plsc.subcore_barrier()
        ebreg = bbuf[0, pl.ds(0, 16)]
        ebase = s * e_pt

        @pl.loop(0, nblk)
        def _(i):
            base = ebase + i * _EBLK
            pltpu.sync_copy(src_hbm.at[pl.ds(base, _EBLK)], srcv)
            pltpu.sync_copy(dst_hbm.at[pl.ds(base, _EBLK)], dstv)
            cs = pltpu.async_copy(t_hbm.at[srcv], gs, sem0)
            cd = pltpu.async_copy(t_hbm.at[dstv], gd, sem1)
            cs.wait()
            cd.wait()

            @pl.loop(0, _EBLK)
            def _(j):
                sv = gs[j, pl.ds(0, 16)] + gd[j, pl.ds(8, 16)]
                tv = jnp.maximum(sv, 0.2 * sv)
                wbuf[j] = jnp.exp(tv) * ebreg

            pltpu.sync_copy(wbuf, denacc.at[dstv], add=True)

        plsc.subcore_barrier()
        _slab_copy(lambda r, m: denacc.at[pl.ds(r, m)],
                   lambda r, m: den_out.at[c].at[pl.ds(r, m)], s, n)

    return k(dtab, dinit, src, dst)


def _sc_l1_msg(n, e, tabs, rinit_h, src, dst):
    e_pt = e // _NS
    nblk = e_pt // _EBLK
    mesh = plsc.VectorSubcoreMesh(core_axis_name="c", subcore_axis_name="s")

    @functools.partial(
        pl.kernel,
        out_type=jax.ShapeDtypeStruct((2, n, 32), jnp.float32),
        mesh=mesh,
        compiler_params=_SC_PARAMS,
        scratch_types=[
            pltpu.VMEM((_EBLK,), jnp.int32),
            pltpu.VMEM((_EBLK,), jnp.int32),
            pltpu.VMEM((16,), jnp.int32),
            pltpu.VMEM((_EBLK, 128), jnp.float32),
            pltpu.VMEM((_EBLK, 128), jnp.float32),
            pltpu.VMEM((16, 128), jnp.float32),
            pltpu.VMEM((_EBLK, 32), jnp.float32),
            pltpu.VMEM_SHARED((n, 32), jnp.float32),
            pltpu.SemaphoreType.DMA,
            pltpu.SemaphoreType.DMA,
        ],
    )
    def k(t_hbm, ri_hbm, src_hbm, dst_hbm,
          raw_out, srcv, dstv, bidx, gs, gd, bbuf, msg, acc, sem0, sem1):
        c = lax.axis_index("c")
        s = lax.axis_index("s")
        _slab_copy(lambda r, m: ri_hbm.at[c].at[pl.ds(r, m)],
                   lambda r, m: acc.at[pl.ds(r, m)], s, n)
        bidx[...] = jnp.full((16,), n, jnp.int32)
        pltpu.sync_copy(t_hbm.at[c].at[bidx], bbuf)
        plsc.subcore_barrier()
        ebreg = bbuf[0, pl.ds(64, 16)]
        ebase = s * e_pt

        @pl.loop(0, nblk)
        def _(i):
            base = ebase + i * _EBLK
            pltpu.sync_copy(src_hbm.at[pl.ds(base, _EBLK)], srcv)
            pltpu.sync_copy(dst_hbm.at[pl.ds(base, _EBLK)], dstv)
            cs = pltpu.async_copy(t_hbm.at[c].at[srcv], gs, sem0)
            cd = pltpu.async_copy(t_hbm.at[c].at[dstv], gd, sem1)
            cs.wait()
            cd.wait()

            @pl.loop(0, _EBLK)
            def _(j):
                sv = gs[j, pl.ds(64, 16)] + gd[j, pl.ds(96, 16)]
                tv = jnp.maximum(sv, 0.2 * sv)
                w = jnp.exp(tv) * ebreg
                msg[j, pl.ds(0, 16)] = gs[j, pl.ds(0, 16)] * w
                msg[j, pl.ds(16, 16)] = gs[j, pl.ds(16, 16)] * w

            pltpu.sync_copy(msg, acc.at[dstv], add=True)

        plsc.subcore_barrier()
        _slab_copy(lambda r, m: acc.at[pl.ds(r, m)],
                   lambda r, m: raw_out.at[c].at[pl.ds(r, m)], s, n)

    return k(tabs, rinit_h, src, dst)


def _sc_layer2(n, e, t2tab, rinit2, src, dst):
    e_pt = e // _NS
    nblk = e_pt // _EBLK
    mesh = plsc.VectorSubcoreMesh(core_axis_name="c", subcore_axis_name="s")

    @functools.partial(
        pl.kernel,
        out_type=jax.ShapeDtypeStruct((2, n, 32), jnp.float32),
        mesh=mesh,
        compiler_params=_SC_PARAMS,
        scratch_types=[
            pltpu.VMEM((_EBLK,), jnp.int32),
            pltpu.VMEM((_EBLK,), jnp.int32),
            pltpu.VMEM((16,), jnp.int32),
            pltpu.VMEM((_EBLK, 128), jnp.float32),
            pltpu.VMEM((_EBLK, 128), jnp.float32),
            pltpu.VMEM((16, 128), jnp.float32),
            pltpu.VMEM((_EBLK, 32), jnp.float32),
            pltpu.VMEM_SHARED((n, 32), jnp.float32),
            pltpu.SemaphoreType.DMA,
            pltpu.SemaphoreType.DMA,
        ],
    )
    def k(t_hbm, ri_hbm, src_hbm, dst_hbm,
          raw_out, srcv, dstv, bidx, gs, gd, bbuf, msg, acc, sem0, sem1):
        c = lax.axis_index("c")
        s = lax.axis_index("s")
        _slab_copy(lambda r, m: ri_hbm.at[c].at[pl.ds(r, m)],
                   lambda r, m: acc.at[pl.ds(r, m)], s, n)
        bidx[...] = jnp.full((16,), n, jnp.int32)
        pltpu.sync_copy(t_hbm.at[bidx], bbuf)
        plsc.subcore_barrier()
        ebreg = bbuf[0, pl.ds(64, 16)]
        m8 = bbuf[0, pl.ds(0, 16)]
        oneh = bbuf[0, pl.ds(16, 16)]
        co1 = pl.multiple_of(c * 24, 8)
        co2 = pl.multiple_of(c * 24 + 16, 8)
        ebase = s * e_pt

        @pl.loop(0, nblk)
        def _(i):
            base = ebase + i * _EBLK
            pltpu.sync_copy(src_hbm.at[pl.ds(base, _EBLK)], srcv)
            pltpu.sync_copy(dst_hbm.at[pl.ds(base, _EBLK)], dstv)
            cs = pltpu.async_copy(t_hbm.at[srcv], gs, sem0)
            cd = pltpu.async_copy(t_hbm.at[dstv], gd, sem1)
            cs.wait()
            cd.wait()

            @pl.loop(0, _EBLK)
            def _(j):
                sv = gs[j, pl.ds(64, 16)] + gd[j, pl.ds(96, 16)]
                tv = jnp.maximum(sv, 0.2 * sv)
                w = jnp.exp(tv) * ebreg
                msg[j, pl.ds(0, 16)] = gs[j, pl.ds(co1, 16)] * w
                msg[j, pl.ds(16, 16)] = (gs[j, pl.ds(co2, 16)] * w * m8
                                         + w * oneh)

            pltpu.sync_copy(msg, acc.at[dstv], add=True)

        plsc.subcore_barrier()
        _slab_copy(lambda r, m: acc.at[pl.ds(r, m)],
                   lambda r, m: raw_out.at[c].at[pl.ds(r, m)], s, n)

    return k(t2tab, rinit2, src, dst)




def _pad_to(v, m):
    return jnp.pad(v, (0, m - v.shape[0]))


def kernel(x, edge_index, W1, att_src1, att_dst1, bias1,
           W2, att_src2, att_dst2, bias2):
    n, f_in = x.shape
    e = edge_index.shape[1]
    heads, hid = att_src1.shape
    classes = att_src2.shape[1]
    src = edge_index[0]
    dst = edge_index[1]

    eye = jnp.eye(heads, dtype=jnp.float32)
    ap = (eye[:, None, :] * att_src1[:, :, None]).reshape(heads * hid, heads)
    dp = (eye[:, None, :] * att_dst1[:, :, None]).reshape(heads * hid, heads)

    hsplit, as8, ad8 = pl.pallas_call(
        _l1_dense_body,
        out_shape=(
            jax.ShapeDtypeStruct((2, n, 128), jnp.float32),
            jax.ShapeDtypeStruct((n, heads), jnp.float32),
            jax.ShapeDtypeStruct((n, heads), jnp.float32),
        ),
    )(x, W1, ap, dp)

    btab, dinit, wself8 = pl.pallas_call(
        _l1_stats_body,
        out_shape=(
            jax.ShapeDtypeStruct((16, 128), jnp.float32),
            jax.ShapeDtypeStruct((2, n, 16), jnp.float32),
            jax.ShapeDtypeStruct((n, 8), jnp.float32),
        ),
    )(as8, ad8)

    rb = n // 10
    rinit1 = pl.pallas_call(
        _l1_rinit_body,
        grid=(10,),
        in_specs=[
            pl.BlockSpec((rb, 8), lambda i: (i, 0)),
            pl.BlockSpec((2, rb, 128), lambda i: (0, i, 0)),
        ],
        out_specs=pl.BlockSpec((4, 2, rb, 32), lambda i: (0, 0, i, 0)),
        out_shape=jax.ShapeDtypeStruct((4, 2, n, 32), jnp.float32),
    )(wself8, hsplit)

    nr = n + 8
    z16 = jnp.zeros((n, 16), jnp.float32)

    def _rep(v):
        return jnp.broadcast_to(v[:, None], (n, 16))

    b8v = jnp.concatenate([btab[0, 0:4], btab[8, 0:4]])
    dtab = jnp.pad(jnp.concatenate(
        [as8, ad8, jnp.zeros((n, 112), jnp.float32)],
        axis=1), ((0, 8), (0, 0)))
    dtab = dtab.at[n, 0:8].set(jnp.exp(-b8v))
    dtab = dtab.at[n, 8:16].set(0.0)

    def _head_tab(g):
        t = jnp.concatenate(
            [hsplit[g // 4][:, 32 * (g % 4):32 * (g % 4) + 32],
             jnp.zeros((n, 32), jnp.float32),
             _rep(as8[:, g]), jnp.zeros((n, 16), jnp.float32),
             _rep(ad8[:, g]), jnp.zeros((n, 16), jnp.float32)], axis=1)
        t = jnp.pad(t, ((0, 8), (0, 0)))
        return t.at[n, 64:80].set(jnp.exp(-b8v[g]))

    den1 = _sc_l1_denom(n, e, dtab, dinit, src, dst)
    raw1h = [
        _sc_l1_msg(n, e, jnp.stack([_head_tab(hl), _head_tab(4 + hl)]),
                   rinit1[hl], src, dst)
        for hl in range(4)]

    w2pad = jnp.pad(W2, ((0, 0), (0, 128 - classes)))
    tp = jnp.concatenate(
        [jnp.pad(att_src2.reshape(-1, 1), ((0, 128 - classes), (0, 0))),
         jnp.pad(att_dst2.reshape(-1, 1), ((0, 128 - classes), (0, 0))),
         jnp.zeros((128, 14), jnp.float32)], axis=1)

    nblk_rows = 10
    rb = n // nblk_rows
    h2, tab2 = pl.pallas_call(
        _l2_mm_body,
        grid=(nblk_rows,),
        in_specs=[
            pl.BlockSpec((1, 2, rb, 32), lambda i: (0, 0, i, 0)),
            pl.BlockSpec((1, 2, rb, 32), lambda i: (0, 0, i, 0)),
            pl.BlockSpec((1, 2, rb, 32), lambda i: (0, 0, i, 0)),
            pl.BlockSpec((1, 2, rb, 32), lambda i: (0, 0, i, 0)),
            pl.BlockSpec((1, 2, rb, 16), lambda i: (0, 0, i, 0)),
            pl.BlockSpec((256,), lambda i: (0,)),
            pl.BlockSpec((256, 128), lambda i: (0, 0)),
            pl.BlockSpec((128, 16), lambda i: (0, 0)),
        ],
        out_specs=[
            pl.BlockSpec((rb, 128), lambda i: (i, 0)),
            pl.BlockSpec((rb, 16), lambda i: (i, 0)),
        ],
        out_shape=(
            jax.ShapeDtypeStruct((n, 128), jnp.float32),
            jax.ShapeDtypeStruct((n, 16), jnp.float32),
        ),
    )(raw1h[0][None], raw1h[1][None], raw1h[2][None], raw1h[3][None],
      den1[None], bias1, w2pad, tp)

    b2, rinit2 = pl.pallas_call(
        _l2_prep_body,
        out_shape=(
            jax.ShapeDtypeStruct((16, 128), jnp.float32),
            jax.ShapeDtypeStruct((2, n, 32), jnp.float32),
        ),
    )(h2, tab2)

    t2tab = jnp.concatenate(
        [h2[:, :48], jnp.zeros((n, 16), jnp.float32),
         _rep(tab2[:, 0]), jnp.zeros((n, 16), jnp.float32),
         _rep(tab2[:, 1]), jnp.zeros((n, 16), jnp.float32)], axis=1)
    t2tab = jnp.pad(t2tab, ((0, 8), (0, 0)))
    t2tab = t2tab.at[n, 64:80].set(jnp.exp(-b2[0, 0]))
    t2tab = t2tab.at[n, 0:8].set(1.0)
    t2tab = t2tab.at[n, 24].set(1.0)

    raw2 = _sc_layer2(n, e, t2tab, rinit2, src, dst)

    out = pl.pallas_call(
        _final_body,
        out_shape=jax.ShapeDtypeStruct((n, classes), jnp.float32),
    )(raw2, bias2)
    return out

# --- scband reference (transcript-rebuilt; emitter-appended) ---
"""Pipeline reference for scband-gat-1382979470033 (READ-ONLY COPY).

The authoritative reference and input builder live on the scoring server;
editing this copy changes nothing except your own understanding.
"""

import jax, jax.numpy as jnp
import numpy as np

N = 10000
E = 320000
F_IN = 128
HID = 32
HEADS = 8
CLASSES = 40


def setup_inputs(seed: int = 0) -> dict:
    key = jax.random.key(seed)
    ks = jax.random.split(key, 12)
    x = jax.random.normal(ks[0], (N, F_IN), dtype=jnp.float32)
    edge_index = jax.random.randint(ks[1], (2, E), 0, N, dtype=jnp.int32)
    W1 = jax.random.normal(ks[2], (F_IN, HEADS * HID), dtype=jnp.float32) * 0.1
    att_src1 = jax.random.normal(ks[3], (HEADS, HID), dtype=jnp.float32) * 0.1
    att_dst1 = jax.random.normal(ks[4], (HEADS, HID), dtype=jnp.float32) * 0.1
    bias1 = jnp.zeros((HEADS * HID,), dtype=jnp.float32)
    W2 = jax.random.normal(ks[5], (HEADS * HID, 1 * CLASSES), dtype=jnp.float32) * 0.1
    att_src2 = jax.random.normal(ks[6], (1, CLASSES), dtype=jnp.float32) * 0.1
    att_dst2 = jax.random.normal(ks[7], (1, CLASSES), dtype=jnp.float32) * 0.1
    bias2 = jnp.zeros((CLASSES,), dtype=jnp.float32)
    return {
        'x': x, 'edge_index': edge_index,
        'W1': W1, 'att_src1': att_src1, 'att_dst1': att_dst1, 'bias1': bias1,
        'W2': W2, 'att_src2': att_src2, 'att_dst2': att_dst2, 'bias2': bias2,
    }


def _gat_conv(x, edge_index, W, a_src, a_dst, bias, heads, out_ch, concat):
    src = edge_index[0]
    dst = edge_index[1]
    n = x.shape[0]
    h = (x @ W).reshape(n, heads, out_ch)
    alpha_src = jnp.sum(h * a_src[None, :, :], axis=-1)  # [N, H]
    alpha_dst = jnp.sum(h * a_dst[None, :, :], axis=-1)  # [N, H]
    e = alpha_src[src] + alpha_dst[dst]                  # [E, H]
    e = jax.nn.leaky_relu(e, negative_slope=0.2)
    # segment softmax over incoming edges of each dst node
    emax = jax.ops.segment_max(e, dst, num_segments=n)   # [N, H]
    e = jnp.exp(e - emax[dst])
    denom = jax.ops.segment_sum(e, dst, num_segments=n)  # [N, H]
    alpha = e / (denom[dst] + 1e-16)                     # [E, H]
    msg = h[src] * alpha[:, :, None]                     # [E, H, C]
    out = jax.ops.segment_sum(msg, dst, num_segments=n)  # [N, H, C]
    if concat:
        out = out.reshape(n, heads * out_ch)
    else:
        out = jnp.mean(out, axis=1)
    return out + bias


def reference(x, edge_index, W1, att_src1, att_dst1, bias1, W2, att_src2, att_dst2, bias2):
    # add self loops (PyG GATConv default add_self_loops=True)
    loops = jnp.arange(x.shape[0], dtype=edge_index.dtype)
    ei = jnp.concatenate([edge_index, jnp.stack([loops, loops], axis=0)], axis=1)
    # dropout is identity in eval mode
    h = _gat_conv(x, ei, W1, att_src1, att_dst1, bias1, HEADS, HID, True)
    h = jax.nn.elu(h)
    h = _gat_conv(h, ei, W2, att_src2, att_dst2, bias2, 1, CLASSES, False)
    return jax.nn.log_softmax(h, axis=1)

if __name__ == "__main__":
    import jax
    _d = setup_inputs()
    print(jax.jit(kernel)(*tuple(_d.values())))

</pallas_src>

<mosaic_0001>
#map = affine_map<(d0, d1) -> (0, 0, 0)>
#map1 = affine_map<(d0, d1) -> (0)>
module attributes {stable_mosaic.version = 14 : i64} {
  func.func @k(%arg0: i32, %arg1: i32, %arg2: memref<2x10008x128xf32, #tpu.memory_space<hbm>>, %arg3: memref<2x10000x32xf32, #tpu.memory_space<hbm>>, %arg4: memref<320000xi32, #tpu.memory_space<hbm>>, %arg5: memref<320000xi32, #tpu.memory_space<hbm>>, %arg6: memref<2x10000x32xf32, #tpu.memory_space<hbm>>, %arg7: memref<80xi32, #tpu.memory_space<vmem>>, %arg8: memref<80xi32, #tpu.memory_space<vmem>>, %arg9: memref<16xi32, #tpu.memory_space<vmem>>, %arg10: memref<80x128xf32, #tpu.memory_space<vmem>>, %arg11: memref<80x128xf32, #tpu.memory_space<vmem>>, %arg12: memref<16x128xf32, #tpu.memory_space<vmem>>, %arg13: memref<80x32xf32, #tpu.memory_space<vmem>>, %arg14: memref<10000x32xf32, #tpu.memory_space<vmem_shared>>, %arg15: memref<!tpu.dma_semaphore, #tpu.memory_space<semaphore_mem>>, %arg16: memref<!tpu.dma_semaphore, #tpu.memory_space<semaphore_mem>>) attributes {dimension_semantics = [#tpu.dimension_semantics<core_parallel>, #tpu.dimension_semantics<subcore_parallel>], iteration_bounds = array<i64: 2, 16>, scalar_prefetch = 0 : i64, scratch_operands = 10 : i64, tpu.core_type = #tpu.core_type<sc_vector_subcore>, window_params = [{transform_indices = #map}, {transform_indices = #map}, {transform_indices = #map1}, {transform_indices = #map1}, {transform_indices = #map}]} {
    %lt3A = arith.constant 15 : i32
    %lt3A_0 = arith.cmpi slt, %arg1, %lt3A : i32
    %convert_element_type3A = arith.extui %lt3A_0 : i1 to i32
    %cond3A = arith.constant 0 : i32
    %cond3A_1 = arith.cmpi ne, %convert_element_type3A, %cond3A : i32
    scf.if %cond3A_1 {
      %mul3A_30 = arith.constant 632 : i32
      %mul3A_31 = arith.muli %arg1, %mul3A_30 : i32
      %multiple_of3A = tpu.assume_multiple %mul3A_31, 8 : i32
      "tpu.region"() ({
        %run_scoped3A = tpu.sem_alloc : memref<!tpu.dma_semaphore, #tpu.memory_space<semaphore_mem>>
        %dma_start3A = arith.constant 0 : i32
        %dma_start3A_32 = tpu.memref_slice %arg14[%multiple_of3A, %dma_start3A] : memref<10000x32xf32, #tpu.memory_space<vmem_shared>> -> memref<632x32xf32, #tpu.memory_space<vmem_shared>>
        %dma_start3A_33 = arith.constant 0 : i32
        %dma_start3A_34 = arith.constant 0 : i32
        %dma_start3A_35 = tpu.memref_slice %arg3[%arg0, %dma_start3A_33, %dma_start3A_34] : memref<2x10000x32xf32, #tpu.memory_space<hbm>> -> memref<1x10000x32xf32, #tpu.memory_space<hbm>>
        %dma_start3A_36 = tpu.memref_squeeze %dma_start3A_35 : memref<1x10000x32xf32, #tpu.memory_space<hbm>> -> memref<10000x32xf32, #tpu.memory_space<hbm>>
        %dma_start3A_37 = arith.constant 0 : i32
        %dma_start3A_38 = tpu.memref_slice %dma_start3A_36[%multiple_of3A, %dma_start3A_37] : memref<10000x32xf32, #tpu.memory_space<hbm>> -> memref<632x32xf32, #tpu.memory_space<hbm>>
        tpu.enqueue_dma source(%dma_start3A_38 : memref<632x32xf32, #tpu.memory_space<hbm>>) target(%dma_start3A_32 : memref<632x32xf32, #tpu.memory_space<vmem_shared>>) target_semaphore(%run_scoped3A : memref<!tpu.dma_semaphore, #tpu.memory_space<semaphore_mem>>)
        %dma_wait3A = arith.constant 0 : i32
        %dma_wait3A_39 = tpu.memref_slice %arg14[%multiple_of3A, %dma_wait3A] : memref<10000x32xf32, #tpu.memory_space<vmem_shared>> -> memref<632x32xf32, #tpu.memory_space<vmem_shared>>
        %dma_wait3A_40 = arith.constant 0 : i32
        %dma_wait3A_41 = arith.constant 0 : i32
        %dma_wait3A_42 = tpu.memref_slice %arg3[%arg0, %dma_wait3A_40, %dma_wait3A_41] : memref<2x10000x32xf32, #tpu.memory_space<hbm>> -> memref<1x10000x32xf32, #tpu.memory_space<hbm>>
        %dma_wait3A_43 = tpu.memref_squeeze %dma_wait3A_42 : memref<1x10000x32xf32, #tpu.memory_space<hbm>> -> memref<10000x32xf32, #tpu.memory_space<hbm>>
        %dma_wait3A_44 = arith.constant 0 : i32
        %dma_wait3A_45 = tpu.memref_slice %dma_wait3A_43[%multiple_of3A, %dma_wait3A_44] : memref<10000x32xf32, #tpu.memory_space<hbm>> -> memref<632x32xf32, #tpu.memory_space<hbm>>
        tpu.wait_dma2 semaphore(%run_scoped3A : memref<!tpu.dma_semaphore, #tpu.memory_space<semaphore_mem>>) src(%dma_wait3A_45 : memref<632x32xf32, #tpu.memory_space<hbm>>) dst(%dma_wait3A_39 : memref<632x32xf32, #tpu.memory_space<vmem_shared>>)
        tpu.yield
      }) : () -> ()
    } else {
    }
    %eq3A = arith.constant 15 : i32
    %eq3A_2 = arith.cmpi eq, %arg1, %eq3A : i32
    %convert_element_type3A_3 = arith.extui %eq3A_2 : i1 to i32
    %cond3A_4 = arith.constant 0 : i32
    %cond3A_5 = arith.cmpi ne, %convert_element_type3A_3, %cond3A_4 : i32
    scf.if %cond3A_5 {
      "tpu.region"() ({
        %run_scoped3A = tpu.sem_alloc : memref<!tpu.dma_semaphore, #tpu.memory_space<semaphore_mem>>
        %dma_start3A = arith.constant 9480 : i32
        %dma_start3A_30 = arith.constant 0 : i32
        %dma_start3A_31 = tpu.memref_slice %arg14[%dma_start3A, %dma_start3A_30] : memref<10000x32xf32, #tpu.memory_space<vmem_shared>> -> memref<520x32xf32, #tpu.memory_space<vmem_shared>>
        %dma_start3A_32 = arith.constant 0 : i32
        %dma_start3A_33 = arith.constant 0 : i32
        %dma_start3A_34 = tpu.memref_slice %arg3[%arg0, %dma_start3A_32, %dma_start3A_33] : memref<2x10000x32xf32, #tpu.memory_space<hbm>> -> memref<1x10000x32xf32, #tpu.memory_space<hbm>>
        %dma_start3A_35 = tpu.memref_squeeze %dma_start3A_34 : memref<1x10000x32xf32, #tpu.memory_space<hbm>> -> memref<10000x32xf32, #tpu.memory_space<hbm>>
        %dma_start3A_36 = arith.constant 9480 : i32
        %dma_start3A_37 = arith.constant 0 : i32
        %dma_start3A_38 = tpu.memref_slice %dma_start3A_35[%dma_start3A_36, %dma_start3A_37] : memref<10000x32xf32, #tpu.memory_space<hbm>> -> memref<520x32xf32, #tpu.memory_space<hbm>>
        tpu.enqueue_dma source(%dma_start3A_38 : memref<520x32xf32, #tpu.memory_space<hbm>>) target(%dma_start3A_31 : memref<520x32xf32, #tpu.memory_space<vmem_shared>>) target_semaphore(%run_scoped3A : memref<!tpu.dma_semaphore, #tpu.memory_space<semaphore_mem>>)
        %dma_wait3A = arith.constant 9480 : i32
        %dma_wait3A_39 = arith.constant 0 : i32
        %dma_wait3A_40 = tpu.memref_slice %arg14[%dma_wait3A, %dma_wait3A_39] : memref<10000x32xf32, #tpu.memory_space<vmem_shared>> -> memref<520x32xf32, #tpu.memory_space<vmem_shared>>
        %dma_wait3A_41 = arith.constant 0 : i32
        %dma_wait3A_42 = arith.constant 0 : i32
        %dma_wait3A_43 = tpu.memref_slice %arg3[%arg0, %dma_wait3A_41, %dma_wait3A_42] : memref<2x10000x32xf32, #tpu.memory_space<hbm>> -> memref<1x10000x32xf32, #tpu.memory_space<hbm>>
        %dma_wait3A_44 = tpu.memref_squeeze %dma_wait3A_43 : memref<1x10000x32xf32, #tpu.memory_space<hbm>> -> memref<10000x32xf32, #tpu.memory_space<hbm>>
        %dma_wait3A_45 = arith.constant 9480 : i32
        %dma_wait3A_46 = arith.constant 0 : i32
        %dma_wait3A_47 = tpu.memref_slice %dma_wait3A_44[%dma_wait3A_45, %dma_wait3A_46] : memref<10000x32xf32, #tpu.memory_space<hbm>> -> memref<520x32xf32, #tpu.memory_space<hbm>>
        tpu.wait_dma2 semaphore(%run_scoped3A : memref<!tpu.dma_semaphore, #tpu.memory_space<semaphore_mem>>) src(%dma_wait3A_47 : memref<520x32xf32, #tpu.memory_space<hbm>>) dst(%dma_wait3A_40 : memref<520x32xf32, #tpu.memory_space<vmem_shared>>)
        tpu.yield
      }) : () -> ()
    } else {
    }
    %broadcast_in_dim3A = arith.constant 10000 : i32
    %broadcast_in_dim3A_6 = vector.broadcast %broadcast_in_dim3A : i32 to vector<16xi32>
    %swap3A = arith.constant 0 : index
    %swap3A_7 = tpu.vector_load %arg9[%swap3A] {strides = array<i32>} : memref<16xi32, #tpu.memory_space<vmem>>, vector<16xi32>,
    %swap3A_8 = vector.shape_cast %swap3A_7 : vector<16xi32> to vector<16xi32>
    %swap3A_9 = vector.shape_cast %broadcast_in_dim3A_6 : vector<16xi32> to vector<16xi32>
    tpu.vector_store %arg9[%swap3A], %swap3A_9 {strides = array<i32>} : memref<16xi32, #tpu.memory_space<vmem>>, vector<16xi32>,
    "tpu.region"() ({
      %run_scoped3A = tpu.sem_alloc : memref<!tpu.dma_semaphore, #tpu.memory_space<semaphore_mem>>
      %dma_start3A = arith.constant 0 : i32
      %dma_start3A_30 = arith.constant 0 : i32
      %dma_start3A_31 = tpu.memref_slice %arg2[%arg0, %dma_start3A, %dma_start3A_30] : memref<2x10008x128xf32, #tpu.memory_space<hbm>> -> memref<1x10008x128xf32, #tpu.memory_space<hbm>>
      %dma_start3A_32 = tpu.memref_squeeze %dma_start3A_31 : memref<1x10008x128xf32, #tpu.memory_space<hbm>> -> memref<10008x128xf32, #tpu.memory_space<hbm>>
      %dma_start3A_33 = arith.constant 0 : i32
      %dma_start3A_34 = arith.constant 0 : i32
      %dma_start3A_35 = tpu.memref_slice %dma_start3A_32[%dma_start3A_33, %dma_start3A_34] : memref<10008x128xf32, #tpu.memory_space<hbm>> -> memref<10008x128xf32, #tpu.memory_space<hbm>>
      tpu.enqueue_indirect_dma source(%dma_start3A_35 : memref<10008x128xf32, #tpu.memory_space<hbm>>) target(%arg12 : memref<16x128xf32, #tpu.memory_space<vmem>>) offsets(%arg9 : memref<16xi32, #tpu.memory_space<vmem>>) semaphore(%run_scoped3A : memref<!tpu.dma_semaphore, #tpu.memory_space<semaphore_mem>>)
      %dma_wait3A = arith.constant 0 : i32
      %dma_wait3A_36 = arith.constant 0 : i32
      %dma_wait3A_37 = tpu.memref_slice %arg2[%arg0, %dma_wait3A, %dma_wait3A_36] : memref<2x10008x128xf32, #tpu.memory_space<hbm>> -> memref<1x10008x128xf32, #tpu.memory_space<hbm>>
      %dma_wait3A_38 = tpu.memref_squeeze %dma_wait3A_37 : memref<1x10008x128xf32, #tpu.memory_space<hbm>> -> memref<10008x128xf32, #tpu.memory_space<hbm>>
      %dma_wait3A_39 = arith.constant 0 : i32
      %dma_wait3A_40 = arith.constant 0 : i32
      %dma_wait3A_41 = tpu.memref_slice %dma_wait3A_38[%dma_wait3A_39, %dma_wait3A_40] : memref<10008x128xf32, #tpu.memory_space<hbm>> -> memref<10008x128xf32, #tpu.memory_space<hbm>>
      tpu.wait_indirect_dma semaphore(%run_scoped3A : memref<!tpu.dma_semaphore, #tpu.memory_space<semaphore_mem>>) src(%dma_wait3A_41 : memref<10008x128xf32, #tpu.memory_space<hbm>>) dst(%arg12 : memref<16x128xf32, #tpu.memory_space<vmem>>)
      tpu.yield
    }) : () -> ()
    %barrier3A = arith.constant 0 : index
    tpu.barrier barrier_id(%barrier3A)
    %get3A = arith.constant 0 : i32
    %get3A_10 = arith.index_cast %get3A : i32 to index
    %get3A_11 = arith.constant 64 : index
    %get3A_12 = tpu.vector_load %arg12[%get3A_10, %get3A_11] {strides = array<i32>} : memref<16x128xf32, #tpu.memory_space<vmem>>, vector<1x16xf32>,
    %get3A_13 = vector.shape_cast %get3A_12 : vector<1x16xf32> to vector<16xf32>
    %mul3A = arith.constant 20000 : i32
    %mul3A_14 = arith.muli %arg1, %mul3A : i32
    %scan3A = arith.constant 0 : i32
    %scan3A_15 = arith.constant 250 : i32
    %scan3A_16 = arith.addi %scan3A, %scan3A_15 : i32
    %scan3A_17 = arith.constant 1 : i32
    scf.for %scan3A_30 = %scan3A to %scan3A_16 step %scan3A_17  : i32 {
      %mul3A_31 = arith.constant 1 : i32
      %mul3A_32 = arith.muli %scan3A_30, %mul3A_31 : i32
      %add3A = arith.constant 0 : i32
      %add3A_33 = arith.addi %add3A, %mul3A_32 : i32
      %mul3A_34 = arith.constant 80 : i32
      %mul3A_35 = arith.muli %add3A_33, %mul3A_34 : i32
      %add3A_36 = arith.addi %mul3A_14, %mul3A_35 : i32
      "tpu.region"() ({
        %run_scoped3A = tpu.sem_alloc : memref<!tpu.dma_semaphore, #tpu.memory_space<semaphore_mem>>
        %dma_start3A_68 = tpu.memref_slice %arg4[%add3A_36] : memref<320000xi32, #tpu.memory_space<hbm>> -> memref<80xi32, #tpu.memory_space<hbm>>
        %dma_start3A_69 = tpu.memref_slice %arg4[%add3A_36] : memref<320000xi32, #tpu.memory_space<hbm>> -> memref<80xi32, #tpu.memory_space<hbm>>
        tpu.enqueue_dma source(%dma_start3A_69 : memref<80xi32, #tpu.memory_space<hbm>>) target(%arg7 : memref<80xi32, #tpu.memory_space<vmem>>) target_semaphore(%run_scoped3A : memref<!tpu.dma_semaphore, #tpu.memory_space<semaphore_mem>>)
        %dma_wait3A_70 = tpu.memref_slice %arg4[%add3A_36] : memref<320000xi32, #tpu.memory_space<hbm>> -> memref<80xi32, #tpu.memory_space<hbm>>
        %dma_wait3A_71 = tpu.memref_slice %arg4[%add3A_36] : memref<320000xi32, #tpu.memory_space<hbm>> -> memref<80xi32, #tpu.memory_space<hbm>>
        tpu.wait_dma2 semaphore(%run_scoped3A : memref<!tpu.dma_semaphore, #tpu.memory_space<semaphore_mem>>) src(%dma_wait3A_71 : memref<80xi32, #tpu.memory_space<hbm>>) dst(%arg7 : memref<80xi32, #tpu.memory_space<vmem>>)
        tpu.yield
      }) : () -> ()
      "tpu.region"() ({
        %run_scoped3A = tpu.sem_alloc : memref<!tpu.dma_semaphore, #tpu.memory_space<semaphore_mem>>
        %dma_start3A_68 = tpu.memref_slice %arg5[%add3A_36] : memref<320000xi32, #tpu.memory_space<hbm>> -> memref<80xi32, #tpu.memory_space<hbm>>
        %dma_start3A_69 = tpu.memref_slice %arg5[%add3A_36] : memref<320000xi32, #tpu.memory_space<hbm>> -> memref<80xi32, #tpu.memory_space<hbm>>
        tpu.enqueue_dma source(%dma_start3A_69 : memref<80xi32, #tpu.memory_space<hbm>>) target(%arg8 : memref<80xi32, #tpu.memory_space<vmem>>) target_semaphore(%run_scoped3A : memref<!tpu.dma_semaphore, #tpu.memory_space<semaphore_mem>>)
        %dma_wait3A_70 = tpu.memref_slice %arg5[%add3A_36] : memref<320000xi32, #tpu.memory_space<hbm>> -> memref<80xi32, #tpu.memory_space<hbm>>
        %dma_wait3A_71 = tpu.memref_slice %arg5[%add3A_36] : memref<320000xi32, #tpu.memory_space<hbm>> -> memref<80xi32, #tpu.memory_space<hbm>>
        tpu.wait_dma2 semaphore(%run_scoped3A : memref<!tpu.dma_semaphore, #tpu.memory_space<semaphore_mem>>) src(%dma_wait3A_71 : memref<80xi32, #tpu.memory_space<hbm>>) dst(%arg8 : memref<80xi32, #tpu.memory_space<vmem>>)
        tpu.yield
      }) : () -> ()
      %dma_start3A = arith.constant 0 : i32
      %dma_start3A_37 = arith.constant 0 : i32
      %dma_start3A_38 = tpu.memref_slice %arg2[%arg0, %dma_start3A, %dma_start3A_37] : memref<2x10008x128xf32, #tpu.memory_space<hbm>> -> memref<1x10008x128xf32, #tpu.memory_space<hbm>>
      %dma_start3A_39 = tpu.memref_squeeze %dma_start3A_38 : memref<1x10008x128xf32, #tpu.memory_space<hbm>> -> memref<10008x128xf32, #tpu.memory_space<hbm>>
      %dma_start3A_40 = arith.constant 0 : i32
      %dma_start3A_41 = arith.constant 0 : i32
      %dma_start3A_42 = tpu.memref_slice %dma_start3A_39[%dma_start3A_40, %dma_start3A_41] : memref<10008x128xf32, #tpu.memory_space<hbm>> -> memref<10008x128xf32, #tpu.memory_space<hbm>>
      tpu.enqueue_indirect_dma source(%dma_start3A_42 : memref<10008x128xf32, #tpu.memory_space<hbm>>) target(%arg10 : memref<80x128xf32, #tpu.memory_space<vmem>>) offsets(%arg7 : memref<80xi32, #tpu.memory_space<vmem>>) semaphore(%arg15 : memref<!tpu.dma_semaphore, #tpu.memory_space<semaphore_mem>>)
      %dma_start3A_43 = arith.constant 0 : i32
      %dma_start3A_44 = arith.constant 0 : i32
      %dma_start3A_45 = tpu.memref_slice %arg2[%arg0, %dma_start3A_43, %dma_start3A_44] : memref<2x10008x128xf32, #tpu.memory_space<hbm>> -> memref<1x10008x128xf32, #tpu.memory_space<hbm>>
      %dma_start3A_46 = tpu.memref_squeeze %dma_start3A_45 : memref<1x10008x128xf32, #tpu.memory_space<hbm>> -> memref<10008x128xf32, #tpu.memory_space<hbm>>
      %dma_start3A_47 = arith.constant 0 : i32
      %dma_start3A_48 = arith.constant 0 : i32
      %dma_start3A_49 = tpu.memref_slice %dma_start3A_46[%dma_start3A_47, %dma_start3A_48] : memref<10008x128xf32, #tpu.memory_space<hbm>> -> memref<10008x128xf32, #tpu.memory_space<hbm>>
      tpu.enqueue_indirect_dma source(%dma_start3A_49 : memref<10008x128xf32, #tpu.memory_space<hbm>>) target(%arg11 : memref<80x128xf32, #tpu.memory_space<vmem>>) offsets(%arg8 : memref<80xi32, #tpu.memory_space<vmem>>) semaphore(%arg16 : memref<!tpu.dma_semaphore, #tpu.memory_space<semaphore_mem>>)
      %dma_wait3A = arith.constant 0 : i32
      %dma_wait3A_50 = arith.constant 0 : i32
      %dma_wait3A_51 = tpu.memref_slice %arg2[%arg0, %dma_wait3A, %dma_wait3A_50] : memref<2x10008x128xf32, #tpu.memory_space<hbm>> -> memref<1x10008x128xf32, #tpu.memory_space<hbm>>
      %dma_wait3A_52 = tpu.memref_squeeze %dma_wait3A_51 : memref<1x10008x128xf32, #tpu.memory_space<hbm>> -> memref<10008x128xf32, #tpu.memory_space<hbm>>
      %dma_wait3A_53 = arith.constant 0 : i32
      %dma_wait3A_54 = arith.constant 0 : i32
      %dma_wait3A_55 = tpu.memref_slice %dma_wait3A_52[%dma_wait3A_53, %dma_wait3A_54] : memref<10008x128xf32, #tpu.memory_space<hbm>> -> memref<10008x128xf32, #tpu.memory_space<hbm>>
      tpu.wait_indirect_dma semaphore(%arg15 : memref<!tpu.dma_semaphore, #tpu.memory_space<semaphore_mem>>) src(%dma_wait3A_55 : memref<10008x128xf32, #tpu.memory_space<hbm>>) dst(%arg10 : memref<80x128xf32, #tpu.memory_space<vmem>>)
      %dma_wait3A_56 = arith.constant 0 : i32
      %dma_wait3A_57 = arith.constant 0 : i32
      %dma_wait3A_58 = tpu.memref_slice %arg2[%arg0, %dma_wait3A_56, %dma_wait3A_57] : memref<2x10008x128xf32, #tpu.memory_space<hbm>> -> memref<1x10008x128xf32, #tpu.memory_space<hbm>>
      %dma_wait3A_59 = tpu.memref_squeeze %dma_wait3A_58 : memref<1x10008x128xf32, #tpu.memory_space<hbm>> -> memref<10008x128xf32, #tpu.memory_space<hbm>>
      %dma_wait3A_60 = arith.constant 0 : i32
      %dma_wait3A_61 = arith.constant 0 : i32
      %dma_wait3A_62 = tpu.memref_slice %dma_wait3A_59[%dma_wait3A_60, %dma_wait3A_61] : memref<10008x128xf32, #tpu.memory_space<hbm>> -> memref<10008x128xf32, #tpu.memory_space<hbm>>
      tpu.wait_indirect_dma semaphore(%arg16 : memref<!tpu.dma_semaphore, #tpu.memory_space<semaphore_mem>>) src(%dma_wait3A_62 : memref<10008x128xf32, #tpu.memory_space<hbm>>) dst(%arg11 : memref<80x128xf32, #tpu.memory_space<vmem>>)
      %scan3A_63 = arith.constant 0 : i32
      %scan3A_64 = arith.constant 80 : i32
      %scan3A_65 = arith.addi %scan3A_63, %scan3A_64 : i32
      %scan3A_66 = arith.constant 1 : i32
      scf.for %scan3A_68 = %scan3A_63 to %scan3A_65 step %scan3A_66  : i32 {
        %mul3A_69 = arith.constant 1 : i32
        %mul3A_70 = arith.muli %scan3A_68, %mul3A_69 : i32
        %add3A_71 = arith.constant 0 : i32
        %add3A_72 = arith.addi %add3A_71, %mul3A_70 : i32
        %get3A_73 = arith.index_cast %add3A_72 : i32 to index
        %get3A_74 = arith.constant 64 : index
        %get3A_75 = tpu.vector_load %arg10[%get3A_73, %get3A_74] {strides = array<i32>} : memref<80x128xf32, #tpu.memory_space<vmem>>, vector<1x16xf32>,
        %get3A_76 = vector.shape_cast %get3A_75 : vector<1x16xf32> to vector<16xf32>
        %get3A_77 = arith.index_cast %add3A_72 : i32 to index
        %get3A_78 = arith.constant 96 : index
        %get3A_79 = tpu.vector_load %arg11[%get3A_77, %get3A_78] {strides = array<i32>} : memref<80x128xf32, #tpu.memory_space<vmem>>, vector<1x16xf32>,
        %get3A_80 = vector.shape_cast %get3A_79 : vector<1x16xf32> to vector<16xf32>
        %add3A_81 = arith.addf %get3A_76, %get3A_80 : vector<16xf32>
        %mul3A_82 = arith.constant 2.000000e-01 : f32
        %mul3A_83 = vector.broadcast %mul3A_82 : f32 to vector<16xf32>
        %mul3A_84 = arith.mulf %mul3A_83, %add3A_81 : vector<16xf32>
        %max3A = arith.maximumf %add3A_81, %mul3A_84 : vector<16xf32>
        %exp3A = math.exp %max3A : vector<16xf32>
        %mul3A_85 = arith.mulf %exp3A, %get3A_13 : vector<16xf32>
        %get3A_86 = arith.index_cast %add3A_72 : i32 to index
        %get3A_87 = arith.constant 0 : index
        %get3A_88 = tpu.vector_load %arg10[%get3A_86, %get3A_87] {strides = array<i32>} : memref<80x128xf32, #tpu.memory_space<vmem>>, vector<1x16xf32>,
        %get3A_89 = vector.shape_cast %get3A_88 : vector<1x16xf32> to vector<16xf32>
        %mul3A_90 = arith.mulf %get3A_89, %mul3A_85 : vector<16xf32>
        %swap3A_91 = arith.index_cast %add3A_72 : i32 to index
        %swap3A_92 = arith.constant 0 : index
        %swap3A_93 = tpu.vector_load %arg13[%swap3A_91, %swap3A_92] {strides = array<i32>} : memref<80x32xf32, #tpu.memory_space<vmem>>, vector<1x16xf32>,
        %swap3A_94 = vector.shape_cast %swap3A_93 : vector<1x16xf32> to vector<16xf32>
        %swap3A_95 = vector.shape_cast %mul3A_90 : vector<16xf32> to vector<1x16xf32>
        tpu.vector_store %arg13[%swap3A_91, %swap3A_92], %swap3A_95 {strides = array<i32>} : memref<80x32xf32, #tpu.memory_space<vmem>>, vector<1x16xf32>,
        %get3A_96 = arith.index_cast %add3A_72 : i32 to index
        %get3A_97 = arith.constant 16 : index
        %get3A_98 = tpu.vector_load %arg10[%get3A_96, %get3A_97] {strides = array<i32>} : memref<80x128xf32, #tpu.memory_space<vmem>>, vector<1x16xf32>,
        %get3A_99 = vector.shape_cast %get3A_98 : vector<1x16xf32> to vector<16xf32>
        %mul3A_100 = arith.mulf %get3A_99, %mul3A_85 : vector<16xf32>
        %swap3A_101 = arith.index_cast %add3A_72 : i32 to index
        %swap3A_102 = arith.constant 16 : index
        %swap3A_103 = tpu.vector_load %arg13[%swap3A_101, %swap3A_102] {strides = array<i32>} : memref<80x32xf32, #tpu.memory_space<vmem>>, vector<1x16xf32>,
        %swap3A_104 = vector.shape_cast %swap3A_103 : vector<1x16xf32> to vector<16xf32>
        %swap3A_105 = vector.shape_cast %mul3A_100 : vector<16xf32> to vector<1x16xf32>
        tpu.vector_store %arg13[%swap3A_101, %swap3A_102], %swap3A_105 {strides = array<i32>} : memref<80x32xf32, #tpu.memory_space<vmem>>, vector<1x16xf32>,
      }
      %scan3A_67 = arith.constant 80 : i32
      "tpu.region"() ({
        %run_scoped3A = tpu.sem_alloc : memref<!tpu.dma_semaphore, #tpu.memory_space<semaphore_mem>>
        %dma_start3A_68 = arith.constant 0 : i32
        %dma_start3A_69 = arith.constant 0 : i32
        %dma_start3A_70 = tpu.memref_slice %arg14[%dma_start3A_68, %dma_start3A_69] : memref<10000x32xf32, #tpu.memory_space<vmem_shared>> -> memref<10000x32xf32, #tpu.memory_space<vmem_shared>>
        tpu.enqueue_indirect_dma source(%arg13 : memref<80x32xf32, #tpu.memory_space<vmem>>) target(%dma_start3A_70 : memref<10000x32xf32, #tpu.memory_space<vmem_shared>>) offsets(%arg8 : memref<80xi32, #tpu.memory_space<vmem>>) semaphore(%run_scoped3A : memref<!tpu.dma_semaphore, #tpu.memory_space<semaphore_mem>>) {add = true}
        %dma_wait3A_71 = arith.constant 0 : i32
        %dma_wait3A_72 = arith.constant 0 : i32
        %dma_wait3A_73 = tpu.memref_slice %arg14[%dma_wait3A_71, %dma_wait3A_72] : memref<10000x32xf32, #tpu.memory_space<vmem_shared>> -> memref<10000x32xf32, #tpu.memory_space<vmem_shared>>
        tpu.wait_indirect_dma semaphore(%run_scoped3A : memref<!tpu.dma_semaphore, #tpu.memory_space<semaphore_mem>>) src(%arg13 : memref<80x32xf32, #tpu.memory_space<vmem>>) dst(%dma_wait3A_73 : memref<10000x32xf32, #tpu.memory_space<vmem_shared>>)
        tpu.yield
      }) : () -> ()
    }
    %scan3A_18 = arith.constant 250 : i32
    %barrier3A_19 = arith.constant 0 : index
    tpu.barrier barrier_id(%barrier3A_19)
    %lt3A_20 = arith.constant 15 : i32
    %lt3A_21 = arith.cmpi slt, %arg1, %lt3A_20 : i32
    %convert_element_type3A_22 = arith.extui %lt3A_21 : i1 to i32
    %cond3A_23 = arith.constant 0 : i32
    %cond3A_24 = arith.cmpi ne, %convert_element_type3A_22, %cond3A_23 : i32
    scf.if %cond3A_24 {
      %mul3A_30 = arith.constant 632 : i32
      %mul3A_31 = arith.muli %arg1, %mul3A_30 : i32
      %multiple_of3A = tpu.assume_multiple %mul3A_31, 8 : i32
      "tpu.region"() ({
        %run_scoped3A = tpu.sem_alloc : memref<!tpu.dma_semaphore, #tpu.memory_space<semaphore_mem>>
        %dma_start3A = arith.constant 0 : i32
        %dma_start3A_32 = arith.constant 0 : i32
        %dma_start3A_33 = tpu.memref_slice %arg6[%arg0, %dma_start3A, %dma_start3A_32] : memref<2x10000x32xf32, #tpu.memory_space<hbm>> -> memref<1x10000x32xf32, #tpu.memory_space<hbm>>
        %dma_start3A_34 = tpu.memref_squeeze %dma_start3A_33 : memref<1x10000x32xf32, #tpu.memory_space<hbm>> -> memref<10000x32xf32, #tpu.memory_space<hbm>>
        %dma_start3A_35 = arith.constant 0 : i32
        %dma_start3A_36 = tpu.memref_slice %dma_start3A_34[%multiple_of3A, %dma_start3A_35] : memref<10000x32xf32, #tpu.memory_space<hbm>> -> memref<632x32xf32, #tpu.memory_space<hbm>>
        %dma_start3A_37 = arith.constant 0 : i32
        %dma_start3A_38 = tpu.memref_slice %arg14[%multiple_of3A, %dma_start3A_37] : memref<10000x32xf32, #tpu.memory_space<vmem_shared>> -> memref<632x32xf32, #tpu.memory_space<vmem_shared>>
        tpu.enqueue_dma source(%dma_start3A_38 : memref<632x32xf32, #tpu.memory_space<vmem_shared>>) target(%dma_start3A_36 : memref<632x32xf32, #tpu.memory_space<hbm>>) target_semaphore(%run_scoped3A : memref<!tpu.dma_semaphore, #tpu.memory_space<semaphore_mem>>)
        %dma_wait3A = arith.constant 0 : i32
        %dma_wait3A_39 = arith.constant 0 : i32
        %dma_wait3A_40 = tpu.memref_slice %arg6[%arg0, %dma_wait3A, %dma_wait3A_39] : memref<2x10000x32xf32, #tpu.memory_space<hbm>> -> memref<1x10000x32xf32, #tpu.memory_space<hbm>>
        %dma_wait3A_41 = tpu.memref_squeeze %dma_wait3A_40 : memref<1x10000x32xf32, #tpu.memory_space<hbm>> -> memref<10000x32xf32, #tpu.memory_space<hbm>>
        %dma_wait3A_42 = arith.constant 0 : i32
        %dma_wait3A_43 = tpu.memref_slice %dma_wait3A_41[%multiple_of3A, %dma_wait3A_42] : memref<10000x32xf32, #tpu.memory_space<hbm>> -> memref<632x32xf32, #tpu.memory_space<hbm>>
        %dma_wait3A_44 = arith.constant 0 : i32
        %dma_wait3A_45 = tpu.memref_slice %arg14[%multiple_of3A, %dma_wait3A_44] : memref<10000x32xf32, #tpu.memory_space<vmem_shared>> -> memref<632x32xf32, #tpu.memory_space<vmem_shared>>
        tpu.wait_dma2 semaphore(%run_scoped3A : memref<!tpu.dma_semaphore, #tpu.memory_space<semaphore_mem>>) src(%dma_wait3A_45 : memref<632x32xf32, #tpu.memory_space<vmem_shared>>) dst(%dma_wait3A_43 : memref<632x32xf32, #tpu.memory_space<hbm>>)
        tpu.yield
      }) : () -> ()
    } else {
    }
    %eq3A_25 = arith.constant 15 : i32
    %eq3A_26 = arith.cmpi eq, %arg1, %eq3A_25 : i32
    %convert_element_type3A_27 = arith.extui %eq3A_26 : i1 to i32
    %cond3A_28 = arith.constant 0 : i32
    %cond3A_29 = arith.cmpi ne, %convert_element_type3A_27, %cond3A_28 : i32
    scf.if %cond3A_29 {
      "tpu.region"() ({
        %run_scoped3A = tpu.sem_alloc : memref<!tpu.dma_semaphore, #tpu.memory_space<semaphore_mem>>
        %dma_start3A = arith.constant 0 : i32
        %dma_start3A_30 = arith.constant 0 : i32
        %dma_start3A_31 = tpu.memref_slice %arg6[%arg0, %dma_start3A, %dma_start3A_30] : memref<2x10000x32xf32, #tpu.memory_space<hbm>> -> memref<1x10000x32xf32, #tpu.memory_space<hbm>>
        %dma_start3A_32 = tpu.memref_squeeze %dma_start3A_31 : memref<1x10000x32xf32, #tpu.memory_space<hbm>> -> memref<10000x32xf32, #tpu.memory_space<hbm>>
        %dma_start3A_33 = arith.constant 9480 : i32
        %dma_start3A_34 = arith.constant 0 : i32
        %dma_start3A_35 = tpu.memref_slice %dma_start3A_32[%dma_start3A_33, %dma_start3A_34] : memref<10000x32xf32, #tpu.memory_space<hbm>> -> memref<520x32xf32, #tpu.memory_space<hbm>>
        %dma_start3A_36 = arith.constant 9480 : i32
        %dma_start3A_37 = arith.constant 0 : i32
        %dma_start3A_38 = tpu.memref_slice %arg14[%dma_start3A_36, %dma_start3A_37] : memref<10000x32xf32, #tpu.memory_space<vmem_shared>> -> memref<520x32xf32, #tpu.memory_space<vmem_shared>>
        tpu.enqueue_dma source(%dma_start3A_38 : memref<520x32xf32, #tpu.memory_space<vmem_shared>>) target(%dma_start3A_35 : memref<520x32xf32, #tpu.memory_space<hbm>>) target_semaphore(%run_scoped3A : memref<!tpu.dma_semaphore, #tpu.memory_space<semaphore_mem>>)
        %dma_wait3A = arith.constant 0 : i32
        %dma_wait3A_39 = arith.constant 0 : i32
        %dma_wait3A_40 = tpu.memref_slice %arg6[%arg0, %dma_wait3A, %dma_wait3A_39] : memref<2x10000x32xf32, #tpu.memory_space<hbm>> -> memref<1x10000x32xf32, #tpu.memory_space<hbm>>
        %dma_wait3A_41 = tpu.memref_squeeze %dma_wait3A_40 : memref<1x10000x32xf32, #tpu.memory_space<hbm>> -> memref<10000x32xf32, #tpu.memory_space<hbm>>
        %dma_wait3A_42 = arith.constant 9480 : i32
        %dma_wait3A_43 = arith.constant 0 : i32
        %dma_wait3A_44 = tpu.memref_slice %dma_wait3A_41[%dma_wait3A_42, %dma_wait3A_43] : memref<10000x32xf32, #tpu.memory_space<hbm>> -> memref<520x32xf32, #tpu.memory_space<hbm>>
        %dma_wait3A_45 = arith.constant 9480 : i32
        %dma_wait3A_46 = arith.constant 0 : i32
        %dma_wait3A_47 = tpu.memref_slice %arg14[%dma_wait3A_45, %dma_wait3A_46] : memref<10000x32xf32, #tpu.memory_space<vmem_shared>> -> memref<520x32xf32, #tpu.memory_space<vmem_shared>>
        tpu.wait_dma2 semaphore(%run_scoped3A : memref<!tpu.dma_semaphore, #tpu.memory_space<semaphore_mem>>) src(%dma_wait3A_47 : memref<520x32xf32, #tpu.memory_space<vmem_shared>>) dst(%dma_wait3A_44 : memref<520x32xf32, #tpu.memory_space<hbm>>)
        tpu.yield
      }) : () -> ()
    } else {
    }
    return
  }
}

#map = affine_map<(d0, d1) -> (0, 0, 0)>
#map1 = affine_map<(d0, d1) -> (0)>
module attributes {stable_mosaic.version = 14 : i64} {
  func.func @k(%arg0: i32, %arg1: i32, %arg2: memref<2x10008x128xf32, #tpu.memory_space<hbm>>, %arg3: memref<2x10000x32xf32, #tpu.memory_space<hbm>>, %arg4: memref<320000xi32, #tpu.memory_space<hbm>>, %arg5: memref<320000xi32, #tpu.memory_space<hbm>>, %arg6: memref<2x10000x32xf32, #tpu.memory_space<hbm>>, %arg7: memref<80xi32, #tpu.memory_space<vmem>>, %arg8: memref<80xi32, #tpu.memory_space<vmem>>, %arg9: memref<16xi32, #tpu.memory_space<vmem>>, %arg10: memref<80x128xf32, #tpu.memory_space<vmem>>, %arg11: memref<80x128xf32, #tpu.memory_space<vmem>>, %arg12: memref<16x128xf32, #tpu.memory_space<vmem>>, %arg13: memref<80x32xf32, #tpu.memory_space<vmem>>, %arg14: memref<10000x32xf32, #tpu.memory_space<vmem_shared>>, %arg15: memref<!tpu.dma_semaphore, #tpu.memory_space<semaphore_mem>>, %arg16: memref<!tpu.dma_semaphore, #tpu.memory_space<semaphore_mem>>) attributes {dimension_semantics = [#tpu.dimension_semantics<core_parallel>, #tpu.dimension_semantics<subcore_parallel>], iteration_bounds = array<i64: 2, 16>, scalar_prefetch = 0 : i64, scratch_operands = 10 : i64, tpu.core_type = #tpu.core_type<sc_vector_subcore>, window_params = [{transform_indices = #map}, {transform_indices = #map}, {transform_indices = #map1}, {transform_indices = #map1}, {transform_indices = #map}]} {
    %lt3A = arith.constant 15 : i32
    %lt3A_0 = arith.cmpi slt, %arg1, %lt3A : i32
    %convert_element_type3A = arith.extui %lt3A_0 : i1 to i32
    %cond3A = arith.constant 0 : i32
    %cond3A_1 = arith.cmpi ne, %convert_element_type3A, %cond3A : i32
    scf.if %cond3A_1 {
      %mul3A_30 = arith.constant 632 : i32
      %mul3A_31 = arith.muli %arg1, %mul3A_30 : i32
      %multiple_of3A = tpu.assume_multiple %mul3A_31, 8 : i32
      "tpu.region"() ({
        %run_scoped3A = tpu.sem_alloc : memref<!tpu.dma_semaphore, #tpu.memory_space<semaphore_mem>>
        %dma_start3A = arith.constant 0 : i32
        %dma_start3A_32 = tpu.memref_slice %arg14[%multiple_of3A, %dma_start3A] : memref<10000x32xf32, #tpu.memory_space<vmem_shared>> -> memref<632x32xf32, #tpu.memory_space<vmem_shared>>
        %dma_start3A_33 = arith.constant 0 : i32
        %dma_start3A_34 = arith.constant 0 : i32
        %dma_start3A_35 = tpu.memref_slice %arg3[%arg0, %dma_start3A_33, %dma_start3A_34] : memref<2x10000x32xf32, #tpu.memory_space<hbm>> -> memref<1x10000x32xf32, #tpu.memory_space<hbm>>
        %dma_start3A_36 = tpu.memref_squeeze %dma_start3A_35 : memref<1x10000x32xf32, #tpu.memory_space<hbm>> -> memref<10000x32xf32, #tpu.memory_space<hbm>>
        %dma_start3A_37 = arith.constant 0 : i32
        %dma_start3A_38 = tpu.memref_slice %dma_start3A_36[%multiple_of3A, %dma_start3A_37] : memref<10000x32xf32, #tpu.memory_space<hbm>> -> memref<632x32xf32, #tpu.memory_space<hbm>>
        tpu.enqueue_dma source(%dma_start3A_38 : memref<632x32xf32, #tpu.memory_space<hbm>>) target(%dma_start3A_32 : memref<632x32xf32, #tpu.memory_space<vmem_shared>>) target_semaphore(%run_scoped3A : memref<!tpu.dma_semaphore, #tpu.memory_space<semaphore_mem>>)
        %dma_wait3A = arith.constant 0 : i32
        %dma_wait3A_39 = tpu.memref_slice %arg14[%multiple_of3A, %dma_wait3A] : memref<10000x32xf32, #tpu.memory_space<vmem_shared>> -> memref<632x32xf32, #tpu.memory_space<vmem_shared>>
        %dma_wait3A_40 = arith.constant 0 : i32
        %dma_wait3A_41 = arith.constant 0 : i32
        %dma_wait3A_42 = tpu.memref_slice %arg3[%arg0, %dma_wait3A_40, %dma_wait3A_41] : memref<2x10000x32xf32, #tpu.memory_space<hbm>> -> memref<1x10000x32xf32, #tpu.memory_space<hbm>>
        %dma_wait3A_43 = tpu.memref_squeeze %dma_wait3A_42 : memref<1x10000x32xf32, #tpu.memory_space<hbm>> -> memref<10000x32xf32, #tpu.memory_space<hbm>>
        %dma_wait3A_44 = arith.constant 0 : i32
        %dma_wait3A_45 = tpu.memref_slice %dma_wait3A_43[%multiple_of3A, %dma_wait3A_44] : memref<10000x32xf32, #tpu.memory_space<hbm>> -> memref<632x32xf32, #tpu.memory_space<hbm>>
        tpu.wait_dma2 semaphore(%run_scoped3A : memref<!tpu.dma_semaphore, #tpu.memory_space<semaphore_mem>>) src(%dma_wait3A_45 : memref<632x32xf32, #tpu.memory_space<hbm>>) dst(%dma_wait3A_39 : memref<632x32xf32, #tpu.memory_space<vmem_shared>>)
        tpu.yield
      }) : () -> ()
    } else {
    }
    %eq3A = arith.constant 15 : i32
    %eq3A_2 = arith.cmpi eq, %arg1, %eq3A : i32
    %convert_element_type3A_3 = arith.extui %eq3A_2 : i1 to i32
    %cond3A_4 = arith.constant 0 : i32
    %cond3A_5 = arith.cmpi ne, %convert_element_type3A_3, %cond3A_4 : i32
    scf.if %cond3A_5 {
      "tpu.region"() ({
        %run_scoped3A = tpu.sem_alloc : memref<!tpu.dma_semaphore, #tpu.memory_space<semaphore_mem>>
        %dma_start3A = arith.constant 9480 : i32
        %dma_start3A_30 = arith.constant 0 : i32
        %dma_start3A_31 = tpu.memref_slice %arg14[%dma_start3A, %dma_start3A_30] : memref<10000x32xf32, #tpu.memory_space<vmem_shared>> -> memref<520x32xf32, #tpu.memory_space<vmem_shared>>
        %dma_start3A_32 = arith.constant 0 : i32
        %dma_start3A_33 = arith.constant 0 : i32
        %dma_start3A_34 = tpu.memref_slice %arg3[%arg0, %dma_start3A_32, %dma_start3A_33] : memref<2x10000x32xf32, #tpu.memory_space<hbm>> -> memref<1x10000x32xf32, #tpu.memory_space<hbm>>
        %dma_start3A_35 = tpu.memref_squeeze %dma_start3A_34 : memref<1x10000x32xf32, #tpu.memory_space<hbm>> -> memref<10000x32xf32, #tpu.memory_space<hbm>>
        %dma_start3A_36 = arith.constant 9480 : i32
        %dma_start3A_37 = arith.constant 0 : i32
        %dma_start3A_38 = tpu.memref_slice %dma_start3A_35[%dma_start3A_36, %dma_start3A_37] : memref<10000x32xf32, #tpu.memory_space<hbm>> -> memref<520x32xf32, #tpu.memory_space<hbm>>
        tpu.enqueue_dma source(%dma_start3A_38 : memref<520x32xf32, #tpu.memory_space<hbm>>) target(%dma_start3A_31 : memref<520x32xf32, #tpu.memory_space<vmem_shared>>) target_semaphore(%run_scoped3A : memref<!tpu.dma_semaphore, #tpu.memory_space<semaphore_mem>>)
        %dma_wait3A = arith.constant 9480 : i32
        %dma_wait3A_39 = arith.constant 0 : i32
        %dma_wait3A_40 = tpu.memref_slice %arg14[%dma_wait3A, %dma_wait3A_39] : memref<10000x32xf32, #tpu.memory_space<vmem_shared>> -> memref<520x32xf32, #tpu.memory_space<vmem_shared>>
        %dma_wait3A_41 = arith.constant 0 : i32
        %dma_wait3A_42 = arith.constant 0 : i32
        %dma_wait3A_43 = tpu.memref_slice %arg3[%arg0, %dma_wait3A_41, %dma_wait3A_42] : memref<2x10000x32xf32, #tpu.memory_space<hbm>> -> memref<1x10000x32xf32, #tpu.memory_space<hbm>>
        %dma_wait3A_44 = tpu.memref_squeeze %dma_wait3A_43 : memref<1x10000x32xf32, #tpu.memory_space<hbm>> -> memref<10000x32xf32, #tpu.memory_space<hbm>>
        %dma_wait3A_45 = arith.constant 9480 : i32
        %dma_wait3A_46 = arith.constant 0 : i32
        %dma_wait3A_47 = tpu.memref_slice %dma_wait3A_44[%dma_wait3A_45, %dma_wait3A_46] : memref<10000x32xf32, #tpu.memory_space<hbm>> -> memref<520x32xf32, #tpu.memory_space<hbm>>
        tpu.wait_dma2 semaphore(%run_scoped3A : memref<!tpu.dma_semaphore, #tpu.memory_space<semaphore_mem>>) src(%dma_wait3A_47 : memref<520x32xf32, #tpu.memory_space<hbm>>) dst(%dma_wait3A_40 : memref<520x32xf32, #tpu.memory_space<vmem_shared>>)
        tpu.yield
      }) : () -> ()
    } else {
    }
    %broadcast_in_dim3A = arith.constant 10000 : i32
    %broadcast_in_dim3A_6 = vector.broadcast %broadcast_in_dim3A : i32 to vector<16xi32>
    %swap3A = arith.constant 0 : index
    %swap3A_7 = tpu.vector_load %arg9[%swap3A] {strides = array<i32>} : memref<16xi32, #tpu.memory_space<vmem>>, vector<16xi32>,
    %swap3A_8 = vector.shape_cast %swap3A_7 : vector<16xi32> to vector<16xi32>
    %swap3A_9 = vector.shape_cast %broadcast_in_dim3A_6 : vector<16xi32> to vector<16xi32>
    tpu.vector_store %arg9[%swap3A], %swap3A_9 {strides = array<i32>} : memref<16xi32, #tpu.memory_space<vmem>>, vector<16xi32>,
    "tpu.region"() ({
      %run_scoped3A = tpu.sem_alloc : memref<!tpu.dma_semaphore, #tpu.memory_space<semaphore_mem>>
      %dma_start3A = arith.constant 0 : i32
      %dma_start3A_30 = arith.constant 0 : i32
      %dma_start3A_31 = tpu.memref_slice %arg2[%arg0, %dma_start3A, %dma_start3A_30] : memref<2x10008x128xf32, #tpu.memory_space<hbm>> -> memref<1x10008x128xf32, #tpu.memory_space<hbm>>
      %dma_start3A_32 = tpu.memref_squeeze %dma_start3A_31 : memref<1x10008x128xf32, #tpu.memory_space<hbm>> -> memref<10008x128xf32, #tpu.memory_space<hbm>>
      %dma_start3A_33 = arith.constant 0 : i32
      %dma_start3A_34 = arith.constant 0 : i32
      %dma_start3A_35 = tpu.memref_slice %dma_start3A_32[%dma_start3A_33, %dma_start3A_34] : memref<10008x128xf32, #tpu.memory_space<hbm>> -> memref<10008x128xf32, #tpu.memory_space<hbm>>
      tpu.enqueue_indirect_dma source(%dma_start3A_35 : memref<10008x128xf32, #tpu.memory_space<hbm>>) target(%arg12 : memref<16x128xf32, #tpu.memory_space<vmem>>) offsets(%arg9 : memref<16xi32, #tpu.memory_space<vmem>>) semaphore(%run_scoped3A : memref<!tpu.dma_semaphore, #tpu.memory_space<semaphore_mem>>)
      %dma_wait3A = arith.constant 0 : i32
      %dma_wait3A_36 = arith.constant 0 : i32
      %dma_wait3A_37 = tpu.memref_slice %arg2[%arg0, %dma_wait3A, %dma_wait3A_36] : memref<2x10008x128xf32, #tpu.memory_space<hbm>> -> memref<1x10008x128xf32, #tpu.memory_space<hbm>>
      %dma_wait3A_38 = tpu.memref_squeeze %dma_wait3A_37 : memref<1x10008x128xf32, #tpu.memory_space<hbm>> -> memref<10008x128xf32, #tpu.memory_space<hbm>>
      %dma_wait3A_39 = arith.constant 0 : i32
      %dma_wait3A_40 = arith.constant 0 : i32
      %dma_wait3A_41 = tpu.memref_slice %dma_wait3A_38[%dma_wait3A_39, %dma_wait3A_40] : memref<10008x128xf32, #tpu.memory_space<hbm>> -> memref<10008x128xf32, #tpu.memory_space<hbm>>
      tpu.wait_indirect_dma semaphore(%run_scoped3A : memref<!tpu.dma_semaphore, #tpu.memory_space<semaphore_mem>>) src(%dma_wait3A_41 : memref<10008x128xf32, #tpu.memory_space<hbm>>) dst(%arg12 : memref<16x128xf32, #tpu.memory_space<vmem>>)
      tpu.yield
    }) : () -> ()
    %barrier3A = arith.constant 0 : index
    tpu.barrier barrier_id(%barrier3A)
    %get3A = arith.constant 0 : i32
    %get3A_10 = arith.index_cast %get3A : i32 to index
    %get3A_11 = arith.constant 64 : index
    %get3A_12 = tpu.vector_load %arg12[%get3A_10, %get3A_11] {strides = array<i32>} : memref<16x128xf32, #tpu.memory_space<vmem>>, vector<1x16xf32>,
    %get3A_13 = vector.shape_cast %get3A_12 : vector<1x16xf32> to vector<16xf32>
    %mul3A = arith.constant 20000 : i32
    %mul3A_14 = arith.muli %arg1, %mul3A : i32
    %scan3A = arith.constant 0 : i32
    %scan3A_15 = arith.constant 250 : i32
    %scan3A_16 = arith.addi %scan3A, %scan3A_15 : i32
    %scan3A_17 = arith.constant 1 : i32
    scf.for %scan3A_30 = %scan3A to %scan3A_16 step %scan3A_17  : i32 {
      %mul3A_31 = arith.constant 1 : i32
      %mul3A_32 = arith.muli %scan3A_30, %mul3A_31 : i32
      %add3A = arith.constant 0 : i32
      %add3A_33 = arith.addi %add3A, %mul3A_32 : i32
      %mul3A_34 = arith.constant 80 : i32
      %mul3A_35 = arith.muli %add3A_33, %mul3A_34 : i32
      %add3A_36 = arith.addi %mul3A_14, %mul3A_35 : i32
      "tpu.region"() ({
        %run_scoped3A = tpu.sem_alloc : memref<!tpu.dma_semaphore, #tpu.memory_space<semaphore_mem>>
        %dma_start3A_68 = tpu.memref_slice %arg4[%add3A_36] : memref<320000xi32, #tpu.memory_space<hbm>> -> memref<80xi32, #tpu.memory_space<hbm>>
        %dma_start3A_69 = tpu.memref_slice %arg4[%add3A_36] : memref<320000xi32, #tpu.memory_space<hbm>> -> memref<80xi32, #tpu.memory_space<hbm>>
        tpu.enqueue_dma source(%dma_start3A_69 : memref<80xi32, #tpu.memory_space<hbm>>) target(%arg7 : memref<80xi32, #tpu.memory_space<vmem>>) target_semaphore(%run_scoped3A : memref<!tpu.dma_semaphore, #tpu.memory_space<semaphore_mem>>)
        %dma_wait3A_70 = tpu.memref_slice %arg4[%add3A_36] : memref<320000xi32, #tpu.memory_space<hbm>> -> memref<80xi32, #tpu.memory_space<hbm>>
        %dma_wait3A_71 = tpu.memref_slice %arg4[%add3A_36] : memref<320000xi32, #tpu.memory_space<hbm>> -> memref<80xi32, #tpu.memory_space<hbm>>
        tpu.wait_dma2 semaphore(%run_scoped3A : memref<!tpu.dma_semaphore, #tpu.memory_space<semaphore_mem>>) src(%dma_wait3A_71 : memref<80xi32, #tpu.memory_space<hbm>>) dst(%arg7 : memref<80xi32, #tpu.memory_space<vmem>>)
        tpu.yield
      }) : () -> ()
      "tpu.region"() ({
        %run_scoped3A = tpu.sem_alloc : memref<!tpu.dma_semaphore, #tpu.memory_space<semaphore_mem>>
        %dma_start3A_68 = tpu.memref_slice %arg5[%add3A_36] : memref<320000xi32, #tpu.memory_space<hbm>> -> memref<80xi32, #tpu.memory_space<hbm>>
        %dma_start3A_69 = tpu.memref_slice %arg5[%add3A_36] : memref<320000xi32, #tpu.memory_space<hbm>> -> memref<80xi32, #tpu.memory_space<hbm>>
        tpu.enqueue_dma source(%dma_start3A_69 : memref<80xi32, #tpu.memory_space<hbm>>) target(%arg8 : memref<80xi32, #tpu.memory_space<vmem>>) target_semaphore(%run_scoped3A : memref<!tpu.dma_semaphore, #tpu.memory_space<semaphore_mem>>)
        %dma_wait3A_70 = tpu.memref_slice %arg5[%add3A_36] : memref<320000xi32, #tpu.memory_space<hbm>> -> memref<80xi32, #tpu.memory_space<hbm>>
        %dma_wait3A_71 = tpu.memref_slice %arg5[%add3A_36] : memref<320000xi32, #tpu.memory_space<hbm>> -> memref<80xi32, #tpu.memory_space<hbm>>
        tpu.wait_dma2 semaphore(%run_scoped3A : memref<!tpu.dma_semaphore, #tpu.memory_space<semaphore_mem>>) src(%dma_wait3A_71 : memref<80xi32, #tpu.memory_space<hbm>>) dst(%arg8 : memref<80xi32, #tpu.memory_space<vmem>>)
        tpu.yield
      }) : () -> ()
      %dma_start3A = arith.constant 0 : i32
      %dma_start3A_37 = arith.constant 0 : i32
      %dma_start3A_38 = tpu.memref_slice %arg2[%arg0, %dma_start3A, %dma_start3A_37] : memref<2x10008x128xf32, #tpu.memory_space<hbm>> -> memref<1x10008x128xf32, #tpu.memory_space<hbm>>
      %dma_start3A_39 = tpu.memref_squeeze %dma_start3A_38 : memref<1x10008x128xf32, #tpu.memory_space<hbm>> -> memref<10008x128xf32, #tpu.memory_space<hbm>>
      %dma_start3A_40 = arith.constant 0 : i32
      %dma_start3A_41 = arith.constant 0 : i32
      %dma_start3A_42 = tpu.memref_slice %dma_start3A_39[%dma_start3A_40, %dma_start3A_41] : memref<10008x128xf32, #tpu.memory_space<hbm>> -> memref<10008x128xf32, #tpu.memory_space<hbm>>
      tpu.enqueue_indirect_dma source(%dma_start3A_42 : memref<10008x128xf32, #tpu.memory_space<hbm>>) target(%arg10 : memref<80x128xf32, #tpu.memory_space<vmem>>) offsets(%arg7 : memref<80xi32, #tpu.memory_space<vmem>>) semaphore(%arg15 : memref<!tpu.dma_semaphore, #tpu.memory_space<semaphore_mem>>)
      %dma_start3A_43 = arith.constant 0 : i32
      %dma_start3A_44 = arith.constant 0 : i32
      %dma_start3A_45 = tpu.memref_slice %arg2[%arg0, %dma_start3A_43, %dma_start3A_44] : memref<2x10008x128xf32, #tpu.memory_space<hbm>> -> memref<1x10008x128xf32, #tpu.memory_space<hbm>>
      %dma_start3A_46 = tpu.memref_squeeze %dma_start3A_45 : memref<1x10008x128xf32, #tpu.memory_space<hbm>> -> memref<10008x128xf32, #tpu.memory_space<hbm>>
      %dma_start3A_47 = arith.constant 0 : i32
      %dma_start3A_48 = arith.constant 0 : i32
      %dma_start3A_49 = tpu.memref_slice %dma_start3A_46[%dma_start3A_47, %dma_start3A_48] : memref<10008x128xf32, #tpu.memory_space<hbm>> -> memref<10008x128xf32, #tpu.memory_space<hbm>>
      tpu.enqueue_indirect_dma source(%dma_start3A_49 : memref<10008x128xf32, #tpu.memory_space<hbm>>) target(%arg11 : memref<80x128xf32, #tpu.memory_space<vmem>>) offsets(%arg8 : memref<80xi32, #tpu.memory_space<vmem>>) semaphore(%arg16 : memref<!tpu.dma_semaphore, #tpu.memory_space<semaphore_mem>>)
      %dma_wait3A = arith.constant 0 : i32
      %dma_wait3A_50 = arith.constant 0 : i32
      %dma_wait3A_51 = tpu.memref_slice %arg2[%arg0, %dma_wait3A, %dma_wait3A_50] : memref<2x10008x128xf32, #tpu.memory_space<hbm>> -> memref<1x10008x128xf32, #tpu.memory_space<hbm>>
      %dma_wait3A_52 = tpu.memref_squeeze %dma_wait3A_51 : memref<1x10008x128xf32, #tpu.memory_space<hbm>> -> memref<10008x128xf32, #tpu.memory_space<hbm>>
      %dma_wait3A_53 = arith.constant 0 : i32
      %dma_wait3A_54 = arith.constant 0 : i32
      %dma_wait3A_55 = tpu.memref_slice %dma_wait3A_52[%dma_wait3A_53, %dma_wait3A_54] : memref<10008x128xf32, #tpu.memory_space<hbm>> -> memref<10008x128xf32, #tpu.memory_space<hbm>>
      tpu.wait_indirect_dma semaphore(%arg15 : memref<!tpu.dma_semaphore, #tpu.memory_space<semaphore_mem>>) src(%dma_wait3A_55 : memref<10008x128xf32, #tpu.memory_space<hbm>>) dst(%arg10 : memref<80x128xf32, #tpu.memory_space<vmem>>)
      %dma_wait3A_56 = arith.constant 0 : i32
      %dma_wait3A_57 = arith.constant 0 : i32
      %dma_wait3A_58 = tpu.memref_slice %arg2[%arg0, %dma_wait3A_56, %dma_wait3A_57] : memref<2x10008x128xf32, #tpu.memory_space<hbm>> -> memref<1x10008x128xf32, #tpu.memory_space<hbm>>
      %dma_wait3A_59 = tpu.memref_squeeze %dma_wait3A_58 : memref<1x10008x128xf32, #tpu.memory_space<hbm>> -> memref<10008x128xf32, #tpu.memory_space<hbm>>
      %dma_wait3A_60 = arith.constant 0 : i32
      %dma_wait3A_61 = arith.constant 0 : i32
      %dma_wait3A_62 = tpu.memref_slice %dma_wait3A_59[%dma_wait3A_60, %dma_wait3A_61] : memref<10008x128xf32, #tpu.memory_space<hbm>> -> memref<10008x128xf32, #tpu.memory_space<hbm>>
      tpu.wait_indirect_dma semaphore(%arg16 : memref<!tpu.dma_semaphore, #tpu.memory_space<semaphore_mem>>) src(%dma_wait3A_62 : memref<10008x128xf32, #tpu.memory_space<hbm>>) dst(%arg11 : memref<80x128xf32, #tpu.memory_space<vmem>>)
      %scan3A_63 = arith.constant 0 : i32
      %scan3A_64 = arith.constant 80 : i32
      %scan3A_65 = arith.addi %scan3A_63, %scan3A_64 : i32
      %scan3A_66 = arith.constant 1 : i32
      scf.for %scan3A_68 = %scan3A_63 to %scan3A_65 step %scan3A_66  : i32 {
        %mul3A_69 = arith.constant 1 : i32
        %mul3A_70 = arith.muli %scan3A_68, %mul3A_69 : i32
        %add3A_71 = arith.constant 0 : i32
        %add3A_72 = arith.addi %add3A_71, %mul3A_70 : i32
        %get3A_73 = arith.index_cast %add3A_72 : i32 to index
        %get3A_74 = arith.constant 64 : index
        %get3A_75 = tpu.vector_load %arg10[%get3A_73, %get3A_74] {strides = array<i32>} : memref<80x128xf32, #tpu.memory_space<vmem>>, vector<1x16xf32>,
        %get3A_76 = vector.shape_cast %get3A_75 : vector<1x16xf32> to vector<16xf32>
        %get3A_77 = arith.index_cast %add3A_72 : i32 to index
        %get3A_78 = arith.constant 96 : index
        %get3A_79 = tpu.vector_load %arg11[%get3A_77, %get3A_78] {strides = array<i32>} : memref<80x128xf32, #tpu.memory_space<vmem>>, vector<1x16xf32>,
        %get3A_80 = vector.shape_cast %get3A_79 : vector<1x16xf32> to vector<16xf32>
        %add3A_81 = arith.addf %get3A_76, %get3A_80 : vector<16xf32>
        %mul3A_82 = arith.constant 2.000000e-01 : f32
        %mul3A_83 = vector.broadcast %mul3A_82 : f32 to vector<16xf32>
        %mul3A_84 = arith.mulf %mul3A_83, %add3A_81 : vector<16xf32>
        %max3A = arith.maximumf %add3A_81, %mul3A_84 : vector<16xf32>
        %exp3A = math.exp %max3A : vector<16xf32>
        %mul3A_85 = arith.mulf %exp3A, %get3A_13 : vector<16xf32>
        %get3A_86 = arith.index_cast %add3A_72 : i32 to index
        %get3A_87 = arith.constant 0 : index
        %get3A_88 = tpu.vector_load %arg10[%get3A_86, %get3A_87] {strides = array<i32>} : memref<80x128xf32, #tpu.memory_space<vmem>>, vector<1x16xf32>,
        %get3A_89 = vector.shape_cast %get3A_88 : vector<1x16xf32> to vector<16xf32>
        %mul3A_90 = arith.mulf %get3A_89, %mul3A_85 : vector<16xf32>
        %swap3A_91 = arith.index_cast %add3A_72 : i32 to index
        %swap3A_92 = arith.constant 0 : index
        %swap3A_93 = tpu.vector_load %arg13[%swap3A_91, %swap3A_92] {strides = array<i32>} : memref<80x32xf32, #tpu.memory_space<vmem>>, vector<1x16xf32>,
        %swap3A_94 = vector.shape_cast %swap3A_93 : vector<1x16xf32> to vector<16xf32>
        %swap3A_95 = vector.shape_cast %mul3A_90 : vector<16xf32> to vector<1x16xf32>
        tpu.vector_store %arg13[%swap3A_91, %swap3A_92], %swap3A_95 {strides = array<i32>} : memref<80x32xf32, #tpu.memory_space<vmem>>, vector<1x16xf32>,
        %get3A_96 = arith.index_cast %add3A_72 : i32 to index
        %get3A_97 = arith.constant 16 : index
        %get3A_98 = tpu.vector_load %arg10[%get3A_96, %get3A_97] {strides = array<i32>} : memref<80x128xf32, #tpu.memory_space<vmem>>, vector<1x16xf32>,
        %get3A_99 = vector.shape_cast %get3A_98 : vector<1x16xf32> to vector<16xf32>
        %mul3A_100 = arith.mulf %get3A_99, %mul3A_85 : vector<16xf32>
        %swap3A_101 = arith.index_cast %add3A_72 : i32 to index
        %swap3A_102 = arith.constant 16 : index
        %swap3A_103 = tpu.vector_load %arg13[%swap3A_101, %swap3A_102] {strides = array<i32>} : memref<80x32xf32, #tpu.memory_space<vmem>>, vector<1x16xf32>,
        %swap3A_104 = vector.shape_cast %swap3A_103 : vector<1x16xf32> to vector<16xf32>
        %swap3A_105 = vector.shape_cast %mul3A_100 : vector<16xf32> to vector<1x16xf32>
        tpu.vector_store %arg13[%swap3A_101, %swap3A_102], %swap3A_105 {strides = array<i32>} : memref<80x32xf32, #tpu.memory_space<vmem>>, vector<1x16xf32>,
      }
      %scan3A_67 = arith.constant 80 : i32
      "tpu.region"() ({
        %run_scoped3A = tpu.sem_alloc : memref<!tpu.dma_semaphore, #tpu.memory_space<semaphore_mem>>
        %dma_start3A_68 = arith.constant 0 : i32
        %dma_start3A_69 = arith.constant 0 : i32
        %dma_start3A_70 = tpu.memref_slice %arg14[%dma_start3A_68, %dma_start3A_69] : memref<10000x32xf32, #tpu.memory_space<vmem_shared>> -> memref<10000x32xf32, #tpu.memory_space<vmem_shared>>
        tpu.enqueue_indirect_dma source(%arg13 : memref<80x32xf32, #tpu.memory_space<vmem>>) target(%dma_start3A_70 : memref<10000x32xf32, #tpu.memory_space<vmem_shared>>) offsets(%arg8 : memref<80xi32, #tpu.memory_space<vmem>>) semaphore(%run_scoped3A : memref<!tpu.dma_semaphore, #tpu.memory_space<semaphore_mem>>) {add = true}
        %dma_wait3A_71 = arith.constant 0 : i32
        %dma_wait3A_72 = arith.constant 0 : i32
        %dma_wait3A_73 = tpu.memref_slice %arg14[%dma_wait3A_71, %dma_wait3A_72] : memref<10000x32xf32, #tpu.memory_space<vmem_shared>> -> memref<10000x32xf32, #tpu.memory_space<vmem_shared>>
        tpu.wait_indirect_dma semaphore(%run_scoped3A : memref<!tpu.dma_semaphore, #tpu.memory_space<semaphore_mem>>) src(%arg13 : memref<80x32xf32, #tpu.memory_space<vmem>>) dst(%dma_wait3A_73 : memref<10000x32xf32, #tpu.memory_space<vmem_shared>>)
        tpu.yield
      }) : () -> ()
    }
    %scan3A_18 = arith.constant 250 : i32
    %barrier3A_19 = arith.constant 0 : index
    tpu.barrier barrier_id(%barrier3A_19)
    %lt3A_20 = arith.constant 15 : i32
    %lt3A_21 = arith.cmpi slt, %arg1, %lt3A_20 : i32
    %convert_element_type3A_22 = arith.extui %lt3A_21 : i1 to i32
    %cond3A_23 = arith.constant 0 : i32
    %cond3A_24 = arith.cmpi ne, %convert_element_type3A_22, %cond3A_23 : i32
    scf.if %cond3A_24 {
      %mul3A_30 = arith.constant 632 : i32
      %mul3A_31 = arith.muli %arg1, %mul3A_30 : i32
      %multiple_of3A = tpu.assume_multiple %mul3A_31, 8 : i32
      "tpu.region"() ({
        %run_scoped3A = tpu.sem_alloc : memref<!tpu.dma_semaphore, #tpu.memory_space<semaphore_mem>>
        %dma_start3A = arith.constant 0 : i32
        %dma_start3A_32 = arith.constant 0 : i32
        %dma_start3A_33 = tpu.memref_slice %arg6[%arg0, %dma_start3A, %dma_start3A_32] : memref<2x10000x32xf32, #tpu.memory_space<hbm>> -> memref<1x10000x32xf32, #tpu.memory_space<hbm>>
        %dma_start3A_34 = tpu.memref_squeeze %dma_start3A_33 : memref<1x10000x32xf32, #tpu.memory_space<hbm>> -> memref<10000x32xf32, #tpu.memory_space<hbm>>
        %dma_start3A_35 = arith.constant 0 : i32
        %dma_start3A_36 = tpu.memref_slice %dma_start3A_34[%multiple_of3A, %dma_start3A_35] : memref<10000x32xf32, #tpu.memory_space<hbm>> -> memref<632x32xf32, #tpu.memory_space<hbm>>
        %dma_start3A_37 = arith.constant 0 : i32
        %dma_start3A_38 = tpu.memref_slice %arg14[%multiple_of3A, %dma_start3A_37] : memref<10000x32xf32, #tpu.memory_space<vmem_shared>> -> memref<632x32xf32, #tpu.memory_space<vmem_shared>>
        tpu.enqueue_dma source(%dma_start3A_38 : memref<632x32xf32, #tpu.memory_space<vmem_shared>>) target(%dma_start3A_36 : memref<632x32xf32, #tpu.memory_space<hbm>>) target_semaphore(%run_scoped3A : memref<!tpu.dma_semaphore, #tpu.memory_space<semaphore_mem>>)
        %dma_wait3A = arith.constant 0 : i32
        %dma_wait3A_39 = arith.constant 0 : i32
        %dma_wait3A_40 = tpu.memref_slice %arg6[%arg0, %dma_wait3A, %dma_wait3A_39] : memref<2x10000x32xf32, #tpu.memory_space<hbm>> -> memref<1x10000x32xf32, #tpu.memory_space<hbm>>
        %dma_wait3A_41 = tpu.memref_squeeze %dma_wait3A_40 : memref<1x10000x32xf32, #tpu.memory_space<hbm>> -> memref<10000x32xf32, #tpu.memory_space<hbm>>
        %dma_wait3A_42 = arith.constant 0 : i32
        %dma_wait3A_43 = tpu.memref_slice %dma_wait3A_41[%multiple_of3A, %dma_wait3A_42] : memref<10000x32xf32, #tpu.memory_space<hbm>> -> memref<632x32xf32, #tpu.memory_space<hbm>>
        %dma_wait3A_44 = arith.constant 0 : i32
        %dma_wait3A_45 = tpu.memref_slice %arg14[%multiple_of3A, %dma_wait3A_44] : memref<10000x32xf32, #tpu.memory_space<vmem_shared>> -> memref<632x32xf32, #tpu.memory_space<vmem_shared>>
        tpu.wait_dma2 semaphore(%run_scoped3A : memref<!tpu.dma_semaphore, #tpu.memory_space<semaphore_mem>>) src(%dma_wait3A_45 : memref<632x32xf32, #tpu.memory_space<vmem_shared>>) dst(%dma_wait3A_43 : memref<632x32xf32, #tpu.memory_space<hbm>>)
        tpu.yield
      }) : () -> ()
    } else {
    }
    %eq3A_25 = arith.constant 15 : i32
    %eq3A_26 = arith.cmpi eq, %arg1, %eq3A_25 : i32
    %convert_element_type3A_27 = arith.extui %eq3A_26 : i1 to i32
    %cond3A_28 = arith.constant 0 : i32
    %cond3A_29 = arith.cmpi ne, %convert_element_type3A_27, %cond3A_28 : i32
    scf.if %cond3A_29 {
      "tpu.region"() ({
        %run_scoped3A = tpu.sem_alloc : memref<!tpu.dma_semaphore, #tpu.memory_space<semaphore_mem>>
        %dma_start3A = arith.constant 0 : i32
        %dma_start3A_30 = arith.constant 0 : i32
        %dma_start3A_31 = tpu.memref_slice %arg6[%arg0, %dma_start3A, %dma_start3A_30] : memref<2x10000x32xf32, #tpu.memory_space<hbm>> -> memref<1x10000x32xf32, #tpu.memory_space<hbm>>
        %dma_start3A_32 = tpu.memref_squeeze %dma_start3A_31 : memref<1x10000x32xf32, #tpu.memory_space<hbm>> -> memref<10000x32xf32, #tpu.memory_space<hbm>>
        %dma_start3A_33 = arith.constant 9480 : i32
        %dma_start3A_34 = arith.constant 0 : i32
        %dma_start3A_35 = tpu.memref_slice %dma_start3A_32[%dma_start3A_33, %dma_start3A_34] : memref<10000x32xf32, #tpu.memory_space<hbm>> -> memref<520x32xf32, #tpu.memory_space<hbm>>
        %dma_start3A_36 = arith.constant 9480 : i32
        %dma_start3A_37 = arith.constant 0 : i32
        %dma_start3A_38 = tpu.memref_slice %arg14[%dma_start3A_36, %dma_start3A_37] : memref<10000x32xf32, #tpu.memory_space<vmem_shared>> -> memref<520x32xf32, #tpu.memory_space<vmem_shared>>
        tpu.enqueue_dma source(%dma_start3A_38 : memref<520x32xf32, #tpu.memory_space<vmem_shared>>) target(%dma_start3A_35 : memref<520x32xf32, #tpu.memory_space<hbm>>) target_semaphore(%run_scoped3A : memref<!tpu.dma_semaphore, #tpu.memory_space<semaphore_mem>>)
        %dma_wait3A = arith.constant 0 : i32
        %dma_wait3A_39 = arith.constant 0 : i32
        %dma_wait3A_40 = tpu.memref_slice %arg6[%arg0, %dma_wait3A, %dma_wait3A_39] : memref<2x10000x32xf32, #tpu.memory_space<hbm>> -> memref<1x10000x32xf32, #tpu.memory_space<hbm>>
        %dma_wait3A_41 = tpu.memref_squeeze %dma_wait3A_40 : memref<1x10000x32xf32, #tpu.memory_space<hbm>> -> memref<10000x32xf32, #tpu.memory_space<hbm>>
        %dma_wait3A_42 = arith.constant 9480 : i32
        %dma_wait3A_43 = arith.constant 0 : i32
        %dma_wait3A_44 = tpu.memref_slice %dma_wait3A_41[%dma_wait3A_42, %dma_wait3A_43] : memref<10000x32xf32, #tpu.memory_space<hbm>> -> memref<520x32xf32, #tpu.memory_space<hbm>>
        %dma_wait3A_45 = arith.constant 9480 : i32
        %dma_wait3A_46 = arith.constant 0 : i32
        %dma_wait3A_47 = tpu.memref_slice %arg14[%dma_wait3A_45, %dma_wait3A_46] : memref<10000x32xf32, #tpu.memory_space<vmem_shared>> -> memref<520x32xf32, #tpu.memory_space<vmem_shared>>
        tpu.wait_dma2 semaphore(%run_scoped3A : memref<!tpu.dma_semaphore, #tpu.memory_space<semaphore_mem>>) src(%dma_wait3A_47 : memref<520x32xf32, #tpu.memory_space<vmem_shared>>) dst(%dma_wait3A_44 : memref<520x32xf32, #tpu.memory_space<hbm>>)
        tpu.yield
      }) : () -> ()
    } else {
    }
    return
  }
}

#map = affine_map<(d0, d1) -> (0, 0, 0)>
#map1 = affine_map<(d0, d1) -> (0)>
module attributes {stable_mosaic.version = 14 : i64} {
  func.func @k(%arg0: i32, %arg1: i32, %arg2: memref<2x10008x128xf32, #tpu.memory_space<hbm>>, %arg3: memref<2x10000x32xf32, #tpu.memory_space<hbm>>, %arg4: memref<320000xi32, #tpu.memory_space<hbm>>, %arg5: memref<320000xi32, #tpu.memory_space<hbm>>, %arg6: memref<2x10000x32xf32, #tpu.memory_space<hbm>>, %arg7: memref<80xi32, #tpu.memory_space<vmem>>, %arg8: memref<80xi32, #tpu.memory_space<vmem>>, %arg9: memref<16xi32, #tpu.memory_space<vmem>>, %arg10: memref<80x128xf32, #tpu.memory_space<vmem>>, %arg11: memref<80x128xf32, #tpu.memory_space<vmem>>, %arg12: memref<16x128xf32, #tpu.memory_space<vmem>>, %arg13: memref<80x32xf32, #tpu.memory_space<vmem>>, %arg14: memref<10000x32xf32, #tpu.memory_space<vmem_shared>>, %arg15: memref<!tpu.dma_semaphore, #tpu.memory_space<semaphore_mem>>, %arg16: memref<!tpu.dma_semaphore, #tpu.memory_space<semaphore_mem>>) attributes {dimension_semantics = [#tpu.dimension_semantics<core_parallel>, #tpu.dimension_semantics<subcore_parallel>], iteration_bounds = array<i64: 2, 16>, scalar_prefetch = 0 : i64, scratch_operands = 10 : i64, tpu.core_type = #tpu.core_type<sc_vector_subcore>, window_params = [{transform_indices = #map}, {transform_indices = #map}, {transform_indices = #map1}, {transform_indices = #map1}, {transform_indices = #map}]} {
    %lt3A = arith.constant 15 : i32
    %lt3A_0 = arith.cmpi slt, %arg1, %lt3A : i32
    %convert_element_type3A = arith.extui %lt3A_0 : i1 to i32
    %cond3A = arith.constant 0 : i32
    %cond3A_1 = arith.cmpi ne, %convert_element_type3A, %cond3A : i32
    scf.if %cond3A_1 {
      %mul3A_30 = arith.constant 632 : i32
      %mul3A_31 = arith.muli %arg1, %mul3A_30 : i32
      %multiple_of3A = tpu.assume_multiple %mul3A_31, 8 : i32
      "tpu.region"() ({
        %run_scoped3A = tpu.sem_alloc : memref<!tpu.dma_semaphore, #tpu.memory_space<semaphore_mem>>
        %dma_start3A = arith.constant 0 : i32
        %dma_start3A_32 = tpu.memref_slice %arg14[%multiple_of3A, %dma_start3A] : memref<10000x32xf32, #tpu.memory_space<vmem_shared>> -> memref<632x32xf32, #tpu.memory_space<vmem_shared>>
        %dma_start3A_33 = arith.constant 0 : i32
        %dma_start3A_34 = arith.constant 0 : i32
        %dma_start3A_35 = tpu.memref_slice %arg3[%arg0, %dma_start3A_33, %dma_start3A_34] : memref<2x10000x32xf32, #tpu.memory_space<hbm>> -> memref<1x10000x32xf32, #tpu.memory_space<hbm>>
        %dma_start3A_36 = tpu.memref_squeeze %dma_start3A_35 : memref<1x10000x32xf32, #tpu.memory_space<hbm>> -> memref<10000x32xf32, #tpu.memory_space<hbm>>
        %dma_start3A_37 = arith.constant 0 : i32
        %dma_start3A_38 = tpu.memref_slice %dma_start3A_36[%multiple_of3A, %dma_start3A_37] : memref<10000x32xf32, #tpu.memory_space<hbm>> -> memref<632x32xf32, #tpu.memory_space<hbm>>
        tpu.enqueue_dma source(%dma_start3A_38 : memref<632x32xf32, #tpu.memory_space<hbm>>) target(%dma_start3A_32 : memref<632x32xf32, #tpu.memory_space<vmem_shared>>) target_semaphore(%run_scoped3A : memref<!tpu.dma_semaphore, #tpu.memory_space<semaphore_mem>>)
        %dma_wait3A = arith.constant 0 : i32
        %dma_wait3A_39 = tpu.memref_slice %arg14[%multiple_of3A, %dma_wait3A] : memref<10000x32xf32, #tpu.memory_space<vmem_shared>> -> memref<632x32xf32, #tpu.memory_space<vmem_shared>>
        %dma_wait3A_40 = arith.constant 0 : i32
        %dma_wait3A_41 = arith.constant 0 : i32
        %dma_wait3A_42 = tpu.memref_slice %arg3[%arg0, %dma_wait3A_40, %dma_wait3A_41] : memref<2x10000x32xf32, #tpu.memory_space<hbm>> -> memref<1x10000x32xf32, #tpu.memory_space<hbm>>
        %dma_wait3A_43 = tpu.memref_squeeze %dma_wait3A_42 : memref<1x10000x32xf32, #tpu.memory_space<hbm>> -> memref<10000x32xf32, #tpu.memory_space<hbm>>
        %dma_wait3A_44 = arith.constant 0 : i32
        %dma_wait3A_45 = tpu.memref_slice %dma_wait3A_43[%multiple_of3A, %dma_wait3A_44] : memref<10000x32xf32, #tpu.memory_space<hbm>> -> memref<632x32xf32, #tpu.memory_space<hbm>>
        tpu.wait_dma2 semaphore(%run_scoped3A : memref<!tpu.dma_semaphore, #tpu.memory_space<semaphore_mem>>) src(%dma_wait3A_45 : memref<632x32xf32, #tpu.memory_space<hbm>>) dst(%dma_wait3A_39 : memref<632x32xf32, #tpu.memory_space<vmem_shared>>)
        tpu.yield
      }) : () -> ()
    } else {
    }
    %eq3A = arith.constant 15 : i32
    %eq3A_2 = arith.cmpi eq, %arg1, %eq3A : i32
    %convert_element_type3A_3 = arith.extui %eq3A_2 : i1 to i32
    %cond3A_4 = arith.constant 0 : i32
    %cond3A_5 = arith.cmpi ne, %convert_element_type3A_3, %cond3A_4 : i32
    scf.if %cond3A_5 {
      "tpu.region"() ({
        %run_scoped3A = tpu.sem_alloc : memref<!tpu.dma_semaphore, #tpu.memory_space<semaphore_mem>>
        %dma_start3A = arith.constant 9480 : i32
        %dma_start3A_30 = arith.constant 0 : i32
        %dma_start3A_31 = tpu.memref_slice %arg14[%dma_start3A, %dma_start3A_30] : memref<10000x32xf32, #tpu.memory_space<vmem_shared>> -> memref<520x32xf32, #tpu.memory_space<vmem_shared>>
        %dma_start3A_32 = arith.constant 0 : i32
        %dma_start3A_33 = arith.constant 0 : i32
        %dma_start3A_34 = tpu.memref_slice %arg3[%arg0, %dma_start3A_32, %dma_start3A_33] : memref<2x10000x32xf32, #tpu.memory_space<hbm>> -> memref<1x10000x32xf32, #tpu.memory_space<hbm>>
        %dma_start3A_35 = tpu.memref_squeeze %dma_start3A_34 : memref<1x10000x32xf32, #tpu.memory_space<hbm>> -> memref<10000x32xf32, #tpu.memory_space<hbm>>
        %dma_start3A_36 = arith.constant 9480 : i32
        %dma_start3A_37 = arith.constant 0 : i32
        %dma_start3A_38 = tpu.memref_slice %dma_start3A_35[%dma_start3A_36, %dma_start3A_37] : memref<10000x32xf32, #tpu.memory_space<hbm>> -> memref<520x32xf32, #tpu.memory_space<hbm>>
        tpu.enqueue_dma source(%dma_start3A_38 : memref<520x32xf32, #tpu.memory_space<hbm>>) target(%dma_start3A_31 : memref<520x32xf32, #tpu.memory_space<vmem_shared>>) target_semaphore(%run_scoped3A : memref<!tpu.dma_semaphore, #tpu.memory_space<semaphore_mem>>)
        %dma_wait3A = arith.constant 9480 : i32
        %dma_wait3A_39 = arith.constant 0 : i32
        %dma_wait3A_40 = tpu.memref_slice %arg14[%dma_wait3A, %dma_wait3A_39] : memref<10000x32xf32, #tpu.memory_space<vmem_shared>> -> memref<520x32xf32, #tpu.memory_space<vmem_shared>>
        %dma_wait3A_41 = arith.constant 0 : i32
        %dma_wait3A_42 = arith.constant 0 : i32
        %dma_wait3A_43 = tpu.memref_slice %arg3[%arg0, %dma_wait3A_41, %dma_wait3A_42] : memref<2x10000x32xf32, #tpu.memory_space<hbm>> -> memref<1x10000x32xf32, #tpu.memory_space<hbm>>
        %dma_wait3A_44 = tpu.memref_squeeze %dma_wait3A_43 : memref<1x10000x32xf32, #tpu.memory_space<hbm>> -> memref<10000x32xf32, #tpu.memory_space<hbm>>
        %dma_wait3A_45 = arith.constant 9480 : i32
        %dma_wait3A_46 = arith.constant 0 : i32
        %dma_wait3A_47 = tpu.memref_slice %dma_wait3A_44[%dma_wait3A_45, %dma_wait3A_46] : memref<10000x32xf32, #tpu.memory_space<hbm>> -> memref<520x32xf32, #tpu.memory_space<hbm>>
        tpu.wait_dma2 semaphore(%run_scoped3A : memref<!tpu.dma_semaphore, #tpu.memory_space<semaphore_mem>>) src(%dma_wait3A_47 : memref<520x32xf32, #tpu.memory_space<hbm>>) dst(%dma_wait3A_40 : memref<520x32xf32, #tpu.memory_space<vmem_shared>>)
        tpu.yield
      }) : () -> ()
    } else {
    }
    %broadcast_in_dim3A = arith.constant 10000 : i32
    %broadcast_in_dim3A_6 = vector.broadcast %broadcast_in_dim3A : i32 to vector<16xi32>
    %swap3A = arith.constant 0 : index
    %swap3A_7 = tpu.vector_load %arg9[%swap3A] {strides = array<i32>} : memref<16xi32, #tpu.memory_space<vmem>>, vector<16xi32>,
    %swap3A_8 = vector.shape_cast %swap3A_7 : vector<16xi32> to vector<16xi32>
    %swap3A_9 = vector.shape_cast %broadcast_in_dim3A_6 : vector<16xi32> to vector<16xi32>
    tpu.vector_store %arg9[%swap3A], %swap3A_9 {strides = array<i32>} : memref<16xi32, #tpu.memory_space<vmem>>, vector<16xi32>,
    "tpu.region"() ({
      %run_scoped3A = tpu.sem_alloc : memref<!tpu.dma_semaphore, #tpu.memory_space<semaphore_mem>>
      %dma_start3A = arith.constant 0 : i32
      %dma_start3A_30 = arith.constant 0 : i32
      %dma_start3A_31 = tpu.memref_slice %arg2[%arg0, %dma_start3A, %dma_start3A_30] : memref<2x10008x128xf32, #tpu.memory_space<hbm>> -> memref<1x10008x128xf32, #tpu.memory_space<hbm>>
      %dma_start3A_32 = tpu.memref_squeeze %dma_start3A_31 : memref<1x10008x128xf32, #tpu.memory_space<hbm>> -> memref<10008x128xf32, #tpu.memory_space<hbm>>
      %dma_start3A_33 = arith.constant 0 : i32
      %dma_start3A_34 = arith.constant 0 : i32
      %dma_start3A_35 = tpu.memref_slice %dma_start3A_32[%dma_start3A_33, %dma_start3A_34] : memref<10008x128xf32, #tpu.memory_space<hbm>> -> memref<10008x128xf32, #tpu.memory_space<hbm>>
      tpu.enqueue_indirect_dma source(%dma_start3A_35 : memref<10008x128xf32, #tpu.memory_space<hbm>>) target(%arg12 : memref<16x128xf32, #tpu.memory_space<vmem>>) offsets(%arg9 : memref<16xi32, #tpu.memory_space<vmem>>) semaphore(%run_scoped3A : memref<!tpu.dma_semaphore, #tpu.memory_space<semaphore_mem>>)
      %dma_wait3A = arith.constant 0 : i32
      %dma_wait3A_36 = arith.constant 0 : i32
      %dma_wait3A_37 = tpu.memref_slice %arg2[%arg0, %dma_wait3A, %dma_wait3A_36] : memref<2x10008x128xf32, #tpu.memory_space<hbm>> -> memref<1x10008x128xf32, #tpu.memory_space<hbm>>
      %dma_wait3A_38 = tpu.memref_squeeze %dma_wait3A_37 : memref<1x10008x128xf32, #tpu.memory_space<hbm>> -> memref<10008x128xf32, #tpu.memory_space<hbm>>
      %dma_wait3A_39 = arith.constant 0 : i32
      %dma_wait3A_40 = arith.constant 0 : i32
      %dma_wait3A_41 = tpu.memref_slice %dma_wait3A_38[%dma_wait3A_39, %dma_wait3A_40] : memref<10008x128xf32, #tpu.memory_space<hbm>> -> memref<10008x128xf32, #tpu.memory_space<hbm>>
      tpu.wait_indirect_dma semaphore(%run_scoped3A : memref<!tpu.dma_semaphore, #tpu.memory_space<semaphore_mem>>) src(%dma_wait3A_41 : memref<10008x128xf32, #tpu.memory_space<hbm>>) dst(%arg12 : memref<16x128xf32, #tpu.memory_space<vmem>>)
      tpu.yield
    }) : () -> ()
    %barrier3A = arith.constant 0 : index
    tpu.barrier barrier_id(%barrier3A)
    %get3A = arith.constant 0 : i32
    %get3A_10 = arith.index_cast %get3A : i32 to index
    %get3A_11 = arith.constant 64 : index
    %get3A_12 = tpu.vector_load %arg12[%get3A_10, %get3A_11] {strides = array<i32>} : memref<16x128xf32, #tpu.memory_space<vmem>>, vector<1x16xf32>,
    %get3A_13 = vector.shape_cast %get3A_12 : vector<1x16xf32> to vector<16xf32>
    %mul3A = arith.constant 20000 : i32
    %mul3A_14 = arith.muli %arg1, %mul3A : i32
    %scan3A = arith.constant 0 : i32
    %scan3A_15 = arith.constant 250 : i32
    %scan3A_16 = arith.addi %scan3A, %scan3A_15 : i32
    %scan3A_17 = arith.constant 1 : i32
    scf.for %scan3A_30 = %scan3A to %scan3A_16 step %scan3A_17  : i32 {
      %mul3A_31 = arith.constant 1 : i32
      %mul3A_32 = arith.muli %scan3A_30, %mul3A_31 : i32
      %add3A = arith.constant 0 : i32
      %add3A_33 = arith.addi %add3A, %mul3A_32 : i32
      %mul3A_34 = arith.constant 80 : i32
      %mul3A_35 = arith.muli %add3A_33, %mul3A_34 : i32
      %add3A_36 = arith.addi %mul3A_14, %mul3A_35 : i32
      "tpu.region"() ({
        %run_scoped3A = tpu.sem_alloc : memref<!tpu.dma_semaphore, #tpu.memory_space<semaphore_mem>>
        %dma_start3A_68 = tpu.memref_slice %arg4[%add3A_36] : memref<320000xi32, #tpu.memory_space<hbm>> -> memref<80xi32, #tpu.memory_space<hbm>>
        %dma_start3A_69 = tpu.memref_slice %arg4[%add3A_36] : memref<320000xi32, #tpu.memory_space<hbm>> -> memref<80xi32, #tpu.memory_space<hbm>>
        tpu.enqueue_dma source(%dma_start3A_69 : memref<80xi32, #tpu.memory_space<hbm>>) target(%arg7 : memref<80xi32, #tpu.memory_space<vmem>>) target_semaphore(%run_scoped3A : memref<!tpu.dma_semaphore, #tpu.memory_space<semaphore_mem>>)
        %dma_wait3A_70 = tpu.memref_slice %arg4[%add3A_36] : memref<320000xi32, #tpu.memory_space<hbm>> -> memref<80xi32, #tpu.memory_space<hbm>>
        %dma_wait3A_71 = tpu.memref_slice %arg4[%add3A_36] : memref<320000xi32, #tpu.memory_space<hbm>> -> memref<80xi32, #tpu.memory_space<hbm>>
        tpu.wait_dma2 semaphore(%run_scoped3A : memref<!tpu.dma_semaphore, #tpu.memory_space<semaphore_mem>>) src(%dma_wait3A_71 : memref<80xi32, #tpu.memory_space<hbm>>) dst(%arg7 : memref<80xi32, #tpu.memory_space<vmem>>)
        tpu.yield
      }) : () -> ()
      "tpu.region"() ({
        %run_scoped3A = tpu.sem_alloc : memref<!tpu.dma_semaphore, #tpu.memory_space<semaphore_mem>>
        %dma_start3A_68 = tpu.memref_slice %arg5[%add3A_36] : memref<320000xi32, #tpu.memory_space<hbm>> -> memref<80xi32, #tpu.memory_space<hbm>>
        %dma_start3A_69 = tpu.memref_slice %arg5[%add3A_36] : memref<320000xi32, #tpu.memory_space<hbm>> -> memref<80xi32, #tpu.memory_space<hbm>>
        tpu.enqueue_dma source(%dma_start3A_69 : memref<80xi32, #tpu.memory_space<hbm>>) target(%arg8 : memref<80xi32, #tpu.memory_space<vmem>>) target_semaphore(%run_scoped3A : memref<!tpu.dma_semaphore, #tpu.memory_space<semaphore_mem>>)
        %dma_wait3A_70 = tpu.memref_slice %arg5[%add3A_36] : memref<320000xi32, #tpu.memory_space<hbm>> -> memref<80xi32, #tpu.memory_space<hbm>>
        %dma_wait3A_71 = tpu.memref_slice %arg5[%add3A_36] : memref<320000xi32, #tpu.memory_space<hbm>> -> memref<80xi32, #tpu.memory_space<hbm>>
        tpu.wait_dma2 semaphore(%run_scoped3A : memref<!tpu.dma_semaphore, #tpu.memory_space<semaphore_mem>>) src(%dma_wait3A_71 : memref<80xi32, #tpu.memory_space<hbm>>) dst(%arg8 : memref<80xi32, #tpu.memory_space<vmem>>)
        tpu.yield
      }) : () -> ()
      %dma_start3A = arith.constant 0 : i32
      %dma_start3A_37 = arith.constant 0 : i32
      %dma_start3A_38 = tpu.memref_slice %arg2[%arg0, %dma_start3A, %dma_start3A_37] : memref<2x10008x128xf32, #tpu.memory_space<hbm>> -> memref<1x10008x128xf32, #tpu.memory_space<hbm>>
      %dma_start3A_39 = tpu.memref_squeeze %dma_start3A_38 : memref<1x10008x128xf32, #tpu.memory_space<hbm>> -> memref<10008x128xf32, #tpu.memory_space<hbm>>
      %dma_start3A_40 = arith.constant 0 : i32
      %dma_start3A_41 = arith.constant 0 : i32
      %dma_start3A_42 = tpu.memref_slice %dma_start3A_39[%dma_start3A_40, %dma_start3A_41] : memref<10008x128xf32, #tpu.memory_space<hbm>> -> memref<10008x128xf32, #tpu.memory_space<hbm>>
      tpu.enqueue_indirect_dma source(%dma_start3A_42 : memref<10008x128xf32, #tpu.memory_space<hbm>>) target(%arg10 : memref<80x128xf32, #tpu.memory_space<vmem>>) offsets(%arg7 : memref<80xi32, #tpu.memory_space<vmem>>) semaphore(%arg15 : memref<!tpu.dma_semaphore, #tpu.memory_space<semaphore_mem>>)
      %dma_start3A_43 = arith.constant 0 : i32
      %dma_start3A_44 = arith.constant 0 : i32
      %dma_start3A_45 = tpu.memref_slice %arg2[%arg0, %dma_start3A_43, %dma_start3A_44] : memref<2x10008x128xf32, #tpu.memory_space<hbm>> -> memref<1x10008x128xf32, #tpu.memory_space<hbm>>
      %dma_start3A_46 = tpu.memref_squeeze %dma_start3A_45 : memref<1x10008x128xf32, #tpu.memory_space<hbm>> -> memref<10008x128xf32, #tpu.memory_space<hbm>>
      %dma_start3A_47 = arith.constant 0 : i32
      %dma_start3A_48 = arith.constant 0 : i32
      %dma_start3A_49 = tpu.memref_slice %dma_start3A_46[%dma_start3A_47, %dma_start3A_48] : memref<10008x128xf32, #tpu.memory_space<hbm>> -> memref<10008x128xf32, #tpu.memory_space<hbm>>
      tpu.enqueue_indirect_dma source(%dma_start3A_49 : memref<10008x128xf32, #tpu.memory_space<hbm>>) target(%arg11 : memref<80x128xf32, #tpu.memory_space<vmem>>) offsets(%arg8 : memref<80xi32, #tpu.memory_space<vmem>>) semaphore(%arg16 : memref<!tpu.dma_semaphore, #tpu.memory_space<semaphore_mem>>)
      %dma_wait3A = arith.constant 0 : i32
      %dma_wait3A_50 = arith.constant 0 : i32
      %dma_wait3A_51 = tpu.memref_slice %arg2[%arg0, %dma_wait3A, %dma_wait3A_50] : memref<2x10008x128xf32, #tpu.memory_space<hbm>> -> memref<1x10008x128xf32, #tpu.memory_space<hbm>>
      %dma_wait3A_52 = tpu.memref_squeeze %dma_wait3A_51 : memref<1x10008x128xf32, #tpu.memory_space<hbm>> -> memref<10008x128xf32, #tpu.memory_space<hbm>>
      %dma_wait3A_53 = arith.constant 0 : i32
      %dma_wait3A_54 = arith.constant 0 : i32
      %dma_wait3A_55 = tpu.memref_slice %dma_wait3A_52[%dma_wait3A_53, %dma_wait3A_54] : memref<10008x128xf32, #tpu.memory_space<hbm>> -> memref<10008x128xf32, #tpu.memory_space<hbm>>
      tpu.wait_indirect_dma semaphore(%arg15 : memref<!tpu.dma_semaphore, #tpu.memory_space<semaphore_mem>>) src(%dma_wait3A_55 : memref<10008x128xf32, #tpu.memory_space<hbm>>) dst(%arg10 : memref<80x128xf32, #tpu.memory_space<vmem>>)
      %dma_wait3A_56 = arith.constant 0 : i32
      %dma_wait3A_57 = arith.constant 0 : i32
      %dma_wait3A_58 = tpu.memref_slice %arg2[%arg0, %dma_wait3A_56, %dma_wait3A_57] : memref<2x10008x128xf32, #tpu.memory_space<hbm>> -> memref<1x10008x128xf32, #tpu.memory_space<hbm>>
      %dma_wait3A_59 = tpu.memref_squeeze %dma_wait3A_58 : memref<1x10008x128xf32, #tpu.memory_space<hbm>> -> memref<10008x128xf32, #tpu.memory_space<hbm>>
      %dma_wait3A_60 = arith.constant 0 : i32
      %dma_wait3A_61 = arith.constant 0 : i32
      %dma_wait3A_62 = tpu.memref_slice %dma_wait3A_59[%dma_wait3A_60, %dma_wait3A_61] : memref<10008x128xf32, #tpu.memory_space<hbm>> -> memref<10008x128xf32, #tpu.memory_space<hbm>>
      tpu.wait_indirect_dma semaphore(%arg16 : memref<!tpu.dma_semaphore, #tpu.memory_space<semaphore_mem>>) src(%dma_wait3A_62 : memref<10008x128xf32, #tpu.memory_space<hbm>>) dst(%arg11 : memref<80x128xf32, #tpu.memory_space<vmem>>)
      %scan3A_63 = arith.constant 0 : i32
      %scan3A_64 = arith.constant 80 : i32
      %scan3A_65 = arith.addi %scan3A_63, %scan3A_64 : i32
      %scan3A_66 = arith.constant 1 : i32
      scf.for %scan3A_68 = %scan3A_63 to %scan3A_65 step %scan3A_66  : i32 {
        %mul3A_69 = arith.constant 1 : i32
        %mul3A_70 = arith.muli %scan3A_68, %mul3A_69 : i32
        %add3A_71 = arith.constant 0 : i32
        %add3A_72 = arith.addi %add3A_71, %mul3A_70 : i32
        %get3A_73 = arith.index_cast %add3A_72 : i32 to index
        %get3A_74 = arith.constant 64 : index
        %get3A_75 = tpu.vector_load %arg10[%get3A_73, %get3A_74] {strides = array<i32>} : memref<80x128xf32, #tpu.memory_space<vmem>>, vector<1x16xf32>,
        %get3A_76 = vector.shape_cast %get3A_75 : vector<1x16xf32> to vector<16xf32>
        %get3A_77 = arith.index_cast %add3A_72 : i32 to index
        %get3A_78 = arith.constant 96 : index
        %get3A_79 = tpu.vector_load %arg11[%get3A_77, %get3A_78] {strides = array<i32>} : memref<80x128xf32, #tpu.memory_space<vmem>>, vector<1x16xf32>,
        %get3A_80 = vector.shape_cast %get3A_79 : vector<1x16xf32> to vector<16xf32>
        %add3A_81 = arith.addf %get3A_76, %get3A_80 : vector<16xf32>
        %mul3A_82 = arith.constant 2.000000e-01 : f32
        %mul3A_83 = vector.broadcast %mul3A_82 : f32 to vector<16xf32>
        %mul3A_84 = arith.mulf %mul3A_83, %add3A_81 : vector<16xf32>
        %max3A = arith.maximumf %add3A_81, %mul3A_84 : vector<16xf32>
        %exp3A = math.exp %max3A : vector<16xf32>
        %mul3A_85 = arith.mulf %exp3A, %get3A_13 : vector<16xf32>
        %get3A_86 = arith.index_cast %add3A_72 : i32 to index
        %get3A_87 = arith.constant 0 : index
        %get3A_88 = tpu.vector_load %arg10[%get3A_86, %get3A_87] {strides = array<i32>} : memref<80x128xf32, #tpu.memory_space<vmem>>, vector<1x16xf32>,
        %get3A_89 = vector.shape_cast %get3A_88 : vector<1x16xf32> to vector<16xf32>
        %mul3A_90 = arith.mulf %get3A_89, %mul3A_85 : vector<16xf32>
        %swap3A_91 = arith.index_cast %add3A_72 : i32 to index
        %swap3A_92 = arith.constant 0 : index
        %swap3A_93 = tpu.vector_load %arg13[%swap3A_91, %swap3A_92] {strides = array<i32>} : memref<80x32xf32, #tpu.memory_space<vmem>>, vector<1x16xf32>,
        %swap3A_94 = vector.shape_cast %swap3A_93 : vector<1x16xf32> to vector<16xf32>
        %swap3A_95 = vector.shape_cast %mul3A_90 : vector<16xf32> to vector<1x16xf32>
        tpu.vector_store %arg13[%swap3A_91, %swap3A_92], %swap3A_95 {strides = array<i32>} : memref<80x32xf32, #tpu.memory_space<vmem>>, vector<1x16xf32>,
        %get3A_96 = arith.index_cast %add3A_72 : i32 to index
        %get3A_97 = arith.constant 16 : index
        %get3A_98 = tpu.vector_load %arg10[%get3A_96, %get3A_97] {strides = array<i32>} : memref<80x128xf32, #tpu.memory_space<vmem>>, vector<1x16xf32>,
        %get3A_99 = vector.shape_cast %get3A_98 : vector<1x16xf32> to vector<16xf32>
        %mul3A_100 = arith.mulf %get3A_99, %mul3A_85 : vector<16xf32>
        %swap3A_101 = arith.index_cast %add3A_72 : i32 to index
        %swap3A_102 = arith.constant 16 : index
        %swap3A_103 = tpu.vector_load %arg13[%swap3A_101, %swap3A_102] {strides = array<i32>} : memref<80x32xf32, #tpu.memory_space<vmem>>, vector<1x16xf32>,
        %swap3A_104 = vector.shape_cast %swap3A_103 : vector<1x16xf32> to vector<16xf32>
        %swap3A_105 = vector.shape_cast %mul3A_100 : vector<16xf32> to vector<1x16xf32>
        tpu.vector_store %arg13[%swap3A_101, %swap3A_102], %swap3A_105 {strides = array<i32>} : memref<80x32xf32, #tpu.memory_space<vmem>>, vector<1x16xf32>,
      }
      %scan3A_67 = arith.constant 80 : i32
      "tpu.region"() ({
        %run_scoped3A = tpu.sem_alloc : memref<!tpu.dma_semaphore, #tpu.memory_space<semaphore_mem>>
        %dma_start3A_68 = arith.constant 0 : i32
        %dma_start3A_69 = arith.constant 0 : i32
        %dma_start3A_70 = tpu.memref_slice %arg14[%dma_start3A_68, %dma_start3A_69] : memref<10000x32xf32, #tpu.memory_space<vmem_shared>> -> memref<10000x32xf32, #tpu.memory_space<vmem_shared>>
        tpu.enqueue_indirect_dma source(%arg13 : memref<80x32xf32, #tpu.memory_space<vmem>>) target(%dma_start3A_70 : memref<10000x32xf32, #tpu.memory_space<vmem_shared>>) offsets(%arg8 : memref<80xi32, #tpu.memory_space<vmem>>) semaphore(%run_scoped3A : memref<!tpu.dma_semaphore, #tpu.memory_space<semaphore_mem>>) {add = true}
        %dma_wait3A_71 = arith.constant 0 : i32
        %dma_wait3A_72 = arith.constant 0 : i32
        %dma_wait3A_73 = tpu.memref_slice %arg14[%dma_wait3A_71, %dma_wait3A_72] : memref<10000x32xf32, #tpu.memory_space<vmem_shared>> -> memref<10000x32xf32, #tpu.memory_space<vmem_shared>>
        tpu.wait_indirect_dma semaphore(%run_scoped3A : memref<!tpu.dma_semaphore, #tpu.memory_space<semaphore_mem>>) src(%arg13 : memref<80x32xf32, #tpu.memory_space<vmem>>) dst(%dma_wait3A_73 : memref<10000x32xf32, #tpu.memory_space<vmem_shared>>)
        tpu.yield
      }) : () -> ()
    }
    %scan3A_18 = arith.constant 250 : i32
    %barrier3A_19 = arith.constant 0 : index
    tpu.barrier barrier_id(%barrier3A_19)
    %lt3A_20 = arith.constant 15 : i32
    %lt3A_21 = arith.cmpi slt, %arg1, %lt3A_20 : i32
    %convert_element_type3A_22 = arith.extui %lt3A_21 : i1 to i32
    %cond3A_23 = arith.constant 0 : i32
    %cond3A_24 = arith.cmpi ne, %convert_element_type3A_22, %cond3A_23 : i32
    scf.if %cond3A_24 {
      %mul3A_30 = arith.constant 632 : i32
      %mul3A_31 = arith.muli %arg1, %mul3A_30 : i32
      %multiple_of3A = tpu.assume_multiple %mul3A_31, 8 : i32
      "tpu.region"() ({
        %run_scoped3A = tpu.sem_alloc : memref<!tpu.dma_semaphore, #tpu.memory_space<semaphore_mem>>
        %dma_start3A = arith.constant 0 : i32
        %dma_start3A_32 = arith.constant 0 : i32
        %dma_start3A_33 = tpu.memref_slice %arg6[%arg0, %dma_start3A, %dma_start3A_32] : memref<2x10000x32xf32, #tpu.memory_space<hbm>> -> memref<1x10000x32xf32, #tpu.memory_space<hbm>>
        %dma_start3A_34 = tpu.memref_squeeze %dma_start3A_33 : memref<1x10000x32xf32, #tpu.memory_space<hbm>> -> memref<10000x32xf32, #tpu.memory_space<hbm>>
        %dma_start3A_35 = arith.constant 0 : i32
        %dma_start3A_36 = tpu.memref_slice %dma_start3A_34[%multiple_of3A, %dma_start3A_35] : memref<10000x32xf32, #tpu.memory_space<hbm>> -> memref<632x32xf32, #tpu.memory_space<hbm>>
        %dma_start3A_37 = arith.constant 0 : i32
        %dma_start3A_38 = tpu.memref_slice %arg14[%multiple_of3A, %dma_start3A_37] : memref<10000x32xf32, #tpu.memory_space<vmem_shared>> -> memref<632x32xf32, #tpu.memory_space<vmem_shared>>
        tpu.enqueue_dma source(%dma_start3A_38 : memref<632x32xf32, #tpu.memory_space<vmem_shared>>) target(%dma_start3A_36 : memref<632x32xf32, #tpu.memory_space<hbm>>) target_semaphore(%run_scoped3A : memref<!tpu.dma_semaphore, #tpu.memory_space<semaphore_mem>>)
        %dma_wait3A = arith.constant 0 : i32
        %dma_wait3A_39 = arith.constant 0 : i32
        %dma_wait3A_40 = tpu.memref_slice %arg6[%arg0, %dma_wait3A, %dma_wait3A_39] : memref<2x10000x32xf32, #tpu.memory_space<hbm>> -> memref<1x10000x32xf32, #tpu.memory_space<hbm>>
        %dma_wait3A_41 = tpu.memref_squeeze %dma_wait3A_40 : memref<1x10000x32xf32, #tpu.memory_space<hbm>> -> memref<10000x32xf32, #tpu.memory_space<hbm>>
        %dma_wait3A_42 = arith.constant 0 : i32
        %dma_wait3A_43 = tpu.memref_slice %dma_wait3A_41[%multiple_of3A, %dma_wait3A_42] : memref<10000x32xf32, #tpu.memory_space<hbm>> -> memref<632x32xf32, #tpu.memory_space<hbm>>
        %dma_wait3A_44 = arith.constant 0 : i32
        %dma_wait3A_45 = tpu.memref_slice %arg14[%multiple_of3A, %dma_wait3A_44] : memref<10000x32xf32, #tpu.memory_space<vmem_shared>> -> memref<632x32xf32, #tpu.memory_space<vmem_shared>>
        tpu.wait_dma2 semaphore(%run_scoped3A : memref<!tpu.dma_semaphore, #tpu.memory_space<semaphore_mem>>) src(%dma_wait3A_45 : memref<632x32xf32, #tpu.memory_space<vmem_shared>>) dst(%dma_wait3A_43 : memref<632x32xf32, #tpu.memory_space<hbm>>)
        tpu.yield
      }) : () -> ()
    } else {
    }
    %eq3A_25 = arith.constant 15 : i32
    %eq3A_26 = arith.cmpi eq, %arg1, %eq3A_25 : i32
    %convert_element_type3A_27 = arith.extui %eq3A_26 : i1 to i32
    %cond3A_28 = arith.constant 0 : i32
    %cond3A_29 = arith.cmpi ne, %convert_element_type3A_27, %cond3A_28 : i32
    scf.if %cond3A_29 {
      "tpu.region"() ({
        %run_scoped3A = tpu.sem_alloc : memref<!tpu.dma_semaphore, #tpu.memory_space<semaphore_mem>>
        %dma_start3A = arith.constant 0 : i32
        %dma_start3A_30 = arith.constant 0 : i32
        %dma_start3A_31 = tpu.memref_slice %arg6[%arg0, %dma_start3A, %dma_start3A_30] : memref<2x10000x32xf32, #tpu.memory_space<hbm>> -> memref<1x10000x32xf32, #tpu.memory_space<hbm>>
        %dma_start3A_32 = tpu.memref_squeeze %dma_start3A_31 : memref<1x10000x32xf32, #tpu.memory_space<hbm>> -> memref<10000x32xf32, #tpu.memory_space<hbm>>
        %dma_start3A_33 = arith.constant 9480 : i32
        %dma_start3A_34 = arith.constant 0 : i32
        %dma_start3A_35 = tpu.memref_slice %dma_start3A_32[%dma_start3A_33, %dma_start3A_34] : memref<10000x32xf32, #tpu.memory_space<hbm>> -> memref<520x32xf32, #tpu.memory_space<hbm>>
        %dma_start3A_36 = arith.constant 9480 : i32
        %dma_start3A_37 = arith.constant 0 : i32
        %dma_start3A_38 = tpu.memref_slice %arg14[%dma_start3A_36, %dma_start3A_37] : memref<10000x32xf32, #tpu.memory_space<vmem_shared>> -> memref<520x32xf32, #tpu.memory_space<vmem_shared>>
        tpu.enqueue_dma source(%dma_start3A_38 : memref<520x32xf32, #tpu.memory_space<vmem_shared>>) target(%dma_start3A_35 : memref<520x32xf32, #tpu.memory_space<hbm>>) target_semaphore(%run_scoped3A : memref<!tpu.dma_semaphore, #tpu.memory_space<semaphore_mem>>)
        %dma_wait3A = arith.constant 0 : i32
        %dma_wait3A_39 = arith.constant 0 : i32
        %dma_wait3A_40 = tpu.memref_slice %arg6[%arg0, %dma_wait3A, %dma_wait3A_39] : memref<2x10000x32xf32, #tpu.memory_space<hbm>> -> memref<1x10000x32xf32, #tpu.memory_space<hbm>>
        %dma_wait3A_41 = tpu.memref_squeeze %dma_wait3A_40 : memref<1x10000x32xf32, #tpu.memory_space<hbm>> -> memref<10000x32xf32, #tpu.memory_space<hbm>>
        %dma_wait3A_42 = arith.constant 9480 : i32
        %dma_wait3A_43 = arith.constant 0 : i32
        %dma_wait3A_44 = tpu.memref_slice %dma_wait3A_41[%dma_wait3A_42, %dma_wait3A_43] : memref<10000x32xf32, #tpu.memory_space<hbm>> -> memref<520x32xf32, #tpu.memory_space<hbm>>
        %dma_wait3A_45 = arith.constant 9480 : i32
        %dma_wait3A_46 = arith.constant 0 : i32
        %dma_wait3A_47 = tpu.memref_slice %arg14[%dma_wait3A_45, %dma_wait3A_46] : memref<10000x32xf32, #tpu.memory_space<vmem_shared>> -> memref<520x32xf32, #tpu.memory_space<vmem_shared>>
        tpu.wait_dma2 semaphore(%run_scoped3A : memref<!tpu.dma_semaphore, #tpu.memory_space<semaphore_mem>>) src(%dma_wait3A_47 : memref<520x32xf32, #tpu.memory_space<vmem_shared>>) dst(%dma_wait3A_44 : memref<520x32xf32, #tpu.memory_space<hbm>>)
        tpu.yield
      }) : () -> ()
    } else {
    }
    return
  }
}

#map = affine_map<(d0, d1) -> (0, 0, 0)>
#map1 = affine_map<(d0, d1) -> (0)>
module attributes {stable_mosaic.version = 14 : i64} {
  func.func @k(%arg0: i32, %arg1: i32, %arg2: memref<2x10008x128xf32, #tpu.memory_space<hbm>>, %arg3: memref<2x10000x32xf32, #tpu.memory_space<hbm>>, %arg4: memref<320000xi32, #tpu.memory_space<hbm>>, %arg5: memref<320000xi32, #tpu.memory_space<hbm>>, %arg6: memref<2x10000x32xf32, #tpu.memory_space<hbm>>, %arg7: memref<80xi32, #tpu.memory_space<vmem>>, %arg8: memref<80xi32, #tpu.memory_space<vmem>>, %arg9: memref<16xi32, #tpu.memory_space<vmem>>, %arg10: memref<80x128xf32, #tpu.memory_space<vmem>>, %arg11: memref<80x128xf32, #tpu.memory_space<vmem>>, %arg12: memref<16x128xf32, #tpu.memory_space<vmem>>, %arg13: memref<80x32xf32, #tpu.memory_space<vmem>>, %arg14: memref<10000x32xf32, #tpu.memory_space<vmem_shared>>, %arg15: memref<!tpu.dma_semaphore, #tpu.memory_space<semaphore_mem>>, %arg16: memref<!tpu.dma_semaphore, #tpu.memory_space<semaphore_mem>>) attributes {dimension_semantics = [#tpu.dimension_semantics<core_parallel>, #tpu.dimension_semantics<subcore_parallel>], iteration_bounds = array<i64: 2, 16>, scalar_prefetch = 0 : i64, scratch_operands = 10 : i64, tpu.core_type = #tpu.core_type<sc_vector_subcore>, window_params = [{transform_indices = #map}, {transform_indices = #map}, {transform_indices = #map1}, {transform_indices = #map1}, {transform_indices = #map}]} {
    %lt3A = arith.constant 15 : i32
    %lt3A_0 = arith.cmpi slt, %arg1, %lt3A : i32
    %convert_element_type3A = arith.extui %lt3A_0 : i1 to i32
    %cond3A = arith.constant 0 : i32
    %cond3A_1 = arith.cmpi ne, %convert_element_type3A, %cond3A : i32
    scf.if %cond3A_1 {
      %mul3A_30 = arith.constant 632 : i32
      %mul3A_31 = arith.muli %arg1, %mul3A_30 : i32
      %multiple_of3A = tpu.assume_multiple %mul3A_31, 8 : i32
      "tpu.region"() ({
        %run_scoped3A = tpu.sem_alloc : memref<!tpu.dma_semaphore, #tpu.memory_space<semaphore_mem>>
        %dma_start3A = arith.constant 0 : i32
        %dma_start3A_32 = tpu.memref_slice %arg14[%multiple_of3A, %dma_start3A] : memref<10000x32xf32, #tpu.memory_space<vmem_shared>> -> memref<632x32xf32, #tpu.memory_space<vmem_shared>>
        %dma_start3A_33 = arith.constant 0 : i32
        %dma_start3A_34 = arith.constant 0 : i32
        %dma_start3A_35 = tpu.memref_slice %arg3[%arg0, %dma_start3A_33, %dma_start3A_34] : memref<2x10000x32xf32, #tpu.memory_space<hbm>> -> memref<1x10000x32xf32, #tpu.memory_space<hbm>>
        %dma_start3A_36 = tpu.memref_squeeze %dma_start3A_35 : memref<1x10000x32xf32, #tpu.memory_space<hbm>> -> memref<10000x32xf32, #tpu.memory_space<hbm>>
        %dma_start3A_37 = arith.constant 0 : i32
        %dma_start3A_38 = tpu.memref_slice %dma_start3A_36[%multiple_of3A, %dma_start3A_37] : memref<10000x32xf32, #tpu.memory_space<hbm>> -> memref<632x32xf32, #tpu.memory_space<hbm>>
        tpu.enqueue_dma source(%dma_start3A_38 : memref<632x32xf32, #tpu.memory_space<hbm>>) target(%dma_start3A_32 : memref<632x32xf32, #tpu.memory_space<vmem_shared>>) target_semaphore(%run_scoped3A : memref<!tpu.dma_semaphore, #tpu.memory_space<semaphore_mem>>)
        %dma_wait3A = arith.constant 0 : i32
        %dma_wait3A_39 = tpu.memref_slice %arg14[%multiple_of3A, %dma_wait3A] : memref<10000x32xf32, #tpu.memory_space<vmem_shared>> -> memref<632x32xf32, #tpu.memory_space<vmem_shared>>
        %dma_wait3A_40 = arith.constant 0 : i32
        %dma_wait3A_41 = arith.constant 0 : i32
        %dma_wait3A_42 = tpu.memref_slice %arg3[%arg0, %dma_wait3A_40, %dma_wait3A_41] : memref<2x10000x32xf32, #tpu.memory_space<hbm>> -> memref<1x10000x32xf32, #tpu.memory_space<hbm>>
        %dma_wait3A_43 = tpu.memref_squeeze %dma_wait3A_42 : memref<1x10000x32xf32, #tpu.memory_space<hbm>> -> memref<10000x32xf32, #tpu.memory_space<hbm>>
        %dma_wait3A_44 = arith.constant 0 : i32
        %dma_wait3A_45 = tpu.memref_slice %dma_wait3A_43[%multiple_of3A, %dma_wait3A_44] : memref<10000x32xf32, #tpu.memory_space<hbm>> -> memref<632x32xf32, #tpu.memory_space<hbm>>
        tpu.wait_dma2 semaphore(%run_scoped3A : memref<!tpu.dma_semaphore, #tpu.memory_space<semaphore_mem>>) src(%dma_wait3A_45 : memref<632x32xf32, #tpu.memory_space<hbm>>) dst(%dma_wait3A_39 : memref<632x32xf32, #tpu.memory_space<vmem_shared>>)
        tpu.yield
      }) : () -> ()
    } else {
    }
    %eq3A = arith.constant 15 : i32
    %eq3A_2 = arith.cmpi eq, %arg1, %eq3A : i32
    %convert_element_type3A_3 = arith.extui %eq3A_2 : i1 to i32
    %cond3A_4 = arith.constant 0 : i32
    %cond3A_5 = arith.cmpi ne, %convert_element_type3A_3, %cond3A_4 : i32
    scf.if %cond3A_5 {
      "tpu.region"() ({
        %run_scoped3A = tpu.sem_alloc : memref<!tpu.dma_semaphore, #tpu.memory_space<semaphore_mem>>
        %dma_start3A = arith.constant 9480 : i32
        %dma_start3A_30 = arith.constant 0 : i32
        %dma_start3A_31 = tpu.memref_slice %arg14[%dma_start3A, %dma_start3A_30] : memref<10000x32xf32, #tpu.memory_space<vmem_shared>> -> memref<520x32xf32, #tpu.memory_space<vmem_shared>>
        %dma_start3A_32 = arith.constant 0 : i32
        %dma_start3A_33 = arith.constant 0 : i32
        %dma_start3A_34 = tpu.memref_slice %arg3[%arg0, %dma_start3A_32, %dma_start3A_33] : memref<2x10000x32xf32, #tpu.memory_space<hbm>> -> memref<1x10000x32xf32, #tpu.memory_space<hbm>>
        %dma_start3A_35 = tpu.memref_squeeze %dma_start3A_34 : memref<1x10000x32xf32, #tpu.memory_space<hbm>> -> memref<10000x32xf32, #tpu.memory_space<hbm>>
        %dma_start3A_36 = arith.constant 9480 : i32
        %dma_start3A_37 = arith.constant 0 : i32
        %dma_start3A_38 = tpu.memref_slice %dma_start3A_35[%dma_start3A_36, %dma_start3A_37] : memref<10000x32xf32, #tpu.memory_space<hbm>> -> memref<520x32xf32, #tpu.memory_space<hbm>>
        tpu.enqueue_dma source(%dma_start3A_38 : memref<520x32xf32, #tpu.memory_space<hbm>>) target(%dma_start3A_31 : memref<520x32xf32, #tpu.memory_space<vmem_shared>>) target_semaphore(%run_scoped3A : memref<!tpu.dma_semaphore, #tpu.memory_space<semaphore_mem>>)
        %dma_wait3A = arith.constant 9480 : i32
        %dma_wait3A_39 = arith.constant 0 : i32
        %dma_wait3A_40 = tpu.memref_slice %arg14[%dma_wait3A, %dma_wait3A_39] : memref<10000x32xf32, #tpu.memory_space<vmem_shared>> -> memref<520x32xf32, #tpu.memory_space<vmem_shared>>
        %dma_wait3A_41 = arith.constant 0 : i32
        %dma_wait3A_42 = arith.constant 0 : i32
        %dma_wait3A_43 = tpu.memref_slice %arg3[%arg0, %dma_wait3A_41, %dma_wait3A_42] : memref<2x10000x32xf32, #tpu.memory_space<hbm>> -> memref<1x10000x32xf32, #tpu.memory_space<hbm>>
        %dma_wait3A_44 = tpu.memref_squeeze %dma_wait3A_43 : memref<1x10000x32xf32, #tpu.memory_space<hbm>> -> memref<10000x32xf32, #tpu.memory_space<hbm>>
        %dma_wait3A_45 = arith.constant 9480 : i32
        %dma_wait3A_46 = arith.constant 0 : i32
        %dma_wait3A_47 = tpu.memref_slice %dma_wait3A_44[%dma_wait3A_45, %dma_wait3A_46] : memref<10000x32xf32, #tpu.memory_space<hbm>> -> memref<520x32xf32, #tpu.memory_space<hbm>>
        tpu.wait_dma2 semaphore(%run_scoped3A : memref<!tpu.dma_semaphore, #tpu.memory_space<semaphore_mem>>) src(%dma_wait3A_47 : memref<520x32xf32, #tpu.memory_space<hbm>>) dst(%dma_wait3A_40 : memref<520x32xf32, #tpu.memory_space<vmem_shared>>)
        tpu.yield
      }) : () -> ()
    } else {
    }
    %broadcast_in_dim3A = arith.constant 10000 : i32
    %broadcast_in_dim3A_6 = vector.broadcast %broadcast_in_dim3A : i32 to vector<16xi32>
    %swap3A = arith.constant 0 : index
    %swap3A_7 = tpu.vector_load %arg9[%swap3A] {strides = array<i32>} : memref<16xi32, #tpu.memory_space<vmem>>, vector<16xi32>,
    %swap3A_8 = vector.shape_cast %swap3A_7 : vector<16xi32> to vector<16xi32>
    %swap3A_9 = vector.shape_cast %broadcast_in_dim3A_6 : vector<16xi32> to vector<16xi32>
    tpu.vector_store %arg9[%swap3A], %swap3A_9 {strides = array<i32>} : memref<16xi32, #tpu.memory_space<vmem>>, vector<16xi32>,
    "tpu.region"() ({
      %run_scoped3A = tpu.sem_alloc : memref<!tpu.dma_semaphore, #tpu.memory_space<semaphore_mem>>
      %dma_start3A = arith.constant 0 : i32
      %dma_start3A_30 = arith.constant 0 : i32
      %dma_start3A_31 = tpu.memref_slice %arg2[%arg0, %dma_start3A, %dma_start3A_30] : memref<2x10008x128xf32, #tpu.memory_space<hbm>> -> memref<1x10008x128xf32, #tpu.memory_space<hbm>>
      %dma_start3A_32 = tpu.memref_squeeze %dma_start3A_31 : memref<1x10008x128xf32, #tpu.memory_space<hbm>> -> memref<10008x128xf32, #tpu.memory_space<hbm>>
      %dma_start3A_33 = arith.constant 0 : i32
      %dma_start3A_34 = arith.constant 0 : i32
      %dma_start3A_35 = tpu.memref_slice %dma_start3A_32[%dma_start3A_33, %dma_start3A_34] : memref<10008x128xf32, #tpu.memory_space<hbm>> -> memref<10008x128xf32, #tpu.memory_space<hbm>>
      tpu.enqueue_indirect_dma source(%dma_start3A_35 : memref<10008x128xf32, #tpu.memory_space<hbm>>) target(%arg12 : memref<16x128xf32, #tpu.memory_space<vmem>>) offsets(%arg9 : memref<16xi32, #tpu.memory_space<vmem>>) semaphore(%run_scoped3A : memref<!tpu.dma_semaphore, #tpu.memory_space<semaphore_mem>>)
      %dma_wait3A = arith.constant 0 : i32
      %dma_wait3A_36 = arith.constant 0 : i32
      %dma_wait3A_37 = tpu.memref_slice %arg2[%arg0, %dma_wait3A, %dma_wait3A_36] : memref<2x10008x128xf32, #tpu.memory_space<hbm>> -> memref<1x10008x128xf32, #tpu.memory_space<hbm>>
      %dma_wait3A_38 = tpu.memref_squeeze %dma_wait3A_37 : memref<1x10008x128xf32, #tpu.memory_space<hbm>> -> memref<10008x128xf32, #tpu.memory_space<hbm>>
      %dma_wait3A_39 = arith.constant 0 : i32
      %dma_wait3A_40 = arith.constant 0 : i32
      %dma_wait3A_41 = tpu.memref_slice %dma_wait3A_38[%dma_wait3A_39, %dma_wait3A_40] : memref<10008x128xf32, #tpu.memory_space<hbm>> -> memref<10008x128xf32, #tpu.memory_space<hbm>>
      tpu.wait_indirect_dma semaphore(%run_scoped3A : memref<!tpu.dma_semaphore, #tpu.memory_space<semaphore_mem>>) src(%dma_wait3A_41 : memref<10008x128xf32, #tpu.memory_space<hbm>>) dst(%arg12 : memref<16x128xf32, #tpu.memory_space<vmem>>)
      tpu.yield
    }) : () -> ()
    %barrier3A = arith.constant 0 : index
    tpu.barrier barrier_id(%barrier3A)
    %get3A = arith.constant 0 : i32
    %get3A_10 = arith.index_cast %get3A : i32 to index
    %get3A_11 = arith.constant 64 : index
    %get3A_12 = tpu.vector_load %arg12[%get3A_10, %get3A_11] {strides = array<i32>} : memref<16x128xf32, #tpu.memory_space<vmem>>, vector<1x16xf32>,
    %get3A_13 = vector.shape_cast %get3A_12 : vector<1x16xf32> to vector<16xf32>
    %mul3A = arith.constant 20000 : i32
    %mul3A_14 = arith.muli %arg1, %mul3A : i32
    %scan3A = arith.constant 0 : i32
    %scan3A_15 = arith.constant 250 : i32
    %scan3A_16 = arith.addi %scan3A, %scan3A_15 : i32
    %scan3A_17 = arith.constant 1 : i32
    scf.for %scan3A_30 = %scan3A to %scan3A_16 step %scan3A_17  : i32 {
      %mul3A_31 = arith.constant 1 : i32
      %mul3A_32 = arith.muli %scan3A_30, %mul3A_31 : i32
      %add3A = arith.constant 0 : i32
      %add3A_33 = arith.addi %add3A, %mul3A_32 : i32
      %mul3A_34 = arith.constant 80 : i32
      %mul3A_35 = arith.muli %add3A_33, %mul3A_34 : i32
      %add3A_36 = arith.addi %mul3A_14, %mul3A_35 : i32
      "tpu.region"() ({
        %run_scoped3A = tpu.sem_alloc : memref<!tpu.dma_semaphore, #tpu.memory_space<semaphore_mem>>
        %dma_start3A_68 = tpu.memref_slice %arg4[%add3A_36] : memref<320000xi32, #tpu.memory_space<hbm>> -> memref<80xi32, #tpu.memory_space<hbm>>
        %dma_start3A_69 = tpu.memref_slice %arg4[%add3A_36] : memref<320000xi32, #tpu.memory_space<hbm>> -> memref<80xi32, #tpu.memory_space<hbm>>
        tpu.enqueue_dma source(%dma_start3A_69 : memref<80xi32, #tpu.memory_space<hbm>>) target(%arg7 : memref<80xi32, #tpu.memory_space<vmem>>) target_semaphore(%run_scoped3A : memref<!tpu.dma_semaphore, #tpu.memory_space<semaphore_mem>>)
        %dma_wait3A_70 = tpu.memref_slice %arg4[%add3A_36] : memref<320000xi32, #tpu.memory_space<hbm>> -> memref<80xi32, #tpu.memory_space<hbm>>
        %dma_wait3A_71 = tpu.memref_slice %arg4[%add3A_36] : memref<320000xi32, #tpu.memory_space<hbm>> -> memref<80xi32, #tpu.memory_space<hbm>>
        tpu.wait_dma2 semaphore(%run_scoped3A : memref<!tpu.dma_semaphore, #tpu.memory_space<semaphore_mem>>) src(%dma_wait3A_71 : memref<80xi32, #tpu.memory_space<hbm>>) dst(%arg7 : memref<80xi32, #tpu.memory_space<vmem>>)
        tpu.yield
      }) : () -> ()
      "tpu.region"() ({
        %run_scoped3A = tpu.sem_alloc : memref<!tpu.dma_semaphore, #tpu.memory_space<semaphore_mem>>
        %dma_start3A_68 = tpu.memref_slice %arg5[%add3A_36] : memref<320000xi32, #tpu.memory_space<hbm>> -> memref<80xi32, #tpu.memory_space<hbm>>
        %dma_start3A_69 = tpu.memref_slice %arg5[%add3A_36] : memref<320000xi32, #tpu.memory_space<hbm>> -> memref<80xi32, #tpu.memory_space<hbm>>
        tpu.enqueue_dma source(%dma_start3A_69 : memref<80xi32, #tpu.memory_space<hbm>>) target(%arg8 : memref<80xi32, #tpu.memory_space<vmem>>) target_semaphore(%run_scoped3A : memref<!tpu.dma_semaphore, #tpu.memory_space<semaphore_mem>>)
        %dma_wait3A_70 = tpu.memref_slice %arg5[%add3A_36] : memref<320000xi32, #tpu.memory_space<hbm>> -> memref<80xi32, #tpu.memory_space<hbm>>
        %dma_wait3A_71 = tpu.memref_slice %arg5[%add3A_36] : memref<320000xi32, #tpu.memory_space<hbm>> -> memref<80xi32, #tpu.memory_space<hbm>>
        tpu.wait_dma2 semaphore(%run_scoped3A : memref<!tpu.dma_semaphore, #tpu.memory_space<semaphore_mem>>) src(%dma_wait3A_71 : memref<80xi32, #tpu.memory_space<hbm>>) dst(%arg8 : memref<80xi32, #tpu.memory_space<vmem>>)
        tpu.yield
      }) : () -> ()
      %dma_start3A = arith.constant 0 : i32
      %dma_start3A_37 = arith.constant 0 : i32
      %dma_start3A_38 = tpu.memref_slice %arg2[%arg0, %dma_start3A, %dma_start3A_37] : memref<2x10008x128xf32, #tpu.memory_space<hbm>> -> memref<1x10008x128xf32, #tpu.memory_space<hbm>>
      %dma_start3A_39 = tpu.memref_squeeze %dma_start3A_38 : memref<1x10008x128xf32, #tpu.memory_space<hbm>> -> memref<10008x128xf32, #tpu.memory_space<hbm>>
      %dma_start3A_40 = arith.constant 0 : i32
      %dma_start3A_41 = arith.constant 0 : i32
      %dma_start3A_42 = tpu.memref_slice %dma_start3A_39[%dma_start3A_40, %dma_start3A_41] : memref<10008x128xf32, #tpu.memory_space<hbm>> -> memref<10008x128xf32, #tpu.memory_space<hbm>>
      tpu.enqueue_indirect_dma source(%dma_start3A_42 : memref<10008x128xf32, #tpu.memory_space<hbm>>) target(%arg10 : memref<80x128xf32, #tpu.memory_space<vmem>>) offsets(%arg7 : memref<80xi32, #tpu.memory_space<vmem>>) semaphore(%arg15 : memref<!tpu.dma_semaphore, #tpu.memory_space<semaphore_mem>>)
      %dma_start3A_43 = arith.constant 0 : i32
      %dma_start3A_44 = arith.constant 0 : i32
      %dma_start3A_45 = tpu.memref_slice %arg2[%arg0, %dma_start3A_43, %dma_start3A_44] : memref<2x10008x128xf32, #tpu.memory_space<hbm>> -> memref<1x10008x128xf32, #tpu.memory_space<hbm>>
      %dma_start3A_46 = tpu.memref_squeeze %dma_start3A_45 : memref<1x10008x128xf32, #tpu.memory_space<hbm>> -> memref<10008x128xf32, #tpu.memory_space<hbm>>
      %dma_start3A_47 = arith.constant 0 : i32
      %dma_start3A_48 = arith.constant 0 : i32
      %dma_start3A_49 = tpu.memref_slice %dma_start3A_46[%dma_start3A_47, %dma_start3A_48] : memref<10008x128xf32, #tpu.memory_space<hbm>> -> memref<10008x128xf32, #tpu.memory_space<hbm>>
      tpu.enqueue_indirect_dma source(%dma_start3A_49 : memref<10008x128xf32, #tpu.memory_space<hbm>>) target(%arg11 : memref<80x128xf32, #tpu.memory_space<vmem>>) offsets(%arg8 : memref<80xi32, #tpu.memory_space<vmem>>) semaphore(%arg16 : memref<!tpu.dma_semaphore, #tpu.memory_space<semaphore_mem>>)
      %dma_wait3A = arith.constant 0 : i32
      %dma_wait3A_50 = arith.constant 0 : i32
      %dma_wait3A_51 = tpu.memref_slice %arg2[%arg0, %dma_wait3A, %dma_wait3A_50] : memref<2x10008x128xf32, #tpu.memory_space<hbm>> -> memref<1x10008x128xf32, #tpu.memory_space<hbm>>
      %dma_wait3A_52 = tpu.memref_squeeze %dma_wait3A_51 : memref<1x10008x128xf32, #tpu.memory_space<hbm>> -> memref<10008x128xf32, #tpu.memory_space<hbm>>
      %dma_wait3A_53 = arith.constant 0 : i32
      %dma_wait3A_54 = arith.constant 0 : i32
      %dma_wait3A_55 = tpu.memref_slice %dma_wait3A_52[%dma_wait3A_53, %dma_wait3A_54] : memref<10008x128xf32, #tpu.memory_space<hbm>> -> memref<10008x128xf32, #tpu.memory_space<hbm>>
      tpu.wait_indirect_dma semaphore(%arg15 : memref<!tpu.dma_semaphore, #tpu.memory_space<semaphore_mem>>) src(%dma_wait3A_55 : memref<10008x128xf32, #tpu.memory_space<hbm>>) dst(%arg10 : memref<80x128xf32, #tpu.memory_space<vmem>>)
      %dma_wait3A_56 = arith.constant 0 : i32
      %dma_wait3A_57 = arith.constant 0 : i32
      %dma_wait3A_58 = tpu.memref_slice %arg2[%arg0, %dma_wait3A_56, %dma_wait3A_57] : memref<2x10008x128xf32, #tpu.memory_space<hbm>> -> memref<1x10008x128xf32, #tpu.memory_space<hbm>>
      %dma_wait3A_59 = tpu.memref_squeeze %dma_wait3A_58 : memref<1x10008x128xf32, #tpu.memory_space<hbm>> -> memref<10008x128xf32, #tpu.memory_space<hbm>>
      %dma_wait3A_60 = arith.constant 0 : i32
      %dma_wait3A_61 = arith.constant 0 : i32
      %dma_wait3A_62 = tpu.memref_slice %dma_wait3A_59[%dma_wait3A_60, %dma_wait3A_61] : memref<10008x128xf32, #tpu.memory_space<hbm>> -> memref<10008x128xf32, #tpu.memory_space<hbm>>
      tpu.wait_indirect_dma semaphore(%arg16 : memref<!tpu.dma_semaphore, #tpu.memory_space<semaphore_mem>>) src(%dma_wait3A_62 : memref<10008x128xf32, #tpu.memory_space<hbm>>) dst(%arg11 : memref<80x128xf32, #tpu.memory_space<vmem>>)
      %scan3A_63 = arith.constant 0 : i32
      %scan3A_64 = arith.constant 80 : i32
      %scan3A_65 = arith.addi %scan3A_63, %scan3A_64 : i32
      %scan3A_66 = arith.constant 1 : i32
      scf.for %scan3A_68 = %scan3A_63 to %scan3A_65 step %scan3A_66  : i32 {
        %mul3A_69 = arith.constant 1 : i32
        %mul3A_70 = arith.muli %scan3A_68, %mul3A_69 : i32
        %add3A_71 = arith.constant 0 : i32
        %add3A_72 = arith.addi %add3A_71, %mul3A_70 : i32
        %get3A_73 = arith.index_cast %add3A_72 : i32 to index
        %get3A_74 = arith.constant 64 : index
        %get3A_75 = tpu.vector_load %arg10[%get3A_73, %get3A_74] {strides = array<i32>} : memref<80x128xf32, #tpu.memory_space<vmem>>, vector<1x16xf32>,
        %get3A_76 = vector.shape_cast %get3A_75 : vector<1x16xf32> to vector<16xf32>
        %get3A_77 = arith.index_cast %add3A_72 : i32 to index
        %get3A_78 = arith.constant 96 : index
        %get3A_79 = tpu.vector_load %arg11[%get3A_77, %get3A_78] {strides = array<i32>} : memref<80x128xf32, #tpu.memory_space<vmem>>, vector<1x16xf32>,
        %get3A_80 = vector.shape_cast %get3A_79 : vector<1x16xf32> to vector<16xf32>
        %add3A_81 = arith.addf %get3A_76, %get3A_80 : vector<16xf32>
        %mul3A_82 = arith.constant 2.000000e-01 : f32
        %mul3A_83 = vector.broadcast %mul3A_82 : f32 to vector<16xf32>
        %mul3A_84 = arith.mulf %mul3A_83, %add3A_81 : vector<16xf32>
        %max3A = arith.maximumf %add3A_81, %mul3A_84 : vector<16xf32>
        %exp3A = math.exp %max3A : vector<16xf32>
        %mul3A_85 = arith.mulf %exp3A, %get3A_13 : vector<16xf32>
        %get3A_86 = arith.index_cast %add3A_72 : i32 to index
        %get3A_87 = arith.constant 0 : index
        %get3A_88 = tpu.vector_load %arg10[%get3A_86, %get3A_87] {strides = array<i32>} : memref<80x128xf32, #tpu.memory_space<vmem>>, vector<1x16xf32>,
        %get3A_89 = vector.shape_cast %get3A_88 : vector<1x16xf32> to vector<16xf32>
        %mul3A_90 = arith.mulf %get3A_89, %mul3A_85 : vector<16xf32>
        %swap3A_91 = arith.index_cast %add3A_72 : i32 to index
        %swap3A_92 = arith.constant 0 : index
        %swap3A_93 = tpu.vector_load %arg13[%swap3A_91, %swap3A_92] {strides = array<i32>} : memref<80x32xf32, #tpu.memory_space<vmem>>, vector<1x16xf32>,
        %swap3A_94 = vector.shape_cast %swap3A_93 : vector<1x16xf32> to vector<16xf32>
        %swap3A_95 = vector.shape_cast %mul3A_90 : vector<16xf32> to vector<1x16xf32>
        tpu.vector_store %arg13[%swap3A_91, %swap3A_92], %swap3A_95 {strides = array<i32>} : memref<80x32xf32, #tpu.memory_space<vmem>>, vector<1x16xf32>,
        %get3A_96 = arith.index_cast %add3A_72 : i32 to index
        %get3A_97 = arith.constant 16 : index
        %get3A_98 = tpu.vector_load %arg10[%get3A_96, %get3A_97] {strides = array<i32>} : memref<80x128xf32, #tpu.memory_space<vmem>>, vector<1x16xf32>,
        %get3A_99 = vector.shape_cast %get3A_98 : vector<1x16xf32> to vector<16xf32>
        %mul3A_100 = arith.mulf %get3A_99, %mul3A_85 : vector<16xf32>
        %swap3A_101 = arith.index_cast %add3A_72 : i32 to index
        %swap3A_102 = arith.constant 16 : index
        %swap3A_103 = tpu.vector_load %arg13[%swap3A_101, %swap3A_102] {strides = array<i32>} : memref<80x32xf32, #tpu.memory_space<vmem>>, vector<1x16xf32>,
        %swap3A_104 = vector.shape_cast %swap3A_103 : vector<1x16xf32> to vector<16xf32>
        %swap3A_105 = vector.shape_cast %mul3A_100 : vector<16xf32> to vector<1x16xf32>
        tpu.vector_store %arg13[%swap3A_101, %swap3A_102], %swap3A_105 {strides = array<i32>} : memref<80x32xf32, #tpu.memory_space<vmem>>, vector<1x16xf32>,
      }
      %scan3A_67 = arith.constant 80 : i32
      "tpu.region"() ({
        %run_scoped3A = tpu.sem_alloc : memref<!tpu.dma_semaphore, #tpu.memory_space<semaphore_mem>>
        %dma_start3A_68 = arith.constant 0 : i32
        %dma_start3A_69 = arith.constant 0 : i32
        %dma_start3A_70 = tpu.memref_slice %arg14[%dma_start3A_68, %dma_start3A_69] : memref<10000x32xf32, #tpu.memory_space<vmem_shared>> -> memref<10000x32xf32, #tpu.memory_space<vmem_shared>>
        tpu.enqueue_indirect_dma source(%arg13 : memref<80x32xf32, #tpu.memory_space<vmem>>) target(%dma_start3A_70 : memref<10000x32xf32, #tpu.memory_space<vmem_shared>>) offsets(%arg8 : memref<80xi32, #tpu.memory_space<vmem>>) semaphore(%run_scoped3A : memref<!tpu.dma_semaphore, #tpu.memory_space<semaphore_mem>>) {add = true}
        %dma_wait3A_71 = arith.constant 0 : i32
        %dma_wait3A_72 = arith.constant 0 : i32
        %dma_wait3A_73 = tpu.memref_slice %arg14[%dma_wait3A_71, %dma_wait3A_72] : memref<10000x32xf32, #tpu.memory_space<vmem_shared>> -> memref<10000x32xf32, #tpu.memory_space<vmem_shared>>
        tpu.wait_indirect_dma semaphore(%run_scoped3A : memref<!tpu.dma_semaphore, #tpu.memory_space<semaphore_mem>>) src(%arg13 : memref<80x32xf32, #tpu.memory_space<vmem>>) dst(%dma_wait3A_73 : memref<10000x32xf32, #tpu.memory_space<vmem_shared>>)
        tpu.yield
      }) : () -> ()
    }
    %scan3A_18 = arith.constant 250 : i32
    %barrier3A_19 = arith.constant 0 : index
    tpu.barrier barrier_id(%barrier3A_19)
    %lt3A_20 = arith.constant 15 : i32
    %lt3A_21 = arith.cmpi slt, %arg1, %lt3A_20 : i32
    %convert_element_type3A_22 = arith.extui %lt3A_21 : i1 to i32
    %cond3A_23 = arith.constant 0 : i32
    %cond3A_24 = arith.cmpi ne, %convert_element_type3A_22, %cond3A_23 : i32
    scf.if %cond3A_24 {
      %mul3A_30 = arith.constant 632 : i32
      %mul3A_31 = arith.muli %arg1, %mul3A_30 : i32
      %multiple_of3A = tpu.assume_multiple %mul3A_31, 8 : i32
      "tpu.region"() ({
        %run_scoped3A = tpu.sem_alloc : memref<!tpu.dma_semaphore, #tpu.memory_space<semaphore_mem>>
        %dma_start3A = arith.constant 0 : i32
        %dma_start3A_32 = arith.constant 0 : i32
        %dma_start3A_33 = tpu.memref_slice %arg6[%arg0, %dma_start3A, %dma_start3A_32] : memref<2x10000x32xf32, #tpu.memory_space<hbm>> -> memref<1x10000x32xf32, #tpu.memory_space<hbm>>
        %dma_start3A_34 = tpu.memref_squeeze %dma_start3A_33 : memref<1x10000x32xf32, #tpu.memory_space<hbm>> -> memref<10000x32xf32, #tpu.memory_space<hbm>>
        %dma_start3A_35 = arith.constant 0 : i32
        %dma_start3A_36 = tpu.memref_slice %dma_start3A_34[%multiple_of3A, %dma_start3A_35] : memref<10000x32xf32, #tpu.memory_space<hbm>> -> memref<632x32xf32, #tpu.memory_space<hbm>>
        %dma_start3A_37 = arith.constant 0 : i32
        %dma_start3A_38 = tpu.memref_slice %arg14[%multiple_of3A, %dma_start3A_37] : memref<10000x32xf32, #tpu.memory_space<vmem_shared>> -> memref<632x32xf32, #tpu.memory_space<vmem_shared>>
        tpu.enqueue_dma source(%dma_start3A_38 : memref<632x32xf32, #tpu.memory_space<vmem_shared>>) target(%dma_start3A_36 : memref<632x32xf32, #tpu.memory_space<hbm>>) target_semaphore(%run_scoped3A : memref<!tpu.dma_semaphore, #tpu.memory_space<semaphore_mem>>)
        %dma_wait3A = arith.constant 0 : i32
        %dma_wait3A_39 = arith.constant 0 : i32
        %dma_wait3A_40 = tpu.memref_slice %arg6[%arg0, %dma_wait3A, %dma_wait3A_39] : memref<2x10000x32xf32, #tpu.memory_space<hbm>> -> memref<1x10000x32xf32, #tpu.memory_space<hbm>>
        %dma_wait3A_41 = tpu.memref_squeeze %dma_wait3A_40 : memref<1x10000x32xf32, #tpu.memory_space<hbm>> -> memref<10000x32xf32, #tpu.memory_space<hbm>>
        %dma_wait3A_42 = arith.constant 0 : i32
        %dma_wait3A_43 = tpu.memref_slice %dma_wait3A_41[%multiple_of3A, %dma_wait3A_42] : memref<10000x32xf32, #tpu.memory_space<hbm>> -> memref<632x32xf32, #tpu.memory_space<hbm>>
        %dma_wait3A_44 = arith.constant 0 : i32
        %dma_wait3A_45 = tpu.memref_slice %arg14[%multiple_of3A, %dma_wait3A_44] : memref<10000x32xf32, #tpu.memory_space<vmem_shared>> -> memref<632x32xf32, #tpu.memory_space<vmem_shared>>
        tpu.wait_dma2 semaphore(%run_scoped3A : memref<!tpu.dma_semaphore, #tpu.memory_space<semaphore_mem>>) src(%dma_wait3A_45 : memref<632x32xf32, #tpu.memory_space<vmem_shared>>) dst(%dma_wait3A_43 : memref<632x32xf32, #tpu.memory_space<hbm>>)
        tpu.yield
      }) : () -> ()
    } else {
    }
    %eq3A_25 = arith.constant 15 : i32
    %eq3A_26 = arith.cmpi eq, %arg1, %eq3A_25 : i32
    %convert_element_type3A_27 = arith.extui %eq3A_26 : i1 to i32
    %cond3A_28 = arith.constant 0 : i32
    %cond3A_29 = arith.cmpi ne, %convert_element_type3A_27, %cond3A_28 : i32
    scf.if %cond3A_29 {
      "tpu.region"() ({
        %run_scoped3A = tpu.sem_alloc : memref<!tpu.dma_semaphore, #tpu.memory_space<semaphore_mem>>
        %dma_start3A = arith.constant 0 : i32
        %dma_start3A_30 = arith.constant 0 : i32
        %dma_start3A_31 = tpu.memref_slice %arg6[%arg0, %dma_start3A, %dma_start3A_30] : memref<2x10000x32xf32, #tpu.memory_space<hbm>> -> memref<1x10000x32xf32, #tpu.memory_space<hbm>>
        %dma_start3A_32 = tpu.memref_squeeze %dma_start3A_31 : memref<1x10000x32xf32, #tpu.memory_space<hbm>> -> memref<10000x32xf32, #tpu.memory_space<hbm>>
        %dma_start3A_33 = arith.constant 9480 : i32
        %dma_start3A_34 = arith.constant 0 : i32
        %dma_start3A_35 = tpu.memref_slice %dma_start3A_32[%dma_start3A_33, %dma_start3A_34] : memref<10000x32xf32, #tpu.memory_space<hbm>> -> memref<520x32xf32, #tpu.memory_space<hbm>>
        %dma_start3A_36 = arith.constant 9480 : i32
        %dma_start3A_37 = arith.constant 0 : i32
        %dma_start3A_38 = tpu.memref_slice %arg14[%dma_start3A_36, %dma_start3A_37] : memref<10000x32xf32, #tpu.memory_space<vmem_shared>> -> memref<520x32xf32, #tpu.memory_space<vmem_shared>>
        tpu.enqueue_dma source(%dma_start3A_38 : memref<520x32xf32, #tpu.memory_space<vmem_shared>>) target(%dma_start3A_35 : memref<520x32xf32, #tpu.memory_space<hbm>>) target_semaphore(%run_scoped3A : memref<!tpu.dma_semaphore, #tpu.memory_space<semaphore_mem>>)
        %dma_wait3A = arith.constant 0 : i32
        %dma_wait3A_39 = arith.constant 0 : i32
        %dma_wait3A_40 = tpu.memref_slice %arg6[%arg0, %dma_wait3A, %dma_wait3A_39] : memref<2x10000x32xf32, #tpu.memory_space<hbm>> -> memref<1x10000x32xf32, #tpu.memory_space<hbm>>
        %dma_wait3A_41 = tpu.memref_squeeze %dma_wait3A_40 : memref<1x10000x32xf32, #tpu.memory_space<hbm>> -> memref<10000x32xf32, #tpu.memory_space<hbm>>
        %dma_wait3A_42 = arith.constant 9480 : i32
        %dma_wait3A_43 = arith.constant 0 : i32
        %dma_wait3A_44 = tpu.memref_slice %dma_wait3A_41[%dma_wait3A_42, %dma_wait3A_43] : memref<10000x32xf32, #tpu.memory_space<hbm>> -> memref<520x32xf32, #tpu.memory_space<hbm>>
        %dma_wait3A_45 = arith.constant 9480 : i32
        %dma_wait3A_46 = arith.constant 0 : i32
        %dma_wait3A_47 = tpu.memref_slice %arg14[%dma_wait3A_45, %dma_wait3A_46] : memref<10000x32xf32, #tpu.memory_space<vmem_shared>> -> memref<520x32xf32, #tpu.memory_space<vmem_shared>>
        tpu.wait_dma2 semaphore(%run_scoped3A : memref<!tpu.dma_semaphore, #tpu.memory_space<semaphore_mem>>) src(%dma_wait3A_47 : memref<520x32xf32, #tpu.memory_space<vmem_shared>>) dst(%dma_wait3A_44 : memref<520x32xf32, #tpu.memory_space<hbm>>)
        tpu.yield
      }) : () -> ()
    } else {
    }
    return
  }
}

#map = affine_map<(d0, d1) -> (0, 0)>
#map1 = affine_map<(d0, d1) -> (0, 0, 0)>
#map2 = affine_map<(d0, d1) -> (0)>
module attributes {stable_mosaic.version = 14 : i64} {
  func.func @k(%arg0: i32, %arg1: i32, %arg2: memref<10008x128xf32, #tpu.memory_space<hbm>>, %arg3: memref<2x10000x16xf32, #tpu.memory_space<hbm>>, %arg4: memref<320000xi32, #tpu.memory_space<hbm>>, %arg5: memref<320000xi32, #tpu.memory_space<hbm>>, %arg6: memref<2x10000x16xf32, #tpu.memory_space<hbm>>, %arg7: memref<80xi32, #tpu.memory_space<vmem>>, %arg8: memref<80xi32, #tpu.memory_space<vmem>>, %arg9: memref<16xi32, #tpu.memory_space<vmem>>, %arg10: memref<80x128xf32, #tpu.memory_space<vmem>>, %arg11: memref<80x128xf32, #tpu.memory_space<vmem>>, %arg12: memref<16x128xf32, #tpu.memory_space<vmem>>, %arg13: memref<80x16xf32, #tpu.memory_space<vmem>>, %arg14: memref<10000x16xf32, #tpu.memory_space<vmem_shared>>, %arg15: memref<!tpu.dma_semaphore, #tpu.memory_space<semaphore_mem>>, %arg16: memref<!tpu.dma_semaphore, #tpu.memory_space<semaphore_mem>>) attributes {dimension_semantics = [#tpu.dimension_semantics<core_parallel>, #tpu.dimension_semantics<subcore_parallel>], iteration_bounds = array<i64: 2, 16>, scalar_prefetch = 0 : i64, scratch_operands = 10 : i64, tpu.core_type = #tpu.core_type<sc_vector_subcore>, window_params = [{transform_indices = #map}, {transform_indices = #map1}, {transform_indices = #map2}, {transform_indices = #map2}, {transform_indices = #map1}]} {
    %lt3A = arith.constant 15 : i32
    %lt3A_0 = arith.cmpi slt, %arg1, %lt3A : i32
    %convert_element_type3A = arith.extui %lt3A_0 : i1 to i32
    %cond3A = arith.constant 0 : i32
    %cond3A_1 = arith.cmpi ne, %convert_element_type3A, %cond3A : i32
    scf.if %cond3A_1 {
      %mul3A_30 = arith.constant 632 : i32
      %mul3A_31 = arith.muli %arg1, %mul3A_30 : i32
      %multiple_of3A = tpu.assume_multiple %mul3A_31, 8 : i32
      "tpu.region"() ({
        %run_scoped3A = tpu.sem_alloc : memref<!tpu.dma_semaphore, #tpu.memory_space<semaphore_mem>>
        %dma_start3A = arith.constant 0 : i32
        %dma_start3A_32 = tpu.memref_slice %arg14[%multiple_of3A, %dma_start3A] : memref<10000x16xf32, #tpu.memory_space<vmem_shared>> -> memref<632x16xf32, #tpu.memory_space<vmem_shared>>
        %dma_start3A_33 = arith.constant 0 : i32
        %dma_start3A_34 = arith.constant 0 : i32
        %dma_start3A_35 = tpu.memref_slice %arg3[%arg0, %dma_start3A_33, %dma_start3A_34] : memref<2x10000x16xf32, #tpu.memory_space<hbm>> -> memref<1x10000x16xf32, #tpu.memory_space<hbm>>
        %dma_start3A_36 = tpu.memref_squeeze %dma_start3A_35 : memref<1x10000x16xf32, #tpu.memory_space<hbm>> -> memref<10000x16xf32, #tpu.memory_space<hbm>>
        %dma_start3A_37 = arith.constant 0 : i32
        %dma_start3A_38 = tpu.memref_slice %dma_start3A_36[%multiple_of3A, %dma_start3A_37] : memref<10000x16xf32, #tpu.memory_space<hbm>> -> memref<632x16xf32, #tpu.memory_space<hbm>>
        tpu.enqueue_dma source(%dma_start3A_38 : memref<632x16xf32, #tpu.memory_space<hbm>>) target(%dma_start3A_32 : memref<632x16xf32, #tpu.memory_space<vmem_shared>>) target_semaphore(%run_scoped3A : memref<!tpu.dma_semaphore, #tpu.memory_space<semaphore_mem>>)
        %dma_wait3A = arith.constant 0 : i32
        %dma_wait3A_39 = tpu.memref_slice %arg14[%multiple_of3A, %dma_wait3A] : memref<10000x16xf32, #tpu.memory_space<vmem_shared>> -> memref<632x16xf32, #tpu.memory_space<vmem_shared>>
        %dma_wait3A_40 = arith.constant 0 : i32
        %dma_wait3A_41 = arith.constant 0 : i32
        %dma_wait3A_42 = tpu.memref_slice %arg3[%arg0, %dma_wait3A_40, %dma_wait3A_41] : memref<2x10000x16xf32, #tpu.memory_space<hbm>> -> memref<1x10000x16xf32, #tpu.memory_space<hbm>>
        %dma_wait3A_43 = tpu.memref_squeeze %dma_wait3A_42 : memref<1x10000x16xf32, #tpu.memory_space<hbm>> -> memref<10000x16xf32, #tpu.memory_space<hbm>>
        %dma_wait3A_44 = arith.constant 0 : i32
        %dma_wait3A_45 = tpu.memref_slice %dma_wait3A_43[%multiple_of3A, %dma_wait3A_44] : memref<10000x16xf32, #tpu.memory_space<hbm>> -> memref<632x16xf32, #tpu.memory_space<hbm>>
        tpu.wait_dma2 semaphore(%run_scoped3A : memref<!tpu.dma_semaphore, #tpu.memory_space<semaphore_mem>>) src(%dma_wait3A_45 : memref<632x16xf32, #tpu.memory_space<hbm>>) dst(%dma_wait3A_39 : memref<632x16xf32, #tpu.memory_space<vmem_shared>>)
        tpu.yield
      }) : () -> ()
    } else {
    }
    %eq3A = arith.constant 15 : i32
    %eq3A_2 = arith.cmpi eq, %arg1, %eq3A : i32
    %convert_element_type3A_3 = arith.extui %eq3A_2 : i1 to i32
    %cond3A_4 = arith.constant 0 : i32
    %cond3A_5 = arith.cmpi ne, %convert_element_type3A_3, %cond3A_4 : i32
    scf.if %cond3A_5 {
      "tpu.region"() ({
        %run_scoped3A = tpu.sem_alloc : memref<!tpu.dma_semaphore, #tpu.memory_space<semaphore_mem>>
        %dma_start3A = arith.constant 9480 : i32
        %dma_start3A_30 = arith.constant 0 : i32
        %dma_start3A_31 = tpu.memref_slice %arg14[%dma_start3A, %dma_start3A_30] : memref<10000x16xf32, #tpu.memory_space<vmem_shared>> -> memref<520x16xf32, #tpu.memory_space<vmem_shared>>
        %dma_start3A_32 = arith.constant 0 : i32
        %dma_start3A_33 = arith.constant 0 : i32
        %dma_start3A_34 = tpu.memref_slice %arg3[%arg0, %dma_start3A_32, %dma_start3A_33] : memref<2x10000x16xf32, #tpu.memory_space<hbm>> -> memref<1x10000x16xf32, #tpu.memory_space<hbm>>
        %dma_start3A_35 = tpu.memref_squeeze %dma_start3A_34 : memref<1x10000x16xf32, #tpu.memory_space<hbm>> -> memref<10000x16xf32, #tpu.memory_space<hbm>>
        %dma_start3A_36 = arith.constant 9480 : i32
        %dma_start3A_37 = arith.constant 0 : i32
        %dma_start3A_38 = tpu.memref_slice %dma_start3A_35[%dma_start3A_36, %dma_start3A_37] : memref<10000x16xf32, #tpu.memory_space<hbm>> -> memref<520x16xf32, #tpu.memory_space<hbm>>
        tpu.enqueue_dma source(%dma_start3A_38 : memref<520x16xf32, #tpu.memory_space<hbm>>) target(%dma_start3A_31 : memref<520x16xf32, #tpu.memory_space<vmem_shared>>) target_semaphore(%run_scoped3A : memref<!tpu.dma_semaphore, #tpu.memory_space<semaphore_mem>>)
        %dma_wait3A = arith.constant 9480 : i32
        %dma_wait3A_39 = arith.constant 0 : i32
        %dma_wait3A_40 = tpu.memref_slice %arg14[%dma_wait3A, %dma_wait3A_39] : memref<10000x16xf32, #tpu.memory_space<vmem_shared>> -> memref<520x16xf32, #tpu.memory_space<vmem_shared>>
        %dma_wait3A_41 = arith.constant 0 : i32
        %dma_wait3A_42 = arith.constant 0 : i32
        %dma_wait3A_43 = tpu.memref_slice %arg3[%arg0, %dma_wait3A_41, %dma_wait3A_42] : memref<2x10000x16xf32, #tpu.memory_space<hbm>> -> memref<1x10000x16xf32, #tpu.memory_space<hbm>>
        %dma_wait3A_44 = tpu.memref_squeeze %dma_wait3A_43 : memref<1x10000x16xf32, #tpu.memory_space<hbm>> -> memref<10000x16xf32, #tpu.memory_space<hbm>>
        %dma_wait3A_45 = arith.constant 9480 : i32
        %dma_wait3A_46 = arith.constant 0 : i32
        %dma_wait3A_47 = tpu.memref_slice %dma_wait3A_44[%dma_wait3A_45, %dma_wait3A_46] : memref<10000x16xf32, #tpu.memory_space<hbm>> -> memref<520x16xf32, #tpu.memory_space<hbm>>
        tpu.wait_dma2 semaphore(%run_scoped3A : memref<!tpu.dma_semaphore, #tpu.memory_space<semaphore_mem>>) src(%dma_wait3A_47 : memref<520x16xf32, #tpu.memory_space<hbm>>) dst(%dma_wait3A_40 : memref<520x16xf32, #tpu.memory_space<vmem_shared>>)
        tpu.yield
      }) : () -> ()
    } else {
    }
    %broadcast_in_dim3A = arith.constant 10000 : i32
    %broadcast_in_dim3A_6 = vector.broadcast %broadcast_in_dim3A : i32 to vector<16xi32>
    %swap3A = arith.constant 0 : index
    %swap3A_7 = tpu.vector_load %arg9[%swap3A] {strides = array<i32>} : memref<16xi32, #tpu.memory_space<vmem>>, vector<16xi32>,
    %swap3A_8 = vector.shape_cast %swap3A_7 : vector<16xi32> to vector<16xi32>
    %swap3A_9 = vector.shape_cast %broadcast_in_dim3A_6 : vector<16xi32> to vector<16xi32>
    tpu.vector_store %arg9[%swap3A], %swap3A_9 {strides = array<i32>} : memref<16xi32, #tpu.memory_space<vmem>>, vector<16xi32>,
    "tpu.region"() ({
      %run_scoped3A = tpu.sem_alloc : memref<!tpu.dma_semaphore, #tpu.memory_space<semaphore_mem>>
      %dma_start3A = arith.constant 0 : i32
      %dma_start3A_30 = arith.constant 0 : i32
      %dma_start3A_31 = tpu.memref_slice %arg2[%dma_start3A, %dma_start3A_30] : memref<10008x128xf32, #tpu.memory_space<hbm>> -> memref<10008x128xf32, #tpu.memory_space<hbm>>
      tpu.enqueue_indirect_dma source(%dma_start3A_31 : memref<10008x128xf32, #tpu.memory_space<hbm>>) target(%arg12 : memref<16x128xf32, #tpu.memory_space<vmem>>) offsets(%arg9 : memref<16xi32, #tpu.memory_space<vmem>>) semaphore(%run_scoped3A : memref<!tpu.dma_semaphore, #tpu.memory_space<semaphore_mem>>)
      %dma_wait3A = arith.constant 0 : i32
      %dma_wait3A_32 = arith.constant 0 : i32
      %dma_wait3A_33 = tpu.memref_slice %arg2[%dma_wait3A, %dma_wait3A_32] : memref<10008x128xf32, #tpu.memory_space<hbm>> -> memref<10008x128xf32, #tpu.memory_space<hbm>>
      tpu.wait_indirect_dma semaphore(%run_scoped3A : memref<!tpu.dma_semaphore, #tpu.memory_space<semaphore_mem>>) src(%dma_wait3A_33 : memref<10008x128xf32, #tpu.memory_space<hbm>>) dst(%arg12 : memref<16x128xf32, #tpu.memory_space<vmem>>)
      tpu.yield
    }) : () -> ()
    %barrier3A = arith.constant 0 : index
    tpu.barrier barrier_id(%barrier3A)
    %get3A = arith.constant 0 : i32
    %get3A_10 = arith.index_cast %get3A : i32 to index
    %get3A_11 = arith.constant 0 : index
    %get3A_12 = tpu.vector_load %arg12[%get3A_10, %get3A_11] {strides = array<i32>} : memref<16x128xf32, #tpu.memory_space<vmem>>, vector<1x16xf32>,
    %get3A_13 = vector.shape_cast %get3A_12 : vector<1x16xf32> to vector<16xf32>
    %mul3A = arith.constant 20000 : i32
    %mul3A_14 = arith.muli %arg1, %mul3A : i32
    %scan3A = arith.constant 0 : i32
    %scan3A_15 = arith.constant 250 : i32
    %scan3A_16 = arith.addi %scan3A, %scan3A_15 : i32
    %scan3A_17 = arith.constant 1 : i32
    scf.for %scan3A_30 = %scan3A to %scan3A_16 step %scan3A_17  : i32 {
      %mul3A_31 = arith.constant 1 : i32
      %mul3A_32 = arith.muli %scan3A_30, %mul3A_31 : i32
      %add3A = arith.constant 0 : i32
      %add3A_33 = arith.addi %add3A, %mul3A_32 : i32
      %mul3A_34 = arith.constant 80 : i32
      %mul3A_35 = arith.muli %add3A_33, %mul3A_34 : i32
      %add3A_36 = arith.addi %mul3A_14, %mul3A_35 : i32
      "tpu.region"() ({
        %run_scoped3A = tpu.sem_alloc : memref<!tpu.dma_semaphore, #tpu.memory_space<semaphore_mem>>
        %dma_start3A_52 = tpu.memref_slice %arg4[%add3A_36] : memref<320000xi32, #tpu.memory_space<hbm>> -> memref<80xi32, #tpu.memory_space<hbm>>
        %dma_start3A_53 = tpu.memref_slice %arg4[%add3A_36] : memref<320000xi32, #tpu.memory_space<hbm>> -> memref<80xi32, #tpu.memory_space<hbm>>
        tpu.enqueue_dma source(%dma_start3A_53 : memref<80xi32, #tpu.memory_space<hbm>>) target(%arg7 : memref<80xi32, #tpu.memory_space<vmem>>) target_semaphore(%run_scoped3A : memref<!tpu.dma_semaphore, #tpu.memory_space<semaphore_mem>>)
        %dma_wait3A_54 = tpu.memref_slice %arg4[%add3A_36] : memref<320000xi32, #tpu.memory_space<hbm>> -> memref<80xi32, #tpu.memory_space<hbm>>
        %dma_wait3A_55 = tpu.memref_slice %arg4[%add3A_36] : memref<320000xi32, #tpu.memory_space<hbm>> -> memref<80xi32, #tpu.memory_space<hbm>>
        tpu.wait_dma2 semaphore(%run_scoped3A : memref<!tpu.dma_semaphore, #tpu.memory_space<semaphore_mem>>) src(%dma_wait3A_55 : memref<80xi32, #tpu.memory_space<hbm>>) dst(%arg7 : memref<80xi32, #tpu.memory_space<vmem>>)
        tpu.yield
      }) : () -> ()
      "tpu.region"() ({
        %run_scoped3A = tpu.sem_alloc : memref<!tpu.dma_semaphore, #tpu.memory_space<semaphore_mem>>
        %dma_start3A_52 = tpu.memref_slice %arg5[%add3A_36] : memref<320000xi32, #tpu.memory_space<hbm>> -> memref<80xi32, #tpu.memory_space<hbm>>
        %dma_start3A_53 = tpu.memref_slice %arg5[%add3A_36] : memref<320000xi32, #tpu.memory_space<hbm>> -> memref<80xi32, #tpu.memory_space<hbm>>
        tpu.enqueue_dma source(%dma_start3A_53 : memref<80xi32, #tpu.memory_space<hbm>>) target(%arg8 : memref<80xi32, #tpu.memory_space<vmem>>) target_semaphore(%run_scoped3A : memref<!tpu.dma_semaphore, #tpu.memory_space<semaphore_mem>>)
        %dma_wait3A_54 = tpu.memref_slice %arg5[%add3A_36] : memref<320000xi32, #tpu.memory_space<hbm>> -> memref<80xi32, #tpu.memory_space<hbm>>
        %dma_wait3A_55 = tpu.memref_slice %arg5[%add3A_36] : memref<320000xi32, #tpu.memory_space<hbm>> -> memref<80xi32, #tpu.memory_space<hbm>>
        tpu.wait_dma2 semaphore(%run_scoped3A : memref<!tpu.dma_semaphore, #tpu.memory_space<semaphore_mem>>) src(%dma_wait3A_55 : memref<80xi32, #tpu.memory_space<hbm>>) dst(%arg8 : memref<80xi32, #tpu.memory_space<vmem>>)
        tpu.yield
      }) : () -> ()
      %dma_start3A = arith.constant 0 : i32
      %dma_start3A_37 = arith.constant 0 : i32
      %dma_start3A_38 = tpu.memref_slice %arg2[%dma_start3A, %dma_start3A_37] : memref<10008x128xf32, #tpu.memory_space<hbm>> -> memref<10008x128xf32, #tpu.memory_space<hbm>>
      tpu.enqueue_indirect_dma source(%dma_start3A_38 : memref<10008x128xf32, #tpu.memory_space<hbm>>) target(%arg10 : memref<80x128xf32, #tpu.memory_space<vmem>>) offsets(%arg7 : memref<80xi32, #tpu.memory_space<vmem>>) semaphore(%arg15 : memref<!tpu.dma_semaphore, #tpu.memory_space<semaphore_mem>>)
      %dma_start3A_39 = arith.constant 0 : i32
      %dma_start3A_40 = arith.constant 0 : i32
      %dma_start3A_41 = tpu.memref_slice %arg2[%dma_start3A_39, %dma_start3A_40] : memref<10008x128xf32, #tpu.memory_space<hbm>> -> memref<10008x128xf32, #tpu.memory_space<hbm>>
      tpu.enqueue_indirect_dma source(%dma_start3A_41 : memref<10008x128xf32, #tpu.memory_space<hbm>>) target(%arg11 : memref<80x128xf32, #tpu.memory_space<vmem>>) offsets(%arg8 : memref<80xi32, #tpu.memory_space<vmem>>) semaphore(%arg16 : memref<!tpu.dma_semaphore, #tpu.memory_space<semaphore_mem>>)
      %dma_wait3A = arith.constant 0 : i32
      %dma_wait3A_42 = arith.constant 0 : i32
      %dma_wait3A_43 = tpu.memref_slice %arg2[%dma_wait3A, %dma_wait3A_42] : memref<10008x128xf32, #tpu.memory_space<hbm>> -> memref<10008x128xf32, #tpu.memory_space<hbm>>
      tpu.wait_indirect_dma semaphore(%arg15 : memref<!tpu.dma_semaphore, #tpu.memory_space<semaphore_mem>>) src(%dma_wait3A_43 : memref<10008x128xf32, #tpu.memory_space<hbm>>) dst(%arg10 : memref<80x128xf32, #tpu.memory_space<vmem>>)
      %dma_wait3A_44 = arith.constant 0 : i32
      %dma_wait3A_45 = arith.constant 0 : i32
      %dma_wait3A_46 = tpu.memref_slice %arg2[%dma_wait3A_44, %dma_wait3A_45] : memref<10008x128xf32, #tpu.memory_space<hbm>> -> memref<10008x128xf32, #tpu.memory_space<hbm>>
      tpu.wait_indirect_dma semaphore(%arg16 : memref<!tpu.dma_semaphore, #tpu.memory_space<semaphore_mem>>) src(%dma_wait3A_46 : memref<10008x128xf32, #tpu.memory_space<hbm>>) dst(%arg11 : memref<80x128xf32, #tpu.memory_space<vmem>>)
      %scan3A_47 = arith.constant 0 : i32
      %scan3A_48 = arith.constant 80 : i32
      %scan3A_49 = arith.addi %scan3A_47, %scan3A_48 : i32
      %scan3A_50 = arith.constant 1 : i32
      scf.for %scan3A_52 = %scan3A_47 to %scan3A_49 step %scan3A_50  : i32 {
        %mul3A_53 = arith.constant 1 : i32
        %mul3A_54 = arith.muli %scan3A_52, %mul3A_53 : i32
        %add3A_55 = arith.constant 0 : i32
        %add3A_56 = arith.addi %add3A_55, %mul3A_54 : i32
        %get3A_57 = arith.index_cast %add3A_56 : i32 to index
        %get3A_58 = arith.constant 0 : index
        %get3A_59 = tpu.vector_load %arg10[%get3A_57, %get3A_58] {strides = array<i32>} : memref<80x128xf32, #tpu.memory_space<vmem>>, vector<1x16xf32>,
        %get3A_60 = vector.shape_cast %get3A_59 : vector<1x16xf32> to vector<16xf32>
        %get3A_61 = arith.index_cast %add3A_56 : i32 to index
        %get3A_62 = arith.constant 8 : index
        %get3A_63 = tpu.vector_load %arg11[%get3A_61, %get3A_62] {strides = array<i32>} : memref<80x128xf32, #tpu.memory_space<vmem>>, vector<1x16xf32>,
        %get3A_64 = vector.shape_cast %get3A_63 : vector<1x16xf32> to vector<16xf32>
        %add3A_65 = arith.addf %get3A_60, %get3A_64 : vector<16xf32>
        %mul3A_66 = arith.constant 2.000000e-01 : f32
        %mul3A_67 = vector.broadcast %mul3A_66 : f32 to vector<16xf32>
        %mul3A_68 = arith.mulf %mul3A_67, %add3A_65 : vector<16xf32>
        %max3A = arith.maximumf %add3A_65, %mul3A_68 : vector<16xf32>
        %exp3A = math.exp %max3A : vector<16xf32>
        %mul3A_69 = arith.mulf %exp3A, %get3A_13 : vector<16xf32>
        %swap3A_70 = arith.index_cast %add3A_56 : i32 to index
        %swap3A_71 = arith.constant 0 : index
        %swap3A_72 = tpu.vector_load %arg13[%swap3A_70, %swap3A_71] {strides = array<i32>} : memref<80x16xf32, #tpu.memory_space<vmem>>, vector<1x16xf32>,
        %swap3A_73 = vector.shape_cast %swap3A_72 : vector<1x16xf32> to vector<16xf32>
        %swap3A_74 = vector.shape_cast %mul3A_69 : vector<16xf32> to vector<1x16xf32>
        tpu.vector_store %arg13[%swap3A_70, %swap3A_71], %swap3A_74 {strides = array<i32>} : memref<80x16xf32, #tpu.memory_space<vmem>>, vector<1x16xf32>,
      }
      %scan3A_51 = arith.constant 80 : i32
      "tpu.region"() ({
        %run_scoped3A = tpu.sem_alloc : memref<!tpu.dma_semaphore, #tpu.memory_space<semaphore_mem>>
        %dma_start3A_52 = arith.constant 0 : i32
        %dma_start3A_53 = arith.constant 0 : i32
        %dma_start3A_54 = tpu.memref_slice %arg14[%dma_start3A_52, %dma_start3A_53] : memref<10000x16xf32, #tpu.memory_space<vmem_shared>> -> memref<10000x16xf32, #tpu.memory_space<vmem_shared>>
        tpu.enqueue_indirect_dma source(%arg13 : memref<80x16xf32, #tpu.memory_space<vmem>>) target(%dma_start3A_54 : memref<10000x16xf32, #tpu.memory_space<vmem_shared>>) offsets(%arg8 : memref<80xi32, #tpu.memory_space<vmem>>) semaphore(%run_scoped3A : memref<!tpu.dma_semaphore, #tpu.memory_space<semaphore_mem>>) {add = true}
        %dma_wait3A_55 = arith.constant 0 : i32
        %dma_wait3A_56 = arith.constant 0 : i32
        %dma_wait3A_57 = tpu.memref_slice %arg14[%dma_wait3A_55, %dma_wait3A_56] : memref<10000x16xf32, #tpu.memory_space<vmem_shared>> -> memref<10000x16xf32, #tpu.memory_space<vmem_shared>>
        tpu.wait_indirect_dma semaphore(%run_scoped3A : memref<!tpu.dma_semaphore, #tpu.memory_space<semaphore_mem>>) src(%arg13 : memref<80x16xf32, #tpu.memory_space<vmem>>) dst(%dma_wait3A_57 : memref<10000x16xf32, #tpu.memory_space<vmem_shared>>)
        tpu.yield
      }) : () -> ()
    }
    %scan3A_18 = arith.constant 250 : i32
    %barrier3A_19 = arith.constant 0 : index
    tpu.barrier barrier_id(%barrier3A_19)
    %lt3A_20 = arith.constant 15 : i32
    %lt3A_21 = arith.cmpi slt, %arg1, %lt3A_20 : i32
    %convert_element_type3A_22 = arith.extui %lt3A_21 : i1 to i32
    %cond3A_23 = arith.constant 0 : i32
    %cond3A_24 = arith.cmpi ne, %convert_element_type3A_22, %cond3A_23 : i32
    scf.if %cond3A_24 {
      %mul3A_30 = arith.constant 632 : i32
      %mul3A_31 = arith.muli %arg1, %mul3A_30 : i32
      %multiple_of3A = tpu.assume_multiple %mul3A_31, 8 : i32
      "tpu.region"() ({
        %run_scoped3A = tpu.sem_alloc : memref<!tpu.dma_semaphore, #tpu.memory_space<semaphore_mem>>
        %dma_start3A = arith.constant 0 : i32
        %dma_start3A_32 = arith.constant 0 : i32
        %dma_start3A_33 = tpu.memref_slice %arg6[%arg0, %dma_start3A, %dma_start3A_32] : memref<2x10000x16xf32, #tpu.memory_space<hbm>> -> memref<1x10000x16xf32, #tpu.memory_space<hbm>>
        %dma_start3A_34 = tpu.memref_squeeze %dma_start3A_33 : memref<1x10000x16xf32, #tpu.memory_space<hbm>> -> memref<10000x16xf32, #tpu.memory_space<hbm>>
        %dma_start3A_35 = arith.constant 0 : i32
        %dma_start3A_36 = tpu.memref_slice %dma_start3A_34[%multiple_of3A, %dma_start3A_35] : memref<10000x16xf32, #tpu.memory_space<hbm>> -> memref<632x16xf32, #tpu.memory_space<hbm>>
        %dma_start3A_37 = arith.constant 0 : i32
        %dma_start3A_38 = tpu.memref_slice %arg14[%multiple_of3A, %dma_start3A_37] : memref<10000x16xf32, #tpu.memory_space<vmem_shared>> -> memref<632x16xf32, #tpu.memory_space<vmem_shared>>
        tpu.enqueue_dma source(%dma_start3A_38 : memref<632x16xf32, #tpu.memory_space<vmem_shared>>) target(%dma_start3A_36 : memref<632x16xf32, #tpu.memory_space<hbm>>) target_semaphore(%run_scoped3A : memref<!tpu.dma_semaphore, #tpu.memory_space<semaphore_mem>>)
        %dma_wait3A = arith.constant 0 : i32
        %dma_wait3A_39 = arith.constant 0 : i32
        %dma_wait3A_40 = tpu.memref_slice %arg6[%arg0, %dma_wait3A, %dma_wait3A_39] : memref<2x10000x16xf32, #tpu.memory_space<hbm>> -> memref<1x10000x16xf32, #tpu.memory_space<hbm>>
        %dma_wait3A_41 = tpu.memref_squeeze %dma_wait3A_40 : memref<1x10000x16xf32, #tpu.memory_space<hbm>> -> memref<10000x16xf32, #tpu.memory_space<hbm>>
        %dma_wait3A_42 = arith.constant 0 : i32
        %dma_wait3A_43 = tpu.memref_slice %dma_wait3A_41[%multiple_of3A, %dma_wait3A_42] : memref<10000x16xf32, #tpu.memory_space<hbm>> -> memref<632x16xf32, #tpu.memory_space<hbm>>
        %dma_wait3A_44 = arith.constant 0 : i32
        %dma_wait3A_45 = tpu.memref_slice %arg14[%multiple_of3A, %dma_wait3A_44] : memref<10000x16xf32, #tpu.memory_space<vmem_shared>> -> memref<632x16xf32, #tpu.memory_space<vmem_shared>>
        tpu.wait_dma2 semaphore(%run_scoped3A : memref<!tpu.dma_semaphore, #tpu.memory_space<semaphore_mem>>) src(%dma_wait3A_45 : memref<632x16xf32, #tpu.memory_space<vmem_shared>>) dst(%dma_wait3A_43 : memref<632x16xf32, #tpu.memory_space<hbm>>)
        tpu.yield
      }) : () -> ()
    } else {
    }
    %eq3A_25 = arith.constant 15 : i32
    %eq3A_26 = arith.cmpi eq, %arg1, %eq3A_25 : i32
    %convert_element_type3A_27 = arith.extui %eq3A_26 : i1 to i32
    %cond3A_28 = arith.constant 0 : i32
    %cond3A_29 = arith.cmpi ne, %convert_element_type3A_27, %cond3A_28 : i32
    scf.if %cond3A_29 {
      "tpu.region"() ({
        %run_scoped3A = tpu.sem_alloc : memref<!tpu.dma_semaphore, #tpu.memory_space<semaphore_mem>>
        %dma_start3A = arith.constant 0 : i32
        %dma_start3A_30 = arith.constant 0 : i32
        %dma_start3A_31 = tpu.memref_slice %arg6[%arg0, %dma_start3A, %dma_start3A_30] : memref<2x10000x16xf32, #tpu.memory_space<hbm>> -> memref<1x10000x16xf32, #tpu.memory_space<hbm>>
        %dma_start3A_32 = tpu.memref_squeeze %dma_start3A_31 : memref<1x10000x16xf32, #tpu.memory_space<hbm>> -> memref<10000x16xf32, #tpu.memory_space<hbm>>
        %dma_start3A_33 = arith.constant 9480 : i32
        %dma_start3A_34 = arith.constant 0 : i32
        %dma_start3A_35 = tpu.memref_slice %dma_start3A_32[%dma_start3A_33, %dma_start3A_34] : memref<10000x16xf32, #tpu.memory_space<hbm>> -> memref<520x16xf32, #tpu.memory_space<hbm>>
        %dma_start3A_36 = arith.constant 9480 : i32
        %dma_start3A_37 = arith.constant 0 : i32
        %dma_start3A_38 = tpu.memref_slice %arg14[%dma_start3A_36, %dma_start3A_37] : memref<10000x16xf32, #tpu.memory_space<vmem_shared>> -> memref<520x16xf32, #tpu.memory_space<vmem_shared>>
        tpu.enqueue_dma source(%dma_start3A_38 : memref<520x16xf32, #tpu.memory_space<vmem_shared>>) target(%dma_start3A_35 : memref<520x16xf32, #tpu.memory_space<hbm>>) target_semaphore(%run_scoped3A : memref<!tpu.dma_semaphore, #tpu.memory_space<semaphore_mem>>)
        %dma_wait3A = arith.constant 0 : i32
        %dma_wait3A_39 = arith.constant 0 : i32
        %dma_wait3A_40 = tpu.memref_slice %arg6[%arg0, %dma_wait3A, %dma_wait3A_39] : memref<2x10000x16xf32, #tpu.memory_space<hbm>> -> memref<1x10000x16xf32, #tpu.memory_space<hbm>>
        %dma_wait3A_41 = tpu.memref_squeeze %dma_wait3A_40 : memref<1x10000x16xf32, #tpu.memory_space<hbm>> -> memref<10000x16xf32, #tpu.memory_space<hbm>>
        %dma_wait3A_42 = arith.constant 9480 : i32
        %dma_wait3A_43 = arith.constant 0 : i32
        %dma_wait3A_44 = tpu.memref_slice %dma_wait3A_41[%dma_wait3A_42, %dma_wait3A_43] : memref<10000x16xf32, #tpu.memory_space<hbm>> -> memref<520x16xf32, #tpu.memory_space<hbm>>
        %dma_wait3A_45 = arith.constant 9480 : i32
        %dma_wait3A_46 = arith.constant 0 : i32
        %dma_wait3A_47 = tpu.memref_slice %arg14[%dma_wait3A_45, %dma_wait3A_46] : memref<10000x16xf32, #tpu.memory_space<vmem_shared>> -> memref<520x16xf32, #tpu.memory_space<vmem_shared>>
        tpu.wait_dma2 semaphore(%run_scoped3A : memref<!tpu.dma_semaphore, #tpu.memory_space<semaphore_mem>>) src(%dma_wait3A_47 : memref<520x16xf32, #tpu.memory_space<vmem_shared>>) dst(%dma_wait3A_44 : memref<520x16xf32, #tpu.memory_space<hbm>>)
        tpu.yield
      }) : () -> ()
    } else {
    }
    return
  }
}

#map = affine_map<(d0, d1) -> (0, 0)>
#map1 = affine_map<(d0, d1) -> (0, 0, 0)>
#map2 = affine_map<(d0, d1) -> (0)>
module attributes {stable_mosaic.version = 14 : i64} {
  func.func @k(%arg0: i32, %arg1: i32, %arg2: memref<10008x128xf32, #tpu.memory_space<hbm>>, %arg3: memref<2x10000x32xf32, #tpu.memory_space<hbm>>, %arg4: memref<320000xi32, #tpu.memory_space<hbm>>, %arg5: memref<320000xi32, #tpu.memory_space<hbm>>, %arg6: memref<2x10000x32xf32, #tpu.memory_space<hbm>>, %arg7: memref<80xi32, #tpu.memory_space<vmem>>, %arg8: memref<80xi32, #tpu.memory_space<vmem>>, %arg9: memref<16xi32, #tpu.memory_space<vmem>>, %arg10: memref<80x128xf32, #tpu.memory_space<vmem>>, %arg11: memref<80x128xf32, #tpu.memory_space<vmem>>, %arg12: memref<16x128xf32, #tpu.memory_space<vmem>>, %arg13: memref<80x32xf32, #tpu.memory_space<vmem>>, %arg14: memref<10000x32xf32, #tpu.memory_space<vmem_shared>>, %arg15: memref<!tpu.dma_semaphore, #tpu.memory_space<semaphore_mem>>, %arg16: memref<!tpu.dma_semaphore, #tpu.memory_space<semaphore_mem>>) attributes {dimension_semantics = [#tpu.dimension_semantics<core_parallel>, #tpu.dimension_semantics<subcore_parallel>], iteration_bounds = array<i64: 2, 16>, scalar_prefetch = 0 : i64, scratch_operands = 10 : i64, tpu.core_type = #tpu.core_type<sc_vector_subcore>, window_params = [{transform_indices = #map}, {transform_indices = #map1}, {transform_indices = #map2}, {transform_indices = #map2}, {transform_indices = #map1}]} {
    %lt3A = arith.constant 15 : i32
    %lt3A_0 = arith.cmpi slt, %arg1, %lt3A : i32
    %convert_element_type3A = arith.extui %lt3A_0 : i1 to i32
    %cond3A = arith.constant 0 : i32
    %cond3A_1 = arith.cmpi ne, %convert_element_type3A, %cond3A : i32
    scf.if %cond3A_1 {
      %mul3A_46 = arith.constant 632 : i32
      %mul3A_47 = arith.muli %arg1, %mul3A_46 : i32
      %multiple_of3A_48 = tpu.assume_multiple %mul3A_47, 8 : i32
      "tpu.region"() ({
        %run_scoped3A = tpu.sem_alloc : memref<!tpu.dma_semaphore, #tpu.memory_space<semaphore_mem>>
        %dma_start3A = arith.constant 0 : i32
        %dma_start3A_49 = tpu.memref_slice %arg14[%multiple_of3A_48, %dma_start3A] : memref<10000x32xf32, #tpu.memory_space<vmem_shared>> -> memref<632x32xf32, #tpu.memory_space<vmem_shared>>
        %dma_start3A_50 = arith.constant 0 : i32
        %dma_start3A_51 = arith.constant 0 : i32
        %dma_start3A_52 = tpu.memref_slice %arg3[%arg0, %dma_start3A_50, %dma_start3A_51] : memref<2x10000x32xf32, #tpu.memory_space<hbm>> -> memref<1x10000x32xf32, #tpu.memory_space<hbm>>
        %dma_start3A_53 = tpu.memref_squeeze %dma_start3A_52 : memref<1x10000x32xf32, #tpu.memory_space<hbm>> -> memref<10000x32xf32, #tpu.memory_space<hbm>>
        %dma_start3A_54 = arith.constant 0 : i32
        %dma_start3A_55 = tpu.memref_slice %dma_start3A_53[%multiple_of3A_48, %dma_start3A_54] : memref<10000x32xf32, #tpu.memory_space<hbm>> -> memref<632x32xf32, #tpu.memory_space<hbm>>
        tpu.enqueue_dma source(%dma_start3A_55 : memref<632x32xf32, #tpu.memory_space<hbm>>) target(%dma_start3A_49 : memref<632x32xf32, #tpu.memory_space<vmem_shared>>) target_semaphore(%run_scoped3A : memref<!tpu.dma_semaphore, #tpu.memory_space<semaphore_mem>>)
        %dma_wait3A = arith.constant 0 : i32
        %dma_wait3A_56 = tpu.memref_slice %arg14[%multiple_of3A_48, %dma_wait3A] : memref<10000x32xf32, #tpu.memory_space<vmem_shared>> -> memref<632x32xf32, #tpu.memory_space<vmem_shared>>
        %dma_wait3A_57 = arith.constant 0 : i32
        %dma_wait3A_58 = arith.constant 0 : i32
        %dma_wait3A_59 = tpu.memref_slice %arg3[%arg0, %dma_wait3A_57, %dma_wait3A_58] : memref<2x10000x32xf32, #tpu.memory_space<hbm>> -> memref<1x10000x32xf32, #tpu.memory_space<hbm>>
        %dma_wait3A_60 = tpu.memref_squeeze %dma_wait3A_59 : memref<1x10000x32xf32, #tpu.memory_space<hbm>> -> memref<10000x32xf32, #tpu.memory_space<hbm>>
        %dma_wait3A_61 = arith.constant 0 : i32
        %dma_wait3A_62 = tpu.memref_slice %dma_wait3A_60[%multiple_of3A_48, %dma_wait3A_61] : memref<10000x32xf32, #tpu.memory_space<hbm>> -> memref<632x32xf32, #tpu.memory_space<hbm>>
        tpu.wait_dma2 semaphore(%run_scoped3A : memref<!tpu.dma_semaphore, #tpu.memory_space<semaphore_mem>>) src(%dma_wait3A_62 : memref<632x32xf32, #tpu.memory_space<hbm>>) dst(%dma_wait3A_56 : memref<632x32xf32, #tpu.memory_space<vmem_shared>>)
        tpu.yield
      }) : () -> ()
    } else {
    }
    %eq3A = arith.constant 15 : i32
    %eq3A_2 = arith.cmpi eq, %arg1, %eq3A : i32
    %convert_element_type3A_3 = arith.extui %eq3A_2 : i1 to i32
    %cond3A_4 = arith.constant 0 : i32
    %cond3A_5 = arith.cmpi ne, %convert_element_type3A_3, %cond3A_4 : i32
    scf.if %cond3A_5 {
      "tpu.region"() ({
        %run_scoped3A = tpu.sem_alloc : memref<!tpu.dma_semaphore, #tpu.memory_space<semaphore_mem>>
        %dma_start3A = arith.constant 9480 : i32
        %dma_start3A_46 = arith.constant 0 : i32
        %dma_start3A_47 = tpu.memref_slice %arg14[%dma_start3A, %dma_start3A_46] : memref<10000x32xf32, #tpu.memory_space<vmem_shared>> -> memref<520x32xf32, #tpu.memory_space<vmem_shared>>
        %dma_start3A_48 = arith.constant 0 : i32
        %dma_start3A_49 = arith.constant 0 : i32
        %dma_start3A_50 = tpu.memref_slice %arg3[%arg0, %dma_start3A_48, %dma_start3A_49] : memref<2x10000x32xf32, #tpu.memory_space<hbm>> -> memref<1x10000x32xf32, #tpu.memory_space<hbm>>
        %dma_start3A_51 = tpu.memref_squeeze %dma_start3A_50 : memref<1x10000x32xf32, #tpu.memory_space<hbm>> -> memref<10000x32xf32, #tpu.memory_space<hbm>>
        %dma_start3A_52 = arith.constant 9480 : i32
        %dma_start3A_53 = arith.constant 0 : i32
        %dma_start3A_54 = tpu.memref_slice %dma_start3A_51[%dma_start3A_52, %dma_start3A_53] : memref<10000x32xf32, #tpu.memory_space<hbm>> -> memref<520x32xf32, #tpu.memory_space<hbm>>
        tpu.enqueue_dma source(%dma_start3A_54 : memref<520x32xf32, #tpu.memory_space<hbm>>) target(%dma_start3A_47 : memref<520x32xf32, #tpu.memory_space<vmem_shared>>) target_semaphore(%run_scoped3A : memref<!tpu.dma_semaphore, #tpu.memory_space<semaphore_mem>>)
        %dma_wait3A = arith.constant 9480 : i32
        %dma_wait3A_55 = arith.constant 0 : i32
        %dma_wait3A_56 = tpu.memref_slice %arg14[%dma_wait3A, %dma_wait3A_55] : memref<10000x32xf32, #tpu.memory_space<vmem_shared>> -> memref<520x32xf32, #tpu.memory_space<vmem_shared>>
        %dma_wait3A_57 = arith.constant 0 : i32
        %dma_wait3A_58 = arith.constant 0 : i32
        %dma_wait3A_59 = tpu.memref_slice %arg3[%arg0, %dma_wait3A_57, %dma_wait3A_58] : memref<2x10000x32xf32, #tpu.memory_space<hbm>> -> memref<1x10000x32xf32, #tpu.memory_space<hbm>>
        %dma_wait3A_60 = tpu.memref_squeeze %dma_wait3A_59 : memref<1x10000x32xf32, #tpu.memory_space<hbm>> -> memref<10000x32xf32, #tpu.memory_space<hbm>>
        %dma_wait3A_61 = arith.constant 9480 : i32
        %dma_wait3A_62 = arith.constant 0 : i32
        %dma_wait3A_63 = tpu.memref_slice %dma_wait3A_60[%dma_wait3A_61, %dma_wait3A_62] : memref<10000x32xf32, #tpu.memory_space<hbm>> -> memref<520x32xf32, #tpu.memory_space<hbm>>
        tpu.wait_dma2 semaphore(%run_scoped3A : memref<!tpu.dma_semaphore, #tpu.memory_space<semaphore_mem>>) src(%dma_wait3A_63 : memref<520x32xf32, #tpu.memory_space<hbm>>) dst(%dma_wait3A_56 : memref<520x32xf32, #tpu.memory_space<vmem_shared>>)
        tpu.yield
      }) : () -> ()
    } else {
    }
    %broadcast_in_dim3A = arith.constant 10000 : i32
    %broadcast_in_dim3A_6 = vector.broadcast %broadcast_in_dim3A : i32 to vector<16xi32>
    %swap3A = arith.constant 0 : index
    %swap3A_7 = tpu.vector_load %arg9[%swap3A] {strides = array<i32>} : memref<16xi32, #tpu.memory_space<vmem>>, vector<16xi32>,
    %swap3A_8 = vector.shape_cast %swap3A_7 : vector<16xi32> to vector<16xi32>
    %swap3A_9 = vector.shape_cast %broadcast_in_dim3A_6 : vector<16xi32> to vector<16xi32>
    tpu.vector_store %arg9[%swap3A], %swap3A_9 {strides = array<i32>} : memref<16xi32, #tpu.memory_space<vmem>>, vector<16xi32>,
    "tpu.region"() ({
      %run_scoped3A = tpu.sem_alloc : memref<!tpu.dma_semaphore, #tpu.memory_space<semaphore_mem>>
      %dma_start3A = arith.constant 0 : i32
      %dma_start3A_46 = arith.constant 0 : i32
      %dma_start3A_47 = tpu.memref_slice %arg2[%dma_start3A, %dma_start3A_46] : memref<10008x128xf32, #tpu.memory_space<hbm>> -> memref<10008x128xf32, #tpu.memory_space<hbm>>
      tpu.enqueue_indirect_dma source(%dma_start3A_47 : memref<10008x128xf32, #tpu.memory_space<hbm>>) target(%arg12 : memref<16x128xf32, #tpu.memory_space<vmem>>) offsets(%arg9 : memref<16xi32, #tpu.memory_space<vmem>>) semaphore(%run_scoped3A : memref<!tpu.dma_semaphore, #tpu.memory_space<semaphore_mem>>)
      %dma_wait3A = arith.constant 0 : i32
      %dma_wait3A_48 = arith.constant 0 : i32
      %dma_wait3A_49 = tpu.memref_slice %arg2[%dma_wait3A, %dma_wait3A_48] : memref<10008x128xf32, #tpu.memory_space<hbm>> -> memref<10008x128xf32, #tpu.memory_space<hbm>>
      tpu.wait_indirect_dma semaphore(%run_scoped3A : memref<!tpu.dma_semaphore, #tpu.memory_space<semaphore_mem>>) src(%dma_wait3A_49 : memref<10008x128xf32, #tpu.memory_space<hbm>>) dst(%arg12 : memref<16x128xf32, #tpu.memory_space<vmem>>)
      tpu.yield
    }) : () -> ()
    %barrier3A = arith.constant 0 : index
    tpu.barrier barrier_id(%barrier3A)
    %get3A = arith.constant 0 : i32
    %get3A_10 = arith.index_cast %get3A : i32 to index
    %get3A_11 = arith.constant 64 : index
    %get3A_12 = tpu.vector_load %arg12[%get3A_10, %get3A_11] {strides = array<i32>} : memref<16x128xf32, #tpu.memory_space<vmem>>, vector<1x16xf32>,
    %get3A_13 = vector.shape_cast %get3A_12 : vector<1x16xf32> to vector<16xf32>
    %get3A_14 = arith.constant 0 : i32
    %get3A_15 = arith.index_cast %get3A_14 : i32 to index
    %get3A_16 = arith.constant 0 : index
    %get3A_17 = tpu.vector_load %arg12[%get3A_15, %get3A_16] {strides = array<i32>} : memref<16x128xf32, #tpu.memory_space<vmem>>, vector<1x16xf32>,
    %get3A_18 = vector.shape_cast %get3A_17 : vector<1x16xf32> to vector<16xf32>
    %get3A_19 = arith.constant 0 : i32
    %get3A_20 = arith.index_cast %get3A_19 : i32 to index
    %get3A_21 = arith.constant 16 : index
    %get3A_22 = tpu.vector_load %arg12[%get3A_20, %get3A_21] {strides = array<i32>} : memref<16x128xf32, #tpu.memory_space<vmem>>, vector<1x16xf32>,
    %get3A_23 = vector.shape_cast %get3A_22 : vector<1x16xf32> to vector<16xf32>
    %mul3A = arith.constant 24 : i32
    %mul3A_24 = arith.muli %arg0, %mul3A : i32
    %multiple_of3A = tpu.assume_multiple %mul3A_24, 8 : i32
    %mul3A_25 = arith.constant 24 : i32
    %mul3A_26 = arith.muli %arg0, %mul3A_25 : i32
    %add3A = arith.constant 16 : i32
    %add3A_27 = arith.addi %mul3A_26, %add3A : i32
    %multiple_of3A_28 = tpu.assume_multiple %add3A_27, 8 : i32
    %mul3A_29 = arith.constant 20000 : i32
    %mul3A_30 = arith.muli %arg1, %mul3A_29 : i32
    %scan3A = arith.constant 0 : i32
    %scan3A_31 = arith.constant 250 : i32
    %scan3A_32 = arith.addi %scan3A, %scan3A_31 : i32
    %scan3A_33 = arith.constant 1 : i32
    scf.for %scan3A_46 = %scan3A to %scan3A_32 step %scan3A_33  : i32 {
      %mul3A_47 = arith.constant 1 : i32
      %mul3A_48 = arith.muli %scan3A_46, %mul3A_47 : i32
      %add3A_49 = arith.constant 0 : i32
      %add3A_50 = arith.addi %add3A_49, %mul3A_48 : i32
      %mul3A_51 = arith.constant 80 : i32
      %mul3A_52 = arith.muli %add3A_50, %mul3A_51 : i32
      %add3A_53 = arith.addi %mul3A_30, %mul3A_52 : i32
      "tpu.region"() ({
        %run_scoped3A = tpu.sem_alloc : memref<!tpu.dma_semaphore, #tpu.memory_space<semaphore_mem>>
        %dma_start3A_69 = tpu.memref_slice %arg4[%add3A_53] : memref<320000xi32, #tpu.memory_space<hbm>> -> memref<80xi32, #tpu.memory_space<hbm>>
        %dma_start3A_70 = tpu.memref_slice %arg4[%add3A_53] : memref<320000xi32, #tpu.memory_space<hbm>> -> memref<80xi32, #tpu.memory_space<hbm>>
        tpu.enqueue_dma source(%dma_start3A_70 : memref<80xi32, #tpu.memory_space<hbm>>) target(%arg7 : memref<80xi32, #tpu.memory_space<vmem>>) target_semaphore(%run_scoped3A : memref<!tpu.dma_semaphore, #tpu.memory_space<semaphore_mem>>)
        %dma_wait3A_71 = tpu.memref_slice %arg4[%add3A_53] : memref<320000xi32, #tpu.memory_space<hbm>> -> memref<80xi32, #tpu.memory_space<hbm>>
        %dma_wait3A_72 = tpu.memref_slice %arg4[%add3A_53] : memref<320000xi32, #tpu.memory_space<hbm>> -> memref<80xi32, #tpu.memory_space<hbm>>
        tpu.wait_dma2 semaphore(%run_scoped3A : memref<!tpu.dma_semaphore, #tpu.memory_space<semaphore_mem>>) src(%dma_wait3A_72 : memref<80xi32, #tpu.memory_space<hbm>>) dst(%arg7 : memref<80xi32, #tpu.memory_space<vmem>>)
        tpu.yield
      }) : () -> ()
      "tpu.region"() ({
        %run_scoped3A = tpu.sem_alloc : memref<!tpu.dma_semaphore, #tpu.memory_space<semaphore_mem>>
        %dma_start3A_69 = tpu.memref_slice %arg5[%add3A_53] : memref<320000xi32, #tpu.memory_space<hbm>> -> memref<80xi32, #tpu.memory_space<hbm>>
        %dma_start3A_70 = tpu.memref_slice %arg5[%add3A_53] : memref<320000xi32, #tpu.memory_space<hbm>> -> memref<80xi32, #tpu.memory_space<hbm>>
        tpu.enqueue_dma source(%dma_start3A_70 : memref<80xi32, #tpu.memory_space<hbm>>) target(%arg8 : memref<80xi32, #tpu.memory_space<vmem>>) target_semaphore(%run_scoped3A : memref<!tpu.dma_semaphore, #tpu.memory_space<semaphore_mem>>)
        %dma_wait3A_71 = tpu.memref_slice %arg5[%add3A_53] : memref<320000xi32, #tpu.memory_space<hbm>> -> memref<80xi32, #tpu.memory_space<hbm>>
        %dma_wait3A_72 = tpu.memref_slice %arg5[%add3A_53] : memref<320000xi32, #tpu.memory_space<hbm>> -> memref<80xi32, #tpu.memory_space<hbm>>
        tpu.wait_dma2 semaphore(%run_scoped3A : memref<!tpu.dma_semaphore, #tpu.memory_space<semaphore_mem>>) src(%dma_wait3A_72 : memref<80xi32, #tpu.memory_space<hbm>>) dst(%arg8 : memref<80xi32, #tpu.memory_space<vmem>>)
        tpu.yield
      }) : () -> ()
      %dma_start3A = arith.constant 0 : i32
      %dma_start3A_54 = arith.constant 0 : i32
      %dma_start3A_55 = tpu.memref_slice %arg2[%dma_start3A, %dma_start3A_54] : memref<10008x128xf32, #tpu.memory_space<hbm>> -> memref<10008x128xf32, #tpu.memory_space<hbm>>
      tpu.enqueue_indirect_dma source(%dma_start3A_55 : memref<10008x128xf32, #tpu.memory_space<hbm>>) target(%arg10 : memref<80x128xf32, #tpu.memory_space<vmem>>) offsets(%arg7 : memref<80xi32, #tpu.memory_space<vmem>>) semaphore(%arg15 : memref<!tpu.dma_semaphore, #tpu.memory_space<semaphore_mem>>)
      %dma_start3A_56 = arith.constant 0 : i32
      %dma_start3A_57 = arith.constant 0 : i32
      %dma_start3A_58 = tpu.memref_slice %arg2[%dma_start3A_56, %dma_start3A_57] : memref<10008x128xf32, #tpu.memory_space<hbm>> -> memref<10008x128xf32, #tpu.memory_space<hbm>>
      tpu.enqueue_indirect_dma source(%dma_start3A_58 : memref<10008x128xf32, #tpu.memory_space<hbm>>) target(%arg11 : memref<80x128xf32, #tpu.memory_space<vmem>>) offsets(%arg8 : memref<80xi32, #tpu.memory_space<vmem>>) semaphore(%arg16 : memref<!tpu.dma_semaphore, #tpu.memory_space<semaphore_mem>>)
      %dma_wait3A = arith.constant 0 : i32
      %dma_wait3A_59 = arith.constant 0 : i32
      %dma_wait3A_60 = tpu.memref_slice %arg2[%dma_wait3A, %dma_wait3A_59] : memref<10008x128xf32, #tpu.memory_space<hbm>> -> memref<10008x128xf32, #tpu.memory_space<hbm>>
      tpu.wait_indirect_dma semaphore(%arg15 : memref<!tpu.dma_semaphore, #tpu.memory_space<semaphore_mem>>) src(%dma_wait3A_60 : memref<10008x128xf32, #tpu.memory_space<hbm>>) dst(%arg10 : memref<80x128xf32, #tpu.memory_space<vmem>>)
      %dma_wait3A_61 = arith.constant 0 : i32
      %dma_wait3A_62 = arith.constant 0 : i32
      %dma_wait3A_63 = tpu.memref_slice %arg2[%dma_wait3A_61, %dma_wait3A_62] : memref<10008x128xf32, #tpu.memory_space<hbm>> -> memref<10008x128xf32, #tpu.memory_space<hbm>>
      tpu.wait_indirect_dma semaphore(%arg16 : memref<!tpu.dma_semaphore, #tpu.memory_space<semaphore_mem>>) src(%dma_wait3A_63 : memref<10008x128xf32, #tpu.memory_space<hbm>>) dst(%arg11 : memref<80x128xf32, #tpu.memory_space<vmem>>)
      %scan3A_64 = arith.constant 0 : i32
      %scan3A_65 = arith.constant 80 : i32
      %scan3A_66 = arith.addi %scan3A_64, %scan3A_65 : i32
      %scan3A_67 = arith.constant 1 : i32
      scf.for %scan3A_69 = %scan3A_64 to %scan3A_66 step %scan3A_67  : i32 {
        %mul3A_70 = arith.constant 1 : i32
        %mul3A_71 = arith.muli %scan3A_69, %mul3A_70 : i32
        %add3A_72 = arith.constant 0 : i32
        %add3A_73 = arith.addi %add3A_72, %mul3A_71 : i32
        %get3A_74 = arith.index_cast %add3A_73 : i32 to index
        %get3A_75 = arith.constant 64 : index
        %get3A_76 = tpu.vector_load %arg10[%get3A_74, %get3A_75] {strides = array<i32>} : memref<80x128xf32, #tpu.memory_space<vmem>>, vector<1x16xf32>,
        %get3A_77 = vector.shape_cast %get3A_76 : vector<1x16xf32> to vector<16xf32>
        %get3A_78 = arith.index_cast %add3A_73 : i32 to index
        %get3A_79 = arith.constant 96 : index
        %get3A_80 = tpu.vector_load %arg11[%get3A_78, %get3A_79] {strides = array<i32>} : memref<80x128xf32, #tpu.memory_space<vmem>>, vector<1x16xf32>,
        %get3A_81 = vector.shape_cast %get3A_80 : vector<1x16xf32> to vector<16xf32>
        %add3A_82 = arith.addf %get3A_77, %get3A_81 : vector<16xf32>
        %mul3A_83 = arith.constant 2.000000e-01 : f32
        %mul3A_84 = vector.broadcast %mul3A_83 : f32 to vector<16xf32>
        %mul3A_85 = arith.mulf %mul3A_84, %add3A_82 : vector<16xf32>
        %max3A = arith.maximumf %add3A_82, %mul3A_85 : vector<16xf32>
        %exp3A = math.exp %max3A : vector<16xf32>
        %mul3A_86 = arith.mulf %exp3A, %get3A_13 : vector<16xf32>
        %get3A_87 = arith.index_cast %add3A_73 : i32 to index
        %get3A_88 = arith.index_cast %multiple_of3A : i32 to index
        %get3A_89 = tpu.vector_load %arg10[%get3A_87, %get3A_88] {strides = array<i32>} : memref<80x128xf32, #tpu.memory_space<vmem>>, vector<1x16xf32>,
        %get3A_90 = vector.shape_cast %get3A_89 : vector<1x16xf32> to vector<16xf32>
        %mul3A_91 = arith.mulf %get3A_90, %mul3A_86 : vector<16xf32>
        %swap3A_92 = arith.index_cast %add3A_73 : i32 to index
        %swap3A_93 = arith.constant 0 : index
        %swap3A_94 = tpu.vector_load %arg13[%swap3A_92, %swap3A_93] {strides = array<i32>} : memref<80x32xf32, #tpu.memory_space<vmem>>, vector<1x16xf32>,
        %swap3A_95 = vector.shape_cast %swap3A_94 : vector<1x16xf32> to vector<16xf32>
        %swap3A_96 = vector.shape_cast %mul3A_91 : vector<16xf32> to vector<1x16xf32>
        tpu.vector_store %arg13[%swap3A_92, %swap3A_93], %swap3A_96 {strides = array<i32>} : memref<80x32xf32, #tpu.memory_space<vmem>>, vector<1x16xf32>,
        %get3A_97 = arith.index_cast %add3A_73 : i32 to index
        %get3A_98 = arith.index_cast %multiple_of3A_28 : i32 to index
        %get3A_99 = tpu.vector_load %arg10[%get3A_97, %get3A_98] {strides = array<i32>} : memref<80x128xf32, #tpu.memory_space<vmem>>, vector<1x16xf32>,
        %get3A_100 = vector.shape_cast %get3A_99 : vector<1x16xf32> to vector<16xf32>
        %mul3A_101 = arith.mulf %get3A_100, %mul3A_86 : vector<16xf32>
        %mul3A_102 = arith.mulf %mul3A_101, %get3A_18 : vector<16xf32>
        %mul3A_103 = arith.mulf %mul3A_86, %get3A_23 : vector<16xf32>
        %add3A_104 = arith.addf %mul3A_102, %mul3A_103 : vector<16xf32>
        %swap3A_105 = arith.index_cast %add3A_73 : i32 to index
        %swap3A_106 = arith.constant 16 : index
        %swap3A_107 = tpu.vector_load %arg13[%swap3A_105, %swap3A_106] {strides = array<i32>} : memref<80x32xf32, #tpu.memory_space<vmem>>, vector<1x16xf32>,
        %swap3A_108 = vector.shape_cast %swap3A_107 : vector<1x16xf32> to vector<16xf32>
        %swap3A_109 = vector.shape_cast %add3A_104 : vector<16xf32> to vector<1x16xf32>
        tpu.vector_store %arg13[%swap3A_105, %swap3A_106], %swap3A_109 {strides = array<i32>} : memref<80x32xf32, #tpu.memory_space<vmem>>, vector<1x16xf32>,
      }
      %scan3A_68 = arith.constant 80 : i32
      "tpu.region"() ({
        %run_scoped3A = tpu.sem_alloc : memref<!tpu.dma_semaphore, #tpu.memory_space<semaphore_mem>>
        %dma_start3A_69 = arith.constant 0 : i32
        %dma_start3A_70 = arith.constant 0 : i32
        %dma_start3A_71 = tpu.memref_slice %arg14[%dma_start3A_69, %dma_start3A_70] : memref<10000x32xf32, #tpu.memory_space<vmem_shared>> -> memref<10000x32xf32, #tpu.memory_space<vmem_shared>>
        tpu.enqueue_indirect_dma source(%arg13 : memref<80x32xf32, #tpu.memory_space<vmem>>) target(%dma_start3A_71 : memref<10000x32xf32, #tpu.memory_space<vmem_shared>>) offsets(%arg8 : memref<80xi32, #tpu.memory_space<vmem>>) semaphore(%run_scoped3A : memref<!tpu.dma_semaphore, #tpu.memory_space<semaphore_mem>>) {add = true}
        %dma_wait3A_72 = arith.constant 0 : i32
        %dma_wait3A_73 = arith.constant 0 : i32
        %dma_wait3A_74 = tpu.memref_slice %arg14[%dma_wait3A_72, %dma_wait3A_73] : memref<10000x32xf32, #tpu.memory_space<vmem_shared>> -> memref<10000x32xf32, #tpu.memory_space<vmem_shared>>
        tpu.wait_indirect_dma semaphore(%run_scoped3A : memref<!tpu.dma_semaphore, #tpu.memory_space<semaphore_mem>>) src(%arg13 : memref<80x32xf32, #tpu.memory_space<vmem>>) dst(%dma_wait3A_74 : memref<10000x32xf32, #tpu.memory_space<vmem_shared>>)
        tpu.yield
      }) : () -> ()
    }
    %scan3A_34 = arith.constant 250 : i32
    %barrier3A_35 = arith.constant 0 : index
    tpu.barrier barrier_id(%barrier3A_35)
    %lt3A_36 = arith.constant 15 : i32
    %lt3A_37 = arith.cmpi slt, %arg1, %lt3A_36 : i32
    %convert_element_type3A_38 = arith.extui %lt3A_37 : i1 to i32
    %cond3A_39 = arith.constant 0 : i32
    %cond3A_40 = arith.cmpi ne, %convert_element_type3A_38, %cond3A_39 : i32
    scf.if %cond3A_40 {
      %mul3A_46 = arith.constant 632 : i32
      %mul3A_47 = arith.muli %arg1, %mul3A_46 : i32
      %multiple_of3A_48 = tpu.assume_multiple %mul3A_47, 8 : i32
      "tpu.region"() ({
        %run_scoped3A = tpu.sem_alloc : memref<!tpu.dma_semaphore, #tpu.memory_space<semaphore_mem>>
        %dma_start3A = arith.constant 0 : i32
        %dma_start3A_49 = arith.constant 0 : i32
        %dma_start3A_50 = tpu.memref_slice %arg6[%arg0, %dma_start3A, %dma_start3A_49] : memref<2x10000x32xf32, #tpu.memory_space<hbm>> -> memref<1x10000x32xf32, #tpu.memory_space<hbm>>
        %dma_start3A_51 = tpu.memref_squeeze %dma_start3A_50 : memref<1x10000x32xf32, #tpu.memory_space<hbm>> -> memref<10000x32xf32, #tpu.memory_space<hbm>>
        %dma_start3A_52 = arith.constant 0 : i32
        %dma_start3A_53 = tpu.memref_slice %dma_start3A_51[%multiple_of3A_48, %dma_start3A_52] : memref<10000x32xf32, #tpu.memory_space<hbm>> -> memref<632x32xf32, #tpu.memory_space<hbm>>
        %dma_start3A_54 = arith.constant 0 : i32
        %dma_start3A_55 = tpu.memref_slice %arg14[%multiple_of3A_48, %dma_start3A_54] : memref<10000x32xf32, #tpu.memory_space<vmem_shared>> -> memref<632x32xf32, #tpu.memory_space<vmem_shared>>
        tpu.enqueue_dma source(%dma_start3A_55 : memref<632x32xf32, #tpu.memory_space<vmem_shared>>) target(%dma_start3A_53 : memref<632x32xf32, #tpu.memory_space<hbm>>) target_semaphore(%run_scoped3A : memref<!tpu.dma_semaphore, #tpu.memory_space<semaphore_mem>>)
        %dma_wait3A = arith.constant 0 : i32
        %dma_wait3A_56 = arith.constant 0 : i32
        %dma_wait3A_57 = tpu.memref_slice %arg6[%arg0, %dma_wait3A, %dma_wait3A_56] : memref<2x10000x32xf32, #tpu.memory_space<hbm>> -> memref<1x10000x32xf32, #tpu.memory_space<hbm>>
        %dma_wait3A_58 = tpu.memref_squeeze %dma_wait3A_57 : memref<1x10000x32xf32, #tpu.memory_space<hbm>> -> memref<10000x32xf32, #tpu.memory_space<hbm>>
        %dma_wait3A_59 = arith.constant 0 : i32
        %dma_wait3A_60 = tpu.memref_slice %dma_wait3A_58[%multiple_of3A_48, %dma_wait3A_59] : memref<10000x32xf32, #tpu.memory_space<hbm>> -> memref<632x32xf32, #tpu.memory_space<hbm>>
        %dma_wait3A_61 = arith.constant 0 : i32
        %dma_wait3A_62 = tpu.memref_slice %arg14[%multiple_of3A_48, %dma_wait3A_61] : memref<10000x32xf32, #tpu.memory_space<vmem_shared>> -> memref<632x32xf32, #tpu.memory_space<vmem_shared>>
        tpu.wait_dma2 semaphore(%run_scoped3A : memref<!tpu.dma_semaphore, #tpu.memory_space<semaphore_mem>>) src(%dma_wait3A_62 : memref<632x32xf32, #tpu.memory_space<vmem_shared>>) dst(%dma_wait3A_60 : memref<632x32xf32, #tpu.memory_space<hbm>>)
        tpu.yield
      }) : () -> ()
    } else {
    }
    %eq3A_41 = arith.constant 15 : i32
    %eq3A_42 = arith.cmpi eq, %arg1, %eq3A_41 : i32
    %convert_element_type3A_43 = arith.extui %eq3A_42 : i1 to i32
    %cond3A_44 = arith.constant 0 : i32
    %cond3A_45 = arith.cmpi ne, %convert_element_type3A_43, %cond3A_44 : i32
    scf.if %cond3A_45 {
      "tpu.region"() ({
        %run_scoped3A = tpu.sem_alloc : memref<!tpu.dma_semaphore, #tpu.memory_space<semaphore_mem>>
        %dma_start3A = arith.constant 0 : i32
        %dma_start3A_46 = arith.constant 0 : i32
        %dma_start3A_47 = tpu.memref_slice %arg6[%arg0, %dma_start3A, %dma_start3A_46] : memref<2x10000x32xf32, #tpu.memory_space<hbm>> -> memref<1x10000x32xf32, #tpu.memory_space<hbm>>
        %dma_start3A_48 = tpu.memref_squeeze %dma_start3A_47 : memref<1x10000x32xf32, #tpu.memory_space<hbm>> -> memref<10000x32xf32, #tpu.memory_space<hbm>>
        %dma_start3A_49 = arith.constant 9480 : i32
        %dma_start3A_50 = arith.constant 0 : i32
        %dma_start3A_51 = tpu.memref_slice %dma_start3A_48[%dma_start3A_49, %dma_start3A_50] : memref<10000x32xf32, #tpu.memory_space<hbm>> -> memref<520x32xf32, #tpu.memory_space<hbm>>
        %dma_start3A_52 = arith.constant 9480 : i32
        %dma_start3A_53 = arith.constant 0 : i32
        %dma_start3A_54 = tpu.memref_slice %arg14[%dma_start3A_52, %dma_start3A_53] : memref<10000x32xf32, #tpu.memory_space<vmem_shared>> -> memref<520x32xf32, #tpu.memory_space<vmem_shared>>
        tpu.enqueue_dma source(%dma_start3A_54 : memref<520x32xf32, #tpu.memory_space<vmem_shared>>) target(%dma_start3A_51 : memref<520x32xf32, #tpu.memory_space<hbm>>) target_semaphore(%run_scoped3A : memref<!tpu.dma_semaphore, #tpu.memory_space<semaphore_mem>>)
        %dma_wait3A = arith.constant 0 : i32
        %dma_wait3A_55 = arith.constant 0 : i32
        %dma_wait3A_56 = tpu.memref_slice %arg6[%arg0, %dma_wait3A, %dma_wait3A_55] : memref<2x10000x32xf32, #tpu.memory_space<hbm>> -> memref<1x10000x32xf32, #tpu.memory_space<hbm>>
        %dma_wait3A_57 = tpu.memref_squeeze %dma_wait3A_56 : memref<1x10000x32xf32, #tpu.memory_space<hbm>> -> memref<10000x32xf32, #tpu.memory_space<hbm>>
        %dma_wait3A_58 = arith.constant 9480 : i32
        %dma_wait3A_59 = arith.constant 0 : i32
        %dma_wait3A_60 = tpu.memref_slice %dma_wait3A_57[%dma_wait3A_58, %dma_wait3A_59] : memref<10000x32xf32, #tpu.memory_space<hbm>> -> memref<520x32xf32, #tpu.memory_space<hbm>>
        %dma_wait3A_61 = arith.constant 9480 : i32
        %dma_wait3A_62 = arith.constant 0 : i32
        %dma_wait3A_63 = tpu.memref_slice %arg14[%dma_wait3A_61, %dma_wait3A_62] : memref<10000x32xf32, #tpu.memory_space<vmem_shared>> -> memref<520x32xf32, #tpu.memory_space<vmem_shared>>
        tpu.wait_dma2 semaphore(%run_scoped3A : memref<!tpu.dma_semaphore, #tpu.memory_space<semaphore_mem>>) src(%dma_wait3A_63 : memref<520x32xf32, #tpu.memory_space<vmem_shared>>) dst(%dma_wait3A_60 : memref<520x32xf32, #tpu.memory_space<hbm>>)
        tpu.yield
      }) : () -> ()
    } else {
    }
    return
  }
}

module attributes {stable_mosaic.version = 14 : i64} {
  func.func @_l1_dense_body(%arg0: memref<10000x128xf32, #tpu.memory_space<vmem>>, %arg1: memref<128x256xf32, #tpu.memory_space<vmem>>, %arg2: memref<256x8xf32, #tpu.memory_space<vmem>>, %arg3: memref<256x8xf32, #tpu.memory_space<vmem>>, %arg4: memref<2x10000x128xf32, #tpu.memory_space<vmem>>, %arg5: memref<10000x8xf32, #tpu.memory_space<vmem>>, %arg6: memref<10000x8xf32, #tpu.memory_space<vmem>>) attributes {dimension_semantics = [], scalar_prefetch = 0 : i64, scratch_operands = 0 : i64, tpu.core_type = #tpu.core_type<tc>} {
    %get3A = arith.constant 0 : index
    %get3A_0 = arith.constant 0 : index
    %get3A_1 = vector.load %arg0[%get3A, %get3A_0] : memref<10000x128xf32, #tpu.memory_space<vmem>>, vector<10000x128xf32>
    %get3A_2 = arith.constant 0 : index
    %get3A_3 = arith.constant 0 : index
    %get3A_4 = vector.load %arg1[%get3A_2, %get3A_3] : memref<128x256xf32, #tpu.memory_space<vmem>>, vector<128x256xf32>
    %dot_general3A = arith.constant dense<0.000000e+00> : vector<10000x256xf32>
    %dot_general3A_5 = tpu.matmul %get3A_1, %get3A_4, %dot_general3A {dimension_numbers = #tpu.dot_dimension_numbers<[1], [0], [0], [1], [0, 0, 1, 1], [], []>, transpose_lhs_hint = false} : vector<10000x128xf32>, vector<128x256xf32>, vector<10000x256xf32> -> vector<10000x256xf32>
    %slice3A = vector.extract_strided_slice %dot_general3A_5 {offsets = [0, 0], sizes = [10000, 128], strides = [1, 1]} : vector<10000x256xf32> to vector<10000x128xf32>
    %swap3A = arith.constant 0 : index
    %swap3A_6 = arith.constant 0 : index
    %swap3A_7 = arith.constant 0 : index
    %swap3A_8 = vector.load %arg4[%swap3A, %swap3A_6, %swap3A_7] : memref<2x10000x128xf32, #tpu.memory_space<vmem>>, vector<1x10000x128xf32>
    %swap3A_9 = vector.shape_cast %swap3A_8 : vector<1x10000x128xf32> to vector<10000x128xf32>
    %swap3A_10 = vector.shape_cast %slice3A : vector<10000x128xf32> to vector<1x10000x128xf32>
    tpu.vector_store %arg4[%swap3A, %swap3A_6, %swap3A_7], %swap3A_10 {strides = array<i32>} : memref<2x10000x128xf32, #tpu.memory_space<vmem>>, vector<1x10000x128xf32>,
    %slice3A_11 = vector.extract_strided_slice %dot_general3A_5 {offsets = [0, 128], sizes = [10000, 128], strides = [1, 1]} : vector<10000x256xf32> to vector<10000x128xf32>
    %swap3A_12 = arith.constant 1 : index
    %swap3A_13 = arith.constant 0 : index
    %swap3A_14 = arith.constant 0 : index
    %swap3A_15 = vector.load %arg4[%swap3A_12, %swap3A_13, %swap3A_14] : memref<2x10000x128xf32, #tpu.memory_space<vmem>>, vector<1x10000x128xf32>
    %swap3A_16 = vector.shape_cast %swap3A_15 : vector<1x10000x128xf32> to vector<10000x128xf32>
    %swap3A_17 = vector.shape_cast %slice3A_11 : vector<10000x128xf32> to vector<1x10000x128xf32>
    tpu.vector_store %arg4[%swap3A_12, %swap3A_13, %swap3A_14], %swap3A_17 {strides = array<i32>} : memref<2x10000x128xf32, #tpu.memory_space<vmem>>, vector<1x10000x128xf32>,
    %get3A_18 = arith.constant 0 : index
    %get3A_19 = arith.constant 0 : index
    %get3A_20 = vector.load %arg2[%get3A_18, %get3A_19] : memref<256x8xf32, #tpu.memory_space<vmem>>, vector<256x8xf32>
    %dot_general3A_21 = arith.constant dense<0.000000e+00> : vector<10000x8xf32>
    %dot_general3A_22 = tpu.matmul %dot_general3A_5, %get3A_20, %dot_general3A_21 {dimension_numbers = #tpu.dot_dimension_numbers<[1], [0], [0], [1], [0, 0, 1, 1], [], []>, transpose_lhs_hint = false} : vector<10000x256xf32>, vector<256x8xf32>, vector<10000x8xf32> -> vector<10000x8xf32>
    %swap3A_23 = arith.constant 0 : index
    %swap3A_24 = arith.constant 0 : index
    %swap3A_25 = vector.load %arg5[%swap3A_23, %swap3A_24] : memref<10000x8xf32, #tpu.memory_space<vmem>>, vector<10000x8xf32>
    tpu.vector_store %arg5[%swap3A_23, %swap3A_24], %dot_general3A_22 {strides = array<i32>} : memref<10000x8xf32, #tpu.memory_space<vmem>>, vector<10000x8xf32>,
    %get3A_26 = arith.constant 0 : index
    %get3A_27 = arith.constant 0 : index
    %get3A_28 = vector.load %arg3[%get3A_26, %get3A_27] : memref<256x8xf32, #tpu.memory_space<vmem>>, vector<256x8xf32>
    %dot_general3A_29 = arith.constant dense<0.000000e+00> : vector<10000x8xf32>
    %dot_general3A_30 = tpu.matmul %dot_general3A_5, %get3A_28, %dot_general3A_29 {dimension_numbers = #tpu.dot_dimension_numbers<[1], [0], [0], [1], [0, 0, 1, 1], [], []>, transpose_lhs_hint = false} : vector<10000x256xf32>, vector<256x8xf32>, vector<10000x8xf32> -> vector<10000x8xf32>
    %swap3A_31 = arith.constant 0 : index
    %swap3A_32 = arith.constant 0 : index
    %swap3A_33 = vector.load %arg6[%swap3A_31, %swap3A_32] : memref<10000x8xf32, #tpu.memory_space<vmem>>, vector<10000x8xf32>
    tpu.vector_store %arg6[%swap3A_31, %swap3A_32], %dot_general3A_30 {strides = array<i32>} : memref<10000x8xf32, #tpu.memory_space<vmem>>, vector<10000x8xf32>,
    return
  }
}

module attributes {stable_mosaic.version = 14 : i64} {
  func.func @_l1_stats_body(%arg0: memref<10000x8xf32, #tpu.memory_space<vmem>>, %arg1: memref<10000x8xf32, #tpu.memory_space<vmem>>, %arg2: memref<16x128xf32, #tpu.memory_space<vmem>>, %arg3: memref<2x10000x16xf32, #tpu.memory_space<vmem>>, %arg4: memref<10000x8xf32, #tpu.memory_space<vmem>>) attributes {dimension_semantics = [], scalar_prefetch = 0 : i64, scratch_operands = 0 : i64, tpu.core_type = #tpu.core_type<tc>} {
    %get3A = arith.constant 0 : index
    %get3A_0 = arith.constant 0 : index
    %get3A_1 = vector.load %arg0[%get3A, %get3A_0] : memref<10000x8xf32, #tpu.memory_space<vmem>>, vector<10000x8xf32>
    %get3A_2 = arith.constant 0 : index
    %get3A_3 = arith.constant 0 : index
    %get3A_4 = vector.load %arg1[%get3A_2, %get3A_3] : memref<10000x8xf32, #tpu.memory_space<vmem>>, vector<10000x8xf32>
    %reduce_max3A = arith.constant dense<0xFF800000> : vector<8xf32>
    %reduce_max3A_5 = vector.multi_reduction <maximumf>, %get3A_1, %reduce_max3A [0] : vector<10000x8xf32> to vector<8xf32>
    %broadcast_in_dim3A = vector.shape_cast %reduce_max3A_5 : vector<8xf32> to vector<1x8xf32>
    %reduce_max3A_6 = arith.constant dense<0xFF800000> : vector<8xf32>
    %reduce_max3A_7 = vector.multi_reduction <maximumf>, %get3A_4, %reduce_max3A_6 [0] : vector<10000x8xf32> to vector<8xf32>
    %broadcast_in_dim3A_8 = vector.shape_cast %reduce_max3A_7 : vector<8xf32> to vector<1x8xf32>
    %add3A = arith.addf %broadcast_in_dim3A, %broadcast_in_dim3A_8 : vector<1x8xf32>
    %mul3A = arith.constant 2.000000e-01 : f32
    %mul3A_9 = vector.broadcast %mul3A : f32 to vector<1x8xf32>
    %mul3A_10 = arith.mulf %mul3A_9, %add3A : vector<1x8xf32>
    %max3A = arith.maximumf %add3A, %mul3A_10 : vector<1x8xf32>
    %add3A_11 = arith.addf %get3A_1, %get3A_4 : vector<10000x8xf32>
    %mul3A_12 = arith.constant 2.000000e-01 : f32
    %mul3A_13 = vector.broadcast %mul3A_12 : f32 to vector<10000x8xf32>
    %mul3A_14 = arith.mulf %mul3A_13, %add3A_11 : vector<10000x8xf32>
    %max3A_15 = arith.maximumf %add3A_11, %mul3A_14 : vector<10000x8xf32>
    %sub3A = vector.broadcast %max3A : vector<1x8xf32> to vector<10000x8xf32>
    %sub3A_16 = arith.subf %max3A_15, %sub3A : vector<10000x8xf32>
    %exp3A = math.exp %sub3A_16 : vector<10000x8xf32>
    %slice3A = vector.extract_strided_slice %max3A {offsets = [0, 0], sizes = [1, 4], strides = [1, 1]} : vector<1x8xf32> to vector<1x4xf32>
    %jit3A = arith.constant 0 : i32
    %convert_element_type3A = arith.sitofp %jit3A : i32 to f32
    %pad3A = vector.broadcast %convert_element_type3A : f32 to vector<1x124xf32>
    %pad3A_17 = tpu.concatenate %slice3A, %pad3A in 1 : vector<1x4xf32>, vector<1x124xf32> -> vector<1x128xf32>
    %broadcast_in_dim3A_18 = arith.constant 0.000000e+00 : f32
    %broadcast_in_dim3A_19 = vector.broadcast %broadcast_in_dim3A_18 : f32 to vector<7x128xf32>
    %slice3A_20 = vector.extract_strided_slice %max3A {offsets = [0, 4], sizes = [1, 4], strides = [1, 1]} : vector<1x8xf32> to vector<1x4xf32>
    %jit3A_21 = arith.constant 0 : i32
    %convert_element_type3A_22 = arith.sitofp %jit3A_21 : i32 to f32
    %pad3A_23 = vector.broadcast %convert_element_type3A_22 : f32 to vector<1x124xf32>
    %pad3A_24 = tpu.concatenate %slice3A_20, %pad3A_23 in 1 : vector<1x4xf32>, vector<1x124xf32> -> vector<1x128xf32>
    %broadcast_in_dim3A_25 = arith.constant 0.000000e+00 : f32
    %broadcast_in_dim3A_26 = vector.broadcast %broadcast_in_dim3A_25 : f32 to vector<7x128xf32>
    %concatenate3A = tpu.concatenate %pad3A_17, %broadcast_in_dim3A_19, %pad3A_24, %broadcast_in_dim3A_26 in 0 : vector<1x128xf32>, vector<7x128xf32>, vector<1x128xf32>, vector<7x128xf32> -> vector<16x128xf32>
    %swap3A = arith.constant 0 : index
    %swap3A_27 = arith.constant 0 : index
    %swap3A_28 = vector.load %arg2[%swap3A, %swap3A_27] : memref<16x128xf32, #tpu.memory_space<vmem>>, vector<16x128xf32>
    tpu.vector_store %arg2[%swap3A, %swap3A_27], %concatenate3A {strides = array<i32>} : memref<16x128xf32, #tpu.memory_space<vmem>>, vector<16x128xf32>,
    %slice3A_29 = vector.extract_strided_slice %exp3A {offsets = [0, 0], sizes = [10000, 4], strides = [1, 1]} : vector<10000x8xf32> to vector<10000x4xf32>
    %jit3A_30 = arith.constant 0 : i32
    %convert_element_type3A_31 = arith.sitofp %jit3A_30 : i32 to f32
    %pad3A_32 = vector.broadcast %convert_element_type3A_31 : f32 to vector<10000x12xf32>
    %pad3A_33 = tpu.concatenate %slice3A_29, %pad3A_32 in 1 : vector<10000x4xf32>, vector<10000x12xf32> -> vector<10000x16xf32>
    %swap3A_34 = arith.constant 0 : index
    %swap3A_35 = arith.constant 0 : index
    %swap3A_36 = arith.constant 0 : index
    %swap3A_37 = vector.load %arg3[%swap3A_34, %swap3A_35, %swap3A_36] : memref<2x10000x16xf32, #tpu.memory_space<vmem>>, vector<1x10000x16xf32>
    %swap3A_38 = vector.shape_cast %swap3A_37 : vector<1x10000x16xf32> to vector<10000x16xf32>
    %swap3A_39 = vector.shape_cast %pad3A_33 : vector<10000x16xf32> to vector<1x10000x16xf32>
    tpu.vector_store %arg3[%swap3A_34, %swap3A_35, %swap3A_36], %swap3A_39 {strides = array<i32>} : memref<2x10000x16xf32, #tpu.memory_space<vmem>>, vector<1x10000x16xf32>,
    %slice3A_40 = vector.extract_strided_slice %exp3A {offsets = [0, 4], sizes = [10000, 4], strides = [1, 1]} : vector<10000x8xf32> to vector<10000x4xf32>
    %jit3A_41 = arith.constant 0 : i32
    %convert_element_type3A_42 = arith.sitofp %jit3A_41 : i32 to f32
    %pad3A_43 = vector.broadcast %convert_element_type3A_42 : f32 to vector<10000x12xf32>
    %pad3A_44 = tpu.concatenate %slice3A_40, %pad3A_43 in 1 : vector<10000x4xf32>, vector<10000x12xf32> -> vector<10000x16xf32>
    %swap3A_45 = arith.constant 1 : index
    %swap3A_46 = arith.constant 0 : index
    %swap3A_47 = arith.constant 0 : index
    %swap3A_48 = vector.load %arg3[%swap3A_45, %swap3A_46, %swap3A_47] : memref<2x10000x16xf32, #tpu.memory_space<vmem>>, vector<1x10000x16xf32>
    %swap3A_49 = vector.shape_cast %swap3A_48 : vector<1x10000x16xf32> to vector<10000x16xf32>
    %swap3A_50 = vector.shape_cast %pad3A_44 : vector<10000x16xf32> to vector<1x10000x16xf32>
    tpu.vector_store %arg3[%swap3A_45, %swap3A_46, %swap3A_47], %swap3A_50 {strides = array<i32>} : memref<2x10000x16xf32, #tpu.memory_space<vmem>>, vector<1x10000x16xf32>,
    %swap3A_51 = arith.constant 0 : index
    %swap3A_52 = arith.constant 0 : index
    %swap3A_53 = vector.load %arg4[%swap3A_51, %swap3A_52] : memref<10000x8xf32, #tpu.memory_space<vmem>>, vector<10000x8xf32>
    tpu.vector_store %arg4[%swap3A_51, %swap3A_52], %exp3A {strides = array<i32>} : memref<10000x8xf32, #tpu.memory_space<vmem>>, vector<10000x8xf32>,
    return
  }
}

module attributes {stable_mosaic.version = 14 : i64} {
  func.func @_l1_rinit_body(%arg0: i32, %arg1: memref<1000x8xf32, #tpu.memory_space<vmem>>, %arg2: memref<2x1000x128xf32, #tpu.memory_space<vmem>>, %arg3: memref<4x2x1000x32xf32, #tpu.memory_space<vmem>>) attributes {dimension_semantics = [#tpu.dimension_semantics<arbitrary>], iteration_bounds = array<i64: 10>, scalar_prefetch = 0 : i64, scratch_operands = 0 : i64, tpu.core_type = #tpu.core_type<tc>, window_params = [{transform_indices = @transform_0, window_bounds = array<i64: 1000, 8>}, {transform_indices = @transform_1, window_bounds = array<i64: 2, 1000, 128>}, {transform_indices = @transform_2, window_bounds = array<i64: 4, 2, 1000, 32>}]} {
    %get3A = arith.constant 0 : index
    %get3A_0 = arith.constant 0 : index
    %get3A_1 = vector.load %arg1[%get3A, %get3A_0] : memref<1000x8xf32, #tpu.memory_space<vmem>>, vector<1000x8xf32>
    %slice3A = vector.extract_strided_slice %get3A_1 {offsets = [0, 0], sizes = [1000, 1], strides = [1, 1]} : vector<1000x8xf32> to vector<1000x1xf32>
    %squeeze3A = vector.shape_cast %slice3A : vector<1000x1xf32> to vector<1000xf32>
    %broadcast_in_dim3A = vector.shape_cast %squeeze3A : vector<1000xf32> to vector<1000x1xf32>
    %get3A_2 = arith.constant 0 : index
    %get3A_3 = arith.constant 0 : index
    %get3A_4 = arith.constant 0 : index
    %get3A_5 = vector.load %arg2[%get3A_2, %get3A_3, %get3A_4] : memref<2x1000x128xf32, #tpu.memory_space<vmem>>, vector<1x1000x128xf32>
    %get3A_6 = vector.shape_cast %get3A_5 : vector<1x1000x128xf32> to vector<1000x128xf32>
    %slice3A_7 = vector.extract_strided_slice %get3A_6 {offsets = [0, 0], sizes = [1000, 32], strides = [1, 1]} : vector<1000x128xf32> to vector<1000x32xf32>
    %mul3A = vector.broadcast %broadcast_in_dim3A : vector<1000x1xf32> to vector<1000x32xf32>
    %mul3A_8 = arith.mulf %mul3A, %slice3A_7 : vector<1000x32xf32>
    %swap3A = arith.constant 0 : index
    %swap3A_9 = arith.constant 0 : index
    %swap3A_10 = arith.constant 0 : index
    %swap3A_11 = arith.constant 0 : index
    %swap3A_12 = vector.load %arg3[%swap3A, %swap3A_9, %swap3A_10, %swap3A_11] : memref<4x2x1000x32xf32, #tpu.memory_space<vmem>>, vector<1x1x1000x32xf32>
    %swap3A_13 = vector.shape_cast %swap3A_12 : vector<1x1x1000x32xf32> to vector<1000x32xf32>
    %swap3A_14 = vector.shape_cast %mul3A_8 : vector<1000x32xf32> to vector<1x1x1000x32xf32>
    tpu.vector_store %arg3[%swap3A, %swap3A_9, %swap3A_10, %swap3A_11], %swap3A_14 {strides = array<i32>} : memref<4x2x1000x32xf32, #tpu.memory_space<vmem>>, vector<1x1x1000x32xf32>,
    %slice3A_15 = vector.extract_strided_slice %get3A_1 {offsets = [0, 4], sizes = [1000, 1], strides = [1, 1]} : vector<1000x8xf32> to vector<1000x1xf32>
    %squeeze3A_16 = vector.shape_cast %slice3A_15 : vector<1000x1xf32> to vector<1000xf32>
    %broadcast_in_dim3A_17 = vector.shape_cast %squeeze3A_16 : vector<1000xf32> to vector<1000x1xf32>
    %get3A_18 = arith.constant 1 : index
    %get3A_19 = arith.constant 0 : index
    %get3A_20 = arith.constant 0 : index
    %get3A_21 = vector.load %arg2[%get3A_18, %get3A_19, %get3A_20] : memref<2x1000x128xf32, #tpu.memory_space<vmem>>, vector<1x1000x128xf32>
    %get3A_22 = vector.shape_cast %get3A_21 : vector<1x1000x128xf32> to vector<1000x128xf32>
    %slice3A_23 = vector.extract_strided_slice %get3A_22 {offsets = [0, 0], sizes = [1000, 32], strides = [1, 1]} : vector<1000x128xf32> to vector<1000x32xf32>
    %mul3A_24 = vector.broadcast %broadcast_in_dim3A_17 : vector<1000x1xf32> to vector<1000x32xf32>
    %mul3A_25 = arith.mulf %mul3A_24, %slice3A_23 : vector<1000x32xf32>
    %swap3A_26 = arith.constant 0 : index
    %swap3A_27 = arith.constant 1 : index
    %swap3A_28 = arith.constant 0 : index
    %swap3A_29 = arith.constant 0 : index
    %swap3A_30 = vector.load %arg3[%swap3A_26, %swap3A_27, %swap3A_28, %swap3A_29] : memref<4x2x1000x32xf32, #tpu.memory_space<vmem>>, vector<1x1x1000x32xf32>
    %swap3A_31 = vector.shape_cast %swap3A_30 : vector<1x1x1000x32xf32> to vector<1000x32xf32>
    %swap3A_32 = vector.shape_cast %mul3A_25 : vector<1000x32xf32> to vector<1x1x1000x32xf32>
    tpu.vector_store %arg3[%swap3A_26, %swap3A_27, %swap3A_28, %swap3A_29], %swap3A_32 {strides = array<i32>} : memref<4x2x1000x32xf32, #tpu.memory_space<vmem>>, vector<1x1x1000x32xf32>,
    %slice3A_33 = vector.extract_strided_slice %get3A_1 {offsets = [0, 1], sizes = [1000, 1], strides = [1, 1]} : vector<1000x8xf32> to vector<1000x1xf32>
    %squeeze3A_34 = vector.shape_cast %slice3A_33 : vector<1000x1xf32> to vector<1000xf32>
    %broadcast_in_dim3A_35 = vector.shape_cast %squeeze3A_34 : vector<1000xf32> to vector<1000x1xf32>
    %get3A_36 = arith.constant 0 : index
    %get3A_37 = arith.constant 0 : index
    %get3A_38 = arith.constant 0 : index
    %get3A_39 = vector.load %arg2[%get3A_36, %get3A_37, %get3A_38] : memref<2x1000x128xf32, #tpu.memory_space<vmem>>, vector<1x1000x128xf32>
    %get3A_40 = vector.shape_cast %get3A_39 : vector<1x1000x128xf32> to vector<1000x128xf32>
    %slice3A_41 = vector.extract_strided_slice %get3A_40 {offsets = [0, 32], sizes = [1000, 32], strides = [1, 1]} : vector<1000x128xf32> to vector<1000x32xf32>
    %mul3A_42 = vector.broadcast %broadcast_in_dim3A_35 : vector<1000x1xf32> to vector<1000x32xf32>
    %mul3A_43 = arith.mulf %mul3A_42, %slice3A_41 : vector<1000x32xf32>
    %swap3A_44 = arith.constant 1 : index
    %swap3A_45 = arith.constant 0 : index
    %swap3A_46 = arith.constant 0 : index
    %swap3A_47 = arith.constant 0 : index
    %swap3A_48 = vector.load %arg3[%swap3A_44, %swap3A_45, %swap3A_46, %swap3A_47] : memref<4x2x1000x32xf32, #tpu.memory_space<vmem>>, vector<1x1x1000x32xf32>
    %swap3A_49 = vector.shape_cast %swap3A_48 : vector<1x1x1000x32xf32> to vector<1000x32xf32>
    %swap3A_50 = vector.shape_cast %mul3A_43 : vector<1000x32xf32> to vector<1x1x1000x32xf32>
    tpu.vector_store %arg3[%swap3A_44, %swap3A_45, %swap3A_46, %swap3A_47], %swap3A_50 {strides = array<i32>} : memref<4x2x1000x32xf32, #tpu.memory_space<vmem>>, vector<1x1x1000x32xf32>,
    %slice3A_51 = vector.extract_strided_slice %get3A_1 {offsets = [0, 5], sizes = [1000, 1], strides = [1, 1]} : vector<1000x8xf32> to vector<1000x1xf32>
    %squeeze3A_52 = vector.shape_cast %slice3A_51 : vector<1000x1xf32> to vector<1000xf32>
    %broadcast_in_dim3A_53 = vector.shape_cast %squeeze3A_52 : vector<1000xf32> to vector<1000x1xf32>
    %get3A_54 = arith.constant 1 : index
    %get3A_55 = arith.constant 0 : index
    %get3A_56 = arith.constant 0 : index
    %get3A_57 = vector.load %arg2[%get3A_54, %get3A_55, %get3A_56] : memref<2x1000x128xf32, #tpu.memory_space<vmem>>, vector<1x1000x128xf32>
    %get3A_58 = vector.shape_cast %get3A_57 : vector<1x1000x128xf32> to vector<1000x128xf32>
    %slice3A_59 = vector.extract_strided_slice %get3A_58 {offsets = [0, 32], sizes = [1000, 32], strides = [1, 1]} : vector<1000x128xf32> to vector<1000x32xf32>
    %mul3A_60 = vector.broadcast %broadcast_in_dim3A_53 : vector<1000x1xf32> to vector<1000x32xf32>
    %mul3A_61 = arith.mulf %mul3A_60, %slice3A_59 : vector<1000x32xf32>
    %swap3A_62 = arith.constant 1 : index
    %swap3A_63 = arith.constant 1 : index
    %swap3A_64 = arith.constant 0 : index
    %swap3A_65 = arith.constant 0 : index
    %swap3A_66 = vector.load %arg3[%swap3A_62, %swap3A_63, %swap3A_64, %swap3A_65] : memref<4x2x1000x32xf32, #tpu.memory_space<vmem>>, vector<1x1x1000x32xf32>
    %swap3A_67 = vector.shape_cast %swap3A_66 : vector<1x1x1000x32xf32> to vector<1000x32xf32>
    %swap3A_68 = vector.shape_cast %mul3A_61 : vector<1000x32xf32> to vector<1x1x1000x32xf32>
    tpu.vector_store %arg3[%swap3A_62, %swap3A_63, %swap3A_64, %swap3A_65], %swap3A_68 {strides = array<i32>} : memref<4x2x1000x32xf32, #tpu.memory_space<vmem>>, vector<1x1x1000x32xf32>,
    %slice3A_69 = vector.extract_strided_slice %get3A_1 {offsets = [0, 2], sizes = [1000, 1], strides = [1, 1]} : vector<1000x8xf32> to vector<1000x1xf32>
    %squeeze3A_70 = vector.shape_cast %slice3A_69 : vector<1000x1xf32> to vector<1000xf32>
    %broadcast_in_dim3A_71 = vector.shape_cast %squeeze3A_70 : vector<1000xf32> to vector<1000x1xf32>
    %get3A_72 = arith.constant 0 : index
    %get3A_73 = arith.constant 0 : index
    %get3A_74 = arith.constant 0 : index
    %get3A_75 = vector.load %arg2[%get3A_72, %get3A_73, %get3A_74] : memref<2x1000x128xf32, #tpu.memory_space<vmem>>, vector<1x1000x128xf32>
    %get3A_76 = vector.shape_cast %get3A_75 : vector<1x1000x128xf32> to vector<1000x128xf32>
    %slice3A_77 = vector.extract_strided_slice %get3A_76 {offsets = [0, 64], sizes = [1000, 32], strides = [1, 1]} : vector<1000x128xf32> to vector<1000x32xf32>
    %mul3A_78 = vector.broadcast %broadcast_in_dim3A_71 : vector<1000x1xf32> to vector<1000x32xf32>
    %mul3A_79 = arith.mulf %mul3A_78, %slice3A_77 : vector<1000x32xf32>
    %swap3A_80 = arith.constant 2 : index
    %swap3A_81 = arith.constant 0 : index
    %swap3A_82 = arith.constant 0 : index
    %swap3A_83 = arith.constant 0 : index
    %swap3A_84 = vector.load %arg3[%swap3A_80, %swap3A_81, %swap3A_82, %swap3A_83] : memref<4x2x1000x32xf32, #tpu.memory_space<vmem>>, vector<1x1x1000x32xf32>
    %swap3A_85 = vector.shape_cast %swap3A_84 : vector<1x1x1000x32xf32> to vector<1000x32xf32>
    %swap3A_86 = vector.shape_cast %mul3A_79 : vector<1000x32xf32> to vector<1x1x1000x32xf32>
    tpu.vector_store %arg3[%swap3A_80, %swap3A_81, %swap3A_82, %swap3A_83], %swap3A_86 {strides = array<i32>} : memref<4x2x1000x32xf32, #tpu.memory_space<vmem>>, vector<1x1x1000x32xf32>,
    %slice3A_87 = vector.extract_strided_slice %get3A_1 {offsets = [0, 6], sizes = [1000, 1], strides = [1, 1]} : vector<1000x8xf32> to vector<1000x1xf32>
    %squeeze3A_88 = vector.shape_cast %slice3A_87 : vector<1000x1xf32> to vector<1000xf32>
    %broadcast_in_dim3A_89 = vector.shape_cast %squeeze3A_88 : vector<1000xf32> to vector<1000x1xf32>
    %get3A_90 = arith.constant 1 : index
    %get3A_91 = arith.constant 0 : index
    %get3A_92 = arith.constant 0 : index
    %get3A_93 = vector.load %arg2[%get3A_90, %get3A_91, %get3A_92] : memref<2x1000x128xf32, #tpu.memory_space<vmem>>, vector<1x1000x128xf32>
    %get3A_94 = vector.shape_cast %get3A_93 : vector<1x1000x128xf32> to vector<1000x128xf32>
    %slice3A_95 = vector.extract_strided_slice %get3A_94 {offsets = [0, 64], sizes = [1000, 32], strides = [1, 1]} : vector<1000x128xf32> to vector<1000x32xf32>
    %mul3A_96 = vector.broadcast %broadcast_in_dim3A_89 : vector<1000x1xf32> to vector<1000x32xf32>
    %mul3A_97 = arith.mulf %mul3A_96, %slice3A_95 : vector<1000x32xf32>
    %swap3A_98 = arith.constant 2 : index
    %swap3A_99 = arith.constant 1 : index
    %swap3A_100 = arith.constant 0 : index
    %swap3A_101 = arith.constant 0 : index
    %swap3A_102 = vector.load %arg3[%swap3A_98, %swap3A_99, %swap3A_100, %swap3A_101] : memref<4x2x1000x32xf32, #tpu.memory_space<vmem>>, vector<1x1x1000x32xf32>
    %swap3A_103 = vector.shape_cast %swap3A_102 : vector<1x1x1000x32xf32> to vector<1000x32xf32>
    %swap3A_104 = vector.shape_cast %mul3A_97 : vector<1000x32xf32> to vector<1x1x1000x32xf32>
    tpu.vector_store %arg3[%swap3A_98, %swap3A_99, %swap3A_100, %swap3A_101], %swap3A_104 {strides = array<i32>} : memref<4x2x1000x32xf32, #tpu.memory_space<vmem>>, vector<1x1x1000x32xf32>,
    %slice3A_105 = vector.extract_strided_slice %get3A_1 {offsets = [0, 3], sizes = [1000, 1], strides = [1, 1]} : vector<1000x8xf32> to vector<1000x1xf32>
    %squeeze3A_106 = vector.shape_cast %slice3A_105 : vector<1000x1xf32> to vector<1000xf32>
    %broadcast_in_dim3A_107 = vector.shape_cast %squeeze3A_106 : vector<1000xf32> to vector<1000x1xf32>
    %get3A_108 = arith.constant 0 : index
    %get3A_109 = arith.constant 0 : index
    %get3A_110 = arith.constant 0 : index
    %get3A_111 = vector.load %arg2[%get3A_108, %get3A_109, %get3A_110] : memref<2x1000x128xf32, #tpu.memory_space<vmem>>, vector<1x1000x128xf32>
    %get3A_112 = vector.shape_cast %get3A_111 : vector<1x1000x128xf32> to vector<1000x128xf32>
    %slice3A_113 = vector.extract_strided_slice %get3A_112 {offsets = [0, 96], sizes = [1000, 32], strides = [1, 1]} : vector<1000x128xf32> to vector<1000x32xf32>
    %mul3A_114 = vector.broadcast %broadcast_in_dim3A_107 : vector<1000x1xf32> to vector<1000x32xf32>
    %mul3A_115 = arith.mulf %mul3A_114, %slice3A_113 : vector<1000x32xf32>
    %swap3A_116 = arith.constant 3 : index
    %swap3A_117 = arith.constant 0 : index
    %swap3A_118 = arith.constant 0 : index
    %swap3A_119 = arith.constant 0 : index
    %swap3A_120 = vector.load %arg3[%swap3A_116, %swap3A_117, %swap3A_118, %swap3A_119] : memref<4x2x1000x32xf32, #tpu.memory_space<vmem>>, vector<1x1x1000x32xf32>
    %swap3A_121 = vector.shape_cast %swap3A_120 : vector<1x1x1000x32xf32> to vector<1000x32xf32>
    %swap3A_122 = vector.shape_cast %mul3A_115 : vector<1000x32xf32> to vector<1x1x1000x32xf32>
    tpu.vector_store %arg3[%swap3A_116, %swap3A_117, %swap3A_118, %swap3A_119], %swap3A_122 {strides = array<i32>} : memref<4x2x1000x32xf32, #tpu.memory_space<vmem>>, vector<1x1x1000x32xf32>,
    %slice3A_123 = vector.extract_strided_slice %get3A_1 {offsets = [0, 7], sizes = [1000, 1], strides = [1, 1]} : vector<1000x8xf32> to vector<1000x1xf32>
    %squeeze3A_124 = vector.shape_cast %slice3A_123 : vector<1000x1xf32> to vector<1000xf32>
    %broadcast_in_dim3A_125 = vector.shape_cast %squeeze3A_124 : vector<1000xf32> to vector<1000x1xf32>
    %get3A_126 = arith.constant 1 : index
    %get3A_127 = arith.constant 0 : index
    %get3A_128 = arith.constant 0 : index
    %get3A_129 = vector.load %arg2[%get3A_126, %get3A_127, %get3A_128] : memref<2x1000x128xf32, #tpu.memory_space<vmem>>, vector<1x1000x128xf32>
    %get3A_130 = vector.shape_cast %get3A_129 : vector<1x1000x128xf32> to vector<1000x128xf32>
    %slice3A_131 = vector.extract_strided_slice %get3A_130 {offsets = [0, 96], sizes = [1000, 32], strides = [1, 1]} : vector<1000x128xf32> to vector<1000x32xf32>
    %mul3A_132 = vector.broadcast %broadcast_in_dim3A_125 : vector<1000x1xf32> to vector<1000x32xf32>
    %mul3A_133 = arith.mulf %mul3A_132, %slice3A_131 : vector<1000x32xf32>
    %swap3A_134 = arith.constant 3 : index
    %swap3A_135 = arith.constant 1 : index
    %swap3A_136 = arith.constant 0 : index
    %swap3A_137 = arith.constant 0 : index
    %swap3A_138 = vector.load %arg3[%swap3A_134, %swap3A_135, %swap3A_136, %swap3A_137] : memref<4x2x1000x32xf32, #tpu.memory_space<vmem>>, vector<1x1x1000x32xf32>
    %swap3A_139 = vector.shape_cast %swap3A_138 : vector<1x1x1000x32xf32> to vector<1000x32xf32>
    %swap3A_140 = vector.shape_cast %mul3A_133 : vector<1000x32xf32> to vector<1x1x1000x32xf32>
    tpu.vector_store %arg3[%swap3A_134, %swap3A_135, %swap3A_136, %swap3A_137], %swap3A_140 {strides = array<i32>} : memref<4x2x1000x32xf32, #tpu.memory_space<vmem>>, vector<1x1x1000x32xf32>,
    return
  }
  func.func @transform_0(%arg0: i32) -> (i32, i32) {
    %c0_i32 = arith.constant 0 : i32
    %c0_i32_0 = arith.constant 0 : i32
    return %arg0, %c0_i32 : i32, i32
  }
  func.func @transform_1(%arg0: i32) -> (i32, i32, i32) {
    %c0_i32 = arith.constant 0 : i32
    %c0_i32_0 = arith.constant 0 : i32
    %c0_i32_1 = arith.constant 0 : i32
    return %c0_i32, %arg0, %c0_i32_0 : i32, i32, i32
  }
  func.func @transform_2(%arg0: i32) -> (i32, i32, i32, i32) {
    %c0_i32 = arith.constant 0 : i32
    %c0_i32_0 = arith.constant 0 : i32
    %c0_i32_1 = arith.constant 0 : i32
    %c0_i32_2 = arith.constant 0 : i32
    return %c0_i32, %c0_i32_0, %arg0, %c0_i32_1 : i32, i32, i32, i32
  }
}

module attributes {stable_mosaic.version = 14 : i64} {
  func.func @_l2_mm_body(%arg0: i32, %arg1: memref<1x2x1000x32xf32, #tpu.memory_space<vmem>>, %arg2: memref<1x2x1000x32xf32, #tpu.memory_space<vmem>>, %arg3: memref<1x2x1000x32xf32, #tpu.memory_space<vmem>>, %arg4: memref<1x2x1000x32xf32, #tpu.memory_space<vmem>>, %arg5: memref<1x2x1000x16xf32, #tpu.memory_space<vmem>>, %arg6: memref<256xf32, #tpu.memory_space<vmem>>, %arg7: memref<256x128xf32, #tpu.memory_space<vmem>>, %arg8: memref<128x16xf32, #tpu.memory_space<vmem>>, %arg9: memref<1000x128xf32, #tpu.memory_space<vmem>>, %arg10: memref<1000x16xf32, #tpu.memory_space<vmem>>) attributes {dimension_semantics = [#tpu.dimension_semantics<arbitrary>], iteration_bounds = array<i64: 10>, scalar_prefetch = 0 : i64, scratch_operands = 0 : i64, tpu.core_type = #tpu.core_type<tc>, window_params = [{transform_indices = @transform_0, window_bounds = array<i64: 1, 2, 1000, 32>}, {transform_indices = @transform_1, window_bounds = array<i64: 1, 2, 1000, 32>}, {transform_indices = @transform_2, window_bounds = array<i64: 1, 2, 1000, 32>}, {transform_indices = @transform_3, window_bounds = array<i64: 1, 2, 1000, 32>}, {transform_indices = @transform_4, window_bounds = array<i64: 1, 2, 1000, 16>}, {pipeline_mode = #tpu.pipeline_mode<synchronous>, transform_indices = @transform_5, window_bounds = array<i64: 256>}, {pipeline_mode = #tpu.pipeline_mode<synchronous>, transform_indices = @transform_6, window_bounds = array<i64: 256, 128>}, {pipeline_mode = #tpu.pipeline_mode<synchronous>, transform_indices = @transform_7, window_bounds = array<i64: 128, 16>}, {transform_indices = @transform_8, window_bounds = array<i64: 1000, 128>}, {transform_indices = @transform_9, window_bounds = array<i64: 1000, 16>}]} {
    %get3A = arith.constant 0 : index
    %get3A_0 = arith.constant 0 : index
    %get3A_1 = arith.constant 0 : index
    %get3A_2 = arith.constant 0 : index
    %get3A_3 = vector.load %arg5[%get3A, %get3A_0, %get3A_1, %get3A_2] : memref<1x2x1000x16xf32, #tpu.memory_space<vmem>>, vector<1x1x1000x16xf32>
    %get3A_4 = vector.shape_cast %get3A_3 : vector<1x1x1000x16xf32> to vector<1000x16xf32>
    %slice3A = vector.extract_strided_slice %get3A_4 {offsets = [0, 0], sizes = [1000, 1], strides = [1, 1]} : vector<1000x16xf32> to vector<1000x1xf32>
    %squeeze3A = vector.shape_cast %slice3A : vector<1000x1xf32> to vector<1000xf32>
    %broadcast_in_dim3A = vector.shape_cast %squeeze3A : vector<1000xf32> to vector<1000x1xf32>
    %add3A = arith.constant 1.000000e-16 : f32
    %add3A_5 = vector.broadcast %add3A : f32 to vector<1000x1xf32>
    %add3A_6 = arith.addf %broadcast_in_dim3A, %add3A_5 : vector<1000x1xf32>
    %get3A_7 = arith.constant 0 : index
    %get3A_8 = arith.constant 0 : index
    %get3A_9 = arith.constant 0 : index
    %get3A_10 = arith.constant 0 : index
    %get3A_11 = vector.load %arg1[%get3A_7, %get3A_8, %get3A_9, %get3A_10] : memref<1x2x1000x32xf32, #tpu.memory_space<vmem>>, vector<1x1x1000x32xf32>
    %get3A_12 = vector.shape_cast %get3A_11 : vector<1x1x1000x32xf32> to vector<1000x32xf32>
    %div3A = vector.broadcast %add3A_6 : vector<1000x1xf32> to vector<1000x32xf32>
    %div3A_13 = arith.divf %get3A_12, %div3A : vector<1000x32xf32>
    %get3A_14 = arith.constant 0 : index
    %get3A_15 = arith.constant 0 : index
    %get3A_16 = arith.constant 0 : index
    %get3A_17 = arith.constant 0 : index
    %get3A_18 = vector.load %arg5[%get3A_14, %get3A_15, %get3A_16, %get3A_17] : memref<1x2x1000x16xf32, #tpu.memory_space<vmem>>, vector<1x1x1000x16xf32>
    %get3A_19 = vector.shape_cast %get3A_18 : vector<1x1x1000x16xf32> to vector<1000x16xf32>
    %slice3A_20 = vector.extract_strided_slice %get3A_19 {offsets = [0, 1], sizes = [1000, 1], strides = [1, 1]} : vector<1000x16xf32> to vector<1000x1xf32>
    %squeeze3A_21 = vector.shape_cast %slice3A_20 : vector<1000x1xf32> to vector<1000xf32>
    %broadcast_in_dim3A_22 = vector.shape_cast %squeeze3A_21 : vector<1000xf32> to vector<1000x1xf32>
    %add3A_23 = arith.constant 1.000000e-16 : f32
    %add3A_24 = vector.broadcast %add3A_23 : f32 to vector<1000x1xf32>
    %add3A_25 = arith.addf %broadcast_in_dim3A_22, %add3A_24 : vector<1000x1xf32>
    %get3A_26 = arith.constant 0 : index
    %get3A_27 = arith.constant 0 : index
    %get3A_28 = arith.constant 0 : index
    %get3A_29 = arith.constant 0 : index
    %get3A_30 = vector.load %arg2[%get3A_26, %get3A_27, %get3A_28, %get3A_29] : memref<1x2x1000x32xf32, #tpu.memory_space<vmem>>, vector<1x1x1000x32xf32>
    %get3A_31 = vector.shape_cast %get3A_30 : vector<1x1x1000x32xf32> to vector<1000x32xf32>
    %div3A_32 = vector.broadcast %add3A_25 : vector<1000x1xf32> to vector<1000x32xf32>
    %div3A_33 = arith.divf %get3A_31, %div3A_32 : vector<1000x32xf32>
    %get3A_34 = arith.constant 0 : index
    %get3A_35 = arith.constant 0 : index
    %get3A_36 = arith.constant 0 : index
    %get3A_37 = arith.constant 0 : index
    %get3A_38 = vector.load %arg5[%get3A_34, %get3A_35, %get3A_36, %get3A_37] : memref<1x2x1000x16xf32, #tpu.memory_space<vmem>>, vector<1x1x1000x16xf32>
    %get3A_39 = vector.shape_cast %get3A_38 : vector<1x1x1000x16xf32> to vector<1000x16xf32>
    %slice3A_40 = vector.extract_strided_slice %get3A_39 {offsets = [0, 2], sizes = [1000, 1], strides = [1, 1]} : vector<1000x16xf32> to vector<1000x1xf32>
    %squeeze3A_41 = vector.shape_cast %slice3A_40 : vector<1000x1xf32> to vector<1000xf32>
    %broadcast_in_dim3A_42 = vector.shape_cast %squeeze3A_41 : vector<1000xf32> to vector<1000x1xf32>
    %add3A_43 = arith.constant 1.000000e-16 : f32
    %add3A_44 = vector.broadcast %add3A_43 : f32 to vector<1000x1xf32>
    %add3A_45 = arith.addf %broadcast_in_dim3A_42, %add3A_44 : vector<1000x1xf32>
    %get3A_46 = arith.constant 0 : index
    %get3A_47 = arith.constant 0 : index
    %get3A_48 = arith.constant 0 : index
    %get3A_49 = arith.constant 0 : index
    %get3A_50 = vector.load %arg3[%get3A_46, %get3A_47, %get3A_48, %get3A_49] : memref<1x2x1000x32xf32, #tpu.memory_space<vmem>>, vector<1x1x1000x32xf32>
    %get3A_51 = vector.shape_cast %get3A_50 : vector<1x1x1000x32xf32> to vector<1000x32xf32>
    %div3A_52 = vector.broadcast %add3A_45 : vector<1000x1xf32> to vector<1000x32xf32>
    %div3A_53 = arith.divf %get3A_51, %div3A_52 : vector<1000x32xf32>
    %get3A_54 = arith.constant 0 : index
    %get3A_55 = arith.constant 0 : index
    %get3A_56 = arith.constant 0 : index
    %get3A_57 = arith.constant 0 : index
    %get3A_58 = vector.load %arg5[%get3A_54, %get3A_55, %get3A_56, %get3A_57] : memref<1x2x1000x16xf32, #tpu.memory_space<vmem>>, vector<1x1x1000x16xf32>
    %get3A_59 = vector.shape_cast %get3A_58 : vector<1x1x1000x16xf32> to vector<1000x16xf32>
    %slice3A_60 = vector.extract_strided_slice %get3A_59 {offsets = [0, 3], sizes = [1000, 1], strides = [1, 1]} : vector<1000x16xf32> to vector<1000x1xf32>
    %squeeze3A_61 = vector.shape_cast %slice3A_60 : vector<1000x1xf32> to vector<1000xf32>
    %broadcast_in_dim3A_62 = vector.shape_cast %squeeze3A_61 : vector<1000xf32> to vector<1000x1xf32>
    %add3A_63 = arith.constant 1.000000e-16 : f32
    %add3A_64 = vector.broadcast %add3A_63 : f32 to vector<1000x1xf32>
    %add3A_65 = arith.addf %broadcast_in_dim3A_62, %add3A_64 : vector<1000x1xf32>
    %get3A_66 = arith.constant 0 : index
    %get3A_67 = arith.constant 0 : index
    %get3A_68 = arith.constant 0 : index
    %get3A_69 = arith.constant 0 : index
    %get3A_70 = vector.load %arg4[%get3A_66, %get3A_67, %get3A_68, %get3A_69] : memref<1x2x1000x32xf32, #tpu.memory_space<vmem>>, vector<1x1x1000x32xf32>
    %get3A_71 = vector.shape_cast %get3A_70 : vector<1x1x1000x32xf32> to vector<1000x32xf32>
    %div3A_72 = vector.broadcast %add3A_65 : vector<1000x1xf32> to vector<1000x32xf32>
    %div3A_73 = arith.divf %get3A_71, %div3A_72 : vector<1000x32xf32>
    %get3A_74 = arith.constant 0 : index
    %get3A_75 = arith.constant 1 : index
    %get3A_76 = arith.constant 0 : index
    %get3A_77 = arith.constant 0 : index
    %get3A_78 = vector.load %arg5[%get3A_74, %get3A_75, %get3A_76, %get3A_77] : memref<1x2x1000x16xf32, #tpu.memory_space<vmem>>, vector<1x1x1000x16xf32>
    %get3A_79 = vector.shape_cast %get3A_78 : vector<1x1x1000x16xf32> to vector<1000x16xf32>
    %slice3A_80 = vector.extract_strided_slice %get3A_79 {offsets = [0, 0], sizes = [1000, 1], strides = [1, 1]} : vector<1000x16xf32> to vector<1000x1xf32>
    %squeeze3A_81 = vector.shape_cast %slice3A_80 : vector<1000x1xf32> to vector<1000xf32>
    %broadcast_in_dim3A_82 = vector.shape_cast %squeeze3A_81 : vector<1000xf32> to vector<1000x1xf32>
    %add3A_83 = arith.constant 1.000000e-16 : f32
    %add3A_84 = vector.broadcast %add3A_83 : f32 to vector<1000x1xf32>
    %add3A_85 = arith.addf %broadcast_in_dim3A_82, %add3A_84 : vector<1000x1xf32>
    %get3A_86 = arith.constant 0 : index
    %get3A_87 = arith.constant 1 : index
    %get3A_88 = arith.constant 0 : index
    %get3A_89 = arith.constant 0 : index
    %get3A_90 = vector.load %arg1[%get3A_86, %get3A_87, %get3A_88, %get3A_89] : memref<1x2x1000x32xf32, #tpu.memory_space<vmem>>, vector<1x1x1000x32xf32>
    %get3A_91 = vector.shape_cast %get3A_90 : vector<1x1x1000x32xf32> to vector<1000x32xf32>
    %div3A_92 = vector.broadcast %add3A_85 : vector<1000x1xf32> to vector<1000x32xf32>
    %div3A_93 = arith.divf %get3A_91, %div3A_92 : vector<1000x32xf32>
    %get3A_94 = arith.constant 0 : index
    %get3A_95 = arith.constant 1 : index
    %get3A_96 = arith.constant 0 : index
    %get3A_97 = arith.constant 0 : index
    %get3A_98 = vector.load %arg5[%get3A_94, %get3A_95, %get3A_96, %get3A_97] : memref<1x2x1000x16xf32, #tpu.memory_space<vmem>>, vector<1x1x1000x16xf32>
    %get3A_99 = vector.shape_cast %get3A_98 : vector<1x1x1000x16xf32> to vector<1000x16xf32>
    %slice3A_100 = vector.extract_strided_slice %get3A_99 {offsets = [0, 1], sizes = [1000, 1], strides = [1, 1]} : vector<1000x16xf32> to vector<1000x1xf32>
    %squeeze3A_101 = vector.shape_cast %slice3A_100 : vector<1000x1xf32> to vector<1000xf32>
    %broadcast_in_dim3A_102 = vector.shape_cast %squeeze3A_101 : vector<1000xf32> to vector<1000x1xf32>
    %add3A_103 = arith.constant 1.000000e-16 : f32
    %add3A_104 = vector.broadcast %add3A_103 : f32 to vector<1000x1xf32>
    %add3A_105 = arith.addf %broadcast_in_dim3A_102, %add3A_104 : vector<1000x1xf32>
    %get3A_106 = arith.constant 0 : index
    %get3A_107 = arith.constant 1 : index
    %get3A_108 = arith.constant 0 : index
    %get3A_109 = arith.constant 0 : index
    %get3A_110 = vector.load %arg2[%get3A_106, %get3A_107, %get3A_108, %get3A_109] : memref<1x2x1000x32xf32, #tpu.memory_space<vmem>>, vector<1x1x1000x32xf32>
    %get3A_111 = vector.shape_cast %get3A_110 : vector<1x1x1000x32xf32> to vector<1000x32xf32>
    %div3A_112 = vector.broadcast %add3A_105 : vector<1000x1xf32> to vector<1000x32xf32>
    %div3A_113 = arith.divf %get3A_111, %div3A_112 : vector<1000x32xf32>
    %get3A_114 = arith.constant 0 : index
    %get3A_115 = arith.constant 1 : index
    %get3A_116 = arith.constant 0 : index
    %get3A_117 = arith.constant 0 : index
    %get3A_118 = vector.load %arg5[%get3A_114, %get3A_115, %get3A_116, %get3A_117] : memref<1x2x1000x16xf32, #tpu.memory_space<vmem>>, vector<1x1x1000x16xf32>
    %get3A_119 = vector.shape_cast %get3A_118 : vector<1x1x1000x16xf32> to vector<1000x16xf32>
    %slice3A_120 = vector.extract_strided_slice %get3A_119 {offsets = [0, 2], sizes = [1000, 1], strides = [1, 1]} : vector<1000x16xf32> to vector<1000x1xf32>
    %squeeze3A_121 = vector.shape_cast %slice3A_120 : vector<1000x1xf32> to vector<1000xf32>
    %broadcast_in_dim3A_122 = vector.shape_cast %squeeze3A_121 : vector<1000xf32> to vector<1000x1xf32>
    %add3A_123 = arith.constant 1.000000e-16 : f32
    %add3A_124 = vector.broadcast %add3A_123 : f32 to vector<1000x1xf32>
    %add3A_125 = arith.addf %broadcast_in_dim3A_122, %add3A_124 : vector<1000x1xf32>
    %get3A_126 = arith.constant 0 : index
    %get3A_127 = arith.constant 1 : index
    %get3A_128 = arith.constant 0 : index
    %get3A_129 = arith.constant 0 : index
    %get3A_130 = vector.load %arg3[%get3A_126, %get3A_127, %get3A_128, %get3A_129] : memref<1x2x1000x32xf32, #tpu.memory_space<vmem>>, vector<1x1x1000x32xf32>
    %get3A_131 = vector.shape_cast %get3A_130 : vector<1x1x1000x32xf32> to vector<1000x32xf32>
    %div3A_132 = vector.broadcast %add3A_125 : vector<1000x1xf32> to vector<1000x32xf32>
    %div3A_133 = arith.divf %get3A_131, %div3A_132 : vector<1000x32xf32>
    %get3A_134 = arith.constant 0 : index
    %get3A_135 = arith.constant 1 : index
    %get3A_136 = arith.constant 0 : index
    %get3A_137 = arith.constant 0 : index
    %get3A_138 = vector.load %arg5[%get3A_134, %get3A_135, %get3A_136, %get3A_137] : memref<1x2x1000x16xf32, #tpu.memory_space<vmem>>, vector<1x1x1000x16xf32>
    %get3A_139 = vector.shape_cast %get3A_138 : vector<1x1x1000x16xf32> to vector<1000x16xf32>
    %slice3A_140 = vector.extract_strided_slice %get3A_139 {offsets = [0, 3], sizes = [1000, 1], strides = [1, 1]} : vector<1000x16xf32> to vector<1000x1xf32>
    %squeeze3A_141 = vector.shape_cast %slice3A_140 : vector<1000x1xf32> to vector<1000xf32>
    %broadcast_in_dim3A_142 = vector.shape_cast %squeeze3A_141 : vector<1000xf32> to vector<1000x1xf32>
    %add3A_143 = arith.constant 1.000000e-16 : f32
    %add3A_144 = vector.broadcast %add3A_143 : f32 to vector<1000x1xf32>
    %add3A_145 = arith.addf %broadcast_in_dim3A_142, %add3A_144 : vector<1000x1xf32>
    %get3A_146 = arith.constant 0 : index
    %get3A_147 = arith.constant 1 : index
    %get3A_148 = arith.constant 0 : index
    %get3A_149 = arith.constant 0 : index
    %get3A_150 = vector.load %arg4[%get3A_146, %get3A_147, %get3A_148, %get3A_149] : memref<1x2x1000x32xf32, #tpu.memory_space<vmem>>, vector<1x1x1000x32xf32>
    %get3A_151 = vector.shape_cast %get3A_150 : vector<1x1x1000x32xf32> to vector<1000x32xf32>
    %div3A_152 = vector.broadcast %add3A_145 : vector<1000x1xf32> to vector<1000x32xf32>
    %div3A_153 = arith.divf %get3A_151, %div3A_152 : vector<1000x32xf32>
    %concatenate3A = tpu.concatenate %div3A_13, %div3A_33, %div3A_53, %div3A_73, %div3A_93, %div3A_113, %div3A_133, %div3A_153 in 1 : vector<1000x32xf32>, vector<1000x32xf32>, vector<1000x32xf32>, vector<1000x32xf32>, vector<1000x32xf32>, vector<1000x32xf32>, vector<1000x32xf32>, vector<1000x32xf32> -> vector<1000x256xf32>
    %get3A_154 = arith.constant 0 : index
    %get3A_155 = vector.load %arg6[%get3A_154] : memref<256xf32, #tpu.memory_space<vmem>>, vector<256xf32>
    %broadcast_in_dim3A_156 = vector.shape_cast %get3A_155 : vector<256xf32> to vector<1x256xf32>
    %add3A_157 = vector.broadcast %broadcast_in_dim3A_156 : vector<1x256xf32> to vector<1000x256xf32>
    %add3A_158 = arith.addf %concatenate3A, %add3A_157 : vector<1000x256xf32>
    %gt3A = arith.constant 0.000000e+00 : f32
    %gt3A_159 = vector.broadcast %gt3A : f32 to vector<1000x256xf32>
    %gt3A_160 = arith.cmpf ogt, %add3A_158, %gt3A_159 : vector<1000x256xf32>
    %min3A = arith.constant 0.000000e+00 : f32
    %min3A_161 = vector.broadcast %min3A : f32 to vector<1000x256xf32>
    %min3A_162 = arith.minimumf %add3A_158, %min3A_161 : vector<1000x256xf32>
    %exp3A = math.exp %min3A_162 : vector<1000x256xf32>
    %sub3A = arith.constant 1.000000e+00 : f32
    %sub3A_163 = vector.broadcast %sub3A : f32 to vector<1000x256xf32>
    %sub3A_164 = arith.subf %exp3A, %sub3A_163 : vector<1000x256xf32>
    %select_n3A = arith.select %gt3A_160, %add3A_158, %sub3A_164 : vector<1000x256xi1>, vector<1000x256xf32>
    %get3A_165 = arith.constant 0 : index
    %get3A_166 = arith.constant 0 : index
    %get3A_167 = vector.load %arg7[%get3A_165, %get3A_166] : memref<256x128xf32, #tpu.memory_space<vmem>>, vector<256x128xf32>
    %dot_general3A = arith.constant dense<0.000000e+00> : vector<1000x128xf32>
    %dot_general3A_168 = tpu.matmul %select_n3A, %get3A_167, %dot_general3A {dimension_numbers = #tpu.dot_dimension_numbers<[1], [0], [0], [1], [0, 0, 1, 1], [], []>, transpose_lhs_hint = false} : vector<1000x256xf32>, vector<256x128xf32>, vector<1000x128xf32> -> vector<1000x128xf32>
    %swap3A = arith.constant 0 : index
    %swap3A_169 = arith.constant 0 : index
    %swap3A_170 = vector.load %arg9[%swap3A, %swap3A_169] : memref<1000x128xf32, #tpu.memory_space<vmem>>, vector<1000x128xf32>
    tpu.vector_store %arg9[%swap3A, %swap3A_169], %dot_general3A_168 {strides = array<i32>} : memref<1000x128xf32, #tpu.memory_space<vmem>>, vector<1000x128xf32>,
    %get3A_171 = arith.constant 0 : index
    %get3A_172 = arith.constant 0 : index
    %get3A_173 = vector.load %arg8[%get3A_171, %get3A_172] : memref<128x16xf32, #tpu.memory_space<vmem>>, vector<128x16xf32>
    %dot_general3A_174 = arith.constant dense<0.000000e+00> : vector<1000x16xf32>
    %dot_general3A_175 = tpu.matmul %dot_general3A_168, %get3A_173, %dot_general3A_174 {dimension_numbers = #tpu.dot_dimension_numbers<[1], [0], [0], [1], [0, 0, 1, 1], [], []>, transpose_lhs_hint = false} : vector<1000x128xf32>, vector<128x16xf32>, vector<1000x16xf32> -> vector<1000x16xf32>
    %swap3A_176 = arith.constant 0 : index
    %swap3A_177 = arith.constant 0 : index
    %swap3A_178 = vector.load %arg10[%swap3A_176, %swap3A_177] : memref<1000x16xf32, #tpu.memory_space<vmem>>, vector<1000x16xf32>
    tpu.vector_store %arg10[%swap3A_176, %swap3A_177], %dot_general3A_175 {strides = array<i32>} : memref<1000x16xf32, #tpu.memory_space<vmem>>, vector<1000x16xf32>,
    return
  }
  func.func @transform_0(%arg0: i32) -> (i32, i32, i32, i32) {
    %c0_i32 = arith.constant 0 : i32
    %c0_i32_0 = arith.constant 0 : i32
    %c0_i32_1 = arith.constant 0 : i32
    %c0_i32_2 = arith.constant 0 : i32
    return %c0_i32, %c0_i32_0, %arg0, %c0_i32_1 : i32, i32, i32, i32
  }
  func.func @transform_1(%arg0: i32) -> (i32, i32, i32, i32) {
    %c0_i32 = arith.constant 0 : i32
    %c0_i32_0 = arith.constant 0 : i32
    %c0_i32_1 = arith.constant 0 : i32
    %c0_i32_2 = arith.constant 0 : i32
    return %c0_i32, %c0_i32_0, %arg0, %c0_i32_1 : i32, i32, i32, i32
  }
  func.func @transform_2(%arg0: i32) -> (i32, i32, i32, i32) {
    %c0_i32 = arith.constant 0 : i32
    %c0_i32_0 = arith.constant 0 : i32
    %c0_i32_1 = arith.constant 0 : i32
    %c0_i32_2 = arith.constant 0 : i32
    return %c0_i32, %c0_i32_0, %arg0, %c0_i32_1 : i32, i32, i32, i32
  }
  func.func @transform_3(%arg0: i32) -> (i32, i32, i32, i32) {
    %c0_i32 = arith.constant 0 : i32
    %c0_i32_0 = arith.constant 0 : i32
    %c0_i32_1 = arith.constant 0 : i32
    %c0_i32_2 = arith.constant 0 : i32
    return %c0_i32, %c0_i32_0, %arg0, %c0_i32_1 : i32, i32, i32, i32
  }
  func.func @transform_4(%arg0: i32) -> (i32, i32, i32, i32) {
    %c0_i32 = arith.constant 0 : i32
    %c0_i32_0 = arith.constant 0 : i32
    %c0_i32_1 = arith.constant 0 : i32
    %c0_i32_2 = arith.constant 0 : i32
    return %c0_i32, %c0_i32_0, %arg0, %c0_i32_1 : i32, i32, i32, i32
  }
  func.func @transform_5(%arg0: i32) -> i32 {
    %c0_i32 = arith.constant 0 : i32
    %c0_i32_0 = arith.constant 0 : i32
    return %c0_i32 : i32
  }
  func.func @transform_6(%arg0: i32) -> (i32, i32) {
    %c0_i32 = arith.constant 0 : i32
    %c0_i32_0 = arith.constant 0 : i32
    %c0_i32_1 = arith.constant 0 : i32
    return %c0_i32, %c0_i32_0 : i32, i32
  }
  func.func @transform_7(%arg0: i32) -> (i32, i32) {
    %c0_i32 = arith.constant 0 : i32
    %c0_i32_0 = arith.constant 0 : i32
    %c0_i32_1 = arith.constant 0 : i32
    return %c0_i32, %c0_i32_0 : i32, i32
  }
  func.func @transform_8(%arg0: i32) -> (i32, i32) {
    %c0_i32 = arith.constant 0 : i32
    %c0_i32_0 = arith.constant 0 : i32
    return %arg0, %c0_i32 : i32, i32
  }
  func.func @transform_9(%arg0: i32) -> (i32, i32) {
    %c0_i32 = arith.constant 0 : i32
    %c0_i32_0 = arith.constant 0 : i32
    return %arg0, %c0_i32 : i32, i32
  }
}

module attributes {stable_mosaic.version = 14 : i64} {
  func.func @_l2_prep_body(%arg0: memref<10000x128xf32, #tpu.memory_space<vmem>>, %arg1: memref<10000x16xf32, #tpu.memory_space<vmem>>, %arg2: memref<16x128xf32, #tpu.memory_space<vmem>>, %arg3: memref<2x10000x32xf32, #tpu.memory_space<vmem>>) attributes {dimension_semantics = [], scalar_prefetch = 0 : i64, scratch_operands = 0 : i64, tpu.core_type = #tpu.core_type<tc>} {
    %get3A = arith.constant 0 : index
    %get3A_0 = arith.constant 0 : index
    %get3A_1 = vector.load %arg0[%get3A, %get3A_0] : memref<10000x128xf32, #tpu.memory_space<vmem>>, vector<10000x128xf32>
    %get3A_2 = arith.constant 0 : index
    %get3A_3 = arith.constant 0 : index
    %get3A_4 = vector.load %arg1[%get3A_2, %get3A_3] : memref<10000x16xf32, #tpu.memory_space<vmem>>, vector<10000x16xf32>
    %slice3A = vector.extract_strided_slice %get3A_4 {offsets = [0, 0], sizes = [10000, 1], strides = [1, 1]} : vector<10000x16xf32> to vector<10000x1xf32>
    %squeeze3A = vector.shape_cast %slice3A : vector<10000x1xf32> to vector<10000xf32>
    %reduce_max3A = vector.shape_cast %squeeze3A : vector<10000xf32> to vector<1x10000xf32>
    %reduce_max3A_5 = arith.constant dense<0xFF800000> : vector<1xf32>
    %reduce_max3A_6 = vector.multi_reduction <maximumf>, %reduce_max3A, %reduce_max3A_5 [1] : vector<1x10000xf32> to vector<1xf32>
    %reduce_max3A_7 = vector.shape_cast %reduce_max3A_6 : vector<1xf32> to vector<1x1xf32>
    %reduce_max3A_8 = vector.extract %reduce_max3A_7[0, 0] : f32 from vector<1x1xf32>
    %slice3A_9 = vector.extract_strided_slice %get3A_4 {offsets = [0, 1], sizes = [10000, 1], strides = [1, 1]} : vector<10000x16xf32> to vector<10000x1xf32>
    %squeeze3A_10 = vector.shape_cast %slice3A_9 : vector<10000x1xf32> to vector<10000xf32>
    %reduce_max3A_11 = vector.shape_cast %squeeze3A_10 : vector<10000xf32> to vector<1x10000xf32>
    %reduce_max3A_12 = arith.constant dense<0xFF800000> : vector<1xf32>
    %reduce_max3A_13 = vector.multi_reduction <maximumf>, %reduce_max3A_11, %reduce_max3A_12 [1] : vector<1x10000xf32> to vector<1xf32>
    %reduce_max3A_14 = vector.shape_cast %reduce_max3A_13 : vector<1xf32> to vector<1x1xf32>
    %reduce_max3A_15 = vector.extract %reduce_max3A_14[0, 0] : f32 from vector<1x1xf32>
    %add3A = arith.addf %reduce_max3A_8, %reduce_max3A_15 : f32
    %mul3A = arith.constant 2.000000e-01 : f32
    %mul3A_16 = arith.mulf %mul3A, %add3A : f32
    %max3A = arith.maximumf %add3A, %mul3A_16 : f32
    %broadcast_in_dim3A = vector.broadcast %max3A : f32 to vector<16x128xf32>
    %swap3A = arith.constant 0 : index
    %swap3A_17 = arith.constant 0 : index
    %swap3A_18 = vector.load %arg2[%swap3A, %swap3A_17] : memref<16x128xf32, #tpu.memory_space<vmem>>, vector<16x128xf32>
    tpu.vector_store %arg2[%swap3A, %swap3A_17], %broadcast_in_dim3A {strides = array<i32>} : memref<16x128xf32, #tpu.memory_space<vmem>>, vector<16x128xf32>,
    %slice3A_19 = vector.extract_strided_slice %get3A_4 {offsets = [0, 0], sizes = [10000, 1], strides = [1, 1]} : vector<10000x16xf32> to vector<10000x1xf32>
    %squeeze3A_20 = vector.shape_cast %slice3A_19 : vector<10000x1xf32> to vector<10000xf32>
    %slice3A_21 = vector.extract_strided_slice %get3A_4 {offsets = [0, 1], sizes = [10000, 1], strides = [1, 1]} : vector<10000x16xf32> to vector<10000x1xf32>
    %squeeze3A_22 = vector.shape_cast %slice3A_21 : vector<10000x1xf32> to vector<10000xf32>
    %add3A_23 = arith.addf %squeeze3A_20, %squeeze3A_22 : vector<10000xf32>
    %mul3A_24 = arith.constant 2.000000e-01 : f32
    %mul3A_25 = vector.broadcast %mul3A_24 : f32 to vector<10000xf32>
    %mul3A_26 = arith.mulf %mul3A_25, %add3A_23 : vector<10000xf32>
    %max3A_27 = arith.maximumf %add3A_23, %mul3A_26 : vector<10000xf32>
    %sub3A = vector.broadcast %max3A : f32 to vector<10000xf32>
    %sub3A_28 = arith.subf %max3A_27, %sub3A : vector<10000xf32>
    %exp3A = math.exp %sub3A_28 : vector<10000xf32>
    %broadcast_in_dim3A_29 = vector.shape_cast %exp3A : vector<10000xf32> to vector<10000x1xf32>
    %slice3A_30 = vector.extract_strided_slice %get3A_1 {offsets = [0, 0], sizes = [10000, 24], strides = [1, 1]} : vector<10000x128xf32> to vector<10000x24xf32>
    %mul3A_31 = vector.broadcast %broadcast_in_dim3A_29 : vector<10000x1xf32> to vector<10000x24xf32>
    %mul3A_32 = arith.mulf %mul3A_31, %slice3A_30 : vector<10000x24xf32>
    %broadcast_in_dim3A_33 = vector.shape_cast %exp3A : vector<10000xf32> to vector<10000x1xf32>
    %broadcast_in_dim3A_34 = arith.constant 0.000000e+00 : f32
    %broadcast_in_dim3A_35 = vector.broadcast %broadcast_in_dim3A_34 : f32 to vector<10000x7xf32>
    %concatenate3A = tpu.concatenate %mul3A_32, %broadcast_in_dim3A_33, %broadcast_in_dim3A_35 in 1 : vector<10000x24xf32>, vector<10000x1xf32>, vector<10000x7xf32> -> vector<10000x32xf32>
    %swap3A_36 = arith.constant 0 : index
    %swap3A_37 = arith.constant 0 : index
    %swap3A_38 = arith.constant 0 : index
    %swap3A_39 = vector.load %arg3[%swap3A_36, %swap3A_37, %swap3A_38] : memref<2x10000x32xf32, #tpu.memory_space<vmem>>, vector<1x10000x32xf32>
    %swap3A_40 = vector.shape_cast %swap3A_39 : vector<1x10000x32xf32> to vector<10000x32xf32>
    %swap3A_41 = vector.shape_cast %concatenate3A : vector<10000x32xf32> to vector<1x10000x32xf32>
    tpu.vector_store %arg3[%swap3A_36, %swap3A_37, %swap3A_38], %swap3A_41 {strides = array<i32>} : memref<2x10000x32xf32, #tpu.memory_space<vmem>>, vector<1x10000x32xf32>,
    %broadcast_in_dim3A_42 = vector.shape_cast %exp3A : vector<10000xf32> to vector<10000x1xf32>
    %slice3A_43 = vector.extract_strided_slice %get3A_1 {offsets = [0, 24], sizes = [10000, 24], strides = [1, 1]} : vector<10000x128xf32> to vector<10000x24xf32>
    %mul3A_44 = vector.broadcast %broadcast_in_dim3A_42 : vector<10000x1xf32> to vector<10000x24xf32>
    %mul3A_45 = arith.mulf %mul3A_44, %slice3A_43 : vector<10000x24xf32>
    %broadcast_in_dim3A_46 = vector.shape_cast %exp3A : vector<10000xf32> to vector<10000x1xf32>
    %broadcast_in_dim3A_47 = arith.constant 0.000000e+00 : f32
    %broadcast_in_dim3A_48 = vector.broadcast %broadcast_in_dim3A_47 : f32 to vector<10000x7xf32>
    %concatenate3A_49 = tpu.concatenate %mul3A_45, %broadcast_in_dim3A_46, %broadcast_in_dim3A_48 in 1 : vector<10000x24xf32>, vector<10000x1xf32>, vector<10000x7xf32> -> vector<10000x32xf32>
    %swap3A_50 = arith.constant 1 : index
    %swap3A_51 = arith.constant 0 : index
    %swap3A_52 = arith.constant 0 : index
    %swap3A_53 = vector.load %arg3[%swap3A_50, %swap3A_51, %swap3A_52] : memref<2x10000x32xf32, #tpu.memory_space<vmem>>, vector<1x10000x32xf32>
    %swap3A_54 = vector.shape_cast %swap3A_53 : vector<1x10000x32xf32> to vector<10000x32xf32>
    %swap3A_55 = vector.shape_cast %concatenate3A_49 : vector<10000x32xf32> to vector<1x10000x32xf32>
    tpu.vector_store %arg3[%swap3A_50, %swap3A_51, %swap3A_52], %swap3A_55 {strides = array<i32>} : memref<2x10000x32xf32, #tpu.memory_space<vmem>>, vector<1x10000x32xf32>,
    return
  }
}

module attributes {stable_mosaic.version = 14 : i64} {
  func.func @_final_body(%arg0: memref<2x10000x32xf32, #tpu.memory_space<vmem>>, %arg1: memref<40xf32, #tpu.memory_space<vmem>>, %arg2: memref<10000x40xf32, #tpu.memory_space<vmem>>) attributes {dimension_semantics = [], scalar_prefetch = 0 : i64, scratch_operands = 0 : i64, tpu.core_type = #tpu.core_type<tc>} {
    %get3A = arith.constant 0 : index
    %get3A_0 = arith.constant 0 : index
    %get3A_1 = arith.constant 0 : index
    %get3A_2 = vector.load %arg0[%get3A, %get3A_0, %get3A_1] : memref<2x10000x32xf32, #tpu.memory_space<vmem>>, vector<1x10000x32xf32>
    %get3A_3 = vector.shape_cast %get3A_2 : vector<1x10000x32xf32> to vector<10000x32xf32>
    %slice3A = vector.extract_strided_slice %get3A_3 {offsets = [0, 24], sizes = [10000, 1], strides = [1, 1]} : vector<10000x32xf32> to vector<10000x1xf32>
    %get3A_4 = arith.constant 0 : index
    %get3A_5 = arith.constant 0 : index
    %get3A_6 = arith.constant 0 : index
    %get3A_7 = vector.load %arg0[%get3A_4, %get3A_5, %get3A_6] : memref<2x10000x32xf32, #tpu.memory_space<vmem>>, vector<1x10000x32xf32>
    %get3A_8 = vector.shape_cast %get3A_7 : vector<1x10000x32xf32> to vector<10000x32xf32>
    %slice3A_9 = vector.extract_strided_slice %get3A_8 {offsets = [0, 0], sizes = [10000, 24], strides = [1, 1]} : vector<10000x32xf32> to vector<10000x24xf32>
    %get3A_10 = arith.constant 1 : index
    %get3A_11 = arith.constant 0 : index
    %get3A_12 = arith.constant 0 : index
    %get3A_13 = vector.load %arg0[%get3A_10, %get3A_11, %get3A_12] : memref<2x10000x32xf32, #tpu.memory_space<vmem>>, vector<1x10000x32xf32>
    %get3A_14 = vector.shape_cast %get3A_13 : vector<1x10000x32xf32> to vector<10000x32xf32>
    %slice3A_15 = vector.extract_strided_slice %get3A_14 {offsets = [0, 0], sizes = [10000, 16], strides = [1, 1]} : vector<10000x32xf32> to vector<10000x16xf32>
    %concatenate3A = tpu.concatenate %slice3A_9, %slice3A_15 in 1 : vector<10000x24xf32>, vector<10000x16xf32> -> vector<10000x40xf32>
    %add3A = arith.constant 1.000000e-16 : f32
    %add3A_16 = vector.broadcast %add3A : f32 to vector<10000x1xf32>
    %add3A_17 = arith.addf %slice3A, %add3A_16 : vector<10000x1xf32>
    %div3A = vector.broadcast %add3A_17 : vector<10000x1xf32> to vector<10000x40xf32>
    %div3A_18 = arith.divf %concatenate3A, %div3A : vector<10000x40xf32>
    %get3A_19 = arith.constant 0 : index
    %get3A_20 = vector.load %arg1[%get3A_19] : memref<40xf32, #tpu.memory_space<vmem>>, vector<40xf32>
    %broadcast_in_dim3A = vector.shape_cast %get3A_20 : vector<40xf32> to vector<1x40xf32>
    %add3A_21 = vector.broadcast %broadcast_in_dim3A : vector<1x40xf32> to vector<10000x40xf32>
    %add3A_22 = arith.addf %div3A_18, %add3A_21 : vector<10000x40xf32>
    %reduce_max3A = arith.constant dense<0xFF800000> : vector<10000xf32>
    %reduce_max3A_23 = vector.multi_reduction <maximumf>, %add3A_22, %reduce_max3A [1] : vector<10000x40xf32> to vector<10000xf32>
    %broadcast_in_dim3A_24 = vector.shape_cast %reduce_max3A_23 : vector<10000xf32> to vector<10000x1xf32>
    %sub3A = vector.broadcast %broadcast_in_dim3A_24 : vector<10000x1xf32> to vector<10000x40xf32>
    %sub3A_25 = arith.subf %add3A_22, %sub3A : vector<10000x40xf32>
    %exp3A = math.exp %sub3A_25 : vector<10000x40xf32>
    %reduce_sum3A = arith.constant dense<0.000000e+00> : vector<10000xf32>
    %reduce_sum3A_26 = vector.multi_reduction <add>, %exp3A, %reduce_sum3A [1] : vector<10000x40xf32> to vector<10000xf32>
    %broadcast_in_dim3A_27 = vector.shape_cast %reduce_sum3A_26 : vector<10000xf32> to vector<10000x1xf32>
    %log3A = math.log %broadcast_in_dim3A_27 : vector<10000x1xf32>
    %add3A_28 = arith.addf %log3A, %broadcast_in_dim3A_24 : vector<10000x1xf32>
    %sub3A_29 = vector.broadcast %add3A_28 : vector<10000x1xf32> to vector<10000x40xf32>
    %sub3A_30 = arith.subf %add3A_22, %sub3A_29 : vector<10000x40xf32>
    %swap3A = arith.constant 0 : index
    %swap3A_31 = arith.constant 0 : index
    %swap3A_32 = vector.load %arg2[%swap3A, %swap3A_31] : memref<10000x40xf32, #tpu.memory_space<vmem>>, vector<10000x40xf32>
    tpu.vector_store %arg2[%swap3A, %swap3A_31], %sub3A_30 {strides = array<i32>} : memref<10000x40xf32, #tpu.memory_space<vmem>>, vector<10000x40xf32>,
    return
  }
}

</mosaic_0001>

<sc_bundles>
// kernel: kernel.14.cloned.1.call-start
scs
__scs_entry_jumppad:
0x0: {  	(pc) =	sbr.rel $0x88, $3  }
0x1: {  	(tag) =	ssettag $0x0;
	lr =	simm.s32 $0x1  }
0x2: {  	[smem:$0x3F97] =	sst lr;
	_ =	strace $0xD0000000  }
0x3: {  	_ = 	snop  }
0x4: {  	_ = 	snop  }
0x5: {  	_ = 	snop  }
0x6: {  	_ = 	snop  }
0x7: {  	_ = 	snop  }
__scs_overlays_trampoline_lowered:
0x8: {  	[smem:$0x3FA6] =	sst s0  }
0x9: {  	[smem:$0x3FA7] =	sst s1  }
0xa: {  	[smem:$0x3FA8] =	sst s2  }
0xb: {  	[smem:$0x3FA9] =	sst s3  }
0xc: {  	[smem:$0x3FAA] =	sst s4  }
0xd: {  	[smem:$0x3FAB] =	sst s5  }
0xe: {  	[smem:$0x3FAC] =	sst s6  }
0xf: {  	[smem:$0x3FAD] =	sst s7  }
0x10: {  	[smem:$0x3FAE] =	sst s8  }
0x11: {  	[smem:$0x3FAF] =	sst s9;
	s0 =	simm.s32 @!p0 $0x0  }
0x12: {  	s1 =	sld [smem:$0x3F95];
	s0 =	simm.s32 @p0 $0x1  }
0x13: {  	[smem:$0x3FB0] =	sst s0;
	s0 =	simm.s32 @!p1 $0x0  }
0x14: {  	s2 =	sld [smem:$0x3F94];
	s0 =	simm.s32 @p1 $0x1  }
0x15: {  	[smem:$0x3FB1] =	sst s0;
	s0 =	simm.s32 @!p2 $0x0  }
0x16: {  	s3 =	sld [smem:$0x3FDB];
	s0 =	simm.s32 @p2 $0x1  }
0x17: {  	s4 =	simm.s32 $0x1BF5;
	[smem:$0x3FB3] =	sst s0  }
0x18: {  	s0 =	sld [smem:$0x3F96];
	_ =	swait.ge [sflag:s4], $0x0  }
0x19: {  	s7 =	sld [smem:$0x3F97]  }
0x1a: {  	s8 =	sadd.s32 $0xFFFFE003, lr  }
0x1b: {  	s9 =	sadd.s32 $0xFFFFFEF7, lr;
	s5 =	simm.s32 $0xFFFFFFFF;
	p2 =	slt.u32 s8, $0xFFFFF086  }
0x1c: {  	p1 =	slt.u32 s9, $0xF7A;
	s5 =	simm.s32 @!p2 $0x0  }
0x1d: {  	s5 =	simm.s32 @p1 $0x1;
	p0 =	seq.s32 s7, s2  }
0x1e: {  	s7 =	smul.u32 @!p0 $0xF7A, s2;
	p2 =	seq.s32 @!p0 s5, $0x0  }
0x1f: {  	s9 =	smul.u32 $0xF7A, s1;
	s8 =	simm.s32 @!p0 $0x1BF5;
	p2 =	por !p2, p0  }
0x20: {  	[sflag:s8] =	ssyncset.s32 @!p0 $0xFFFFF086;
	s6 =	sadd.s32 @!p0 s3, s7;
	s7 =	simm.s32 @!p0 $0x108  }
0x21: {  	s3 =	sadd.s32 s3, s9;
	s6 =	sadd.s32 @!p0 $0x88, s6;
	s7 =	simm.s32 @p2 $0x1082  }
0x22: {  	[simem:s7], [sflag:s8] =	dma.local @!p0 [hbm:s6], $0xF7A  }
0x23: {  	s9 =	sor.u32 $0xD0000000, s2;
	s6 =	simm.s32 $0x108;
	_ =	swait.ge @!p0 [sflag:s8], $0x0  }
0x24: {  	s3 =	sadd.s32 $0x88, s3;
	s6 =	simm.s32 @!p1 $0x1082;
	[sflag:s4] =	ssyncset.s32 $0xFFFFF086  }
0x25: {  	[simem:s6], [sflag:s4] =	dma.local [hbm:s3], $0xF7A  }
0x26: {  	[smem:$0x3F97] =	sst s1;
	(tag) =	ssettag s2;
	_ =	strace s9  }
0x27: {  	s1 =	sld [smem:$0x3FA7]  }
0x28: {  	s2 =	sld [smem:$0x3FA8]  }
0x29: {  	s4 =	sld [smem:$0x3FAA]  }
0x2a: {  	p0 =	seq.s32 s5, $0x0;
	s5 =	sld [smem:$0x3FAB]  }
0x2b: {  	s6 =	sld [smem:$0x3FAC]  }
0x2c: {  	s7 =	sld [smem:$0x3FAD]  }
0x2d: {  	s3 =	simm.s32 $0x108;
	s8 =	sld [smem:$0x3FAE]  }
0x2e: {  	s3 =	simm.s32 @!p0 $0x1082;
	s9 =	sld [smem:$0x3FAF]  }
0x2f: {  	lr =	sadd.s32 s0, s3;
	s0 =	sld [smem:$0x3FA6]  }
0x30: {  	s3 =	sld [smem:$0x3FA9]  }
0x31: {  	[smem:$0x3FB2] =	sst s10  }
0x32: {  	s10 =	sld [smem:$0x3FB0];
	_ =	sdelay $0x3  }
0x33: {  	p0 =	seq.s32 s10, $0x1;
	s10 =	sld [smem:$0x3FB2];
	_ =	sdelay $0x3  }
0x34: {  	[smem:$0x3FB2] =	sst s10  }
0x35: {  	s10 =	sld [smem:$0x3FB1];
	_ =	sdelay $0x3  }
0x36: {  	p1 =	seq.s32 s10, $0x1;
	s10 =	sld [smem:$0x3FB2];
	_ =	sdelay $0x3  }
0x37: {  	[smem:$0x3FB2] =	sst s10  }
0x38: {  	s10 =	sld [smem:$0x3FB3]  }
0x39: {  	_ = 	snop;
	(pc) =	sbr.ind lr, $3  }
0x3a: {  	_ = 	snop  }
0x3b: {  	_ = 	snop  }
0x3c: {  	p2 =	seq.s32 s10, $0x1;
	s10 =	sld [smem:$0x3FB2]  }
0x3d: {  	_ =	shalt  }
0x3e: {  	_ =	shalt  }
0x3f: {  	_ =	shalt  }
0x40: {  	_ =	shalt  }
0x41: {  	_ =	shalt  }
0x42: {  	_ =	shalt  }
0x43: {  	_ =	shalt  }
0x44: {  	_ =	shalt  }
0x45: {  	_ =	shalt  }
0x46: {  	_ =	shalt  }
0x47: {  	_ =	shalt  }
0x48: {  	_ =	shalt  }
0x49: {  	_ =	shalt  }
0x4a: {  	_ =	shalt  }
0x4b: {  	_ =	shalt  }
0x4c: {  	_ =	shalt  }
0x4d: {  	_ =	shalt  }
0x4e: {  	_ =	shalt  }
0x4f: {  	_ =	shalt  }
0x50: {  	_ =	shalt  }
0x51: {  	_ =	shalt  }
0x52: {  	_ =	shalt  }
0x53: {  	_ =	shalt  }
0x54: {  	_ =	shalt  }
0x55: {  	_ =	shalt  }
0x56: {  	_ =	shalt  }
0x57: {  	_ =	shalt  }
0x58: {  	_ =	shalt  }
0x59: {  	_ =	shalt  }
0x5a: {  	_ =	shalt  }
0x5b: {  	_ =	shalt  }
0x5c: {  	_ =	shalt  }
0x5d: {  	_ =	shalt  }
0x5e: {  	_ =	shalt  }
0x5f: {  	_ =	shalt  }
0x60: {  	_ =	shalt  }
0x61: {  	_ =	shalt  }
0x62: {  	_ =	shalt  }
0x63: {  	_ =	shalt  }
0x64: {  	_ =	shalt  }
0x65: {  	_ =	shalt  }
0x66: {  	_ =	shalt  }
0x67: {  	_ =	shalt  }
0x68: {  	_ =	shalt  }
0x69: {  	_ =	shalt  }
0x6a: {  	_ =	shalt  }
0x6b: {  	_ =	shalt  }
0x6c: {  	_ =	shalt  }
0x6d: {  	_ =	shalt  }
0x6e: {  	_ =	shalt  }
0x6f: {  	_ =	shalt  }
0x70: {  	_ =	shalt  }
0x71: {  	_ =	shalt  }
0x72: {  	_ =	shalt  }
0x73: {  	_ =	shalt  }
0x74: {  	_ =	shalt  }
0x75: {  	_ =	shalt  }
0x76: {  	_ =	shalt  }
0x77: {  	_ =	shalt  }
0x78: {  	_ =	shalt  }
0x79: {  	_ =	shalt  }
0x7a: {  	_ =	shalt  }
0x7b: {  	_ =	shalt  }
0x7c: {  	_ =	shalt  }
0x7d: {  	_ =	shalt  }
0x7e: {  	_ =	shalt  }
0x7f: {  	_ =	shalt  }
0x80: {  	_ =	shalt  }
0x81: {  	_ =	shalt  }
0x82: {  	_ =	shalt  }
0x83: {  	_ =	shalt  }
0x84: {  	_ =	shalt  }
0x85: {  	_ =	shalt  }
0x86: {  	_ =	shalt  }
0x87: {  	_ =	shalt  }
.Lfunc_end0:
.L_simem_size_0:
called_computation_lowered:
.L_overlay_start_0:
0x88: {  	s2 =	sld [smem:$0x3FD9]  }
0x89: {  	s3 =	sld [smem:$0x3FFE];
	_ =	sdelay $0x1  }
0x8a: {  	s1 =	srdreg.scid  }
0x8b: {  	s0 =	sand.u32 $0x1, s1  }
0x8c: {  	s17 =	sshll.u32 s0, $0xA;
	s2 =	sadd.s32 s3, s2  }
0x8d: {  	s2 =	sadd.s32 s2, s17  }
0x8e: {  	[smem:$0x3FBE] =	sst s2  }
0x8f: {  	_ = 	snop  }
0x90: {  	s18 =	sld [smem:$0x3FD0];
	(tm) =	ssettm $0x1  }
0x91: {  	s19 =	sld [smem:$0x3FFB];
	_ =	sdelay $0x3  }
0x92: {  	_ =	strace s19  }
0x93: {  	s2 =	sld [smem:$0x3FFC];
	_ =	sdelay $0x3  }
0x94: {  	_ =	strace s2  }
0x95: {  	s2 =	sld [smem:$0x3FFD];
	_ =	sdelay $0x3  }
0x96: {  	_ =	strace s2  }
0x97: {  	_ =	strace $0x8FFFFFFF  }
0x98: {  	s20 =	sld [smem:$0x3FDB];
	_ =	sdelay $0x1  }
0x99: {  	s4 =	simm.s32 $_scs_section_size  }
0x9a: {  	s5 =	simm.s32 $_size__tile_overlayer_lowered;
	s6 =	simm.s32 $_tile_overlayer_lowered  }
0x9b: {  	s7 =	simm.s32 $0x1BFF;
	s21 =	sshll.u32 s6, $0x1;
	s4 =	sadd.s32 s4, s20  }
0x9c: {  	s22 =	simm.s32 $0x0;
	s5 =	sshll.u32 s5, $0x1;
	s6 =	sadd.s32 s21, s4  }
0x9d: {  	[timem:s22], [sflag:s7] =	dma.local [hbm:s6], s5  }
0x9e: {  	_ =	swait.ge [sflag:s7], s5  }
0x9f: {  	s5 =	ssub.s32 $0x0, s5;
	[sflag:s7] =	ssyncset.done $0x0  }
0xa0: {  	[sflag:s7] =	ssyncadd.s32 s5;
	_ =	sdelay $0x1  }
0xa1: {  	s23 =	simm.s32 $0x1B8B  }
0xa2: {  	_ =	swait.ge [sflag:s23], $0x1  }
0xa3: {  	[sflag:s23] =	ssyncset.done $0x0  }
0xa4: {  	[sflag:s23] =	ssyncadd.s32 $0xFFFFFFFF  }
0xa5: {  	s5 =	sld [smem:$0x0]  }
0xa6: {  	s6 =	sand.u32 $0xFFFFFFFE, s1  }
0xa7: {  	p0 =	sne.s32 s1, s6  }
0xa8: {  	s6 =	sshll.u32 @p0 s6, $0xE  }
0xa9: {  	s6 =	sadd.s32 @p0 $0x11B8D, s6;
	s7 =	sshll.u32 @p0 s5, $0x11  }
0xaa: {  	s6 =	sor.u32 @p0 s7, s6  }
0xab: {  	[sflag:s6] =	ssyncadd.remote.s32 @p0 $0x1;
	_ =	sdelay $0x1  }
0xac: {  	s6 =	simm.s32 @p0 $0x1B8D  }
0xad: {  	_ =	swait.eq @p0 [sflag:s6], $0x1  }
0xae: {  	[sflag:s6] =	ssyncadd.s32 @p0 $0xFFFFFFFF  }
0xaf: {  	s7 =	sshll.u32 @!p0 s1, $0xE  }
0xb0: {  	s7 =	sor.u32 @!p0 $0x4000, s7;
	s6 =	simm.s32 @!p0 $0x1B8D  }
0xb1: {  	s5 =	sshll.u32 @!p0 s5, $0x11;
	s7 =	sadd.s32 @!p0 $0x11B8D, s7;
	_ =	swait.eq @!p0 [sflag:s6], $0x1  }
0xb2: {  	s5 =	sor.u32 @!p0 s5, s7;
	[sflag:s6] =	ssyncadd.s32 @!p0 $0xFFFFFFFF  }
0xb3: {  	s25 =	simm.s32 $0x1B8E;
	s24 =	sld [smem:$0x3FFE];
	[sflag:s5] =	ssyncadd.remote.s32 @!p0 $0x1  }
0xb4: {  	s26 =	simm.s32 $execute0_lowered;
	[smem:$0x3FD2] =	sst s25  }
0xb5: {  	s6 =	sshll.u32 s26, $0x1;
	_ =	strace $0x80000052;
	[dreg:$0x1] =	wrdreg $0xFFFFFFFF  }
0xb6: {  	s28 =	simm.s32 $_size_execute0_lowered;
	s4 =	sadd.s32 s4, s6;
	[dreg:$0x0] =	wrdreg $0x0  }
0xb7: {  	s6 =	sshll.u32 s28, $0x1;
	[dreg:$0x2] =	wrdreg s4  }
0xb8: {  	[dreg:$0x3] =	wrdreg s6  }
0xb9: {  	[dreg:$0x4] =	wrdreg $0xC0  }
0xba: {  	_ =	task [dreg:s22], $0x5FFFF  }
0xbb: {  	[dreg:$0x1] =	wrdreg $0xFFFFFFFF  }
0xbc: {  	[dreg:$0x0] =	wrdreg $0x60  }
0xbd: {  	[dreg:$0x2] =	wrdreg s24  }
0xbe: {  	[dreg:$0x3] =	wrdreg s18  }
0xbf: {  	[dreg:$0x4] =	wrdreg $0x81800  }
0xc0: {  	[dreg:$0x5] =	wrdreg $0x9  }
0xc1: {  	_ =	task.clear_ibuf [dreg:s22], $0x6FFFF;
	_ =	strace $0x90000052  }
0xc2: {  	s29 =	simm.s32 $0x9;
	_ =	strace $0x80000054  }
0xc3: {  	_ =	swait.ge [sflag:s29], $0x1  }
0xc4: {  	[sflag:s29] =	ssyncadd.s32 $0xFFFFFFFF  }
0xc5: {  	_ =	strace $0x90000054  }
0xc6: {  	_ =	sfence  }
0xc7: {  	s30 =	sld [smem:$0x0];
	_ =	sdelay $0x2  }
0xc8: {  	s31 =	sshll.u32 s1, $0xD;
	s1 =	sshrl.u32 s1, $0x2  }
0xc9: {  	s4 =	sand.u32 $0x4000, s31;
	s1 =	sadd.s32 s1, s30  }
0xca: {  	s0 =	sor.u32 s4, s0;
	s1 =	sshll.u32 s1, $0x11  }
0xcb: {  	s0 =	sor.u32 s1, s0  }
0xcc: {  	s0 =	sadd.s32 $0x8F2B, s0  }
0xcd: {  	[sflag:s0] =	ssyncadd.remote.s32 $0x1  }
0xce: {  	_ =	sfence.sel $0xFFFF  }
0xcf: {  	[dreg:$0x0] =	wrdreg $0xFFFFFFFF;
	(pc) =	sbr.abs _section_cstart, $3  }
0xd0: {  	[dreg:$0x1] =	wrdreg $0xFFFFFFFF  }
0xd1: {  	_ =	task.clear_ibuf [dreg:s22], $0x2FFFF;
	_ =	strace $0x9FFFFFFF  }
0xd2: {  	(tm) =	ssettm $0x7FFFFFFF  }
0xd3: {  	_ =	shalt  }
tec
execute0_lowered:
.L_overlay_start_1:
0x0: {  	(tag) =	ssettag $0x1  }
0x1: {  	s0 =	rddreg [dreg:$0x0]  }
0x2: {  	s1 =	rddreg [dreg:$0x1]  }
0x3: {  	s2 =	rddreg [dreg:$0x2]  }
0x4: {  	s3 =	simm.s32 $0x0;
	s4 =	srdreg.scid;
	s12 =	stileid.u32  }
0x5: {  	s17 =	simm.s32 $0x100;
	s18 =	simm.s32 $0x5180;
	s19 =	simm.s32 $0x3  }
0x6: {  	s20 =	simm.s32 $0x80;
	s21 =	simm.s32 $0x50;
	s22 =	simm.s32 $0x180  }
0x7: {  	s23 =	simm.s32 $0x2980;
	s24 =	simm.s32 $0x1;
	s25 =	simm.s32 $0x2  }
0x8: {  	s26 =	simm.s32 $0x5980;
	[smem:$0x7FF] =	sst s3;
	s4 =	sand.u32 $0x1, s4  }
0x9: {  	s5 =	sadd.s32 $0x4200, s0;
	s9 =	smul.u32 $0x4F000, s12;
	s6 =	sadd.s32 $0x2B800, s0  }
0xa: {  	s7 =	smul.u32 $0x2780, s12;
	s13 =	sadd.s32 $0x128400, s2;
	p0 =	seq.s32 s12, $0xF  }
0xb: {  	_ =	strace $0x80000053;
	s8 =	smul.u32 $0x27100, s4;
	s4 =	ssub.s32 $0x2, s4  }
0xc: {  	s13 =	sshrl.u32 @p0 s13, $0x3;
	s10 =	sshrl.u32 s4, $0x1;
	s31 =	sshrl.u32 s9, $0x2  }
0xd: {  	s0 =	sadd.s32 s8, s0;
	s4 =	ssub.s32 s4, s10;
	s15 =	sadd.s32 s31, s2  }
0xe: {  	s8 =	smul.u32 $0x4E20, s12;
	s11 =	sadd.s32 s7, s0;
	s9 =	sadd.s32 $0x35600, s0  }
0xf: {  	s10 =	smax.u32 s4, $0x1;
	s4 =	sshll.u32 @!p0 s12, $0x6;
	s12 =	sadd.s32 $0xC9480, s0  }
0x10: {  	v0 =	vimm.s32 $0x2710;
	s15 =	sshrl.u32 @!p0 s15, $0x3;
	s11 =	sadd.s32 $0xA4400, s11;
	s14 =	sor.u32 @!p0 $0x1C03, s4  }
.LBB2_1:
0x11: {  	s0 =	simm.s32 @p0 $0x1FC3  }
0x12: {  	[spmem:s13], [sflag:s0] =	dma.local @p0 [hbm:s12], $0x2080  }
0x13: {  	s0 =	simm.s32 @p0 $0x3  }
0x14: {  	_ =	swait.ge @p0 [sflag:s0], $0x2080  }
0x15: {  	[sflag:s0] =	ssyncset.done @p0 $0x0  }
0x16: {  	[sflag:s0] =	ssyncadd.s32 @p0 $0xFFFFDF80;
	s0 =	simm.s32 @!p0 $0x3  }
0x17: {  	[spmem:s15], [sflag:s14] =	dma.local @!p0 [hbm:s11], $0x2780  }
0x18: {  	_ =	swait.ge @!p0 [sflag:s0], $0x2780  }
0x19: {  	[sflag:s0] =	ssyncset.done @!p0 $0x0  }
0x1a: {  	[sflag:s0] =	ssyncadd.s32 @!p0 $0xFFFFD880  }
0x1b: {  	s31 =	simm.s32 $0x10;
	[tilespmem:$0x100] =	vst v0  }
0x1c: {  	[tilespmem:s18], [sflag:$0x3] =	stream.indirect.gather [hbm4b:s5+s31], $0x80, s17, s31, $0xb8;
	[tilespmem:$0xA890] =	vst v63  }
0x1d: {  	_ =	swait.ge [sflag:s19], $0x800  }
0x1e: {  	[sflag:s19] =	ssyncset.done $0x0  }
0x1f: {  	[sflag:s19] =	ssyncadd.s32 $0xFFFFF800  }
0x20: {  	[bflag:$0x0] =	sbarrier.arrive $0xFFFF  }
0x21: {  	v1 =	vld [tilespmem:$0x5180];
	_ =	sdelay $0x3  }
0x22: {  	s28 =	simm.s32 $0x0  }
.LBB2_2:
0x23: {  	s0 =	smul.u32 $0x50, s28;
	_ =	sdelay $0x1  }
0x24: {  	s0 =	sadd.s32 s8, s0  }
0x25: {  	s0 =	sshrl.u32 s0, $0x3  }
0x26: {  	s29 =	simm.s32 $0x0;
	s4 =	sadd.s32 s6, s0  }
0x27: {  	[tilespmem:s29], [sflag:$0x3] =	stream.linear.gather [hbm4b:s4+s29], $0x50, $0x38;
	[tilespmem:$0xA890] =	vst v63  }
0x28: {  	_ =	swait.ge [sflag:s19], $0x50  }
0x29: {  	[sflag:s19] =	ssyncset.done $0x0  }
0x2a: {  	s0 =	sadd.s32 s1, s0;
	[sflag:s19] =	ssyncadd.s32 $0xFFFFFFB0  }
0x2b: {  	[tilespmem:s20], [sflag:$0x3] =	stream.linear.gather [hbm4b:s0+s29], $0x50, $0x38;
	[tilespmem:$0xA890] =	vst v63  }
0x2c: {  	_ =	swait.ge [sflag:s19], $0x50  }
0x2d: {  	[sflag:s19] =	ssyncset.done $0x0  }
0x2e: {  	[sflag:s19] =	ssyncadd.s32 $0xFFFFFFB0  }
0x2f: {  	[tilespmem:s22], [sflag:$0x1] =	stream.indirect.gather [hbm4b:s5+s21], $0x80, s29, s21, $0xb8;
	[tilespmem:$0xA890] =	vst v63  }
0x30: {  	_ = 	snop  }
0x31: {  	[tilespmem:s23], [sflag:$0x2] =	stream.indirect.gather [hbm4b:s5+s21], $0x80, s20, s21, $0xb8;
	[tilespmem:$0xA890] =	vst v63  }
0x32: {  	_ =	swait.ge [sflag:s24], $0x2800  }
0x33: {  	[sflag:s24] =	ssyncset.done $0x0  }
0x34: {  	[sflag:s24] =	ssyncadd.s32 $0xFFFFD800  }
0x35: {  	_ =	swait.ge [sflag:s25], $0x2800  }
0x36: {  	[sflag:s25] =	ssyncset.done $0x0  }
0x37: {  	s29 =	simm.s32 $0x0;
	[sflag:s25] =	ssyncadd.s32 $0xFFFFD800  }
0x38: {  	v2 =	vld [tilespmem:s29+$0x180]  }
0x39: {  	v3 =	vld [tilespmem:s29+$0x2988];
	_ =	sdelay $0x4  }
0x3a: {  	v2 =	vadd.f32 v3, v2  }
0x3b: {  	s30 =	simm.s32 $0x80  }
0x3c: {  	v4 =	vld [tilespmem:s30+$0x180];
	v3 =	vmul.f32 $2.000000030e-01, v2  }
0x3d: {  	v5 =	vld [tilespmem:s30+$0x2988]  }
0x3e: {  	v2 =	vmax.f32 v2, v3  }
0x3f: {  	s31 =	simm.s32 $0x100;
	v2 =	vmul.f32 $1.442695020e+00, v2  }
0x40: {  	v3 =	vld [tilespmem:s31+$0x180]  }
0x41: {  	(erf) = vpow2.f32 v2;
	v2 =	vld [tilespmem:s31+$0x2988]  }
0x42: {  	v4 =	vadd.f32 v5, v4;
	_ =	sdelay $0x1  }
0x43: {  	v5 =	vmul.f32 $2.000000030e-01, v4;
	_ =	sdelay $0x1  }
0x44: {  	v6 =	vadd.f32 v2, v3;
	v2 =	vmax.f32 v4, v5  }
0x45: {  	s0 =	simm.s32 $0x180;
	v3 =	vmul.f32 $1.442695020e+00, v2  }
0x46: {  	v2 =	vld [tilespmem:s0+$0x180];
	v4 =	vmul.f32 $2.000000030e-01, v6  }
0x47: {  	(erf) = vpow2.f32 v3;
	v3 =	vld [tilespmem:s0+$0x2988];
	_ =	sdelay $0x2  }
0x48: {  	s4 =	simm.s32 $0x800;
	v5 =	vmax.f32 v6, v4;
	v4 =	vpop (erf)  }
.LBB2_3:
0x49: {  	s16 =	sshra.s32 s4, $0x2;
	v5 =	vmul.f32 $1.442695020e+00, v5;
	v4 =	vmul.f32 v4, v1;
	p1 =	sne.s32 s4, $0x9E00  }
.Ltmp0:
0x4a: {  	s4 =	sadd.s32 $0x200, s4;
	v6 =	vadd.f32 v3, v2;
	v2 =	vld [tilespmem:s16+$0x180];
	(pc) =	sbr.rel @p1 .LBB2_3-.Ltmp0, $3  }
0x4b: {  	v3 =	vld [tilespmem:s16+$0x2988];
	(erf) = vpow2.f32 v5;
	[tilespmem:s29+$0x5980] =	vst v4;
	s29 =	smov.u32 s30;
	s30 =	smov.u32 s31;
	s31 =	smov.u32 s0  }
0x4c: {  	s0 =	smov.u32 s16;
	v7 =	vmul.f32 $2.000000030e-01, v6;
	_ =	sdelay $0x1  }
0x4d: {  	v5 =	vmax.f32 v6, v7;
	v4 =	vpop (erf)  }
0x4e: {  	_ = 	snop  }
0x4f: {  	v2 =	vadd.f32 v3, v2;
	_ =	sdelay $0x1  }
0x50: {  	v3 =	vmul.f32 $2.000000030e-01, v2;
	_ =	sdelay $0x1  }
0x51: {  	v5 =	vmul.f32 $1.442695020e+00, v5;
	v2 =	vmax.f32 v2, v3  }
0x52: {  	v2 =	vmul.f32 $1.442695020e+00, v2  }
0x53: {  	(erf) = vpow2.f32 v5  }
0x54: {  	(erf) = vpow2.f32 v2;
	_ =	sdelay $0x6  }
0x55: {  	v3 =	vmul.f32 v4, v1;
	v2 =	vpop (erf)  }
0x56: {  	v2 =	vmul.f32 v2, v1;
	v62 =	vpop (erf)  }
0x57: {  	[tilespmem:s29+$0x5980] =	vst v3;
	v3 =	vmul.f32 v62, v1;
	v63 =	vpop (erf)  }
0x58: {  	s28 =	sadd.s32 $0x1, s28;
	[tilespmem:s30+$0x5980] =	vst v2;
	v2 =	vmul.f32 v63, v1  }
0x59: {  	p1 =	sne.s32 s28, $0xFA;
	[tilespmem:s31+$0x5980] =	vst v3  }
.Ltmp1:
0x5a: {  	[tilespmem:s0+$0x5980] =	vst v2;
	(pc) =	sbr.rel @p1 .LBB2_2-.Ltmp1, $4  }
0x5b: {  	[spmem:s2] =	stream.indirect.scatter.add.f32 [tilespmem:s26], [sflag:$0x3], $0x10, s20, s21, $0xb8;
	[tilespmem:$0xA890] =	vst v63  }
0x5c: {  	_ =	swait.ge [sflag:s19], $0x500  }
0x5d: {  	[sflag:s19] =	ssyncset.done $0x0  }
0x5e: {  	[sflag:s19] =	ssyncadd.s32 $0xFFFFFB00  }
0x5f: {  	[bflag:$0x0] =	sbarrier.arrive $0xFFFF;
	s0 =	sadd.s32 @p0 $0x25080, s9;
	s4 =	simm.s32 @p0 $0x1FC3  }
0x60: {  	[hbm:s0], [sflag:s4] =	dma.local @p0 [spmem:s13], $0x2080  }
0x61: {  	s0 =	simm.s32 @p0 $0x3  }
0x62: {  	_ =	swait.ge @p0 [sflag:s0], $0x2080  }
0x63: {  	s3 =	sadd.s32 $0x1, s3;
	[sflag:s0] =	ssyncset.done @p0 $0x0  }
0x64: {  	p1 =	sne.s32 s3, s10;
	[sflag:s0] =	ssyncadd.s32 @p0 $0xFFFFDF80;
	s0 =	sadd.s32 @!p0 s7, s9  }
0x65: {  	[hbm:s0], [sflag:s14] =	dma.local @!p0 [spmem:s15], $0x2780  }
.Ltmp2:
0x66: {  	_ = 	snop;
	(pc) =	sbr.rel @p1 .LBB2_1-.Ltmp2, $4  }
0x67: {  	s0 =	simm.s32 @!p0 $0x3  }
0x68: {  	_ =	swait.ge @!p0 [sflag:s0], $0x2780  }
0x69: {  	[sflag:s0] =	ssyncset.done @!p0 $0x0  }
0x6a: {  	[sflag:s0] =	ssyncadd.s32 @!p0 $0xFFFFD880  }
0x6b: {  	_ =	sfence.sel $0x180000  }
0x6c: {  	[bflag:$0x0] =	sbarrier.arrive $0xFFFF  }
0x6d: {  	_ =	strace $0x90000053  }
0x6e: {  	s0 =	stileid.u32;
	[bflag:$0x2] =	sbarrier.arrive $0xFFFF  }
0x6f: {  	p0 =	sne.s32 s0, $0x0;
	s0 =	rddreg [dreg:$0x3]  }
0x70: {  	s0 =	sadd.s32 @!p0 $0x100000, s0  }
0x71: {  	[sflag:s0] =	ssyncadd.tile.s32 @!p0 $0x1;
	_ =	shalt  }
.Lfunc_end2:
_tile_overlayer_lowered:
.L_overlay_start_2:
0x72: {  	(tag) =	ssettag $0x2  }
0x73: {  	s0 =	rddreg [dreg:$0x0];
	s2 =	stileid.u32  }
0x74: {  	s1 =	rddreg [dreg:$0x1];
	p0 =	sne.s32 s2, $0x0  }
0x75: {  	s3 =	rddreg [dreg:$0x2];
	[bflag:$0x3] =	sbarrier.arrive $0xFFFF;
	s2 =	simm.s32 @!p0 $0x1C03  }
0x76: {  	[timem:s3], [sflag:s2] =	dma.local @!p0 [hbm:s0], s1  }
0x77: {  	s0 =	simm.s32 @!p0 $0x3  }
0x78: {  	_ =	swait.ge @!p0 [sflag:s0], s1  }
0x79: {  	s1 =	ssub.s32 @!p0 $0x0, s1;
	[sflag:s0] =	ssyncset.done @!p0 $0x0  }
0x7a: {  	[sflag:s0] =	ssyncadd.s32 @!p0 s1  }
0x7b: {  	[bflag:$0x3] =	sbarrier.arrive $0xFFFF  }
0x7c: {  	_ =	shalt  }

// kernel: kernel.17.cloned.1.call-start
scs
__scs_entry_jumppad:
0x0: {  	(pc) =	sbr.rel $0x88, $3  }
0x1: {  	(tag) =	ssettag $0x0;
	lr =	simm.s32 $0x1  }
0x2: {  	[smem:$0x3F97] =	sst lr;
	_ =	strace $0xD0000000  }
0x3: {  	_ = 	snop  }
0x4: {  	_ = 	snop  }
0x5: {  	_ = 	snop  }
0x6: {  	_ = 	snop  }
0x7: {  	_ = 	snop  }
__scs_overlays_trampoline_lowered:
0x8: {  	[smem:$0x3FA6] =	sst s0  }
0x9: {  	[smem:$0x3FA7] =	sst s1  }
0xa: {  	[smem:$0x3FA8] =	sst s2  }
0xb: {  	[smem:$0x3FA9] =	sst s3  }
0xc: {  	[smem:$0x3FAA] =	sst s4  }
0xd: {  	[smem:$0x3FAB] =	sst s5  }
0xe: {  	[smem:$0x3FAC] =	sst s6  }
0xf: {  	[smem:$0x3FAD] =	sst s7  }
0x10: {  	[smem:$0x3FAE] =	sst s8  }
0x11: {  	[smem:$0x3FAF] =	sst s9;
	s0 =	simm.s32 @!p0 $0x0  }
0x12: {  	s1 =	sld [smem:$0x3F95];
	s0 =	simm.s32 @p0 $0x1  }
0x13: {  	[smem:$0x3FB0] =	sst s0;
	s0 =	simm.s32 @!p1 $0x0  }
0x14: {  	s2 =	sld [smem:$0x3F94];
	s0 =	simm.s32 @p1 $0x1  }
0x15: {  	[smem:$0x3FB1] =	sst s0;
	s0 =	simm.s32 @!p2 $0x0  }
0x16: {  	s3 =	sld [smem:$0x3FDB];
	s0 =	simm.s32 @p2 $0x1  }
0x17: {  	s4 =	simm.s32 $0x1BF5;
	[smem:$0x3FB3] =	sst s0  }
0x18: {  	s0 =	sld [smem:$0x3F96];
	_ =	swait.ge [sflag:s4], $0x0  }
0x19: {  	s7 =	sld [smem:$0x3F97]  }
0x1a: {  	s8 =	sadd.s32 $0xFFFFE003, lr  }
0x1b: {  	s9 =	sadd.s32 $0xFFFFFEF7, lr;
	s5 =	simm.s32 $0xFFFFFFFF;
	p2 =	slt.u32 s8, $0xFFFFF086  }
0x1c: {  	p1 =	slt.u32 s9, $0xF7A;
	s5 =	simm.s32 @!p2 $0x0  }
0x1d: {  	s5 =	simm.s32 @p1 $0x1;
	p0 =	seq.s32 s7, s2  }
0x1e: {  	s7 =	smul.u32 @!p0 $0xF7A, s2;
	p2 =	seq.s32 @!p0 s5, $0x0  }
0x1f: {  	s9 =	smul.u32 $0xF7A, s1;
	s8 =	simm.s32 @!p0 $0x1BF5;
	p2 =	por !p2, p0  }
0x20: {  	[sflag:s8] =	ssyncset.s32 @!p0 $0xFFFFF086;
	s6 =	sadd.s32 @!p0 s3, s7;
	s7 =	simm.s32 @!p0 $0x108  }
0x21: {  	s3 =	sadd.s32 s3, s9;
	s6 =	sadd.s32 @!p0 $0x88, s6;
	s7 =	simm.s32 @p2 $0x1082  }
0x22: {  	[simem:s7], [sflag:s8] =	dma.local @!p0 [hbm:s6], $0xF7A  }
0x23: {  	s9 =	sor.u32 $0xD0000000, s2;
	s6 =	simm.s32 $0x108;
	_ =	swait.ge @!p0 [sflag:s8], $0x0  }
0x24: {  	s3 =	sadd.s32 $0x88, s3;
	s6 =	simm.s32 @!p1 $0x1082;
	[sflag:s4] =	ssyncset.s32 $0xFFFFF086  }
0x25: {  	[simem:s6], [sflag:s4] =	dma.local [hbm:s3], $0xF7A  }
0x26: {  	[smem:$0x3F97] =	sst s1;
	(tag) =	ssettag s2;
	_ =	strace s9  }
0x27: {  	s1 =	sld [smem:$0x3FA7]  }
0x28: {  	s2 =	sld [smem:$0x3FA8]  }
0x29: {  	s4 =	sld [smem:$0x3FAA]  }
0x2a: {  	p0 =	seq.s32 s5, $0x0;
	s5 =	sld [smem:$0x3FAB]  }
0x2b: {  	s6 =	sld [smem:$0x3FAC]  }
0x2c: {  	s7 =	sld [smem:$0x3FAD]  }
0x2d: {  	s3 =	simm.s32 $0x108;
	s8 =	sld [smem:$0x3FAE]  }
0x2e: {  	s3 =	simm.s32 @!p0 $0x1082;
	s9 =	sld [smem:$0x3FAF]  }
0x2f: {  	lr =	sadd.s32 s0, s3;
	s0 =	sld [smem:$0x3FA6]  }
0x30: {  	s3 =	sld [smem:$0x3FA9]  }
0x31: {  	[smem:$0x3FB2] =	sst s10  }
0x32: {  	s10 =	sld [smem:$0x3FB0];
	_ =	sdelay $0x3  }
0x33: {  	p0 =	seq.s32 s10, $0x1;
	s10 =	sld [smem:$0x3FB2];
	_ =	sdelay $0x3  }
0x34: {  	[smem:$0x3FB2] =	sst s10  }
0x35: {  	s10 =	sld [smem:$0x3FB1];
	_ =	sdelay $0x3  }
0x36: {  	p1 =	seq.s32 s10, $0x1;
	s10 =	sld [smem:$0x3FB2];
	_ =	sdelay $0x3  }
0x37: {  	[smem:$0x3FB2] =	sst s10  }
0x38: {  	s10 =	sld [smem:$0x3FB3]  }
0x39: {  	_ = 	snop;
	(pc) =	sbr.ind lr, $3  }
0x3a: {  	_ = 	snop  }
0x3b: {  	_ = 	snop  }
0x3c: {  	p2 =	seq.s32 s10, $0x1;
	s10 =	sld [smem:$0x3FB2]  }
0x3d: {  	_ =	shalt  }
0x3e: {  	_ =	shalt  }
0x3f: {  	_ =	shalt  }
0x40: {  	_ =	shalt  }
0x41: {  	_ =	shalt  }
0x42: {  	_ =	shalt  }
0x43: {  	_ =	shalt  }
0x44: {  	_ =	shalt  }
0x45: {  	_ =	shalt  }
0x46: {  	_ =	shalt  }
0x47: {  	_ =	shalt  }
0x48: {  	_ =	shalt  }
0x49: {  	_ =	shalt  }
0x4a: {  	_ =	shalt  }
0x4b: {  	_ =	shalt  }
0x4c: {  	_ =	shalt  }
0x4d: {  	_ =	shalt  }
0x4e: {  	_ =	shalt  }
0x4f: {  	_ =	shalt  }
0x50: {  	_ =	shalt  }
0x51: {  	_ =	shalt  }
0x52: {  	_ =	shalt  }
0x53: {  	_ =	shalt  }
0x54: {  	_ =	shalt  }
0x55: {  	_ =	shalt  }
0x56: {  	_ =	shalt  }
0x57: {  	_ =	shalt  }
0x58: {  	_ =	shalt  }
0x59: {  	_ =	shalt  }
0x5a: {  	_ =	shalt  }
0x5b: {  	_ =	shalt  }
0x5c: {  	_ =	shalt  }
0x5d: {  	_ =	shalt  }
0x5e: {  	_ =	shalt  }
0x5f: {  	_ =	shalt  }
0x60: {  	_ =	shalt  }
0x61: {  	_ =	shalt  }
0x62: {  	_ =	shalt  }
0x63: {  	_ =	shalt  }
0x64: {  	_ =	shalt  }
0x65: {  	_ =	shalt  }
0x66: {  	_ =	shalt  }
0x67: {  	_ =	shalt  }
0x68: {  	_ =	shalt  }
0x69: {  	_ =	shalt  }
0x6a: {  	_ =	shalt  }
0x6b: {  	_ =	shalt  }
0x6c: {  	_ =	shalt  }
0x6d: {  	_ =	shalt  }
0x6e: {  	_ =	shalt  }
0x6f: {  	_ =	shalt  }
0x70: {  	_ =	shalt  }
0x71: {  	_ =	shalt  }
0x72: {  	_ =	shalt  }
0x73: {  	_ =	shalt  }
0x74: {  	_ =	shalt  }
0x75: {  	_ =	shalt  }
0x76: {  	_ =	shalt  }
0x77: {  	_ =	shalt  }
0x78: {  	_ =	shalt  }
0x79: {  	_ =	shalt  }
0x7a: {  	_ =	shalt  }
0x7b: {  	_ =	shalt  }
0x7c: {  	_ =	shalt  }
0x7d: {  	_ =	shalt  }
0x7e: {  	_ =	shalt  }
0x7f: {  	_ =	shalt  }
0x80: {  	_ =	shalt  }
0x81: {  	_ =	shalt  }
0x82: {  	_ =	shalt  }
0x83: {  	_ =	shalt  }
0x84: {  	_ =	shalt  }
0x85: {  	_ =	shalt  }
0x86: {  	_ =	shalt  }
0x87: {  	_ =	shalt  }
.Lfunc_end0:
.L_simem_size_0:
called_computation.1_lowered:
.L_overlay_start_0:
0x88: {  	s2 =	sld [smem:$0x3FD9]  }
0x89: {  	s3 =	sld [smem:$0x3FFE];
	_ =	sdelay $0x1  }
0x8a: {  	s1 =	srdreg.scid  }
0x8b: {  	s0 =	sand.u32 $0x1, s1  }
0x8c: {  	s17 =	sshll.u32 s0, $0xA;
	s2 =	sadd.s32 s3, s2  }
0x8d: {  	s2 =	sadd.s32 s2, s17  }
0x8e: {  	[smem:$0x3FBE] =	sst s2  }
0x8f: {  	_ = 	snop  }
0x90: {  	s2 =	sld [smem:$0x3FD0];
	(tm) =	ssettm $0x1  }
0x91: {  	s18 =	sld [smem:$0x3FFB];
	_ =	sdelay $0x3  }
0x92: {  	_ =	strace s18  }
0x93: {  	s3 =	sld [smem:$0x3FFC];
	_ =	sdelay $0x3  }
0x94: {  	_ =	strace s3  }
0x95: {  	s3 =	sld [smem:$0x3FFD];
	_ =	sdelay $0x3  }
0x96: {  	_ =	strace s3  }
0x97: {  	_ =	strace $0x8FFFFFFF  }
0x98: {  	s19 =	sld [smem:$0x3FDB];
	_ =	sdelay $0x1  }
0x99: {  	s4 =	simm.s32 $_scs_section_size  }
0x9a: {  	s5 =	simm.s32 $_size__tile_overlayer_lowered;
	s6 =	simm.s32 $_tile_overlayer_lowered  }
0x9b: {  	s22 =	simm.s32 $0x1BFF;
	s21 =	sshll.u32 s6, $0x1;
	s3 =	sadd.s32 s4, s19  }
0x9c: {  	s7 =	simm.s32 $0x0;
	s20 =	sshll.u32 s5, $0x1;
	s5 =	sadd.s32 s21, s3  }
0x9d: {  	[timem:s7], [sflag:s22] =	dma.local [hbm:s5], s20  }
0x9e: {  	_ =	swait.ge [sflag:s22], s20  }
0x9f: {  	s4 =	ssub.s32 $0x0, s20;
	[sflag:s22] =	ssyncset.done $0x0  }
0xa0: {  	[sflag:s22] =	ssyncadd.s32 s4;
	_ =	sdelay $0x1  }
0xa1: {  	s23 =	simm.s32 $0x1B8B  }
0xa2: {  	_ =	swait.ge [sflag:s23], $0x1  }
0xa3: {  	[sflag:s23] =	ssyncset.done $0x0  }
0xa4: {  	s25 =	simm.s32 $0x1B8E;
	s24 =	sld [smem:$0x3FFE];
	[sflag:s23] =	ssyncadd.s32 $0xFFFFFFFF  }
0xa5: {  	s26 =	simm.s32 $execute0_lowered;
	[smem:$0x3FD2] =	sst s25  }
0xa6: {  	s5 =	sshll.u32 s26, $0x1;
	_ =	strace $0x80000046;
	[dreg:$0x1] =	wrdreg $0xFFFFFFFF  }
0xa7: {  	s28 =	simm.s32 $_size_execute0_lowered;
	s3 =	sadd.s32 s3, s5;
	[dreg:$0x0] =	wrdreg $0x0  }
0xa8: {  	s5 =	sshll.u32 s28, $0x1;
	[dreg:$0x2] =	wrdreg s3  }
0xa9: {  	[dreg:$0x3] =	wrdreg s5  }
0xaa: {  	[dreg:$0x4] =	wrdreg $0xC0  }
0xab: {  	_ =	task [dreg:s7], $0x5FFFF  }
0xac: {  	[dreg:$0x1] =	wrdreg $0xFFFFFFFF  }
0xad: {  	[dreg:$0x0] =	wrdreg $0x60  }
0xae: {  	[dreg:$0x2] =	wrdreg s24  }
0xaf: {  	[dreg:$0x3] =	wrdreg s2  }
0xb0: {  	[dreg:$0x4] =	wrdreg $0x81800  }
0xb1: {  	[dreg:$0x5] =	wrdreg $0xA  }
0xb2: {  	_ =	task.clear_ibuf [dreg:s7], $0x6FFFF;
	_ =	strace $0x90000046  }
0xb3: {  	s29 =	simm.s32 $0xA;
	_ =	strace $0x80000048  }
0xb4: {  	_ =	swait.ge [sflag:s29], $0x1  }
0xb5: {  	[sflag:s29] =	ssyncadd.s32 $0xFFFFFFFF  }
0xb6: {  	_ =	strace $0x90000048  }
0xb7: {  	_ =	sfence  }
0xb8: {  	s30 =	sld [smem:$0x0];
	_ =	sdelay $0x2  }
0xb9: {  	s31 =	sshll.u32 s1, $0xD;
	s1 =	sshrl.u32 s1, $0x2  }
0xba: {  	s3 =	sand.u32 $0x4000, s31;
	s1 =	sadd.s32 s1, s30  }
0xbb: {  	s0 =	sor.u32 s3, s0;
	s1 =	sshll.u32 s1, $0x11  }
0xbc: {  	s0 =	sor.u32 s1, s0  }
0xbd: {  	s0 =	sadd.s32 $0x8F2B, s0  }
0xbe: {  	[sflag:s0] =	ssyncadd.remote.s32 $0x1  }
0xbf: {  	_ =	sfence.sel $0xFFFF  }
0xc0: {  	[dreg:$0x0] =	wrdreg $0xFFFFFFFF;
	(pc) =	sbr.abs _section_cstart, $3  }
0xc1: {  	[dreg:$0x1] =	wrdreg $0xFFFFFFFF  }
0xc2: {  	_ =	task.clear_ibuf [dreg:s7], $0x2FFFF;
	_ =	strace $0x9FFFFFFF  }
0xc3: {  	(tm) =	ssettm $0x7FFFFFFF  }
tec
execute0_lowered:
.L_overlay_start_1:
0x0: {  	(tag) =	ssettag $0x1  }
0x1: {  	s0 =	rddreg [dreg:$0x0]  }
0x2: {  	s1 =	rddreg [dreg:$0x1]  }
0x3: {  	s3 =	srdreg.scid;
	s2 =	rddreg [dreg:$0x2];
	s4 =	simm.s32 $0x0  }
0x4: {  	s12 =	stileid.u32;
	s17 =	simm.s32 $0x100;
	s18 =	simm.s32 $0x5180  }
0x5: {  	s19 =	simm.s32 $0x3;
	s20 =	simm.s32 $0x80;
	s21 =	simm.s32 $0x50  }
0x6: {  	s22 =	simm.s32 $0x180;
	s23 =	simm.s32 $0x2980;
	s24 =	simm.s32 $0x1  }
0x7: {  	s25 =	simm.s32 $0x2;
	s26 =	simm.s32 $0x5980;
	s3 =	sand.u32 $0x1, s3  }
0x8: {  	[smem:$0x7FF] =	sst s4;
	s6 =	smul.u32 $0x4F000, s12;
	s13 =	sadd.s32 $0x128400, s2  }
0x9: {  	p0 =	seq.s32 s12, $0xF;
	s5 =	smul.u32 $0x27180, s3;
	_ =	strace $0x80000047  }
0xa: {  	s8 =	smul.u32 $0x27100, s3;
	s3 =	ssub.s32 $0x2, s3;
	s13 =	sshrl.u32 @p0 s13, $0x3  }
0xb: {  	s9 =	sshrl.u32 s3, $0x1;
	s10 =	sshrl.u32 s6, $0x2;
	s6 =	smul.u32 $0x2780, s12  }
0xc: {  	s7 =	sadd.s32 s5, s0;
	s5 =	sadd.s32 $0x2B800, s0;
	s0 =	sadd.s32 s8, s0  }
0xd: {  	s3 =	ssub.s32 s3, s9;
	s15 =	sadd.s32 s10, s2;
	s8 =	smul.u32 $0x4E20, s12  }
0xe: {  	s11 =	sadd.s32 s6, s0;
	s7 =	sadd.s32 $0x1DD200, s7;
	s9 =	sadd.s32 $0x22B600, s0  }
0xf: {  	s10 =	smax.u32 s3, $0x1;
	s3 =	sshll.u32 @!p0 s12, $0x6;
	s12 =	sadd.s32 $0x361C80, s0  }
0x10: {  	v0 =	vimm.s32 $0x2710;
	s15 =	sshrl.u32 @!p0 s15, $0x3;
	s11 =	sadd.s32 $0x33CC00, s11;
	s14 =	sor.u32 @!p0 $0x1C03, s3  }
.LBB2_1:
0x11: {  	s0 =	simm.s32 @p0 $0x1FC3  }
0x12: {  	[spmem:s13], [sflag:s0] =	dma.local @p0 [hbm:s12], $0x2080  }
0x13: {  	s0 =	simm.s32 @p0 $0x3  }
0x14: {  	_ =	swait.ge @p0 [sflag:s0], $0x2080  }
0x15: {  	[sflag:s0] =	ssyncset.done @p0 $0x0  }
0x16: {  	[sflag:s0] =	ssyncadd.s32 @p0 $0xFFFFDF80;
	s0 =	simm.s32 @!p0 $0x3  }
0x17: {  	[spmem:s15], [sflag:s14] =	dma.local @!p0 [hbm:s11], $0x2780  }
0x18: {  	_ =	swait.ge @!p0 [sflag:s0], $0x2780  }
0x19: {  	[sflag:s0] =	ssyncset.done @!p0 $0x0  }
0x1a: {  	[sflag:s0] =	ssyncadd.s32 @!p0 $0xFFFFD880  }
0x1b: {  	s31 =	simm.s32 $0x10;
	[tilespmem:$0x100] =	vst v0  }
0x1c: {  	[tilespmem:s18], [sflag:$0x3] =	stream.indirect.gather [hbm4b:s7+s31], $0x80, s17, s31, $0xb8;
	[tilespmem:$0xCFA0] =	vst v63  }
0x1d: {  	_ =	swait.ge [sflag:s19], $0x800  }
0x1e: {  	[sflag:s19] =	ssyncset.done $0x0  }
0x1f: {  	[sflag:s19] =	ssyncadd.s32 $0xFFFFF800  }
0x20: {  	[bflag:$0x0] =	sbarrier.arrive $0xFFFF  }
0x21: {  	v1 =	vld [tilespmem:$0x51C0];
	_ =	sdelay $0x3  }
0x22: {  	s28 =	simm.s32 $0x0  }
.LBB2_2:
0x23: {  	s0 =	smul.u32 $0x50, s28;
	_ =	sdelay $0x1  }
0x24: {  	s0 =	sadd.s32 s8, s0  }
0x25: {  	s0 =	sshrl.u32 s0, $0x3  }
0x26: {  	s29 =	simm.s32 $0x0;
	s3 =	sadd.s32 s5, s0  }
0x27: {  	[tilespmem:s29], [sflag:$0x3] =	stream.linear.gather [hbm4b:s3+s29], $0x50, $0x38;
	[tilespmem:$0xCFA0] =	vst v63  }
0x28: {  	_ =	swait.ge [sflag:s19], $0x50  }
0x29: {  	[sflag:s19] =	ssyncset.done $0x0  }
0x2a: {  	s0 =	sadd.s32 s1, s0;
	[sflag:s19] =	ssyncadd.s32 $0xFFFFFFB0  }
0x2b: {  	[tilespmem:s20], [sflag:$0x3] =	stream.linear.gather [hbm4b:s0+s29], $0x50, $0x38;
	[tilespmem:$0xCFA0] =	vst v63  }
0x2c: {  	_ =	swait.ge [sflag:s19], $0x50  }
0x2d: {  	[sflag:s19] =	ssyncset.done $0x0  }
0x2e: {  	[sflag:s19] =	ssyncadd.s32 $0xFFFFFFB0  }
0x2f: {  	[tilespmem:s22], [sflag:$0x1] =	stream.indirect.gather [hbm4b:s7+s21], $0x80, s29, s21, $0xb8;
	[tilespmem:$0xCFA0] =	vst v63  }
0x30: {  	_ = 	snop  }
0x31: {  	[tilespmem:s23], [sflag:$0x2] =	stream.indirect.gather [hbm4b:s7+s21], $0x80, s20, s21, $0xb8;
	[tilespmem:$0xCFA0] =	vst v63  }
0x32: {  	_ =	swait.ge [sflag:s24], $0x2800  }
0x33: {  	[sflag:s24] =	ssyncset.done $0x0  }
0x34: {  	[sflag:s24] =	ssyncadd.s32 $0xFFFFD800  }
0x35: {  	_ =	swait.ge [sflag:s25], $0x2800  }
0x36: {  	[sflag:s25] =	ssyncset.done $0x0  }
0x37: {  	s31 =	simm.s32 $0x0;
	[sflag:s25] =	ssyncadd.s32 $0xFFFFD800  }
0x38: {  	v2 =	vld [tilespmem:s31+$0x1C0]  }
0x39: {  	v3 =	vld [tilespmem:s31+$0x29E0];
	_ =	sdelay $0x3  }
0x3a: {  	s30 =	simm.s32 $0x80  }
0x3b: {  	v4 =	vld [tilespmem:s30+$0x1C0];
	v2 =	vadd.f32 v3, v2  }
0x3c: {  	v5 =	vld [tilespmem:s30+$0x29E0]  }
0x3d: {  	v3 =	vmul.f32 $2.000000030e-01, v2  }
0x3e: {  	s29 =	simm.s32 $0x100  }
0x3f: {  	v6 =	vld [tilespmem:s29+$0x1C0];
	v2 =	vmax.f32 v2, v3  }
0x40: {  	v7 =	vld [tilespmem:s29+$0x29E0];
	v2 =	vmul.f32 $1.442695020e+00, v2  }
0x41: {  	v4 =	vadd.f32 v5, v4  }
0x42: {  	(erf) = vpow2.f32 v2  }
0x43: {  	v8 =	vmul.f32 $2.000000030e-01, v4  }
0x44: {  	s0 =	simm.s32 $0x180;
	v5 =	vld [tilespmem:s31+$0x180]  }
0x45: {  	v9 =	vadd.f32 v7, v6;
	v7 =	vld [tilespmem:s0+$0x1C0];
	v4 =	vmax.f32 v4, v8  }
0x46: {  	v6 =	vld [tilespmem:s31+$0x190];
	v4 =	vmul.f32 $1.442695020e+00, v4  }
0x47: {  	v10 =	vmul.f32 $2.000000030e-01, v9;
	v3 =	vld [tilespmem:s30+$0x180]  }
0x48: {  	v8 =	vld [tilespmem:s0+$0x29E0];
	(erf) = vpow2.f32 v4  }
0x49: {  	v2 =	vld [tilespmem:s29+$0x180]  }
0x4a: {  	v4 =	vld [tilespmem:s0+$0x180]  }
0x4b: {  	s3 =	simm.s32 $0x800;
	v9 =	vmax.f32 v9, v10;
	v10 =	vpop (erf)  }
.LBB2_3:
0x4c: {  	v9 =	vmul.f32 $1.442695020e+00, v9;
	v10 =	vmul.f32 v10, v1;
	s16 =	smov.u32 s0;
	s0 =	sshra.s32 s3, $0x2;
	p1 =	sne.s32 s3, $0x9E00  }
.Ltmp0:
0x4d: {  	s3 =	sadd.s32 $0x200, s3;
	v11 =	vadd.f32 v8, v7;
	v7 =	vld [tilespmem:s0+$0x1C0];
	(pc) =	sbr.rel @p1 .LBB2_3-.Ltmp0, $4  }
0x4e: {  	v8 =	vld [tilespmem:s0+$0x29E0];
	(erf) = vpow2.f32 v9;
	v9 =	vmul.f32 v10, v6  }
0x4f: {  	v13 =	vmul.f32 v10, v5;
	v5 =	vmovc v3;
	v3 =	vmovc v2;
	v12 =	vmul.f32 $2.000000030e-01, v11;
	v6 =	vld [tilespmem:s30+$0x190];
	v2 =	vmov v4  }
0x50: {  	v4 =	vld [tilespmem:s0+$0x180];
	[tilespmem:s31+$0x5990] =	vst v9  }
0x51: {  	v9 =	vmax.f32 v11, v12;
	v10 =	vpop (erf);
	[tilespmem:s31+$0x5980] =	vst v13;
	s31 =	smov.u32 s30;
	s30 =	smov.u32 s29;
	s29 =	smov.u32 s16  }
0x52: {  	_ = 	snop  }
0x53: {  	v7 =	vadd.f32 v8, v7;
	_ =	sdelay $0x1  }
0x54: {  	v8 =	vmul.f32 $2.000000030e-01, v7  }
0x55: {  	v9 =	vmul.f32 $1.442695020e+00, v9  }
0x56: {  	v7 =	vmax.f32 v7, v8  }
0x57: {  	v59 =	vld [tilespmem:s30+$0x190];
	(erf) = vpow2.f32 v9;
	v7 =	vmul.f32 $1.442695020e+00, v7  }
0x58: {  	v10 =	vmul.f32 v10, v1  }
0x59: {  	v60 =	vpop (erf);
	(erf) = vpow2.f32 v7  }
0x5a: {  	v6 =	vmul.f32 v10, v6;
	v61 =	vmul.f32 v60, v1  }
0x5b: {  	v5 =	vmul.f32 v10, v5  }
0x5c: {  	[tilespmem:s31+$0x5990] =	vst v6;
	v62 =	vmul.f32 v61, v59;
	v3 =	vmul.f32 v61, v3  }
0x5d: {  	[tilespmem:s31+$0x5980] =	vst v5  }
0x5e: {  	v6 =	vld [tilespmem:s29+$0x190];
	[tilespmem:s30+$0x5990] =	vst v62  }
0x5f: {  	[tilespmem:s30+$0x5980] =	vst v3  }
0x60: {  	v5 =	vld [tilespmem:s0+$0x190];
	v3 =	vpop (erf)  }
0x61: {  	v3 =	vmul.f32 v3, v1  }
0x62: {  	v63 =	vpop (erf)  }
0x63: {  	v6 =	vmul.f32 v3, v6;
	v7 =	vmul.f32 v63, v1  }
0x64: {  	v2 =	vmul.f32 v3, v2  }
0x65: {  	[tilespmem:s29+$0x5990] =	vst v6;
	v3 =	vmul.f32 v7, v5  }
0x66: {  	s28 =	sadd.s32 $0x1, s28;
	[tilespmem:s29+$0x5980] =	vst v2;
	v2 =	vmul.f32 v7, v4  }
0x67: {  	p1 =	sne.s32 s28, $0xFA;
	[tilespmem:s0+$0x5990] =	vst v3  }
.Ltmp1:
0x68: {  	[tilespmem:s0+$0x5980] =	vst v2;
	(pc) =	sbr.rel @p1 .LBB2_2-.Ltmp1, $4  }
0x69: {  	[spmem:s2] =	stream.indirect.scatter.add.f32 [tilespmem:s26], [sflag:$0x3], $0x20, s20, s21, $0xb8;
	[tilespmem:$0xCFA0] =	vst v63  }
0x6a: {  	_ =	swait.ge [sflag:s19], $0xA00  }
0x6b: {  	[sflag:s19] =	ssyncset.done $0x0  }
0x6c: {  	[sflag:s19] =	ssyncadd.s32 $0xFFFFF600  }
0x6d: {  	[bflag:$0x0] =	sbarrier.arrive $0xFFFF;
	s0 =	sadd.s32 @p0 $0x25080, s9;
	s3 =	simm.s32 @p0 $0x1FC3  }
0x6e: {  	[hbm:s0], [sflag:s3] =	dma.local @p0 [spmem:s13], $0x2080  }
0x6f: {  	s0 =	simm.s32 @p0 $0x3  }
0x70: {  	_ =	swait.ge @p0 [sflag:s0], $0x2080  }
0x71: {  	s4 =	sadd.s32 $0x1, s4;
	[sflag:s0] =	ssyncset.done @p0 $0x0  }
0x72: {  	p1 =	sne.s32 s4, s10;
	[sflag:s0] =	ssyncadd.s32 @p0 $0xFFFFDF80;
	s0 =	sadd.s32 @!p0 s6, s9  }
0x73: {  	[hbm:s0], [sflag:s14] =	dma.local @!p0 [spmem:s15], $0x2780  }
.Ltmp2:
0x74: {  	_ = 	snop;
	(pc) =	sbr.rel @p1 .LBB2_1-.Ltmp2, $4  }
0x75: {  	s0 =	simm.s32 @!p0 $0x3  }
0x76: {  	_ =	swait.ge @!p0 [sflag:s0], $0x2780  }
0x77: {  	[sflag:s0] =	ssyncset.done @!p0 $0x0  }
0x78: {  	[sflag:s0] =	ssyncadd.s32 @!p0 $0xFFFFD880  }
0x79: {  	_ =	sfence.sel $0x180000  }
0x7a: {  	[bflag:$0x0] =	sbarrier.arrive $0xFFFF  }
0x7b: {  	_ =	strace $0x90000047  }
0x7c: {  	s0 =	stileid.u32;
	[bflag:$0x2] =	sbarrier.arrive $0xFFFF  }
0x7d: {  	p0 =	sne.s32 s0, $0x0;
	s0 =	rddreg [dreg:$0x3]  }
0x7e: {  	s0 =	sadd.s32 @!p0 $0x100000, s0  }
0x7f: {  	[sflag:s0] =	ssyncadd.tile.s32 @!p0 $0x1;
	_ =	shalt  }
.Lfunc_end2:
_tile_overlayer_lowered:
.L_overlay_start_2:
0x80: {  	(tag) =	ssettag $0x2  }
0x81: {  	s0 =	rddreg [dreg:$0x0];
	s2 =	stileid.u32  }
0x82: {  	s1 =	rddreg [dreg:$0x1];
	p0 =	sne.s32 s2, $0x0  }
0x83: {  	s3 =	rddreg [dreg:$0x2];
	[bflag:$0x3] =	sbarrier.arrive $0xFFFF;
	s2 =	simm.s32 @!p0 $0x1C03  }
0x84: {  	[timem:s3], [sflag:s2] =	dma.local @!p0 [hbm:s0], s1  }
0x85: {  	s0 =	simm.s32 @!p0 $0x3  }
0x86: {  	_ =	swait.ge @!p0 [sflag:s0], s1  }
0x87: {  	s1 =	ssub.s32 @!p0 $0x0, s1;
	[sflag:s0] =	ssyncset.done @!p0 $0x0  }
0x88: {  	[sflag:s0] =	ssyncadd.s32 @!p0 s1  }
0x89: {  	[bflag:$0x3] =	sbarrier.arrive $0xFFFF  }
0x8a: {  	_ =	shalt  }

// kernel: kernel.20.cloned.1.call-start
scs
__scs_entry_jumppad:
0x0: {  	(pc) =	sbr.rel $0x88, $3  }
0x1: {  	(tag) =	ssettag $0x0;
	lr =	simm.s32 $0x1  }
0x2: {  	[smem:$0x3F97] =	sst lr;
	_ =	strace $0xD0000000  }
0x3: {  	_ = 	snop  }
0x4: {  	_ = 	snop  }
0x5: {  	_ = 	snop  }
0x6: {  	_ = 	snop  }
0x7: {  	_ = 	snop  }
__scs_overlays_trampoline_lowered:
0x8: {  	[smem:$0x3FA6] =	sst s0  }
0x9: {  	[smem:$0x3FA7] =	sst s1  }
0xa: {  	[smem:$0x3FA8] =	sst s2  }
0xb: {  	[smem:$0x3FA9] =	sst s3  }
0xc: {  	[smem:$0x3FAA] =	sst s4  }
0xd: {  	[smem:$0x3FAB] =	sst s5  }
0xe: {  	[smem:$0x3FAC] =	sst s6  }
0xf: {  	[smem:$0x3FAD] =	sst s7  }
0x10: {  	[smem:$0x3FAE] =	sst s8  }
0x11: {  	[smem:$0x3FAF] =	sst s9;
	s0 =	simm.s32 @!p0 $0x0  }
0x12: {  	s1 =	sld [smem:$0x3F95];
	s0 =	simm.s32 @p0 $0x1  }
0x13: {  	[smem:$0x3FB0] =	sst s0;
	s0 =	simm.s32 @!p1 $0x0  }
0x14: {  	s2 =	sld [smem:$0x3F94];
	s0 =	simm.s32 @p1 $0x1  }
0x15: {  	[smem:$0x3FB1] =	sst s0;
	s0 =	simm.s32 @!p2 $0x0  }
0x16: {  	s3 =	sld [smem:$0x3FDB];
	s0 =	simm.s32 @p2 $0x1  }
0x17: {  	s4 =	simm.s32 $0x1BF5;
	[smem:$0x3FB3] =	sst s0  }
0x18: {  	s0 =	sld [smem:$0x3F96];
	_ =	swait.ge [sflag:s4], $0x0  }
0x19: {  	s7 =	sld [smem:$0x3F97]  }
0x1a: {  	s8 =	sadd.s32 $0xFFFFE003, lr  }
0x1b: {  	s9 =	sadd.s32 $0xFFFFFEF7, lr;
	s5 =	simm.s32 $0xFFFFFFFF;
	p2 =	slt.u32 s8, $0xFFFFF086  }
0x1c: {  	p1 =	slt.u32 s9, $0xF7A;
	s5 =	simm.s32 @!p2 $0x0  }
0x1d: {  	s5 =	simm.s32 @p1 $0x1;
	p0 =	seq.s32 s7, s2  }
0x1e: {  	s7 =	smul.u32 @!p0 $0xF7A, s2;
	p2 =	seq.s32 @!p0 s5, $0x0  }
0x1f: {  	s9 =	smul.u32 $0xF7A, s1;
	s8 =	simm.s32 @!p0 $0x1BF5;
	p2 =	por !p2, p0  }
0x20: {  	[sflag:s8] =	ssyncset.s32 @!p0 $0xFFFFF086;
	s6 =	sadd.s32 @!p0 s3, s7;
	s7 =	simm.s32 @!p0 $0x108  }
0x21: {  	s3 =	sadd.s32 s3, s9;
	s6 =	sadd.s32 @!p0 $0x88, s6;
	s7 =	simm.s32 @p2 $0x1082  }
0x22: {  	[simem:s7], [sflag:s8] =	dma.local @!p0 [hbm:s6], $0xF7A  }
0x23: {  	s9 =	sor.u32 $0xD0000000, s2;
	s6 =	simm.s32 $0x108;
	_ =	swait.ge @!p0 [sflag:s8], $0x0  }
0x24: {  	s3 =	sadd.s32 $0x88, s3;
	s6 =	simm.s32 @!p1 $0x1082;
	[sflag:s4] =	ssyncset.s32 $0xFFFFF086  }
0x25: {  	[simem:s6], [sflag:s4] =	dma.local [hbm:s3], $0xF7A  }
0x26: {  	[smem:$0x3F97] =	sst s1;
	(tag) =	ssettag s2;
	_ =	strace s9  }
0x27: {  	s1 =	sld [smem:$0x3FA7]  }
0x28: {  	s2 =	sld [smem:$0x3FA8]  }
0x29: {  	s4 =	sld [smem:$0x3FAA]  }
0x2a: {  	p0 =	seq.s32 s5, $0x0;
	s5 =	sld [smem:$0x3FAB]  }
0x2b: {  	s6 =	sld [smem:$0x3FAC]  }
0x2c: {  	s7 =	sld [smem:$0x3FAD]  }
0x2d: {  	s3 =	simm.s32 $0x108;
	s8 =	sld [smem:$0x3FAE]  }
0x2e: {  	s3 =	simm.s32 @!p0 $0x1082;
	s9 =	sld [smem:$0x3FAF]  }
0x2f: {  	lr =	sadd.s32 s0, s3;
	s0 =	sld [smem:$0x3FA6]  }
0x30: {  	s3 =	sld [smem:$0x3FA9]  }
0x31: {  	[smem:$0x3FB2] =	sst s10  }
0x32: {  	s10 =	sld [smem:$0x3FB0];
	_ =	sdelay $0x3  }
0x33: {  	p0 =	seq.s32 s10, $0x1;
	s10 =	sld [smem:$0x3FB2];
	_ =	sdelay $0x3  }
0x34: {  	[smem:$0x3FB2] =	sst s10  }
0x35: {  	s10 =	sld [smem:$0x3FB1];
	_ =	sdelay $0x3  }
0x36: {  	p1 =	seq.s32 s10, $0x1;
	s10 =	sld [smem:$0x3FB2];
	_ =	sdelay $0x3  }
0x37: {  	[smem:$0x3FB2] =	sst s10  }
0x38: {  	s10 =	sld [smem:$0x3FB3]  }
0x39: {  	_ = 	snop;
	(pc) =	sbr.ind lr, $3  }
0x3a: {  	_ = 	snop  }
0x3b: {  	_ = 	snop  }
0x3c: {  	p2 =	seq.s32 s10, $0x1;
	s10 =	sld [smem:$0x3FB2]  }
0x3d: {  	_ =	shalt  }
0x3e: {  	_ =	shalt  }
0x3f: {  	_ =	shalt  }
0x40: {  	_ =	shalt  }
0x41: {  	_ =	shalt  }
0x42: {  	_ =	shalt  }
0x43: {  	_ =	shalt  }
0x44: {  	_ =	shalt  }
0x45: {  	_ =	shalt  }
0x46: {  	_ =	shalt  }
0x47: {  	_ =	shalt  }
0x48: {  	_ =	shalt  }
0x49: {  	_ =	shalt  }
0x4a: {  	_ =	shalt  }
0x4b: {  	_ =	shalt  }
0x4c: {  	_ =	shalt  }
0x4d: {  	_ =	shalt  }
0x4e: {  	_ =	shalt  }
0x4f: {  	_ =	shalt  }
0x50: {  	_ =	shalt  }
0x51: {  	_ =	shalt  }
0x52: {  	_ =	shalt  }
0x53: {  	_ =	shalt  }
0x54: {  	_ =	shalt  }
0x55: {  	_ =	shalt  }
0x56: {  	_ =	shalt  }
0x57: {  	_ =	shalt  }
0x58: {  	_ =	shalt  }
0x59: {  	_ =	shalt  }
0x5a: {  	_ =	shalt  }
0x5b: {  	_ =	shalt  }
0x5c: {  	_ =	shalt  }
0x5d: {  	_ =	shalt  }
0x5e: {  	_ =	shalt  }
0x5f: {  	_ =	shalt  }
0x60: {  	_ =	shalt  }
0x61: {  	_ =	shalt  }
0x62: {  	_ =	shalt  }
0x63: {  	_ =	shalt  }
0x64: {  	_ =	shalt  }
0x65: {  	_ =	shalt  }
0x66: {  	_ =	shalt  }
0x67: {  	_ =	shalt  }
0x68: {  	_ =	shalt  }
0x69: {  	_ =	shalt  }
0x6a: {  	_ =	shalt  }
0x6b: {  	_ =	shalt  }
0x6c: {  	_ =	shalt  }
0x6d: {  	_ =	shalt  }
0x6e: {  	_ =	shalt  }
0x6f: {  	_ =	shalt  }
0x70: {  	_ =	shalt  }
0x71: {  	_ =	shalt  }
0x72: {  	_ =	shalt  }
0x73: {  	_ =	shalt  }
0x74: {  	_ =	shalt  }
0x75: {  	_ =	shalt  }
0x76: {  	_ =	shalt  }
0x77: {  	_ =	shalt  }
0x78: {  	_ =	shalt  }
0x79: {  	_ =	shalt  }
0x7a: {  	_ =	shalt  }
0x7b: {  	_ =	shalt  }
0x7c: {  	_ =	shalt  }
0x7d: {  	_ =	shalt  }
0x7e: {  	_ =	shalt  }
0x7f: {  	_ =	shalt  }
0x80: {  	_ =	shalt  }
0x81: {  	_ =	shalt  }
0x82: {  	_ =	shalt  }
0x83: {  	_ =	shalt  }
0x84: {  	_ =	shalt  }
0x85: {  	_ =	shalt  }
0x86: {  	_ =	shalt  }
0x87: {  	_ =	shalt  }
.Lfunc_end0:
.L_simem_size_0:
called_computation.2_lowered:
.L_overlay_start_0:
0x88: {  	s2 =	sld [smem:$0x3FD9]  }
0x89: {  	s3 =	sld [smem:$0x3FFE];
	_ =	sdelay $0x1  }
0x8a: {  	s1 =	srdreg.scid  }
0x8b: {  	s0 =	sand.u32 $0x1, s1  }
0x8c: {  	s17 =	sshll.u32 s0, $0xA;
	s2 =	sadd.s32 s3, s2  }
0x8d: {  	s2 =	sadd.s32 s2, s17  }
0x8e: {  	[smem:$0x3FBE] =	sst s2  }
0x8f: {  	_ = 	snop  }
0x90: {  	s18 =	sld [smem:$0x3FD0];
	(tm) =	ssettm $0x1  }
0x91: {  	s19 =	sld [smem:$0x3FFB];
	_ =	sdelay $0x3  }
0x92: {  	_ =	strace s19  }
0x93: {  	s2 =	sld [smem:$0x3FFC];
	_ =	sdelay $0x3  }
0x94: {  	_ =	strace s2  }
0x95: {  	s2 =	sld [smem:$0x3FFD];
	_ =	sdelay $0x3  }
0x96: {  	_ =	strace s2  }
0x97: {  	_ =	strace $0x8FFFFFFF  }
0x98: {  	s20 =	sld [smem:$0x3FDB];
	_ =	sdelay $0x1  }
0x99: {  	s4 =	simm.s32 $_scs_section_size  }
0x9a: {  	s5 =	simm.s32 $_size__tile_overlayer_lowered;
	s6 =	simm.s32 $_tile_overlayer_lowered  }
0x9b: {  	s7 =	simm.s32 $0x1BFF;
	s21 =	sshll.u32 s6, $0x1;
	s4 =	sadd.s32 s4, s20  }
0x9c: {  	s22 =	simm.s32 $0x0;
	s5 =	sshll.u32 s5, $0x1;
	s6 =	sadd.s32 s21, s4  }
0x9d: {  	[timem:s22], [sflag:s7] =	dma.local [hbm:s6], s5  }
0x9e: {  	_ =	swait.ge [sflag:s7], s5  }
0x9f: {  	s5 =	ssub.s32 $0x0, s5;
	[sflag:s7] =	ssyncset.done $0x0  }
0xa0: {  	[sflag:s7] =	ssyncadd.s32 s5;
	_ =	sdelay $0x1  }
0xa1: {  	s23 =	simm.s32 $0x1B8B  }
0xa2: {  	_ =	swait.ge [sflag:s23], $0x1  }
0xa3: {  	[sflag:s23] =	ssyncset.done $0x0  }
0xa4: {  	[sflag:s23] =	ssyncadd.s32 $0xFFFFFFFF  }
0xa5: {  	s5 =	sld [smem:$0x0]  }
0xa6: {  	s6 =	sand.u32 $0xFFFFFFFE, s1  }
0xa7: {  	p0 =	sne.s32 s1, s6  }
0xa8: {  	s6 =	sshll.u32 @p0 s6, $0xE  }
0xa9: {  	s6 =	sadd.s32 @p0 $0x11B8D, s6;
	s7 =	sshll.u32 @p0 s5, $0x11  }
0xaa: {  	s6 =	sor.u32 @p0 s7, s6  }
0xab: {  	[sflag:s6] =	ssyncadd.remote.s32 @p0 $0x1;
	_ =	sdelay $0x1  }
0xac: {  	s6 =	simm.s32 @p0 $0x1B8D  }
0xad: {  	_ =	swait.eq @p0 [sflag:s6], $0x1  }
0xae: {  	[sflag:s6] =	ssyncadd.s32 @p0 $0xFFFFFFFF  }
0xaf: {  	s7 =	sshll.u32 @!p0 s1, $0xE  }
0xb0: {  	s7 =	sor.u32 @!p0 $0x4000, s7;
	s6 =	simm.s32 @!p0 $0x1B8D  }
0xb1: {  	s5 =	sshll.u32 @!p0 s5, $0x11;
	s7 =	sadd.s32 @!p0 $0x11B8D, s7;
	_ =	swait.eq @!p0 [sflag:s6], $0x1  }
0xb2: {  	s5 =	sor.u32 @!p0 s5, s7;
	[sflag:s6] =	ssyncadd.s32 @!p0 $0xFFFFFFFF  }
0xb3: {  	s25 =	simm.s32 $0x1B8E;
	s24 =	sld [smem:$0x3FFE];
	[sflag:s5] =	ssyncadd.remote.s32 @!p0 $0x1  }
0xb4: {  	s26 =	simm.s32 $execute0_lowered;
	[smem:$0x3FD2] =	sst s25  }
0xb5: {  	s6 =	sshll.u32 s26, $0x1;
	_ =	strace $0x80000049;
	[dreg:$0x1] =	wrdreg $0xFFFFFFFF  }
0xb6: {  	s28 =	simm.s32 $_size_execute0_lowered;
	s4 =	sadd.s32 s4, s6;
	[dreg:$0x0] =	wrdreg $0x0  }
0xb7: {  	s6 =	sshll.u32 s28, $0x1;
	[dreg:$0x2] =	wrdreg s4  }
0xb8: {  	[dreg:$0x3] =	wrdreg s6  }
0xb9: {  	[dreg:$0x4] =	wrdreg $0xC0  }
0xba: {  	_ =	task [dreg:s22], $0x5FFFF  }
0xbb: {  	[dreg:$0x1] =	wrdreg $0xFFFFFFFF  }
0xbc: {  	[dreg:$0x0] =	wrdreg $0x60  }
0xbd: {  	[dreg:$0x2] =	wrdreg s24  }
0xbe: {  	[dreg:$0x3] =	wrdreg s18  }
0xbf: {  	[dreg:$0x4] =	wrdreg $0x81800  }
0xc0: {  	[dreg:$0x5] =	wrdreg $0xB  }
0xc1: {  	_ =	task.clear_ibuf [dreg:s22], $0x6FFFF;
	_ =	strace $0x90000049  }
0xc2: {  	s29 =	simm.s32 $0xB;
	_ =	strace $0x8000004B  }
0xc3: {  	_ =	swait.ge [sflag:s29], $0x1  }
0xc4: {  	[sflag:s29] =	ssyncadd.s32 $0xFFFFFFFF  }
0xc5: {  	_ =	strace $0x9000004B  }
0xc6: {  	_ =	sfence  }
0xc7: {  	s30 =	sld [smem:$0x0];
	_ =	sdelay $0x2  }
0xc8: {  	s31 =	sshll.u32 s1, $0xD;
	s1 =	sshrl.u32 s1, $0x2  }
0xc9: {  	s4 =	sand.u32 $0x4000, s31;
	s1 =	sadd.s32 s1, s30  }
0xca: {  	s0 =	sor.u32 s4, s0;
	s1 =	sshll.u32 s1, $0x11  }
0xcb: {  	s0 =	sor.u32 s1, s0  }
0xcc: {  	s0 =	sadd.s32 $0x8F2B, s0  }
0xcd: {  	[sflag:s0] =	ssyncadd.remote.s32 $0x1  }
0xce: {  	_ =	sfence.sel $0xFFFF  }
0xcf: {  	[dreg:$0x0] =	wrdreg $0xFFFFFFFF;
	(pc) =	sbr.abs _section_cstart, $3  }
0xd0: {  	[dreg:$0x1] =	wrdreg $0xFFFFFFFF  }
0xd1: {  	_ =	task.clear_ibuf [dreg:s22], $0x2FFFF;
	_ =	strace $0x9FFFFFFF  }
0xd2: {  	(tm) =	ssettm $0x7FFFFFFF  }
0xd3: {  	_ =	shalt  }
tec
execute0_lowered:
.L_overlay_start_1:
0x0: {  	(tag) =	ssettag $0x1  }
0x1: {  	s0 =	rddreg [dreg:$0x0]  }
0x2: {  	s1 =	rddreg [dreg:$0x1]  }
0x3: {  	s3 =	srdreg.scid;
	s2 =	rddreg [dreg:$0x2];
	s4 =	simm.s32 $0x0  }
0x4: {  	s12 =	stileid.u32;
	s17 =	simm.s32 $0x100;
	s18 =	simm.s32 $0x5180  }
0x5: {  	s19 =	simm.s32 $0x3;
	s20 =	simm.s32 $0x80;
	s21 =	simm.s32 $0x50  }
0x6: {  	s22 =	simm.s32 $0x180;
	s23 =	simm.s32 $0x2980;
	s24 =	simm.s32 $0x1  }
0x7: {  	s25 =	simm.s32 $0x2;
	s26 =	simm.s32 $0x5980;
	s3 =	sand.u32 $0x1, s3  }
0x8: {  	[smem:$0x7FF] =	sst s4;
	s6 =	smul.u32 $0x4F000, s12;
	s13 =	sadd.s32 $0x128400, s2  }
0x9: {  	p0 =	seq.s32 s12, $0xF;
	s5 =	smul.u32 $0x27180, s3;
	_ =	strace $0x8000004A  }
0xa: {  	s8 =	smul.u32 $0x27100, s3;
	s3 =	ssub.s32 $0x2, s3;
	s13 =	sshrl.u32 @p0 s13, $0x3  }
0xb: {  	s9 =	sshrl.u32 s3, $0x1;
	s10 =	sshrl.u32 s6, $0x2;
	s6 =	smul.u32 $0x2780, s12  }
0xc: {  	s7 =	sadd.s32 s5, s0;
	s5 =	sadd.s32 $0x2B800, s0;
	s0 =	sadd.s32 s8, s0  }
0xd: {  	s3 =	ssub.s32 s3, s9;
	s15 =	sadd.s32 s10, s2;
	s8 =	smul.u32 $0x4E20, s12  }
0xe: {  	s11 =	sadd.s32 s6, s0;
	s7 =	sadd.s32 $0xF2600, s7;
	s9 =	sadd.s32 $0x279800, s0  }
0xf: {  	s10 =	smax.u32 s3, $0x1;
	s3 =	sshll.u32 @!p0 s12, $0x6;
	s12 =	sadd.s32 $0x3AFE80, s0  }
0x10: {  	v0 =	vimm.s32 $0x2710;
	s15 =	sshrl.u32 @!p0 s15, $0x3;
	s11 =	sadd.s32 $0x38AE00, s11;
	s14 =	sor.u32 @!p0 $0x1C03, s3  }
.LBB2_1:
0x11: {  	s0 =	simm.s32 @p0 $0x1FC3  }
0x12: {  	[spmem:s13], [sflag:s0] =	dma.local @p0 [hbm:s12], $0x2080  }
0x13: {  	s0 =	simm.s32 @p0 $0x3  }
0x14: {  	_ =	swait.ge @p0 [sflag:s0], $0x2080  }
0x15: {  	[sflag:s0] =	ssyncset.done @p0 $0x0  }
0x16: {  	[sflag:s0] =	ssyncadd.s32 @p0 $0xFFFFDF80;
	s0 =	simm.s32 @!p0 $0x3  }
0x17: {  	[spmem:s15], [sflag:s14] =	dma.local @!p0 [hbm:s11], $0x2780  }
0x18: {  	_ =	swait.ge @!p0 [sflag:s0], $0x2780  }
0x19: {  	[sflag:s0] =	ssyncset.done @!p0 $0x0  }
0x1a: {  	[sflag:s0] =	ssyncadd.s32 @!p0 $0xFFFFD880  }
0x1b: {  	s31 =	simm.s32 $0x10;
	[tilespmem:$0x100] =	vst v0  }
0x1c: {  	[tilespmem:s18], [sflag:$0x3] =	stream.indirect.gather [hbm4b:s7+s31], $0x80, s17, s31, $0xb8;
	[tilespmem:$0xCFA0] =	vst v63  }
0x1d: {  	_ =	swait.ge [sflag:s19], $0x800  }
0x1e: {  	[sflag:s19] =	ssyncset.done $0x0  }
0x1f: {  	[sflag:s19] =	ssyncadd.s32 $0xFFFFF800  }
0x20: {  	[bflag:$0x0] =	sbarrier.arrive $0xFFFF  }
0x21: {  	v1 =	vld [tilespmem:$0x51C0];
	_ =	sdelay $0x3  }
0x22: {  	s28 =	simm.s32 $0x0  }
.LBB2_2:
0x23: {  	s0 =	smul.u32 $0x50, s28;
	_ =	sdelay $0x1  }
0x24: {  	s0 =	sadd.s32 s8, s0  }
0x25: {  	s0 =	sshrl.u32 s0, $0x3  }
0x26: {  	s29 =	simm.s32 $0x0;
	s3 =	sadd.s32 s5, s0  }
0x27: {  	[tilespmem:s29], [sflag:$0x3] =	stream.linear.gather [hbm4b:s3+s29], $0x50, $0x38;
	[tilespmem:$0xCFA0] =	vst v63  }
0x28: {  	_ =	swait.ge [sflag:s19], $0x50  }
0x29: {  	[sflag:s19] =	ssyncset.done $0x0  }
0x2a: {  	s0 =	sadd.s32 s1, s0;
	[sflag:s19] =	ssyncadd.s32 $0xFFFFFFB0  }
0x2b: {  	[tilespmem:s20], [sflag:$0x3] =	stream.linear.gather [hbm4b:s0+s29], $0x50, $0x38;
	[tilespmem:$0xCFA0] =	vst v63  }
0x2c: {  	_ =	swait.ge [sflag:s19], $0x50  }
0x2d: {  	[sflag:s19] =	ssyncset.done $0x0  }
0x2e: {  	[sflag:s19] =	ssyncadd.s32 $0xFFFFFFB0  }
0x2f: {  	[tilespmem:s22], [sflag:$0x1] =	stream.indirect.gather [hbm4b:s7+s21], $0x80, s29, s21, $0xb8;
	[tilespmem:$0xCFA0] =	vst v63  }
0x30: {  	_ = 	snop  }
0x31: {  	[tilespmem:s23], [sflag:$0x2] =	stream.indirect.gather [hbm4b:s7+s21], $0x80, s20, s21, $0xb8;
	[tilespmem:$0xCFA0] =	vst v63  }
0x32: {  	_ =	swait.ge [sflag:s24], $0x2800  }
0x33: {  	[sflag:s24] =	ssyncset.done $0x0  }
0x34: {  	[sflag:s24] =	ssyncadd.s32 $0xFFFFD800  }
0x35: {  	_ =	swait.ge [sflag:s25], $0x2800  }
0x36: {  	[sflag:s25] =	ssyncset.done $0x0  }
0x37: {  	s31 =	simm.s32 $0x0;
	[sflag:s25] =	ssyncadd.s32 $0xFFFFD800  }
0x38: {  	v2 =	vld [tilespmem:s31+$0x1C0]  }
0x39: {  	v3 =	vld [tilespmem:s31+$0x29E0];
	_ =	sdelay $0x3  }
0x3a: {  	s30 =	simm.s32 $0x80  }
0x3b: {  	v4 =	vld [tilespmem:s30+$0x1C0];
	v2 =	vadd.f32 v3, v2  }
0x3c: {  	v5 =	vld [tilespmem:s30+$0x29E0]  }
0x3d: {  	v3 =	vmul.f32 $2.000000030e-01, v2  }
0x3e: {  	s29 =	simm.s32 $0x100  }
0x3f: {  	v6 =	vld [tilespmem:s29+$0x1C0];
	v2 =	vmax.f32 v2, v3  }
0x40: {  	v7 =	vld [tilespmem:s29+$0x29E0];
	v2 =	vmul.f32 $1.442695020e+00, v2  }
0x41: {  	v4 =	vadd.f32 v5, v4  }
0x42: {  	(erf) = vpow2.f32 v2  }
0x43: {  	v8 =	vmul.f32 $2.000000030e-01, v4  }
0x44: {  	s0 =	simm.s32 $0x180;
	v5 =	vld [tilespmem:s31+$0x180]  }
0x45: {  	v9 =	vadd.f32 v7, v6;
	v7 =	vld [tilespmem:s0+$0x1C0];
	v4 =	vmax.f32 v4, v8  }
0x46: {  	v6 =	vld [tilespmem:s31+$0x190];
	v4 =	vmul.f32 $1.442695020e+00, v4  }
0x47: {  	v10 =	vmul.f32 $2.000000030e-01, v9;
	v3 =	vld [tilespmem:s30+$0x180]  }
0x48: {  	v8 =	vld [tilespmem:s0+$0x29E0];
	(erf) = vpow2.f32 v4  }
0x49: {  	v2 =	vld [tilespmem:s29+$0x180]  }
0x4a: {  	v4 =	vld [tilespmem:s0+$0x180]  }
0x4b: {  	s3 =	simm.s32 $0x800;
	v9 =	vmax.f32 v9, v10;
	v10 =	vpop (erf)  }
.LBB2_3:
0x4c: {  	v9 =	vmul.f32 $1.442695020e+00, v9;
	v10 =	vmul.f32 v10, v1;
	s16 =	smov.u32 s0;
	s0 =	sshra.s32 s3, $0x2;
	p1 =	sne.s32 s3, $0x9E00  }
.Ltmp0:
0x4d: {  	s3 =	sadd.s32 $0x200, s3;
	v11 =	vadd.f32 v8, v7;
	v7 =	vld [tilespmem:s0+$0x1C0];
	(pc) =	sbr.rel @p1 .LBB2_3-.Ltmp0, $4  }
0x4e: {  	v8 =	vld [tilespmem:s0+$0x29E0];
	(erf) = vpow2.f32 v9;
	v9 =	vmul.f32 v10, v6  }
0x4f: {  	v13 =	vmul.f32 v10, v5;
	v5 =	vmovc v3;
	v3 =	vmovc v2;
	v12 =	vmul.f32 $2.000000030e-01, v11;
	v6 =	vld [tilespmem:s30+$0x190];
	v2 =	vmov v4  }
0x50: {  	v4 =	vld [tilespmem:s0+$0x180];
	[tilespmem:s31+$0x5990] =	vst v9  }
0x51: {  	v9 =	vmax.f32 v11, v12;
	v10 =	vpop (erf);
	[tilespmem:s31+$0x5980] =	vst v13;
	s31 =	smov.u32 s30;
	s30 =	smov.u32 s29;
	s29 =	smov.u32 s16  }
0x52: {  	_ = 	snop  }
0x53: {  	v7 =	vadd.f32 v8, v7;
	_ =	sdelay $0x1  }
0x54: {  	v8 =	vmul.f32 $2.000000030e-01, v7  }
0x55: {  	v9 =	vmul.f32 $1.442695020e+00, v9  }
0x56: {  	v7 =	vmax.f32 v7, v8  }
0x57: {  	v59 =	vld [tilespmem:s30+$0x190];
	(erf) = vpow2.f32 v9;
	v7 =	vmul.f32 $1.442695020e+00, v7  }
0x58: {  	v10 =	vmul.f32 v10, v1  }
0x59: {  	v60 =	vpop (erf);
	(erf) = vpow2.f32 v7  }
0x5a: {  	v6 =	vmul.f32 v10, v6;
	v61 =	vmul.f32 v60, v1  }
0x5b: {  	v5 =	vmul.f32 v10, v5  }
0x5c: {  	[tilespmem:s31+$0x5990] =	vst v6;
	v62 =	vmul.f32 v61, v59;
	v3 =	vmul.f32 v61, v3  }
0x5d: {  	[tilespmem:s31+$0x5980] =	vst v5  }
0x5e: {  	v6 =	vld [tilespmem:s29+$0x190];
	[tilespmem:s30+$0x5990] =	vst v62  }
0x5f: {  	[tilespmem:s30+$0x5980] =	vst v3  }
0x60: {  	v5 =	vld [tilespmem:s0+$0x190];
	v3 =	vpop (erf)  }
0x61: {  	v3 =	vmul.f32 v3, v1  }
0x62: {  	v63 =	vpop (erf)  }
0x63: {  	v6 =	vmul.f32 v3, v6;
	v7 =	vmul.f32 v63, v1  }
0x64: {  	v2 =	vmul.f32 v3, v2  }
0x65: {  	[tilespmem:s29+$0x5990] =	vst v6;
	v3 =	vmul.f32 v7, v5  }
0x66: {  	s28 =	sadd.s32 $0x1, s28;
	[tilespmem:s29+$0x5980] =	vst v2;
	v2 =	vmul.f32 v7, v4  }
0x67: {  	p1 =	sne.s32 s28, $0xFA;
	[tilespmem:s0+$0x5990] =	vst v3  }
.Ltmp1:
0x68: {  	[tilespmem:s0+$0x5980] =	vst v2;
	(pc) =	sbr.rel @p1 .LBB2_2-.Ltmp1, $4  }
0x69: {  	[spmem:s2] =	stream.indirect.scatter.add.f32 [tilespmem:s26], [sflag:$0x3], $0x20, s20, s21, $0xb8;
	[tilespmem:$0xCFA0] =	vst v63  }
0x6a: {  	_ =	swait.ge [sflag:s19], $0xA00  }
0x6b: {  	[sflag:s19] =	ssyncset.done $0x0  }
0x6c: {  	[sflag:s19] =	ssyncadd.s32 $0xFFFFF600  }
0x6d: {  	[bflag:$0x0] =	sbarrier.arrive $0xFFFF;
	s0 =	sadd.s32 @p0 $0x25080, s9;
	s3 =	simm.s32 @p0 $0x1FC3  }
0x6e: {  	[hbm:s0], [sflag:s3] =	dma.local @p0 [spmem:s13], $0x2080  }
0x6f: {  	s0 =	simm.s32 @p0 $0x3  }
0x70: {  	_ =	swait.ge @p0 [sflag:s0], $0x2080  }
0x71: {  	s4 =	sadd.s32 $0x1, s4;
	[sflag:s0] =	ssyncset.done @p0 $0x0  }
0x72: {  	p1 =	sne.s32 s4, s10;
	[sflag:s0] =	ssyncadd.s32 @p0 $0xFFFFDF80;
	s0 =	sadd.s32 @!p0 s6, s9  }
0x73: {  	[hbm:s0], [sflag:s14] =	dma.local @!p0 [spmem:s15], $0x2780  }
.Ltmp2:
0x74: {  	_ = 	snop;
	(pc) =	sbr.rel @p1 .LBB2_1-.Ltmp2, $4  }
0x75: {  	s0 =	simm.s32 @!p0 $0x3  }
0x76: {  	_ =	swait.ge @!p0 [sflag:s0], $0x2780  }
0x77: {  	[sflag:s0] =	ssyncset.done @!p0 $0x0  }
0x78: {  	[sflag:s0] =	ssyncadd.s32 @!p0 $0xFFFFD880  }
0x79: {  	_ =	sfence.sel $0x180000  }
0x7a: {  	[bflag:$0x0] =	sbarrier.arrive $0xFFFF  }
0x7b: {  	_ =	strace $0x9000004A  }
0x7c: {  	s0 =	stileid.u32;
	[bflag:$0x2] =	sbarrier.arrive $0xFFFF  }
0x7d: {  	p0 =	sne.s32 s0, $0x0;
	s0 =	rddreg [dreg:$0x3]  }
0x7e: {  	s0 =	sadd.s32 @!p0 $0x100000, s0  }
0x7f: {  	[sflag:s0] =	ssyncadd.tile.s32 @!p0 $0x1;
	_ =	shalt  }
.Lfunc_end2:
_tile_overlayer_lowered:
.L_overlay_start_2:
0x80: {  	(tag) =	ssettag $0x2  }
0x81: {  	s0 =	rddreg [dreg:$0x0];
	s2 =	stileid.u32  }
0x82: {  	s1 =	rddreg [dreg:$0x1];
	p0 =	sne.s32 s2, $0x0  }
0x83: {  	s3 =	rddreg [dreg:$0x2];
	[bflag:$0x3] =	sbarrier.arrive $0xFFFF;
	s2 =	simm.s32 @!p0 $0x1C03  }
0x84: {  	[timem:s3], [sflag:s2] =	dma.local @!p0 [hbm:s0], s1  }
0x85: {  	s0 =	simm.s32 @!p0 $0x3  }
0x86: {  	_ =	swait.ge @!p0 [sflag:s0], s1  }
0x87: {  	s1 =	ssub.s32 @!p0 $0x0, s1;
	[sflag:s0] =	ssyncset.done @!p0 $0x0  }
0x88: {  	[sflag:s0] =	ssyncadd.s32 @!p0 s1  }
0x89: {  	[bflag:$0x3] =	sbarrier.arrive $0xFFFF  }
0x8a: {  	_ =	shalt  }

// kernel: kernel.23.cloned.1.call-start
scs
__scs_entry_jumppad:
0x0: {  	(pc) =	sbr.rel $0x88, $3  }
0x1: {  	(tag) =	ssettag $0x0;
	lr =	simm.s32 $0x1  }
0x2: {  	[smem:$0x3F97] =	sst lr;
	_ =	strace $0xD0000000  }
0x3: {  	_ = 	snop  }
0x4: {  	_ = 	snop  }
0x5: {  	_ = 	snop  }
0x6: {  	_ = 	snop  }
0x7: {  	_ = 	snop  }
__scs_overlays_trampoline_lowered:
0x8: {  	[smem:$0x3FA6] =	sst s0  }
0x9: {  	[smem:$0x3FA7] =	sst s1  }
0xa: {  	[smem:$0x3FA8] =	sst s2  }
0xb: {  	[smem:$0x3FA9] =	sst s3  }
0xc: {  	[smem:$0x3FAA] =	sst s4  }
0xd: {  	[smem:$0x3FAB] =	sst s5  }
0xe: {  	[smem:$0x3FAC] =	sst s6  }
0xf: {  	[smem:$0x3FAD] =	sst s7  }
0x10: {  	[smem:$0x3FAE] =	sst s8  }
0x11: {  	[smem:$0x3FAF] =	sst s9;
	s0 =	simm.s32 @!p0 $0x0  }
0x12: {  	s1 =	sld [smem:$0x3F95];
	s0 =	simm.s32 @p0 $0x1  }
0x13: {  	[smem:$0x3FB0] =	sst s0;
	s0 =	simm.s32 @!p1 $0x0  }
0x14: {  	s2 =	sld [smem:$0x3F94];
	s0 =	simm.s32 @p1 $0x1  }
0x15: {  	[smem:$0x3FB1] =	sst s0;
	s0 =	simm.s32 @!p2 $0x0  }
0x16: {  	s3 =	sld [smem:$0x3FDB];
	s0 =	simm.s32 @p2 $0x1  }
0x17: {  	s4 =	simm.s32 $0x1BF5;
	[smem:$0x3FB3] =	sst s0  }
0x18: {  	s0 =	sld [smem:$0x3F96];
	_ =	swait.ge [sflag:s4], $0x0  }
0x19: {  	s7 =	sld [smem:$0x3F97]  }
0x1a: {  	s8 =	sadd.s32 $0xFFFFE003, lr  }
0x1b: {  	s9 =	sadd.s32 $0xFFFFFEF7, lr;
	s5 =	simm.s32 $0xFFFFFFFF;
	p2 =	slt.u32 s8, $0xFFFFF086  }
0x1c: {  	p1 =	slt.u32 s9, $0xF7A;
	s5 =	simm.s32 @!p2 $0x0  }
0x1d: {  	s5 =	simm.s32 @p1 $0x1;
	p0 =	seq.s32 s7, s2  }
0x1e: {  	s7 =	smul.u32 @!p0 $0xF7A, s2;
	p2 =	seq.s32 @!p0 s5, $0x0  }
0x1f: {  	s9 =	smul.u32 $0xF7A, s1;
	s8 =	simm.s32 @!p0 $0x1BF5;
	p2 =	por !p2, p0  }
0x20: {  	[sflag:s8] =	ssyncset.s32 @!p0 $0xFFFFF086;
	s6 =	sadd.s32 @!p0 s3, s7;
	s7 =	simm.s32 @!p0 $0x108  }
0x21: {  	s3 =	sadd.s32 s3, s9;
	s6 =	sadd.s32 @!p0 $0x88, s6;
	s7 =	simm.s32 @p2 $0x1082  }
0x22: {  	[simem:s7], [sflag:s8] =	dma.local @!p0 [hbm:s6], $0xF7A  }
0x23: {  	s9 =	sor.u32 $0xD0000000, s2;
	s6 =	simm.s32 $0x108;
	_ =	swait.ge @!p0 [sflag:s8], $0x0  }
0x24: {  	s3 =	sadd.s32 $0x88, s3;
	s6 =	simm.s32 @!p1 $0x1082;
	[sflag:s4] =	ssyncset.s32 $0xFFFFF086  }
0x25: {  	[simem:s6], [sflag:s4] =	dma.local [hbm:s3], $0xF7A  }
0x26: {  	[smem:$0x3F97] =	sst s1;
	(tag) =	ssettag s2;
	_ =	strace s9  }
0x27: {  	s1 =	sld [smem:$0x3FA7]  }
0x28: {  	s2 =	sld [smem:$0x3FA8]  }
0x29: {  	s4 =	sld [smem:$0x3FAA]  }
0x2a: {  	p0 =	seq.s32 s5, $0x0;
	s5 =	sld [smem:$0x3FAB]  }
0x2b: {  	s6 =	sld [smem:$0x3FAC]  }
0x2c: {  	s7 =	sld [smem:$0x3FAD]  }
0x2d: {  	s3 =	simm.s32 $0x108;
	s8 =	sld [smem:$0x3FAE]  }
0x2e: {  	s3 =	simm.s32 @!p0 $0x1082;
	s9 =	sld [smem:$0x3FAF]  }
0x2f: {  	lr =	sadd.s32 s0, s3;
	s0 =	sld [smem:$0x3FA6]  }
0x30: {  	s3 =	sld [smem:$0x3FA9]  }
0x31: {  	[smem:$0x3FB2] =	sst s10  }
0x32: {  	s10 =	sld [smem:$0x3FB0];
	_ =	sdelay $0x3  }
0x33: {  	p0 =	seq.s32 s10, $0x1;
	s10 =	sld [smem:$0x3FB2];
	_ =	sdelay $0x3  }
0x34: {  	[smem:$0x3FB2] =	sst s10  }
0x35: {  	s10 =	sld [smem:$0x3FB1];
	_ =	sdelay $0x3  }
0x36: {  	p1 =	seq.s32 s10, $0x1;
	s10 =	sld [smem:$0x3FB2];
	_ =	sdelay $0x3  }
0x37: {  	[smem:$0x3FB2] =	sst s10  }
0x38: {  	s10 =	sld [smem:$0x3FB3]  }
0x39: {  	_ = 	snop;
	(pc) =	sbr.ind lr, $3  }
0x3a: {  	_ = 	snop  }
0x3b: {  	_ = 	snop  }
0x3c: {  	p2 =	seq.s32 s10, $0x1;
	s10 =	sld [smem:$0x3FB2]  }
0x3d: {  	_ =	shalt  }
0x3e: {  	_ =	shalt  }
0x3f: {  	_ =	shalt  }
0x40: {  	_ =	shalt  }
0x41: {  	_ =	shalt  }
0x42: {  	_ =	shalt  }
0x43: {  	_ =	shalt  }
0x44: {  	_ =	shalt  }
0x45: {  	_ =	shalt  }
0x46: {  	_ =	shalt  }
0x47: {  	_ =	shalt  }
0x48: {  	_ =	shalt  }
0x49: {  	_ =	shalt  }
0x4a: {  	_ =	shalt  }
0x4b: {  	_ =	shalt  }
0x4c: {  	_ =	shalt  }
0x4d: {  	_ =	shalt  }
0x4e: {  	_ =	shalt  }
0x4f: {  	_ =	shalt  }
0x50: {  	_ =	shalt  }
0x51: {  	_ =	shalt  }
0x52: {  	_ =	shalt  }
0x53: {  	_ =	shalt  }
0x54: {  	_ =	shalt  }
0x55: {  	_ =	shalt  }
0x56: {  	_ =	shalt  }
0x57: {  	_ =	shalt  }
0x58: {  	_ =	shalt  }
0x59: {  	_ =	shalt  }
0x5a: {  	_ =	shalt  }
0x5b: {  	_ =	shalt  }
0x5c: {  	_ =	shalt  }
0x5d: {  	_ =	shalt  }
0x5e: {  	_ =	shalt  }
0x5f: {  	_ =	shalt  }
0x60: {  	_ =	shalt  }
0x61: {  	_ =	shalt  }
0x62: {  	_ =	shalt  }
0x63: {  	_ =	shalt  }
0x64: {  	_ =	shalt  }
0x65: {  	_ =	shalt  }
0x66: {  	_ =	shalt  }
0x67: {  	_ =	shalt  }
0x68: {  	_ =	shalt  }
0x69: {  	_ =	shalt  }
0x6a: {  	_ =	shalt  }
0x6b: {  	_ =	shalt  }
0x6c: {  	_ =	shalt  }
0x6d: {  	_ =	shalt  }
0x6e: {  	_ =	shalt  }
0x6f: {  	_ =	shalt  }
0x70: {  	_ =	shalt  }
0x71: {  	_ =	shalt  }
0x72: {  	_ =	shalt  }
0x73: {  	_ =	shalt  }
0x74: {  	_ =	shalt  }
0x75: {  	_ =	shalt  }
0x76: {  	_ =	shalt  }
0x77: {  	_ =	shalt  }
0x78: {  	_ =	shalt  }
0x79: {  	_ =	shalt  }
0x7a: {  	_ =	shalt  }
0x7b: {  	_ =	shalt  }
0x7c: {  	_ =	shalt  }
0x7d: {  	_ =	shalt  }
0x7e: {  	_ =	shalt  }
0x7f: {  	_ =	shalt  }
0x80: {  	_ =	shalt  }
0x81: {  	_ =	shalt  }
0x82: {  	_ =	shalt  }
0x83: {  	_ =	shalt  }
0x84: {  	_ =	shalt  }
0x85: {  	_ =	shalt  }
0x86: {  	_ =	shalt  }
0x87: {  	_ =	shalt  }
.Lfunc_end0:
.L_simem_size_0:
called_computation.3_lowered:
.L_overlay_start_0:
0x88: {  	s2 =	sld [smem:$0x3FD9]  }
0x89: {  	s3 =	sld [smem:$0x3FFE];
	_ =	sdelay $0x1  }
0x8a: {  	s1 =	srdreg.scid  }
0x8b: {  	s0 =	sand.u32 $0x1, s1  }
0x8c: {  	s17 =	sshll.u32 s0, $0xA;
	s2 =	sadd.s32 s3, s2  }
0x8d: {  	s2 =	sadd.s32 s2, s17  }
0x8e: {  	[smem:$0x3FBE] =	sst s2  }
0x8f: {  	_ = 	snop  }
0x90: {  	s18 =	sld [smem:$0x3FD0];
	(tm) =	ssettm $0x1  }
0x91: {  	s19 =	sld [smem:$0x3FFB];
	_ =	sdelay $0x3  }
0x92: {  	_ =	strace s19  }
0x93: {  	s2 =	sld [smem:$0x3FFC];
	_ =	sdelay $0x3  }
0x94: {  	_ =	strace s2  }
0x95: {  	s2 =	sld [smem:$0x3FFD];
	_ =	sdelay $0x3  }
0x96: {  	_ =	strace s2  }
0x97: {  	_ =	strace $0x8FFFFFFF  }
0x98: {  	s20 =	sld [smem:$0x3FDB];
	_ =	sdelay $0x1  }
0x99: {  	s4 =	simm.s32 $_scs_section_size  }
0x9a: {  	s5 =	simm.s32 $_size__tile_overlayer_lowered;
	s6 =	simm.s32 $_tile_overlayer_lowered  }
0x9b: {  	s7 =	simm.s32 $0x1BFF;
	s21 =	sshll.u32 s6, $0x1;
	s4 =	sadd.s32 s4, s20  }
0x9c: {  	s22 =	simm.s32 $0x0;
	s5 =	sshll.u32 s5, $0x1;
	s6 =	sadd.s32 s21, s4  }
0x9d: {  	[timem:s22], [sflag:s7] =	dma.local [hbm:s6], s5  }
0x9e: {  	_ =	swait.ge [sflag:s7], s5  }
0x9f: {  	s5 =	ssub.s32 $0x0, s5;
	[sflag:s7] =	ssyncset.done $0x0  }
0xa0: {  	[sflag:s7] =	ssyncadd.s32 s5;
	_ =	sdelay $0x1  }
0xa1: {  	s23 =	simm.s32 $0x1B8B  }
0xa2: {  	_ =	swait.ge [sflag:s23], $0x1  }
0xa3: {  	[sflag:s23] =	ssyncset.done $0x0  }
0xa4: {  	[sflag:s23] =	ssyncadd.s32 $0xFFFFFFFF  }
0xa5: {  	s5 =	sld [smem:$0x0]  }
0xa6: {  	s6 =	sand.u32 $0xFFFFFFFE, s1  }
0xa7: {  	p0 =	sne.s32 s1, s6  }
0xa8: {  	s6 =	sshll.u32 @p0 s6, $0xE  }
0xa9: {  	s6 =	sadd.s32 @p0 $0x11B8D, s6;
	s7 =	sshll.u32 @p0 s5, $0x11  }
0xaa: {  	s6 =	sor.u32 @p0 s7, s6  }
0xab: {  	[sflag:s6] =	ssyncadd.remote.s32 @p0 $0x1;
	_ =	sdelay $0x1  }
0xac: {  	s6 =	simm.s32 @p0 $0x1B8D  }
0xad: {  	_ =	swait.eq @p0 [sflag:s6], $0x1  }
0xae: {  	[sflag:s6] =	ssyncadd.s32 @p0 $0xFFFFFFFF  }
0xaf: {  	s7 =	sshll.u32 @!p0 s1, $0xE  }
0xb0: {  	s7 =	sor.u32 @!p0 $0x4000, s7;
	s6 =	simm.s32 @!p0 $0x1B8D  }
0xb1: {  	s5 =	sshll.u32 @!p0 s5, $0x11;
	s7 =	sadd.s32 @!p0 $0x11B8D, s7;
	_ =	swait.eq @!p0 [sflag:s6], $0x1  }
0xb2: {  	s5 =	sor.u32 @!p0 s5, s7;
	[sflag:s6] =	ssyncadd.s32 @!p0 $0xFFFFFFFF  }
0xb3: {  	s25 =	simm.s32 $0x1B8E;
	s24 =	sld [smem:$0x3FFE];
	[sflag:s5] =	ssyncadd.remote.s32 @!p0 $0x1  }
0xb4: {  	s26 =	simm.s32 $execute0_lowered;
	[smem:$0x3FD2] =	sst s25  }
0xb5: {  	s6 =	sshll.u32 s26, $0x1;
	_ =	strace $0x8000004C;
	[dreg:$0x1] =	wrdreg $0xFFFFFFFF  }
0xb6: {  	s28 =	simm.s32 $_size_execute0_lowered;
	s4 =	sadd.s32 s4, s6;
	[dreg:$0x0] =	wrdreg $0x0  }
0xb7: {  	s6 =	sshll.u32 s28, $0x1;
	[dreg:$0x2] =	wrdreg s4  }
0xb8: {  	[dreg:$0x3] =	wrdreg s6  }
0xb9: {  	[dreg:$0x4] =	wrdreg $0xC0  }
0xba: {  	_ =	task [dreg:s22], $0x5FFFF  }
0xbb: {  	[dreg:$0x1] =	wrdreg $0xFFFFFFFF  }
0xbc: {  	[dreg:$0x0] =	wrdreg $0x60  }
0xbd: {  	[dreg:$0x2] =	wrdreg s24  }
0xbe: {  	[dreg:$0x3] =	wrdreg s18  }
0xbf: {  	[dreg:$0x4] =	wrdreg $0x81800  }
0xc0: {  	[dreg:$0x5] =	wrdreg $0xC  }
0xc1: {  	_ =	task.clear_ibuf [dreg:s22], $0x6FFFF;
	_ =	strace $0x9000004C  }
0xc2: {  	s29 =	simm.s32 $0xC;
	_ =	strace $0x8000004E  }
0xc3: {  	_ =	swait.ge [sflag:s29], $0x1  }
0xc4: {  	[sflag:s29] =	ssyncadd.s32 $0xFFFFFFFF  }
0xc5: {  	_ =	strace $0x9000004E  }
0xc6: {  	_ =	sfence  }
0xc7: {  	s30 =	sld [smem:$0x0];
	_ =	sdelay $0x2  }
0xc8: {  	s31 =	sshll.u32 s1, $0xD;
	s1 =	sshrl.u32 s1, $0x2  }
0xc9: {  	s4 =	sand.u32 $0x4000, s31;
	s1 =	sadd.s32 s1, s30  }
0xca: {  	s0 =	sor.u32 s4, s0;
	s1 =	sshll.u32 s1, $0x11  }
0xcb: {  	s0 =	sor.u32 s1, s0  }
0xcc: {  	s0 =	sadd.s32 $0x8F2B, s0  }
0xcd: {  	[sflag:s0] =	ssyncadd.remote.s32 $0x1  }
0xce: {  	_ =	sfence.sel $0xFFFF  }
0xcf: {  	[dreg:$0x0] =	wrdreg $0xFFFFFFFF;
	(pc) =	sbr.abs _section_cstart, $3  }
0xd0: {  	[dreg:$0x1] =	wrdreg $0xFFFFFFFF  }
0xd1: {  	_ =	task.clear_ibuf [dreg:s22], $0x2FFFF;
	_ =	strace $0x9FFFFFFF  }
0xd2: {  	(tm) =	ssettm $0x7FFFFFFF  }
0xd3: {  	_ =	shalt  }
tec
execute0_lowered:
.L_overlay_start_1:
0x0: {  	(tag) =	ssettag $0x1  }
0x1: {  	s0 =	rddreg [dreg:$0x0]  }
0x2: {  	s1 =	rddreg [dreg:$0x1]  }
0x3: {  	s3 =	srdreg.scid;
	s2 =	rddreg [dreg:$0x2];
	s4 =	simm.s32 $0x0  }
0x4: {  	s12 =	stileid.u32;
	s17 =	simm.s32 $0x100;
	s18 =	simm.s32 $0x5180  }
0x5: {  	s19 =	simm.s32 $0x3;
	s20 =	simm.s32 $0x80;
	s21 =	simm.s32 $0x50  }
0x6: {  	s22 =	simm.s32 $0x180;
	s23 =	simm.s32 $0x2980;
	s24 =	simm.s32 $0x1  }
0x7: {  	s25 =	simm.s32 $0x2;
	s26 =	simm.s32 $0x5980;
	s3 =	sand.u32 $0x1, s3  }
0x8: {  	[smem:$0x7FF] =	sst s4;
	s6 =	smul.u32 $0x4F000, s12;
	s13 =	sadd.s32 $0x128400, s2  }
0x9: {  	p0 =	seq.s32 s12, $0xF;
	s5 =	smul.u32 $0x27180, s3;
	_ =	strace $0x8000004D  }
0xa: {  	s8 =	smul.u32 $0x27100, s3;
	s3 =	ssub.s32 $0x2, s3;
	s13 =	sshrl.u32 @p0 s13, $0x3  }
0xb: {  	s9 =	sshrl.u32 s3, $0x1;
	s10 =	sshrl.u32 s6, $0x2;
	s6 =	smul.u32 $0x2780, s12  }
0xc: {  	s7 =	sadd.s32 s5, s0;
	s5 =	sadd.s32 $0x2B800, s0;
	s0 =	sadd.s32 s8, s0  }
0xd: {  	s3 =	ssub.s32 s3, s9;
	s15 =	sadd.s32 s10, s2;
	s8 =	smul.u32 $0x4E20, s12  }
0xe: {  	s11 =	sadd.s32 s6, s0;
	s7 =	sadd.s32 $0x140A00, s7;
	s9 =	sadd.s32 $0x2C7A00, s0  }
0xf: {  	s10 =	smax.u32 s3, $0x1;
	s3 =	sshll.u32 @!p0 s12, $0x6;
	s12 =	sadd.s32 $0x3FE080, s0  }
0x10: {  	v0 =	vimm.s32 $0x2710;
	s15 =	sshrl.u32 @!p0 s15, $0x3;
	s11 =	sadd.s32 $0x3D9000, s11;
	s14 =	sor.u32 @!p0 $0x1C03, s3  }
.LBB2_1:
0x11: {  	s0 =	simm.s32 @p0 $0x1FC3  }
0x12: {  	[spmem:s13], [sflag:s0] =	dma.local @p0 [hbm:s12], $0x2080  }
0x13: {  	s0 =	simm.s32 @p0 $0x3  }
0x14: {  	_ =	swait.ge @p0 [sflag:s0], $0x2080  }
0x15: {  	[sflag:s0] =	ssyncset.done @p0 $0x0  }
0x16: {  	[sflag:s0] =	ssyncadd.s32 @p0 $0xFFFFDF80;
	s0 =	simm.s32 @!p0 $0x3  }
0x17: {  	[spmem:s15], [sflag:s14] =	dma.local @!p0 [hbm:s11], $0x2780  }
0x18: {  	_ =	swait.ge @!p0 [sflag:s0], $0x2780  }
0x19: {  	[sflag:s0] =	ssyncset.done @!p0 $0x0  }
0x1a: {  	[sflag:s0] =	ssyncadd.s32 @!p0 $0xFFFFD880  }
0x1b: {  	s31 =	simm.s32 $0x10;
	[tilespmem:$0x100] =	vst v0  }
0x1c: {  	[tilespmem:s18], [sflag:$0x3] =	stream.indirect.gather [hbm4b:s7+s31], $0x80, s17, s31, $0xb8;
	[tilespmem:$0xCFA0] =	vst v63  }
0x1d: {  	_ =	swait.ge [sflag:s19], $0x800  }
0x1e: {  	[sflag:s19] =	ssyncset.done $0x0  }
0x1f: {  	[sflag:s19] =	ssyncadd.s32 $0xFFFFF800  }
0x20: {  	[bflag:$0x0] =	sbarrier.arrive $0xFFFF  }
0x21: {  	v1 =	vld [tilespmem:$0x51C0];
	_ =	sdelay $0x3  }
0x22: {  	s28 =	simm.s32 $0x0  }
.LBB2_2:
0x23: {  	s0 =	smul.u32 $0x50, s28;
	_ =	sdelay $0x1  }
0x24: {  	s0 =	sadd.s32 s8, s0  }
0x25: {  	s0 =	sshrl.u32 s0, $0x3  }
0x26: {  	s29 =	simm.s32 $0x0;
	s3 =	sadd.s32 s5, s0  }
0x27: {  	[tilespmem:s29], [sflag:$0x3] =	stream.linear.gather [hbm4b:s3+s29], $0x50, $0x38;
	[tilespmem:$0xCFA0] =	vst v63  }
0x28: {  	_ =	swait.ge [sflag:s19], $0x50  }
0x29: {  	[sflag:s19] =	ssyncset.done $0x0  }
0x2a: {  	s0 =	sadd.s32 s1, s0;
	[sflag:s19] =	ssyncadd.s32 $0xFFFFFFB0  }
0x2b: {  	[tilespmem:s20], [sflag:$0x3] =	stream.linear.gather [hbm4b:s0+s29], $0x50, $0x38;
	[tilespmem:$0xCFA0] =	vst v63  }
0x2c: {  	_ =	swait.ge [sflag:s19], $0x50  }
0x2d: {  	[sflag:s19] =	ssyncset.done $0x0  }
0x2e: {  	[sflag:s19] =	ssyncadd.s32 $0xFFFFFFB0  }
0x2f: {  	[tilespmem:s22], [sflag:$0x1] =	stream.indirect.gather [hbm4b:s7+s21], $0x80, s29, s21, $0xb8;
	[tilespmem:$0xCFA0] =	vst v63  }
0x30: {  	_ = 	snop  }
0x31: {  	[tilespmem:s23], [sflag:$0x2] =	stream.indirect.gather [hbm4b:s7+s21], $0x80, s20, s21, $0xb8;
	[tilespmem:$0xCFA0] =	vst v63  }
0x32: {  	_ =	swait.ge [sflag:s24], $0x2800  }
0x33: {  	[sflag:s24] =	ssyncset.done $0x0  }
0x34: {  	[sflag:s24] =	ssyncadd.s32 $0xFFFFD800  }
0x35: {  	_ =	swait.ge [sflag:s25], $0x2800  }
0x36: {  	[sflag:s25] =	ssyncset.done $0x0  }
0x37: {  	s31 =	simm.s32 $0x0;
	[sflag:s25] =	ssyncadd.s32 $0xFFFFD800  }
0x38: {  	v2 =	vld [tilespmem:s31+$0x1C0]  }
0x39: {  	v3 =	vld [tilespmem:s31+$0x29E0];
	_ =	sdelay $0x3  }
0x3a: {  	s30 =	simm.s32 $0x80  }
0x3b: {  	v4 =	vld [tilespmem:s30+$0x1C0];
	v2 =	vadd.f32 v3, v2  }
0x3c: {  	v5 =	vld [tilespmem:s30+$0x29E0]  }
0x3d: {  	v3 =	vmul.f32 $2.000000030e-01, v2  }
0x3e: {  	s29 =	simm.s32 $0x100  }
0x3f: {  	v6 =	vld [tilespmem:s29+$0x1C0];
	v2 =	vmax.f32 v2, v3  }
0x40: {  	v7 =	vld [tilespmem:s29+$0x29E0];
	v2 =	vmul.f32 $1.442695020e+00, v2  }
0x41: {  	v4 =	vadd.f32 v5, v4  }
0x42: {  	(erf) = vpow2.f32 v2  }
0x43: {  	v8 =	vmul.f32 $2.000000030e-01, v4  }
0x44: {  	s0 =	simm.s32 $0x180;
	v5 =	vld [tilespmem:s31+$0x180]  }
0x45: {  	v9 =	vadd.f32 v7, v6;
	v7 =	vld [tilespmem:s0+$0x1C0];
	v4 =	vmax.f32 v4, v8  }
0x46: {  	v6 =	vld [tilespmem:s31+$0x190];
	v4 =	vmul.f32 $1.442695020e+00, v4  }
0x47: {  	v10 =	vmul.f32 $2.000000030e-01, v9;
	v3 =	vld [tilespmem:s30+$0x180]  }
0x48: {  	v8 =	vld [tilespmem:s0+$0x29E0];
	(erf) = vpow2.f32 v4  }
0x49: {  	v2 =	vld [tilespmem:s29+$0x180]  }
0x4a: {  	v4 =	vld [tilespmem:s0+$0x180]  }
0x4b: {  	s3 =	simm.s32 $0x800;
	v9 =	vmax.f32 v9, v10;
	v10 =	vpop (erf)  }
.LBB2_3:
0x4c: {  	v9 =	vmul.f32 $1.442695020e+00, v9;
	v10 =	vmul.f32 v10, v1;
	s16 =	smov.u32 s0;
	s0 =	sshra.s32 s3, $0x2;
	p1 =	sne.s32 s3, $0x9E00  }
.Ltmp0:
0x4d: {  	s3 =	sadd.s32 $0x200, s3;
	v11 =	vadd.f32 v8, v7;
	v7 =	vld [tilespmem:s0+$0x1C0];
	(pc) =	sbr.rel @p1 .LBB2_3-.Ltmp0, $4  }
0x4e: {  	v8 =	vld [tilespmem:s0+$0x29E0];
	(erf) = vpow2.f32 v9;
	v9 =	vmul.f32 v10, v6  }
0x4f: {  	v13 =	vmul.f32 v10, v5;
	v5 =	vmovc v3;
	v3 =	vmovc v2;
	v12 =	vmul.f32 $2.000000030e-01, v11;
	v6 =	vld [tilespmem:s30+$0x190];
	v2 =	vmov v4  }
0x50: {  	v4 =	vld [tilespmem:s0+$0x180];
	[tilespmem:s31+$0x5990] =	vst v9  }
0x51: {  	v9 =	vmax.f32 v11, v12;
	v10 =	vpop (erf);
	[tilespmem:s31+$0x5980] =	vst v13;
	s31 =	smov.u32 s30;
	s30 =	smov.u32 s29;
	s29 =	smov.u32 s16  }
0x52: {  	_ = 	snop  }
0x53: {  	v7 =	vadd.f32 v8, v7;
	_ =	sdelay $0x1  }
0x54: {  	v8 =	vmul.f32 $2.000000030e-01, v7  }
0x55: {  	v9 =	vmul.f32 $1.442695020e+00, v9  }
0x56: {  	v7 =	vmax.f32 v7, v8  }
0x57: {  	v59 =	vld [tilespmem:s30+$0x190];
	(erf) = vpow2.f32 v9;
	v7 =	vmul.f32 $1.442695020e+00, v7  }
0x58: {  	v10 =	vmul.f32 v10, v1  }
0x59: {  	v60 =	vpop (erf);
	(erf) = vpow2.f32 v7  }
0x5a: {  	v6 =	vmul.f32 v10, v6;
	v61 =	vmul.f32 v60, v1  }
0x5b: {  	v5 =	vmul.f32 v10, v5  }
0x5c: {  	[tilespmem:s31+$0x5990] =	vst v6;
	v62 =	vmul.f32 v61, v59;
	v3 =	vmul.f32 v61, v3  }
0x5d: {  	[tilespmem:s31+$0x5980] =	vst v5  }
0x5e: {  	v6 =	vld [tilespmem:s29+$0x190];
	[tilespmem:s30+$0x5990] =	vst v62  }
0x5f: {  	[tilespmem:s30+$0x5980] =	vst v3  }
0x60: {  	v5 =	vld [tilespmem:s0+$0x190];
	v3 =	vpop (erf)  }
0x61: {  	v3 =	vmul.f32 v3, v1  }
0x62: {  	v63 =	vpop (erf)  }
0x63: {  	v6 =	vmul.f32 v3, v6;
	v7 =	vmul.f32 v63, v1  }
0x64: {  	v2 =	vmul.f32 v3, v2  }
0x65: {  	[tilespmem:s29+$0x5990] =	vst v6;
	v3 =	vmul.f32 v7, v5  }
0x66: {  	s28 =	sadd.s32 $0x1, s28;
	[tilespmem:s29+$0x5980] =	vst v2;
	v2 =	vmul.f32 v7, v4  }
0x67: {  	p1 =	sne.s32 s28, $0xFA;
	[tilespmem:s0+$0x5990] =	vst v3  }
.Ltmp1:
0x68: {  	[tilespmem:s0+$0x5980] =	vst v2;
	(pc) =	sbr.rel @p1 .LBB2_2-.Ltmp1, $4  }
0x69: {  	[spmem:s2] =	stream.indirect.scatter.add.f32 [tilespmem:s26], [sflag:$0x3], $0x20, s20, s21, $0xb8;
	[tilespmem:$0xCFA0] =	vst v63  }
0x6a: {  	_ =	swait.ge [sflag:s19], $0xA00  }
0x6b: {  	[sflag:s19] =	ssyncset.done $0x0  }
0x6c: {  	[sflag:s19] =	ssyncadd.s32 $0xFFFFF600  }
0x6d: {  	[bflag:$0x0] =	sbarrier.arrive $0xFFFF;
	s0 =	sadd.s32 @p0 $0x25080, s9;
	s3 =	simm.s32 @p0 $0x1FC3  }
0x6e: {  	[hbm:s0], [sflag:s3] =	dma.local @p0 [spmem:s13], $0x2080  }
0x6f: {  	s0 =	simm.s32 @p0 $0x3  }
0x70: {  	_ =	swait.ge @p0 [sflag:s0], $0x2080  }
0x71: {  	s4 =	sadd.s32 $0x1, s4;
	[sflag:s0] =	ssyncset.done @p0 $0x0  }
0x72: {  	p1 =	sne.s32 s4, s10;
	[sflag:s0] =	ssyncadd.s32 @p0 $0xFFFFDF80;
	s0 =	sadd.s32 @!p0 s6, s9  }
0x73: {  	[hbm:s0], [sflag:s14] =	dma.local @!p0 [spmem:s15], $0x2780  }
.Ltmp2:
0x74: {  	_ = 	snop;
	(pc) =	sbr.rel @p1 .LBB2_1-.Ltmp2, $4  }
0x75: {  	s0 =	simm.s32 @!p0 $0x3  }
0x76: {  	_ =	swait.ge @!p0 [sflag:s0], $0x2780  }
0x77: {  	[sflag:s0] =	ssyncset.done @!p0 $0x0  }
0x78: {  	[sflag:s0] =	ssyncadd.s32 @!p0 $0xFFFFD880  }
0x79: {  	_ =	sfence.sel $0x180000  }
0x7a: {  	[bflag:$0x0] =	sbarrier.arrive $0xFFFF  }
0x7b: {  	_ =	strace $0x9000004D  }
0x7c: {  	s0 =	stileid.u32;
	[bflag:$0x2] =	sbarrier.arrive $0xFFFF  }
0x7d: {  	p0 =	sne.s32 s0, $0x0;
	s0 =	rddreg [dreg:$0x3]  }
0x7e: {  	s0 =	sadd.s32 @!p0 $0x100000, s0  }
0x7f: {  	[sflag:s0] =	ssyncadd.tile.s32 @!p0 $0x1;
	_ =	shalt  }
.Lfunc_end2:
_tile_overlayer_lowered:
.L_overlay_start_2:
0x80: {  	(tag) =	ssettag $0x2  }
0x81: {  	s0 =	rddreg [dreg:$0x0];
	s2 =	stileid.u32  }
0x82: {  	s1 =	rddreg [dreg:$0x1];
	p0 =	sne.s32 s2, $0x0  }
0x83: {  	s3 =	rddreg [dreg:$0x2];
	[bflag:$0x3] =	sbarrier.arrive $0xFFFF;
	s2 =	simm.s32 @!p0 $0x1C03  }
0x84: {  	[timem:s3], [sflag:s2] =	dma.local @!p0 [hbm:s0], s1  }
0x85: {  	s0 =	simm.s32 @!p0 $0x3  }
0x86: {  	_ =	swait.ge @!p0 [sflag:s0], s1  }
0x87: {  	s1 =	ssub.s32 @!p0 $0x0, s1;
	[sflag:s0] =	ssyncset.done @!p0 $0x0  }
0x88: {  	[sflag:s0] =	ssyncadd.s32 @!p0 s1  }
0x89: {  	[bflag:$0x3] =	sbarrier.arrive $0xFFFF  }
0x8a: {  	_ =	shalt  }

// kernel: kernel.26.cloned.1.call-start
scs
__scs_entry_jumppad:
0x0: {  	(pc) =	sbr.rel $0x88, $3  }
0x1: {  	(tag) =	ssettag $0x0;
	lr =	simm.s32 $0x1  }
0x2: {  	[smem:$0x3F97] =	sst lr;
	_ =	strace $0xD0000000  }
0x3: {  	_ = 	snop  }
0x4: {  	_ = 	snop  }
0x5: {  	_ = 	snop  }
0x6: {  	_ = 	snop  }
0x7: {  	_ = 	snop  }
__scs_overlays_trampoline_lowered:
0x8: {  	[smem:$0x3FA6] =	sst s0  }
0x9: {  	[smem:$0x3FA7] =	sst s1  }
0xa: {  	[smem:$0x3FA8] =	sst s2  }
0xb: {  	[smem:$0x3FA9] =	sst s3  }
0xc: {  	[smem:$0x3FAA] =	sst s4  }
0xd: {  	[smem:$0x3FAB] =	sst s5  }
0xe: {  	[smem:$0x3FAC] =	sst s6  }
0xf: {  	[smem:$0x3FAD] =	sst s7  }
0x10: {  	[smem:$0x3FAE] =	sst s8  }
0x11: {  	[smem:$0x3FAF] =	sst s9;
	s0 =	simm.s32 @!p0 $0x0  }
0x12: {  	s1 =	sld [smem:$0x3F95];
	s0 =	simm.s32 @p0 $0x1  }
0x13: {  	[smem:$0x3FB0] =	sst s0;
	s0 =	simm.s32 @!p1 $0x0  }
0x14: {  	s2 =	sld [smem:$0x3F94];
	s0 =	simm.s32 @p1 $0x1  }
0x15: {  	[smem:$0x3FB1] =	sst s0;
	s0 =	simm.s32 @!p2 $0x0  }
0x16: {  	s3 =	sld [smem:$0x3FDB];
	s0 =	simm.s32 @p2 $0x1  }
0x17: {  	s4 =	simm.s32 $0x1BF5;
	[smem:$0x3FB3] =	sst s0  }
0x18: {  	s0 =	sld [smem:$0x3F96];
	_ =	swait.ge [sflag:s4], $0x0  }
0x19: {  	s7 =	sld [smem:$0x3F97]  }
0x1a: {  	s8 =	sadd.s32 $0xFFFFE003, lr  }
0x1b: {  	s9 =	sadd.s32 $0xFFFFFEF7, lr;
	s5 =	simm.s32 $0xFFFFFFFF;
	p2 =	slt.u32 s8, $0xFFFFF086  }
0x1c: {  	p1 =	slt.u32 s9, $0xF7A;
	s5 =	simm.s32 @!p2 $0x0  }
0x1d: {  	s5 =	simm.s32 @p1 $0x1;
	p0 =	seq.s32 s7, s2  }
0x1e: {  	s7 =	smul.u32 @!p0 $0xF7A, s2;
	p2 =	seq.s32 @!p0 s5, $0x0  }
0x1f: {  	s9 =	smul.u32 $0xF7A, s1;
	s8 =	simm.s32 @!p0 $0x1BF5;
	p2 =	por !p2, p0  }
0x20: {  	[sflag:s8] =	ssyncset.s32 @!p0 $0xFFFFF086;
	s6 =	sadd.s32 @!p0 s3, s7;
	s7 =	simm.s32 @!p0 $0x108  }
0x21: {  	s3 =	sadd.s32 s3, s9;
	s6 =	sadd.s32 @!p0 $0x88, s6;
	s7 =	simm.s32 @p2 $0x1082  }
0x22: {  	[simem:s7], [sflag:s8] =	dma.local @!p0 [hbm:s6], $0xF7A  }
0x23: {  	s9 =	sor.u32 $0xD0000000, s2;
	s6 =	simm.s32 $0x108;
	_ =	swait.ge @!p0 [sflag:s8], $0x0  }
0x24: {  	s3 =	sadd.s32 $0x88, s3;
	s6 =	simm.s32 @!p1 $0x1082;
	[sflag:s4] =	ssyncset.s32 $0xFFFFF086  }
0x25: {  	[simem:s6], [sflag:s4] =	dma.local [hbm:s3], $0xF7A  }
0x26: {  	[smem:$0x3F97] =	sst s1;
	(tag) =	ssettag s2;
	_ =	strace s9  }
0x27: {  	s1 =	sld [smem:$0x3FA7]  }
0x28: {  	s2 =	sld [smem:$0x3FA8]  }
0x29: {  	s4 =	sld [smem:$0x3FAA]  }
0x2a: {  	p0 =	seq.s32 s5, $0x0;
	s5 =	sld [smem:$0x3FAB]  }
0x2b: {  	s6 =	sld [smem:$0x3FAC]  }
0x2c: {  	s7 =	sld [smem:$0x3FAD]  }
0x2d: {  	s3 =	simm.s32 $0x108;
	s8 =	sld [smem:$0x3FAE]  }
0x2e: {  	s3 =	simm.s32 @!p0 $0x1082;
	s9 =	sld [smem:$0x3FAF]  }
0x2f: {  	lr =	sadd.s32 s0, s3;
	s0 =	sld [smem:$0x3FA6]  }
0x30: {  	s3 =	sld [smem:$0x3FA9]  }
0x31: {  	[smem:$0x3FB2] =	sst s10  }
0x32: {  	s10 =	sld [smem:$0x3FB0];
	_ =	sdelay $0x3  }
0x33: {  	p0 =	seq.s32 s10, $0x1;
	s10 =	sld [smem:$0x3FB2];
	_ =	sdelay $0x3  }
0x34: {  	[smem:$0x3FB2] =	sst s10  }
0x35: {  	s10 =	sld [smem:$0x3FB1];
	_ =	sdelay $0x3  }
0x36: {  	p1 =	seq.s32 s10, $0x1;
	s10 =	sld [smem:$0x3FB2];
	_ =	sdelay $0x3  }
0x37: {  	[smem:$0x3FB2] =	sst s10  }
0x38: {  	s10 =	sld [smem:$0x3FB3]  }
0x39: {  	_ = 	snop;
	(pc) =	sbr.ind lr, $3  }
0x3a: {  	_ = 	snop  }
0x3b: {  	_ = 	snop  }
0x3c: {  	p2 =	seq.s32 s10, $0x1;
	s10 =	sld [smem:$0x3FB2]  }
0x3d: {  	_ =	shalt  }
0x3e: {  	_ =	shalt  }
0x3f: {  	_ =	shalt  }
0x40: {  	_ =	shalt  }
0x41: {  	_ =	shalt  }
0x42: {  	_ =	shalt  }
0x43: {  	_ =	shalt  }
0x44: {  	_ =	shalt  }
0x45: {  	_ =	shalt  }
0x46: {  	_ =	shalt  }
0x47: {  	_ =	shalt  }
0x48: {  	_ =	shalt  }
0x49: {  	_ =	shalt  }
0x4a: {  	_ =	shalt  }
0x4b: {  	_ =	shalt  }
0x4c: {  	_ =	shalt  }
0x4d: {  	_ =	shalt  }
0x4e: {  	_ =	shalt  }
0x4f: {  	_ =	shalt  }
0x50: {  	_ =	shalt  }
0x51: {  	_ =	shalt  }
0x52: {  	_ =	shalt  }
0x53: {  	_ =	shalt  }
0x54: {  	_ =	shalt  }
0x55: {  	_ =	shalt  }
0x56: {  	_ =	shalt  }
0x57: {  	_ =	shalt  }
0x58: {  	_ =	shalt  }
0x59: {  	_ =	shalt  }
0x5a: {  	_ =	shalt  }
0x5b: {  	_ =	shalt  }
0x5c: {  	_ =	shalt  }
0x5d: {  	_ =	shalt  }
0x5e: {  	_ =	shalt  }
0x5f: {  	_ =	shalt  }
0x60: {  	_ =	shalt  }
0x61: {  	_ =	shalt  }
0x62: {  	_ =	shalt  }
0x63: {  	_ =	shalt  }
0x64: {  	_ =	shalt  }
0x65: {  	_ =	shalt  }
0x66: {  	_ =	shalt  }
0x67: {  	_ =	shalt  }
0x68: {  	_ =	shalt  }
0x69: {  	_ =	shalt  }
0x6a: {  	_ =	shalt  }
0x6b: {  	_ =	shalt  }
0x6c: {  	_ =	shalt  }
0x6d: {  	_ =	shalt  }
0x6e: {  	_ =	shalt  }
0x6f: {  	_ =	shalt  }
0x70: {  	_ =	shalt  }
0x71: {  	_ =	shalt  }
0x72: {  	_ =	shalt  }
0x73: {  	_ =	shalt  }
0x74: {  	_ =	shalt  }
0x75: {  	_ =	shalt  }
0x76: {  	_ =	shalt  }
0x77: {  	_ =	shalt  }
0x78: {  	_ =	shalt  }
0x79: {  	_ =	shalt  }
0x7a: {  	_ =	shalt  }
0x7b: {  	_ =	shalt  }
0x7c: {  	_ =	shalt  }
0x7d: {  	_ =	shalt  }
0x7e: {  	_ =	shalt  }
0x7f: {  	_ =	shalt  }
0x80: {  	_ =	shalt  }
0x81: {  	_ =	shalt  }
0x82: {  	_ =	shalt  }
0x83: {  	_ =	shalt  }
0x84: {  	_ =	shalt  }
0x85: {  	_ =	shalt  }
0x86: {  	_ =	shalt  }
0x87: {  	_ =	shalt  }
.Lfunc_end0:
.L_simem_size_0:
called_computation.4_lowered:
.L_overlay_start_0:
0x88: {  	s2 =	sld [smem:$0x3FD9]  }
0x89: {  	s3 =	sld [smem:$0x3FFE];
	_ =	sdelay $0x1  }
0x8a: {  	s1 =	srdreg.scid  }
0x8b: {  	s0 =	sand.u32 $0x1, s1  }
0x8c: {  	s17 =	sshll.u32 s0, $0xA;
	s2 =	sadd.s32 s3, s2  }
0x8d: {  	s2 =	sadd.s32 s2, s17  }
0x8e: {  	[smem:$0x3FBE] =	sst s2  }
0x8f: {  	_ = 	snop  }
0x90: {  	s18 =	sld [smem:$0x3FD0];
	(tm) =	ssettm $0x1  }
0x91: {  	s19 =	sld [smem:$0x3FFB];
	_ =	sdelay $0x3  }
0x92: {  	_ =	strace s19  }
0x93: {  	s2 =	sld [smem:$0x3FFC];
	_ =	sdelay $0x3  }
0x94: {  	_ =	strace s2  }
0x95: {  	s2 =	sld [smem:$0x3FFD];
	_ =	sdelay $0x3  }
0x96: {  	_ =	strace s2  }
0x97: {  	_ =	strace $0x8FFFFFFF  }
0x98: {  	s20 =	sld [smem:$0x3FDB];
	_ =	sdelay $0x1  }
0x99: {  	s4 =	simm.s32 $_scs_section_size  }
0x9a: {  	s5 =	simm.s32 $_size__tile_overlayer_lowered;
	s6 =	simm.s32 $_tile_overlayer_lowered  }
0x9b: {  	s7 =	simm.s32 $0x1BFF;
	s21 =	sshll.u32 s6, $0x1;
	s4 =	sadd.s32 s4, s20  }
0x9c: {  	s22 =	simm.s32 $0x0;
	s5 =	sshll.u32 s5, $0x1;
	s6 =	sadd.s32 s21, s4  }
0x9d: {  	[timem:s22], [sflag:s7] =	dma.local [hbm:s6], s5  }
0x9e: {  	_ =	swait.ge [sflag:s7], s5  }
0x9f: {  	s5 =	ssub.s32 $0x0, s5;
	[sflag:s7] =	ssyncset.done $0x0  }
0xa0: {  	[sflag:s7] =	ssyncadd.s32 s5;
	_ =	sdelay $0x1  }
0xa1: {  	s23 =	simm.s32 $0x1B8B  }
0xa2: {  	_ =	swait.ge [sflag:s23], $0x1  }
0xa3: {  	[sflag:s23] =	ssyncset.done $0x0  }
0xa4: {  	[sflag:s23] =	ssyncadd.s32 $0xFFFFFFFF  }
0xa5: {  	s5 =	sld [smem:$0x0]  }
0xa6: {  	s6 =	sand.u32 $0xFFFFFFFE, s1  }
0xa7: {  	p0 =	sne.s32 s1, s6  }
0xa8: {  	s6 =	sshll.u32 @p0 s6, $0xE  }
0xa9: {  	s6 =	sadd.s32 @p0 $0x11B8D, s6;
	s7 =	sshll.u32 @p0 s5, $0x11  }
0xaa: {  	s6 =	sor.u32 @p0 s7, s6  }
0xab: {  	[sflag:s6] =	ssyncadd.remote.s32 @p0 $0x1;
	_ =	sdelay $0x1  }
0xac: {  	s6 =	simm.s32 @p0 $0x1B8D  }
0xad: {  	_ =	swait.eq @p0 [sflag:s6], $0x1  }
0xae: {  	[sflag:s6] =	ssyncadd.s32 @p0 $0xFFFFFFFF  }
0xaf: {  	s7 =	sshll.u32 @!p0 s1, $0xE  }
0xb0: {  	s7 =	sor.u32 @!p0 $0x4000, s7;
	s6 =	simm.s32 @!p0 $0x1B8D  }
0xb1: {  	s5 =	sshll.u32 @!p0 s5, $0x11;
	s7 =	sadd.s32 @!p0 $0x11B8D, s7;
	_ =	swait.eq @!p0 [sflag:s6], $0x1  }
0xb2: {  	s5 =	sor.u32 @!p0 s5, s7;
	[sflag:s6] =	ssyncadd.s32 @!p0 $0xFFFFFFFF  }
0xb3: {  	s25 =	simm.s32 $0x1B8E;
	s24 =	sld [smem:$0x3FFE];
	[sflag:s5] =	ssyncadd.remote.s32 @!p0 $0x1  }
0xb4: {  	s26 =	simm.s32 $execute0_lowered;
	[smem:$0x3FD2] =	sst s25  }
0xb5: {  	s6 =	sshll.u32 s26, $0x1;
	_ =	strace $0x8000004F;
	[dreg:$0x1] =	wrdreg $0xFFFFFFFF  }
0xb6: {  	s28 =	simm.s32 $_size_execute0_lowered;
	s4 =	sadd.s32 s4, s6;
	[dreg:$0x0] =	wrdreg $0x0  }
0xb7: {  	s6 =	sshll.u32 s28, $0x1;
	[dreg:$0x2] =	wrdreg s4  }
0xb8: {  	[dreg:$0x3] =	wrdreg s6  }
0xb9: {  	[dreg:$0x4] =	wrdreg $0xC0  }
0xba: {  	_ =	task [dreg:s22], $0x5FFFF  }
0xbb: {  	[dreg:$0x1] =	wrdreg $0xFFFFFFFF  }
0xbc: {  	[dreg:$0x0] =	wrdreg $0x60  }
0xbd: {  	[dreg:$0x2] =	wrdreg s24  }
0xbe: {  	[dreg:$0x3] =	wrdreg s18  }
0xbf: {  	[dreg:$0x4] =	wrdreg $0x81800  }
0xc0: {  	[dreg:$0x5] =	wrdreg $0xD  }
0xc1: {  	_ =	task.clear_ibuf [dreg:s22], $0x6FFFF;
	_ =	strace $0x9000004F  }
0xc2: {  	s29 =	simm.s32 $0xD;
	_ =	strace $0x80000051  }
0xc3: {  	_ =	swait.ge [sflag:s29], $0x1  }
0xc4: {  	[sflag:s29] =	ssyncadd.s32 $0xFFFFFFFF  }
0xc5: {  	_ =	strace $0x90000051  }
0xc6: {  	_ =	sfence  }
0xc7: {  	s30 =	sld [smem:$0x0];
	_ =	sdelay $0x2  }
0xc8: {  	s31 =	sshll.u32 s1, $0xD;
	s1 =	sshrl.u32 s1, $0x2  }
0xc9: {  	s4 =	sand.u32 $0x4000, s31;
	s1 =	sadd.s32 s1, s30  }
0xca: {  	s0 =	sor.u32 s4, s0;
	s1 =	sshll.u32 s1, $0x11  }
0xcb: {  	s0 =	sor.u32 s1, s0  }
0xcc: {  	s0 =	sadd.s32 $0x8F2B, s0  }
0xcd: {  	[sflag:s0] =	ssyncadd.remote.s32 $0x1  }
0xce: {  	_ =	sfence.sel $0xFFFF  }
0xcf: {  	[dreg:$0x0] =	wrdreg $0xFFFFFFFF;
	(pc) =	sbr.abs _section_cstart, $3  }
0xd0: {  	[dreg:$0x1] =	wrdreg $0xFFFFFFFF  }
0xd1: {  	_ =	task.clear_ibuf [dreg:s22], $0x2FFFF;
	_ =	strace $0x9FFFFFFF  }
0xd2: {  	(tm) =	ssettm $0x7FFFFFFF  }
0xd3: {  	_ =	shalt  }
tec
execute0_lowered:
.L_overlay_start_1:
0x0: {  	(tag) =	ssettag $0x1  }
0x1: {  	s0 =	rddreg [dreg:$0x0]  }
0x2: {  	s1 =	rddreg [dreg:$0x1]  }
0x3: {  	s3 =	srdreg.scid;
	s2 =	rddreg [dreg:$0x2];
	s4 =	simm.s32 $0x0  }
0x4: {  	s12 =	stileid.u32;
	s17 =	simm.s32 $0x100;
	s18 =	simm.s32 $0x5180  }
0x5: {  	s19 =	simm.s32 $0x3;
	s20 =	simm.s32 $0x80;
	s21 =	simm.s32 $0x50  }
0x6: {  	s22 =	simm.s32 $0x180;
	s23 =	simm.s32 $0x2980;
	s24 =	simm.s32 $0x1  }
0x7: {  	s25 =	simm.s32 $0x2;
	s26 =	simm.s32 $0x5980;
	s3 =	sand.u32 $0x1, s3  }
0x8: {  	[smem:$0x7FF] =	sst s4;
	s6 =	smul.u32 $0x4F000, s12;
	s13 =	sadd.s32 $0x128400, s2  }
0x9: {  	p0 =	seq.s32 s12, $0xF;
	s5 =	smul.u32 $0x27180, s3;
	_ =	strace $0x80000050  }
0xa: {  	s8 =	smul.u32 $0x27100, s3;
	s3 =	ssub.s32 $0x2, s3;
	s13 =	sshrl.u32 @p0 s13, $0x3  }
0xb: {  	s9 =	sshrl.u32 s3, $0x1;
	s10 =	sshrl.u32 s6, $0x2;
	s6 =	smul.u32 $0x2780, s12  }
0xc: {  	s7 =	sadd.s32 s5, s0;
	s5 =	sadd.s32 $0x2B800, s0;
	s0 =	sadd.s32 s8, s0  }
0xd: {  	s3 =	ssub.s32 s3, s9;
	s15 =	sadd.s32 s10, s2;
	s8 =	smul.u32 $0x4E20, s12  }
0xe: {  	s11 =	sadd.s32 s6, s0;
	s7 =	sadd.s32 $0x18EE00, s7;
	s9 =	sadd.s32 $0x475400, s0  }
0xf: {  	s10 =	smax.u32 s3, $0x1;
	s3 =	sshll.u32 @!p0 s12, $0x6;
	s12 =	sadd.s32 $0x44C280, s0  }
0x10: {  	v0 =	vimm.s32 $0x2710;
	s15 =	sshrl.u32 @!p0 s15, $0x3;
	s11 =	sadd.s32 $0x427200, s11;
	s14 =	sor.u32 @!p0 $0x1C03, s3  }
.LBB2_1:
0x11: {  	s0 =	simm.s32 @p0 $0x1FC3  }
0x12: {  	[spmem:s13], [sflag:s0] =	dma.local @p0 [hbm:s12], $0x2080  }
0x13: {  	s0 =	simm.s32 @p0 $0x3  }
0x14: {  	_ =	swait.ge @p0 [sflag:s0], $0x2080  }
0x15: {  	[sflag:s0] =	ssyncset.done @p0 $0x0  }
0x16: {  	[sflag:s0] =	ssyncadd.s32 @p0 $0xFFFFDF80;
	s0 =	simm.s32 @!p0 $0x3  }
0x17: {  	[spmem:s15], [sflag:s14] =	dma.local @!p0 [hbm:s11], $0x2780  }
0x18: {  	_ =	swait.ge @!p0 [sflag:s0], $0x2780  }
0x19: {  	[sflag:s0] =	ssyncset.done @!p0 $0x0  }
0x1a: {  	[sflag:s0] =	ssyncadd.s32 @!p0 $0xFFFFD880  }
0x1b: {  	s31 =	simm.s32 $0x10;
	[tilespmem:$0x100] =	vst v0  }
0x1c: {  	[tilespmem:s18], [sflag:$0x3] =	stream.indirect.gather [hbm4b:s7+s31], $0x80, s17, s31, $0xb8;
	[tilespmem:$0xCFA0] =	vst v63  }
0x1d: {  	_ =	swait.ge [sflag:s19], $0x800  }
0x1e: {  	[sflag:s19] =	ssyncset.done $0x0  }
0x1f: {  	[sflag:s19] =	ssyncadd.s32 $0xFFFFF800  }
0x20: {  	[bflag:$0x0] =	sbarrier.arrive $0xFFFF  }
0x21: {  	v1 =	vld [tilespmem:$0x51C0];
	_ =	sdelay $0x3  }
0x22: {  	s28 =	simm.s32 $0x0  }
.LBB2_2:
0x23: {  	s0 =	smul.u32 $0x50, s28;
	_ =	sdelay $0x1  }
0x24: {  	s0 =	sadd.s32 s8, s0  }
0x25: {  	s0 =	sshrl.u32 s0, $0x3  }
0x26: {  	s29 =	simm.s32 $0x0;
	s3 =	sadd.s32 s5, s0  }
0x27: {  	[tilespmem:s29], [sflag:$0x3] =	stream.linear.gather [hbm4b:s3+s29], $0x50, $0x38;
	[tilespmem:$0xCFA0] =	vst v63  }
0x28: {  	_ =	swait.ge [sflag:s19], $0x50  }
0x29: {  	[sflag:s19] =	ssyncset.done $0x0  }
0x2a: {  	s0 =	sadd.s32 s1, s0;
	[sflag:s19] =	ssyncadd.s32 $0xFFFFFFB0  }
0x2b: {  	[tilespmem:s20], [sflag:$0x3] =	stream.linear.gather [hbm4b:s0+s29], $0x50, $0x38;
	[tilespmem:$0xCFA0] =	vst v63  }
0x2c: {  	_ =	swait.ge [sflag:s19], $0x50  }
0x2d: {  	[sflag:s19] =	ssyncset.done $0x0  }
0x2e: {  	[sflag:s19] =	ssyncadd.s32 $0xFFFFFFB0  }
0x2f: {  	[tilespmem:s22], [sflag:$0x1] =	stream.indirect.gather [hbm4b:s7+s21], $0x80, s29, s21, $0xb8;
	[tilespmem:$0xCFA0] =	vst v63  }
0x30: {  	_ = 	snop  }
0x31: {  	[tilespmem:s23], [sflag:$0x2] =	stream.indirect.gather [hbm4b:s7+s21], $0x80, s20, s21, $0xb8;
	[tilespmem:$0xCFA0] =	vst v63  }
0x32: {  	_ =	swait.ge [sflag:s24], $0x2800  }
0x33: {  	[sflag:s24] =	ssyncset.done $0x0  }
0x34: {  	[sflag:s24] =	ssyncadd.s32 $0xFFFFD800  }
0x35: {  	_ =	swait.ge [sflag:s25], $0x2800  }
0x36: {  	[sflag:s25] =	ssyncset.done $0x0  }
0x37: {  	s31 =	simm.s32 $0x0;
	[sflag:s25] =	ssyncadd.s32 $0xFFFFD800  }
0x38: {  	v2 =	vld [tilespmem:s31+$0x1C0]  }
0x39: {  	v3 =	vld [tilespmem:s31+$0x29E0];
	_ =	sdelay $0x3  }
0x3a: {  	s30 =	simm.s32 $0x80  }
0x3b: {  	v4 =	vld [tilespmem:s30+$0x1C0];
	v2 =	vadd.f32 v3, v2  }
0x3c: {  	v5 =	vld [tilespmem:s30+$0x29E0]  }
0x3d: {  	v3 =	vmul.f32 $2.000000030e-01, v2  }
0x3e: {  	s29 =	simm.s32 $0x100  }
0x3f: {  	v6 =	vld [tilespmem:s29+$0x1C0];
	v2 =	vmax.f32 v2, v3  }
0x40: {  	v7 =	vld [tilespmem:s29+$0x29E0];
	v2 =	vmul.f32 $1.442695020e+00, v2  }
0x41: {  	v4 =	vadd.f32 v5, v4  }
0x42: {  	(erf) = vpow2.f32 v2  }
0x43: {  	v8 =	vmul.f32 $2.000000030e-01, v4  }
0x44: {  	s0 =	simm.s32 $0x180;
	v5 =	vld [tilespmem:s31+$0x180]  }
0x45: {  	v9 =	vadd.f32 v7, v6;
	v7 =	vld [tilespmem:s0+$0x1C0];
	v4 =	vmax.f32 v4, v8  }
0x46: {  	v6 =	vld [tilespmem:s31+$0x190];
	v4 =	vmul.f32 $1.442695020e+00, v4  }
0x47: {  	v10 =	vmul.f32 $2.000000030e-01, v9;
	v3 =	vld [tilespmem:s30+$0x180]  }
0x48: {  	v8 =	vld [tilespmem:s0+$0x29E0];
	(erf) = vpow2.f32 v4  }
0x49: {  	v2 =	vld [tilespmem:s29+$0x180]  }
0x4a: {  	v4 =	vld [tilespmem:s0+$0x180]  }
0x4b: {  	s3 =	simm.s32 $0x800;
	v9 =	vmax.f32 v9, v10;
	v10 =	vpop (erf)  }
.LBB2_3:
0x4c: {  	v9 =	vmul.f32 $1.442695020e+00, v9;
	v10 =	vmul.f32 v10, v1;
	s16 =	smov.u32 s0;
	s0 =	sshra.s32 s3, $0x2;
	p1 =	sne.s32 s3, $0x9E00  }
.Ltmp0:
0x4d: {  	s3 =	sadd.s32 $0x200, s3;
	v11 =	vadd.f32 v8, v7;
	v7 =	vld [tilespmem:s0+$0x1C0];
	(pc) =	sbr.rel @p1 .LBB2_3-.Ltmp0, $4  }
0x4e: {  	v8 =	vld [tilespmem:s0+$0x29E0];
	(erf) = vpow2.f32 v9;
	v9 =	vmul.f32 v10, v6  }
0x4f: {  	v13 =	vmul.f32 v10, v5;
	v5 =	vmovc v3;
	v3 =	vmovc v2;
	v12 =	vmul.f32 $2.000000030e-01, v11;
	v6 =	vld [tilespmem:s30+$0x190];
	v2 =	vmov v4  }
0x50: {  	v4 =	vld [tilespmem:s0+$0x180];
	[tilespmem:s31+$0x5990] =	vst v9  }
0x51: {  	v9 =	vmax.f32 v11, v12;
	v10 =	vpop (erf);
	[tilespmem:s31+$0x5980] =	vst v13;
	s31 =	smov.u32 s30;
	s30 =	smov.u32 s29;
	s29 =	smov.u32 s16  }
0x52: {  	_ = 	snop  }
0x53: {  	v7 =	vadd.f32 v8, v7;
	_ =	sdelay $0x1  }
0x54: {  	v8 =	vmul.f32 $2.000000030e-01, v7  }
0x55: {  	v9 =	vmul.f32 $1.442695020e+00, v9  }
0x56: {  	v7 =	vmax.f32 v7, v8  }
0x57: {  	v59 =	vld [tilespmem:s30+$0x190];
	(erf) = vpow2.f32 v9;
	v7 =	vmul.f32 $1.442695020e+00, v7  }
0x58: {  	v10 =	vmul.f32 v10, v1  }
0x59: {  	v60 =	vpop (erf);
	(erf) = vpow2.f32 v7  }
0x5a: {  	v6 =	vmul.f32 v10, v6;
	v61 =	vmul.f32 v60, v1  }
0x5b: {  	v5 =	vmul.f32 v10, v5  }
0x5c: {  	[tilespmem:s31+$0x5990] =	vst v6;
	v62 =	vmul.f32 v61, v59;
	v3 =	vmul.f32 v61, v3  }
0x5d: {  	[tilespmem:s31+$0x5980] =	vst v5  }
0x5e: {  	v6 =	vld [tilespmem:s29+$0x190];
	[tilespmem:s30+$0x5990] =	vst v62  }
0x5f: {  	[tilespmem:s30+$0x5980] =	vst v3  }
0x60: {  	v5 =	vld [tilespmem:s0+$0x190];
	v3 =	vpop (erf)  }
0x61: {  	v3 =	vmul.f32 v3, v1  }
0x62: {  	v63 =	vpop (erf)  }
0x63: {  	v6 =	vmul.f32 v3, v6;
	v7 =	vmul.f32 v63, v1  }
0x64: {  	v2 =	vmul.f32 v3, v2  }
0x65: {  	[tilespmem:s29+$0x5990] =	vst v6;
	v3 =	vmul.f32 v7, v5  }
0x66: {  	s28 =	sadd.s32 $0x1, s28;
	[tilespmem:s29+$0x5980] =	vst v2;
	v2 =	vmul.f32 v7, v4  }
0x67: {  	p1 =	sne.s32 s28, $0xFA;
	[tilespmem:s0+$0x5990] =	vst v3  }
.Ltmp1:
0x68: {  	[tilespmem:s0+$0x5980] =	vst v2;
	(pc) =	sbr.rel @p1 .LBB2_2-.Ltmp1, $4  }
0x69: {  	[spmem:s2] =	stream.indirect.scatter.add.f32 [tilespmem:s26], [sflag:$0x3], $0x20, s20, s21, $0xb8;
	[tilespmem:$0xCFA0] =	vst v63  }
0x6a: {  	_ =	swait.ge [sflag:s19], $0xA00  }
0x6b: {  	[sflag:s19] =	ssyncset.done $0x0  }
0x6c: {  	[sflag:s19] =	ssyncadd.s32 $0xFFFFF600  }
0x6d: {  	[bflag:$0x0] =	sbarrier.arrive $0xFFFF;
	s0 =	sadd.s32 @p0 $0x25080, s9;
	s3 =	simm.s32 @p0 $0x1FC3  }
0x6e: {  	[hbm:s0], [sflag:s3] =	dma.local @p0 [spmem:s13], $0x2080  }
0x6f: {  	s0 =	simm.s32 @p0 $0x3  }
0x70: {  	_ =	swait.ge @p0 [sflag:s0], $0x2080  }
0x71: {  	s4 =	sadd.s32 $0x1, s4;
	[sflag:s0] =	ssyncset.done @p0 $0x0  }
0x72: {  	p1 =	sne.s32 s4, s10;
	[sflag:s0] =	ssyncadd.s32 @p0 $0xFFFFDF80;
	s0 =	sadd.s32 @!p0 s6, s9  }
0x73: {  	[hbm:s0], [sflag:s14] =	dma.local @!p0 [spmem:s15], $0x2780  }
.Ltmp2:
0x74: {  	_ = 	snop;
	(pc) =	sbr.rel @p1 .LBB2_1-.Ltmp2, $4  }
0x75: {  	s0 =	simm.s32 @!p0 $0x3  }
0x76: {  	_ =	swait.ge @!p0 [sflag:s0], $0x2780  }
0x77: {  	[sflag:s0] =	ssyncset.done @!p0 $0x0  }
0x78: {  	[sflag:s0] =	ssyncadd.s32 @!p0 $0xFFFFD880  }
0x79: {  	_ =	sfence.sel $0x180000  }
0x7a: {  	[bflag:$0x0] =	sbarrier.arrive $0xFFFF  }
0x7b: {  	_ =	strace $0x90000050  }
0x7c: {  	s0 =	stileid.u32;
	[bflag:$0x2] =	sbarrier.arrive $0xFFFF  }
0x7d: {  	p0 =	sne.s32 s0, $0x0;
	s0 =	rddreg [dreg:$0x3]  }
0x7e: {  	s0 =	sadd.s32 @!p0 $0x100000, s0  }
0x7f: {  	[sflag:s0] =	ssyncadd.tile.s32 @!p0 $0x1;
	_ =	shalt  }
.Lfunc_end2:
_tile_overlayer_lowered:
.L_overlay_start_2:
0x80: {  	(tag) =	ssettag $0x2  }
0x81: {  	s0 =	rddreg [dreg:$0x0];
	s2 =	stileid.u32  }
0x82: {  	s1 =	rddreg [dreg:$0x1];
	p0 =	sne.s32 s2, $0x0  }
0x83: {  	s3 =	rddreg [dreg:$0x2];
	[bflag:$0x3] =	sbarrier.arrive $0xFFFF;
	s2 =	simm.s32 @!p0 $0x1C03  }
0x84: {  	[timem:s3], [sflag:s2] =	dma.local @!p0 [hbm:s0], s1  }
0x85: {  	s0 =	simm.s32 @!p0 $0x3  }
0x86: {  	_ =	swait.ge @!p0 [sflag:s0], s1  }
0x87: {  	s1 =	ssub.s32 @!p0 $0x0, s1;
	[sflag:s0] =	ssyncset.done @!p0 $0x0  }
0x88: {  	[sflag:s0] =	ssyncadd.s32 @!p0 s1  }
0x89: {  	[bflag:$0x3] =	sbarrier.arrive $0xFFFF  }
0x8a: {  	_ =	shalt  }

// kernel: kernel.29.cloned.1.call-start
scs
__scs_entry_jumppad:
0x0: {  	(pc) =	sbr.rel $0x88, $3  }
0x1: {  	(tag) =	ssettag $0x0;
	lr =	simm.s32 $0x1  }
0x2: {  	[smem:$0x3F97] =	sst lr;
	_ =	strace $0xD0000000  }
0x3: {  	_ = 	snop  }
0x4: {  	_ = 	snop  }
0x5: {  	_ = 	snop  }
0x6: {  	_ = 	snop  }
0x7: {  	_ = 	snop  }
__scs_overlays_trampoline_lowered:
0x8: {  	[smem:$0x3FA6] =	sst s0  }
0x9: {  	[smem:$0x3FA7] =	sst s1  }
0xa: {  	[smem:$0x3FA8] =	sst s2  }
0xb: {  	[smem:$0x3FA9] =	sst s3  }
0xc: {  	[smem:$0x3FAA] =	sst s4  }
0xd: {  	[smem:$0x3FAB] =	sst s5  }
0xe: {  	[smem:$0x3FAC] =	sst s6  }
0xf: {  	[smem:$0x3FAD] =	sst s7  }
0x10: {  	[smem:$0x3FAE] =	sst s8  }
0x11: {  	[smem:$0x3FAF] =	sst s9;
	s0 =	simm.s32 @!p0 $0x0  }
0x12: {  	s1 =	sld [smem:$0x3F95];
	s0 =	simm.s32 @p0 $0x1  }
0x13: {  	[smem:$0x3FB0] =	sst s0;
	s0 =	simm.s32 @!p1 $0x0  }
0x14: {  	s2 =	sld [smem:$0x3F94];
	s0 =	simm.s32 @p1 $0x1  }
0x15: {  	[smem:$0x3FB1] =	sst s0;
	s0 =	simm.s32 @!p2 $0x0  }
0x16: {  	s3 =	sld [smem:$0x3FDB];
	s0 =	simm.s32 @p2 $0x1  }
0x17: {  	s4 =	simm.s32 $0x1BF5;
	[smem:$0x3FB3] =	sst s0  }
0x18: {  	s0 =	sld [smem:$0x3F96];
	_ =	swait.ge [sflag:s4], $0x0  }
0x19: {  	s7 =	sld [smem:$0x3F97]  }
0x1a: {  	s8 =	sadd.s32 $0xFFFFE003, lr  }
0x1b: {  	s9 =	sadd.s32 $0xFFFFFEF7, lr;
	s5 =	simm.s32 $0xFFFFFFFF;
	p2 =	slt.u32 s8, $0xFFFFF086  }
0x1c: {  	p1 =	slt.u32 s9, $0xF7A;
	s5 =	simm.s32 @!p2 $0x0  }
0x1d: {  	s5 =	simm.s32 @p1 $0x1;
	p0 =	seq.s32 s7, s2  }
0x1e: {  	s7 =	smul.u32 @!p0 $0xF7A, s2;
	p2 =	seq.s32 @!p0 s5, $0x0  }
0x1f: {  	s9 =	smul.u32 $0xF7A, s1;
	s8 =	simm.s32 @!p0 $0x1BF5;
	p2 =	por !p2, p0  }
0x20: {  	[sflag:s8] =	ssyncset.s32 @!p0 $0xFFFFF086;
	s6 =	sadd.s32 @!p0 s3, s7;
	s7 =	simm.s32 @!p0 $0x108  }
0x21: {  	s3 =	sadd.s32 s3, s9;
	s6 =	sadd.s32 @!p0 $0x88, s6;
	s7 =	simm.s32 @p2 $0x1082  }
0x22: {  	[simem:s7], [sflag:s8] =	dma.local @!p0 [hbm:s6], $0xF7A  }
0x23: {  	s9 =	sor.u32 $0xD0000000, s2;
	s6 =	simm.s32 $0x108;
	_ =	swait.ge @!p0 [sflag:s8], $0x0  }
0x24: {  	s3 =	sadd.s32 $0x88, s3;
	s6 =	simm.s32 @!p1 $0x1082;
	[sflag:s4] =	ssyncset.s32 $0xFFFFF086  }
0x25: {  	[simem:s6], [sflag:s4] =	dma.local [hbm:s3], $0xF7A  }
0x26: {  	[smem:$0x3F97] =	sst s1;
	(tag) =	ssettag s2;
	_ =	strace s9  }
0x27: {  	s1 =	sld [smem:$0x3FA7]  }
0x28: {  	s2 =	sld [smem:$0x3FA8]  }
0x29: {  	s4 =	sld [smem:$0x3FAA]  }
0x2a: {  	p0 =	seq.s32 s5, $0x0;
	s5 =	sld [smem:$0x3FAB]  }
0x2b: {  	s6 =	sld [smem:$0x3FAC]  }
0x2c: {  	s7 =	sld [smem:$0x3FAD]  }
0x2d: {  	s3 =	simm.s32 $0x108;
	s8 =	sld [smem:$0x3FAE]  }
0x2e: {  	s3 =	simm.s32 @!p0 $0x1082;
	s9 =	sld [smem:$0x3FAF]  }
0x2f: {  	lr =	sadd.s32 s0, s3;
	s0 =	sld [smem:$0x3FA6]  }
0x30: {  	s3 =	sld [smem:$0x3FA9]  }
0x31: {  	[smem:$0x3FB2] =	sst s10  }
0x32: {  	s10 =	sld [smem:$0x3FB0];
	_ =	sdelay $0x3  }
0x33: {  	p0 =	seq.s32 s10, $0x1;
	s10 =	sld [smem:$0x3FB2];
	_ =	sdelay $0x3  }
0x34: {  	[smem:$0x3FB2] =	sst s10  }
0x35: {  	s10 =	sld [smem:$0x3FB1];
	_ =	sdelay $0x3  }
0x36: {  	p1 =	seq.s32 s10, $0x1;
	s10 =	sld [smem:$0x3FB2];
	_ =	sdelay $0x3  }
0x37: {  	[smem:$0x3FB2] =	sst s10  }
0x38: {  	s10 =	sld [smem:$0x3FB3]  }
0x39: {  	_ = 	snop;
	(pc) =	sbr.ind lr, $3  }
0x3a: {  	_ = 	snop  }
0x3b: {  	_ = 	snop  }
0x3c: {  	p2 =	seq.s32 s10, $0x1;
	s10 =	sld [smem:$0x3FB2]  }
0x3d: {  	_ =	shalt  }
0x3e: {  	_ =	shalt  }
0x3f: {  	_ =	shalt  }
0x40: {  	_ =	shalt  }
0x41: {  	_ =	shalt  }
0x42: {  	_ =	shalt  }
0x43: {  	_ =	shalt  }
0x44: {  	_ =	shalt  }
0x45: {  	_ =	shalt  }
0x46: {  	_ =	shalt  }
0x47: {  	_ =	shalt  }
0x48: {  	_ =	shalt  }
0x49: {  	_ =	shalt  }
0x4a: {  	_ =	shalt  }
0x4b: {  	_ =	shalt  }
0x4c: {  	_ =	shalt  }
0x4d: {  	_ =	shalt  }
0x4e: {  	_ =	shalt  }
0x4f: {  	_ =	shalt  }
0x50: {  	_ =	shalt  }
0x51: {  	_ =	shalt  }
0x52: {  	_ =	shalt  }
0x53: {  	_ =	shalt  }
0x54: {  	_ =	shalt  }
0x55: {  	_ =	shalt  }
0x56: {  	_ =	shalt  }
0x57: {  	_ =	shalt  }
0x58: {  	_ =	shalt  }
0x59: {  	_ =	shalt  }
0x5a: {  	_ =	shalt  }
0x5b: {  	_ =	shalt  }
0x5c: {  	_ =	shalt  }
0x5d: {  	_ =	shalt  }
0x5e: {  	_ =	shalt  }
0x5f: {  	_ =	shalt  }
0x60: {  	_ =	shalt  }
0x61: {  	_ =	shalt  }
0x62: {  	_ =	shalt  }
0x63: {  	_ =	shalt  }
0x64: {  	_ =	shalt  }
0x65: {  	_ =	shalt  }
0x66: {  	_ =	shalt  }
0x67: {  	_ =	shalt  }
0x68: {  	_ =	shalt  }
0x69: {  	_ =	shalt  }
0x6a: {  	_ =	shalt  }
0x6b: {  	_ =	shalt  }
0x6c: {  	_ =	shalt  }
0x6d: {  	_ =	shalt  }
0x6e: {  	_ =	shalt  }
0x6f: {  	_ =	shalt  }
0x70: {  	_ =	shalt  }
0x71: {  	_ =	shalt  }
0x72: {  	_ =	shalt  }
0x73: {  	_ =	shalt  }
0x74: {  	_ =	shalt  }
0x75: {  	_ =	shalt  }
0x76: {  	_ =	shalt  }
0x77: {  	_ =	shalt  }
0x78: {  	_ =	shalt  }
0x79: {  	_ =	shalt  }
0x7a: {  	_ =	shalt  }
0x7b: {  	_ =	shalt  }
0x7c: {  	_ =	shalt  }
0x7d: {  	_ =	shalt  }
0x7e: {  	_ =	shalt  }
0x7f: {  	_ =	shalt  }
0x80: {  	_ =	shalt  }
0x81: {  	_ =	shalt  }
0x82: {  	_ =	shalt  }
0x83: {  	_ =	shalt  }
0x84: {  	_ =	shalt  }
0x85: {  	_ =	shalt  }
0x86: {  	_ =	shalt  }
0x87: {  	_ =	shalt  }
.Lfunc_end0:
.L_simem_size_0:
called_computation.5_lowered:
.L_overlay_start_0:
0x88: {  	s2 =	sld [smem:$0x3FD9]  }
0x89: {  	s3 =	sld [smem:$0x3FFE];
	_ =	sdelay $0x1  }
0x8a: {  	s1 =	srdreg.scid  }
0x8b: {  	s0 =	sand.u32 $0x1, s1  }
0x8c: {  	s17 =	sshll.u32 s0, $0xA;
	s2 =	sadd.s32 s3, s2  }
0x8d: {  	s2 =	sadd.s32 s2, s17  }
0x8e: {  	[smem:$0x3FBE] =	sst s2  }
0x8f: {  	_ = 	snop  }
0x90: {  	s2 =	sld [smem:$0x3FD0];
	(tm) =	ssettm $0x1  }
0x91: {  	s18 =	sld [smem:$0x3FFB];
	_ =	sdelay $0x3  }
0x92: {  	_ =	strace s18  }
0x93: {  	s3 =	sld [smem:$0x3FFC];
	_ =	sdelay $0x3  }
0x94: {  	_ =	strace s3  }
0x95: {  	s3 =	sld [smem:$0x3FFD];
	_ =	sdelay $0x3  }
0x96: {  	_ =	strace s3  }
0x97: {  	_ =	strace $0x8FFFFFFF  }
0x98: {  	s19 =	sld [smem:$0x3FDB];
	_ =	sdelay $0x1  }
0x99: {  	s4 =	simm.s32 $_scs_section_size  }
0x9a: {  	s5 =	simm.s32 $_size__tile_overlayer_lowered;
	s6 =	simm.s32 $_tile_overlayer_lowered  }
0x9b: {  	s22 =	simm.s32 $0x1BFF;
	s21 =	sshll.u32 s6, $0x1;
	s3 =	sadd.s32 s4, s19  }
0x9c: {  	s7 =	simm.s32 $0x0;
	s20 =	sshll.u32 s5, $0x1;
	s5 =	sadd.s32 s21, s3  }
0x9d: {  	[timem:s7], [sflag:s22] =	dma.local [hbm:s5], s20  }
0x9e: {  	_ =	swait.ge [sflag:s22], s20  }
0x9f: {  	s4 =	ssub.s32 $0x0, s20;
	[sflag:s22] =	ssyncset.done $0x0  }
0xa0: {  	[sflag:s22] =	ssyncadd.s32 s4;
	_ =	sdelay $0x1  }
0xa1: {  	s23 =	simm.s32 $0x1B8B  }
0xa2: {  	_ =	swait.ge [sflag:s23], $0x1  }
0xa3: {  	[sflag:s23] =	ssyncset.done $0x0  }
0xa4: {  	s25 =	simm.s32 $0x1B8E;
	s24 =	sld [smem:$0x3FFE];
	[sflag:s23] =	ssyncadd.s32 $0xFFFFFFFF  }
0xa5: {  	s26 =	simm.s32 $execute0_lowered;
	[smem:$0x3FD2] =	sst s25  }
0xa6: {  	s5 =	sshll.u32 s26, $0x1;
	_ =	strace $0x80000055;
	[dreg:$0x1] =	wrdreg $0xFFFFFFFF  }
0xa7: {  	s28 =	simm.s32 $_size_execute0_lowered;
	s3 =	sadd.s32 s3, s5;
	[dreg:$0x0] =	wrdreg $0x0  }
0xa8: {  	s5 =	sshll.u32 s28, $0x1;
	[dreg:$0x2] =	wrdreg s3  }
0xa9: {  	[dreg:$0x3] =	wrdreg s5  }
0xaa: {  	[dreg:$0x4] =	wrdreg $0xC0  }
0xab: {  	_ =	task [dreg:s7], $0x5FFFF  }
0xac: {  	[dreg:$0x1] =	wrdreg $0xFFFFFFFF  }
0xad: {  	[dreg:$0x0] =	wrdreg $0x60  }
0xae: {  	[dreg:$0x2] =	wrdreg s24  }
0xaf: {  	[dreg:$0x3] =	wrdreg s2  }
0xb0: {  	[dreg:$0x4] =	wrdreg $0x81800  }
0xb1: {  	[dreg:$0x5] =	wrdreg $0x9  }
0xb2: {  	_ =	task.clear_ibuf [dreg:s7], $0x6FFFF;
	_ =	strace $0x90000055  }
0xb3: {  	s29 =	simm.s32 $0x9;
	_ =	strace $0x80000057  }
0xb4: {  	_ =	swait.ge [sflag:s29], $0x1  }
0xb5: {  	[sflag:s29] =	ssyncadd.s32 $0xFFFFFFFF  }
0xb6: {  	_ =	strace $0x90000057  }
0xb7: {  	_ =	sfence  }
0xb8: {  	s30 =	sld [smem:$0x0];
	_ =	sdelay $0x2  }
0xb9: {  	s31 =	sshll.u32 s1, $0xD;
	s1 =	sshrl.u32 s1, $0x2  }
0xba: {  	s3 =	sand.u32 $0x4000, s31;
	s1 =	sadd.s32 s1, s30  }
0xbb: {  	s0 =	sor.u32 s3, s0;
	s1 =	sshll.u32 s1, $0x11  }
0xbc: {  	s0 =	sor.u32 s1, s0  }
0xbd: {  	s0 =	sadd.s32 $0x8F2B, s0  }
0xbe: {  	[sflag:s0] =	ssyncadd.remote.s32 $0x1  }
0xbf: {  	_ =	sfence.sel $0xFFFF  }
0xc0: {  	[dreg:$0x0] =	wrdreg $0xFFFFFFFF;
	(pc) =	sbr.abs _section_cstart, $3  }
0xc1: {  	[dreg:$0x1] =	wrdreg $0xFFFFFFFF  }
0xc2: {  	_ =	task.clear_ibuf [dreg:s7], $0x2FFFF;
	_ =	strace $0x9FFFFFFF  }
0xc3: {  	(tm) =	ssettm $0x7FFFFFFF  }
tec
execute0_lowered:
.L_overlay_start_1:
0x0: {  	(tag) =	ssettag $0x1  }
0x1: {  	s8 =	rddreg [dreg:$0x0]  }
0x2: {  	s1 =	rddreg [dreg:$0x1]  }
0x3: {  	s2 =	rddreg [dreg:$0x2]  }
0x4: {  	s0 =	rddreg [dreg:$0x3];
	s3 =	simm.s32 $0x0  }
0x5: {  	s4 =	srdreg.scid;
	s17 =	simm.s32 $0x100;
	s18 =	simm.s32 $0x5180  }
0x6: {  	s19 =	simm.s32 $0x3;
	s20 =	simm.s32 $0x80;
	s21 =	simm.s32 $0x50  }
0x7: {  	s22 =	simm.s32 $0x180;
	s23 =	simm.s32 $0x2980;
	s9 =	sand.u32 $0x1, s4  }
0x8: {  	s24 =	simm.s32 $0x1;
	s4 =	stileid.u32;
	s10 =	smul.u32 $0x27100, s9  }
0x9: {  	s26 =	simm.s32 $0x5980;
	[smem:$0x7FF] =	sst s3;
	s12 =	smul.u32 $0x4F000, s4  }
0xa: {  	s5 =	sadd.s32 $0x4200, s8;
	s6 =	sadd.s32 $0x2B800, s8;
	s7 =	smul.u32 $0x2780, s4  }
0xb: {  	_ =	strace $0x80000056;
	s11 =	ssub.s32 $0x2, s9;
	s16 =	smul.u32 $0x60, s9  }
0xc: {  	p0 =	seq.s32 s4, $0xF;
	s13 =	sshrl.u32 s11, $0x1;
	s14 =	sadd.s32 s10, s8  }
0xd: {  	s28 =	ssub.s32 s11, s13;
	s29 =	sshrl.u32 s12, $0x2;
	s8 =	smul.u32 $0x4E20, s4  }
0xe: {  	s13 =	sadd.s32 $0x128400, s2;
	s31 =	sshrl.u32 s16, $0x2;
	s16 =	sshll.u32 @!p0 s4, $0x6  }
0xf: {  	s15 =	sadd.s32 s29, s2;
	s30 =	sadd.s32 s7, s14;
	s9 =	sadd.s32 $0x83800, s14  }
0x10: {  	s10 =	smax.u32 s28, $0x1;
	s12 =	sadd.s32 $0x5A680, s14;
	s25 =	sadd.s32 $0x190, s31  }
0x11: {  	s13 =	sshrl.u32 @p0 s13, $0x3;
	s14 =	sor.u32 @!p0 $0x1C03, s16;
	s16 =	simm.s32 $0x10  }
0x12: {  	v0 =	vimm.s32 $0x2710;
	s11 =	sadd.s32 $0x35600, s30;
	s15 =	sshrl.u32 @!p0 s15, $0x3;
	v1 =	vmov s25;
	s25 =	simm.s32 $0x2  }
.LBB2_1:
0x13: {  	s28 =	simm.s32 @p0 $0x1FC3  }
0x14: {  	[spmem:s13], [sflag:s28] =	dma.local @p0 [hbm:s12], $0x2080  }
0x15: {  	s28 =	simm.s32 @p0 $0x3  }
0x16: {  	_ =	swait.ge @p0 [sflag:s28], $0x2080  }
0x17: {  	[sflag:s28] =	ssyncset.done @p0 $0x0  }
0x18: {  	[sflag:s28] =	ssyncadd.s32 @p0 $0xFFFFDF80;
	s28 =	simm.s32 @!p0 $0x3  }
0x19: {  	[spmem:s15], [sflag:s14] =	dma.local @!p0 [hbm:s11], $0x2780  }
0x1a: {  	_ =	swait.ge @!p0 [sflag:s28], $0x2780  }
0x1b: {  	[sflag:s28] =	ssyncset.done @!p0 $0x0  }
0x1c: {  	[sflag:s28] =	ssyncadd.s32 @!p0 $0xFFFFD880  }
0x1d: {  	[tilespmem:$0x100] =	vst v0  }
0x1e: {  	[tilespmem:s18], [sflag:$0x3] =	stream.indirect.gather [hbm4b:s5+s16], $0x80, s17, s16, $0xb8;
	[tilespmem:$0xCFA0] =	vst v63  }
0x1f: {  	_ =	swait.ge [sflag:s19], $0x800  }
0x20: {  	[sflag:s19] =	ssyncset.done $0x0  }
0x21: {  	[sflag:s19] =	ssyncadd.s32 $0xFFFFF800  }
0x22: {  	[bflag:$0x0] =	sbarrier.arrive $0xFFFF  }
0x23: {  	v2 =	vld [tilespmem:$0x51C0];
	_ =	sdelay $0x2  }
0x24: {  	v3 =	vld [tilespmem:$0x5180]  }
0x25: {  	s28 =	simm.s32 $0x0;
	v4 =	vld [tilespmem:$0x5190]  }
.LBB2_2:
0x26: {  	s29 =	smul.u32 $0x50, s28;
	_ =	sdelay $0x1  }
0x27: {  	s29 =	sadd.s32 s8, s29  }
0x28: {  	s29 =	sshrl.u32 s29, $0x3  }
0x29: {  	s31 =	simm.s32 $0x0;
	s30 =	sadd.s32 s6, s29  }
0x2a: {  	[tilespmem:s31], [sflag:$0x3] =	stream.linear.gather [hbm4b:s30+s31], $0x50, $0x38;
	[tilespmem:$0xCFA0] =	vst v63  }
0x2b: {  	_ =	swait.ge [sflag:s19], $0x50  }
0x2c: {  	[sflag:s19] =	ssyncset.done $0x0  }
0x2d: {  	s29 =	sadd.s32 s1, s29;
	[sflag:s19] =	ssyncadd.s32 $0xFFFFFFB0  }
0x2e: {  	[tilespmem:s20], [sflag:$0x3] =	stream.linear.gather [hbm4b:s29+s31], $0x50, $0x38;
	[tilespmem:$0xCFA0] =	vst v63  }
0x2f: {  	_ =	swait.ge [sflag:s19], $0x50  }
0x30: {  	[sflag:s19] =	ssyncset.done $0x0  }
0x31: {  	[sflag:s19] =	ssyncadd.s32 $0xFFFFFFB0  }
0x32: {  	[tilespmem:s22], [sflag:$0x1] =	stream.indirect.gather [hbm4b:s5+s21], $0x80, s31, s21, $0xb8;
	[tilespmem:$0xCFA0] =	vst v63  }
0x33: {  	_ = 	snop  }
0x34: {  	[tilespmem:s23], [sflag:$0x2] =	stream.indirect.gather [hbm4b:s5+s21], $0x80, s20, s21, $0xb8;
	[tilespmem:$0xCFA0] =	vst v63  }
0x35: {  	_ =	swait.ge [sflag:s24], $0x2800  }
0x36: {  	[sflag:s24] =	ssyncset.done $0x0  }
0x37: {  	[sflag:s24] =	ssyncadd.s32 $0xFFFFD800  }
0x38: {  	_ =	swait.ge [sflag:s25], $0x2800  }
0x39: {  	[sflag:s25] =	ssyncset.done $0x0  }
0x3a: {  	s29 =	simm.s32 $0x0;
	[sflag:s25] =	ssyncadd.s32 $0xFFFFD800  }
0x3b: {  	v5 =	vld [tilespmem:s29+$0x1C0]  }
0x3c: {  	v6 =	vld [tilespmem:s29+$0x29E0];
	_ =	sdelay $0x4  }
0x3d: {  	v5 =	vadd.f32 v6, v5;
	_ =	sdelay $0x1  }
0x3e: {  	v6 =	vmul.f32 $2.000000030e-01, v5;
	_ =	sdelay $0x1  }
0x3f: {  	v5 =	vmax.f32 v5, v6  }
0x40: {  	v5 =	vmul.f32 $1.442695020e+00, v5;
	_ =	sdelay $0x1  }
0x41: {  	(erf) = vpow2.f32 v5;
	_ =	sdelay $0x6  }
0x42: {  	v5 =	vld.idx.msk [tilespmem:v1+s29+$0xFFFFFFF0 ss:$0x1], $0xffff  }
0x43: {  	s30 =	simm.s32 $0x80  }
0x44: {  	s31 =	simm.s32 $0x400;
	v6 =	vld [tilespmem:s30+$0x1C0];
	v7 =	vpop (erf)  }
.LBB2_3:
0x45: {  	p1 =	sne.s32 s31, $0x9E00;
	v8 =	vld [tilespmem:s30+$0x29E0];
	v7 =	vmul.f32 v7, v2;
	_ =	sdelay $0x1  }
0x46: {  	v5 =	vmul.f32 v7, v5;
	_ =	sdelay $0x1  }
0x47: {  	[tilespmem:s29+$0x5980] =	vst v5  }
0x48: {  	v5 =	vadd.f32 v8, v6;
	v6 =	vld.idx.msk [tilespmem:v1+s29+$0x0 ss:$0x1], $0xffff;
	_ =	sdelay $0x1  }
0x49: {  	v8 =	vmul.f32 $2.000000030e-01, v5;
	_ =	sdelay $0x1  }
0x4a: {  	v5 =	vmax.f32 v5, v8  }
0x4b: {  	v5 =	vmul.f32 $1.442695020e+00, v5  }
0x4c: {  	v6 =	vmul.f32 v7, v6  }
0x4d: {  	(erf) = vpow2.f32 v5  }
0x4e: {  	v5 =	vmul.f32 v6, v3;
	v6 =	vmul.f32 v7, v4;
	_ =	sdelay $0x1  }
0x4f: {  	v5 =	vadd.f32 v5, v6;
	_ =	sdelay $0x1  }
.Ltmp0:
0x50: {  	[tilespmem:s29+$0x5990] =	vst v5;
	s29 =	smov.u32 s30;
	(pc) =	sbr.rel @p1 .LBB2_3-.Ltmp0, $3  }
0x51: {  	v5 =	vld.idx.msk [tilespmem:v1+s29+$0xFFFFFFF0 ss:$0x1], $0xffff;
	_ =	sdelay $0x1  }
0x52: {  	s30 =	sshra.s32 s31, $0x2  }
0x53: {  	s31 =	sadd.s32 $0x200, s31;
	v6 =	vld [tilespmem:s30+$0x1C0];
	v7 =	vpop (erf)  }
0x54: {  	v8 =	vld [tilespmem:s30+$0x29E0];
	_ =	sdelay $0x1  }
0x55: {  	v7 =	vmul.f32 v7, v2;
	_ =	sdelay $0x1  }
0x56: {  	v5 =	vmul.f32 v7, v5  }
0x57: {  	v6 =	vadd.f32 v8, v6  }
0x58: {  	[tilespmem:s29+$0x5980] =	vst v5  }
0x59: {  	v5 =	vld.idx.msk [tilespmem:v1+s29+$0x0 ss:$0x1], $0xffff;
	v8 =	vmul.f32 $2.000000030e-01, v6;
	_ =	sdelay $0x1  }
0x5a: {  	v6 =	vmax.f32 v6, v8  }
0x5b: {  	v6 =	vmul.f32 $1.442695020e+00, v6;
	_ =	sdelay $0x1  }
0x5c: {  	v5 =	vmul.f32 v7, v5;
	(erf) = vpow2.f32 v6;
	_ =	sdelay $0x1  }
0x5d: {  	v5 =	vmul.f32 v5, v3;
	v6 =	vmul.f32 v7, v4;
	_ =	sdelay $0x1  }
0x5e: {  	v5 =	vadd.f32 v5, v6;
	_ =	sdelay $0x1  }
0x5f: {  	[tilespmem:s29+$0x5990] =	vst v5  }
0x60: {  	v5 =	vld.idx.msk [tilespmem:v1+s30+$0xFFFFFFF0 ss:$0x1], $0xffff;
	_ =	sdelay $0x1  }
0x61: {  	v6 =	vpop (erf)  }
0x62: {  	v6 =	vmul.f32 v6, v2;
	_ =	sdelay $0x1  }
0x63: {  	v5 =	vmul.f32 v6, v5;
	_ =	sdelay $0x1  }
0x64: {  	[tilespmem:s30+$0x5980] =	vst v5  }
0x65: {  	v5 =	vld.idx.msk [tilespmem:v1+s30+$0x0 ss:$0x1], $0xffff;
	_ =	sdelay $0x4  }
0x66: {  	v5 =	vmul.f32 v6, v5;
	_ =	sdelay $0x1  }
0x67: {  	v6 =	vmul.f32 v6, v4;
	v5 =	vmul.f32 v5, v3;
	_ =	sdelay $0x1  }
0x68: {  	s28 =	sadd.s32 $0x1, s28;
	v5 =	vadd.f32 v5, v6  }
0x69: {  	p1 =	sne.s32 s28, $0xFA  }
.Ltmp1:
0x6a: {  	[tilespmem:s30+$0x5990] =	vst v5;
	(pc) =	sbr.rel @p1 .LBB2_2-.Ltmp1, $4  }
0x6b: {  	[spmem:s2] =	stream.indirect.scatter.add.f32 [tilespmem:s26], [sflag:$0x3], $0x20, s20, s21, $0xb8;
	[tilespmem:$0xCFA0] =	vst v63  }
0x6c: {  	_ =	swait.ge [sflag:s19], $0xA00  }
0x6d: {  	[sflag:s19] =	ssyncset.done $0x0  }
0x6e: {  	[sflag:s19] =	ssyncadd.s32 $0xFFFFF600  }
0x6f: {  	[bflag:$0x0] =	sbarrier.arrive $0xFFFF;
	s28 =	sadd.s32 @p0 $0x25080, s9;
	s29 =	simm.s32 @p0 $0x1FC3  }
0x70: {  	[hbm:s28], [sflag:s29] =	dma.local @p0 [spmem:s13], $0x2080  }
0x71: {  	s28 =	simm.s32 @p0 $0x3  }
0x72: {  	_ =	swait.ge @p0 [sflag:s28], $0x2080  }
0x73: {  	s3 =	sadd.s32 $0x1, s3;
	[sflag:s28] =	ssyncset.done @p0 $0x0  }
0x74: {  	p1 =	sne.s32 s3, s10;
	[sflag:s28] =	ssyncadd.s32 @p0 $0xFFFFDF80;
	s28 =	sadd.s32 @!p0 s7, s9  }
0x75: {  	[hbm:s28], [sflag:s14] =	dma.local @!p0 [spmem:s15], $0x2780  }
.Ltmp2:
0x76: {  	_ = 	snop;
	(pc) =	sbr.rel @p1 .LBB2_1-.Ltmp2, $4  }
0x77: {  	s28 =	simm.s32 @!p0 $0x3  }
0x78: {  	_ =	swait.ge @!p0 [sflag:s28], $0x2780  }
0x79: {  	[sflag:s28] =	ssyncset.done @!p0 $0x0  }
0x7a: {  	[sflag:s28] =	ssyncadd.s32 @!p0 $0xFFFFD880  }
0x7b: {  	_ =	sfence.sel $0x180000  }
0x7c: {  	[bflag:$0x0] =	sbarrier.arrive $0xFFFF  }
0x7d: {  	p0 =	sne.s32 s4, $0x0;
	_ =	strace $0x90000056  }
0x7e: {  	s0 =	sadd.s32 @!p0 $0x100000, s0;
	[bflag:$0x2] =	sbarrier.arrive $0xFFFF  }
0x7f: {  	[sflag:s0] =	ssyncadd.tile.s32 @!p0 $0x1;
	_ =	shalt  }
.Lfunc_end2:
_tile_overlayer_lowered:
.L_overlay_start_2:
0x80: {  	(tag) =	ssettag $0x2  }
0x81: {  	s0 =	rddreg [dreg:$0x0];
	s2 =	stileid.u32  }
0x82: {  	s1 =	rddreg [dreg:$0x1];
	p0 =	sne.s32 s2, $0x0  }
0x83: {  	s3 =	rddreg [dreg:$0x2];
	[bflag:$0x3] =	sbarrier.arrive $0xFFFF;
	s2 =	simm.s32 @!p0 $0x1C03  }
0x84: {  	[timem:s3], [sflag:s2] =	dma.local @!p0 [hbm:s0], s1  }
0x85: {  	s0 =	simm.s32 @!p0 $0x3  }
0x86: {  	_ =	swait.ge @!p0 [sflag:s0], s1  }
0x87: {  	s1 =	ssub.s32 @!p0 $0x0, s1;
	[sflag:s0] =	ssyncset.done @!p0 $0x0  }
0x88: {  	[sflag:s0] =	ssyncadd.s32 @!p0 s1  }
0x89: {  	[bflag:$0x3] =	sbarrier.arrive $0xFFFF  }
0x8a: {  	_ =	shalt  }

</sc_bundles>
